<compile_context>
chip_gen: v7x
topology: tpu7x:2x2x1
jax: 0.10.2.dev20260603
libtpu: 0.0.44.dev20260713+nightly
codegen_flags: <defaults>
</compile_context>

<pallas_src>
import functools

import jax
import jax.numpy as jnp
from jax import lax
from jax.experimental import pallas as pl
from jax.experimental.pallas import tpu as pltpu
from jax.experimental.pallas import tpu_sc as plsc

N_ROWS = 10000
R = 10240
PAD_ROW = 10000
NCORES, NSUB, LANES = 2, 16, 16
K = 128
NCHUNK = 160
NBUF = 2
ROWS_PER_TILE = R // NSUB
DW = 16
DEG_CHUNK = NCHUNK // NCORES
BR = 1024
GRID = R // BR

_MESH = dict(core_axis_name="c", subcore_axis_name="s",
             num_cores=NCORES, num_subcores=NSUB)


def _zero_fill(buf, rows, width):
    zeros16 = jnp.zeros((LANES,), jnp.float32)

    def zrow(i, _):
        for j in range(width // LANES):
            buf[i, pl.ds(j * LANES, LANES)] = zeros16
        return 0

    lax.fori_loop(0, rows, zrow, 0)


def _make_agg(dh, nphase):
    cpp = NCHUNK // nphase
    assert cpp % NBUF == 0
    mesh = plsc.VectorSubcoreMesh(**_MESH)

    @functools.partial(
        pl.kernel,
        out_type=jax.ShapeDtypeStruct((R, 128), jnp.float32),
        mesh=mesh,
        compiler_params=pltpu.CompilerParams(use_tc_tiling_on_sc=False),
        scratch_types=[
            pltpu.VMEM((cpp, K), jnp.int32),
            pltpu.VMEM((cpp, K), jnp.int32),
            pltpu.VMEM((NBUF, K, dh), jnp.float32),
            pltpu.VMEM_SHARED((R, dh), jnp.float32),
            pltpu.VMEM_SHARED((R, dh), jnp.float32),
            pltpu.SemaphoreType.DMA((NBUF,)),
        ],
    )
    def agg(table_hbm, src_hbm, dst_hbm, out_hbm, src_v, dst_v, gbuf,
            tab_sh, acc_sh, gsem):
        c = lax.axis_index("c")
        s = lax.axis_index("s")
        row0 = s * ROWS_PER_TILE
        col0 = c * dh
        pltpu.sync_copy(table_hbm.at[pl.ds(row0, ROWS_PER_TILE), pl.ds(col0, dh)],
                        tab_sh.at[pl.ds(row0, ROWS_PER_TILE)])
        _zero_fill(gbuf.at[0], K, dh)
        for j in range(ROWS_PER_TILE // K):
            pltpu.sync_copy(gbuf.at[0], acc_sh.at[pl.ds(row0 + j * K, K)])
        plsc.subcore_barrier()

        def fire(b, i):
            pltpu.async_copy(tab_sh.at[src_v.at[i]], gbuf.at[b], gsem.at[b])

        def drain(b, i):
            pltpu.make_async_copy(tab_sh.at[src_v.at[i]], gbuf.at[b],
                                  gsem.at[b]).wait()

        def scat(b, i):
            pltpu.sync_copy(gbuf.at[b], acc_sh.at[dst_v.at[i]], add=True)

        for p in range(nphase):
            pltpu.sync_copy(src_hbm.at[s, pl.ds(p * cpp, cpp)], src_v)
            pltpu.sync_copy(dst_hbm.at[s, pl.ds(p * cpp, cpp)], dst_v)
            for b in range(NBUF):
                fire(b, b)

            def body(outer, _):
                base = outer * NBUF
                for b in range(NBUF):
                    i = base + b
                    drain(b, i)
                    scat(b, i)
                    fire(b, i + NBUF)
                return 0

            lax.fori_loop(0, cpp // NBUF - 1, body, 0)
            for b in range(NBUF):
                i = cpp - NBUF + b
                drain(b, i)
                scat(b, i)

        plsc.subcore_barrier()
        pltpu.sync_copy(acc_sh.at[pl.ds(row0, ROWS_PER_TILE)],
                        out_hbm.at[pl.ds(row0, ROWS_PER_TILE), pl.ds(col0, dh)])

    return agg


def _make_deg():
    mesh = plsc.VectorSubcoreMesh(**_MESH)

    @functools.partial(
        pl.kernel,
        out_type=jax.ShapeDtypeStruct((R, 128), jnp.float32),
        mesh=mesh,
        compiler_params=pltpu.CompilerParams(use_tc_tiling_on_sc=False),
        scratch_types=[
            pltpu.VMEM((DEG_CHUNK, K), jnp.int32),
            pltpu.VMEM((K, DW), jnp.float32),
            pltpu.VMEM_SHARED((R, DW), jnp.float32),
        ],
    )
    def deg(dst_hbm, out_hbm, dst_v, obuf, deg_sh):
        c = lax.axis_index("c")
        s = lax.axis_index("s")
        row0 = s * ROWS_PER_TILE
        pltpu.sync_copy(dst_hbm.at[s, pl.ds(c * DEG_CHUNK, DEG_CHUNK)], dst_v)
        _zero_fill(obuf, K, DW)
        for j in range(ROWS_PER_TILE // K):
            pltpu.sync_copy(obuf, deg_sh.at[pl.ds(row0 + j * K, K)])
        ones16 = jnp.ones((LANES,), jnp.float32)

        def orow(i, _):
            obuf[i, pl.ds(0, LANES)] = ones16
            return 0

        lax.fori_loop(0, K, orow, 0)
        plsc.subcore_barrier()

        def body(g, _):
            pltpu.sync_copy(obuf, deg_sh.at[dst_v.at[g]], add=True)
            return 0

        lax.fori_loop(0, DEG_CHUNK, body, 0)
        plsc.subcore_barrier()
        pltpu.sync_copy(deg_sh.at[pl.ds(row0, ROWS_PER_TILE)],
                        out_hbm.at[pl.ds(row0, ROWS_PER_TILE), pl.ds(c * DW, DW)])

    return deg


_agg64 = _make_agg(64, 2)
_agg32 = _make_agg(32, 1)
_deg = _make_deg()


def _tc1(deg2, xp, W1):
    def body(deg_r, x_r, w_r, dinv_r, hp_r):
        degv = deg_r[:, 0:1] + deg_r[:, 16:17] + 1.0
        dinv = lax.rsqrt(degv)
        h = jnp.dot(x_r[...], w_r[...], preferred_element_type=jnp.float32) * dinv
        dinv_r[...] = dinv
        hp_r[...] = h

    return pl.pallas_call(
        body,
        grid=(GRID,),
        in_specs=[
            pl.BlockSpec((BR, 128), lambda i: (i, 0)),
            pl.BlockSpec((BR, 128), lambda i: (i, 0)),
            pl.BlockSpec((128, 128), lambda i: (0, 0)),
        ],
        out_specs=[
            pl.BlockSpec((BR, 1), lambda i: (i, 0)),
            pl.BlockSpec((BR, 128), lambda i: (i, 0)),
        ],
        out_shape=[
            jax.ShapeDtypeStruct((R, 1), jnp.float32),
            jax.ShapeDtypeStruct((R, 128), jnp.float32),
        ],
    )(deg2, xp, W1)


def _tc_mid(acc, hp, dinv, b, W, dout):
    def body(acc_r, hp_r, dinv_r, b_r, w_r, o_r):
        dinvv = dinv_r[...]
        comb = acc_r[...] + hp_r[...]
        z = jnp.maximum(comb * dinvv + b_r[...], 0.0)
        h = jnp.dot(z, w_r[...], preferred_element_type=jnp.float32) * dinvv
        if dout < 128:
            h = jnp.concatenate(
                [h, jnp.zeros((BR, 128 - dout), jnp.float32)], axis=-1)
        o_r[...] = h

    return pl.pallas_call(
        body,
        grid=(GRID,),
        in_specs=[
            pl.BlockSpec((BR, 128), lambda i: (i, 0)),
            pl.BlockSpec((BR, 128), lambda i: (i, 0)),
            pl.BlockSpec((BR, 1), lambda i: (i, 0)),
            pl.BlockSpec((1, 128), lambda i: (0, 0)),
            pl.BlockSpec((128, dout), lambda i: (0, 0)),
        ],
        out_specs=pl.BlockSpec((BR, 128), lambda i: (i, 0)),
        out_shape=jax.ShapeDtypeStruct((R, 128), jnp.float32),
    )(acc, hp, dinv, b, W)


def _tc_fin(acc, hp, dinv, b3):
    def body(acc_r, hp_r, dinv_r, b_r, o_r):
        dinvv = dinv_r[...]
        y = (acc_r[:, :64] + hp_r[:, :64]) * dinvv + b_r[...]
        m = jnp.max(y, axis=-1, keepdims=True)
        lse = jnp.log(jnp.sum(jnp.exp(y - m), axis=-1, keepdims=True))
        o_r[...] = y - m - lse

    return pl.pallas_call(
        body,
        grid=(GRID,),
        in_specs=[
            pl.BlockSpec((BR, 128), lambda i: (i, 0)),
            pl.BlockSpec((BR, 128), lambda i: (i, 0)),
            pl.BlockSpec((BR, 1), lambda i: (i, 0)),
            pl.BlockSpec((1, 64), lambda i: (0, 0)),
        ],
        out_specs=pl.BlockSpec((BR, 64), lambda i: (i, 0)),
        out_shape=jax.ShapeDtypeStruct((N_ROWS, 64), jnp.float32),
    )(acc, hp, dinv, b3)


@jax.jit
def kernel(x, edge_index, W1, b1, W2, b2, W3, b3):
    ei = edge_index.astype(jnp.int32)
    e = ei.shape[1]
    eip = jnp.pad(ei, ((0, 0), (0, NSUB * NCHUNK * K - e)),
                  constant_values=PAD_ROW).reshape(2, NSUB, NCHUNK, K)
    srcp, dstp = eip[0], eip[1]
    xp = jnp.pad(x, ((0, R - x.shape[0]), (0, 0)))

    deg2 = _deg(dstp)
    dinv, hp1 = _tc1(deg2, xp, W1)
    acc1 = _agg64(hp1, srcp, dstp)
    hp2 = _tc_mid(acc1, hp1, dinv, b1.reshape(1, 128), W2, 128)
    acc2 = _agg64(hp2, srcp, dstp)
    hp3 = _tc_mid(acc2, hp2, dinv, b2.reshape(1, 128), W3, 64)
    acc3 = _agg32(hp3, srcp, dstp)
    return _tc_fin(acc3, hp3, dinv, b3.reshape(1, 64))

# --- scband reference (transcript-rebuilt; emitter-appended) ---
"""Pipeline reference for scband-simple-gcn-27058293965427 (READ-ONLY COPY).

The authoritative reference and input builder live on the scoring server;
editing this copy changes nothing except your own understanding.
"""

import jax, jax.numpy as jnp
import numpy as np

N_NODES = 10000


def gcn_conv(x, edge_index, W, b):
    n = x.shape[0]
    src = edge_index[0]
    dst = edge_index[1]
    # add self loops (PyG GCNConv default add_self_loops=True)
    loop = jnp.arange(n, dtype=edge_index.dtype)
    src = jnp.concatenate([src, loop])
    dst = jnp.concatenate([dst, loop])
    # symmetric normalization: deg over dst with unit edge weights
    deg = jnp.zeros((n,), dtype=x.dtype).at[dst].add(1.0)
    dinv = jnp.where(deg > 0, deg ** -0.5, 0.0)
    norm = dinv[src] * dinv[dst]
    h = x @ W
    msg = h[src] * norm[:, None]
    out = jax.ops.segment_sum(msg, dst, num_segments=n)
    return out + b


def setup_inputs(seed: int = 0) -> dict:
    key = jax.random.key(seed)
    k = [jax.random.fold_in(key, i) for i in range(10)]
    x = jax.random.normal(k[0], (N_NODES, 128), dtype=jnp.float32)
    edge_index = jax.random.randint(k[1], (2, 320000), 0, N_NODES, dtype=jnp.int64)
    W1 = jax.random.normal(k[2], (128, 128), dtype=jnp.float32) * 0.05
    b1 = jnp.zeros((128,), dtype=jnp.float32)
    W2 = jax.random.normal(k[3], (128, 128), dtype=jnp.float32) * 0.05
    b2 = jnp.zeros((128,), dtype=jnp.float32)
    W3 = jax.random.normal(k[4], (128, 64), dtype=jnp.float32) * 0.05
    b3 = jnp.zeros((64,), dtype=jnp.float32)
    return {"x": x, "edge_index": edge_index, "W1": W1, "b1": b1, "W2": W2, "b2": b2, "W3": W3, "b3": b3}


def reference(x, edge_index, W1, b1, W2, b2, W3, b3):
    # eval mode: dropout is identity
    h = jax.nn.relu(gcn_conv(x, edge_index, W1, b1))
    h = jax.nn.relu(gcn_conv(h, edge_index, W2, b2))
    h = gcn_conv(h, edge_index, W3, b3)
    return jax.nn.log_softmax(h, axis=-1)

if __name__ == "__main__":
    import jax
    _d = setup_inputs()
    print(jax.jit(kernel)(*tuple(_d.values())))

</pallas_src>

<mosaic_0001>
#map = affine_map<(d0, d1) -> (0, 0, 0)>
#map1 = affine_map<(d0, d1) -> (0, 0)>
module attributes {stable_mosaic.version = 14 : i64} {
  func.func @deg(%arg0: i32, %arg1: i32, %arg2: memref<16x160x128xi32, #tpu.memory_space<hbm>>, %arg3: memref<10240x128xf32, #tpu.memory_space<hbm>>, %arg4: memref<80x128xi32, #tpu.memory_space<vmem>>, %arg5: memref<128x16xf32, #tpu.memory_space<vmem>>, %arg6: memref<10240x16xf32, #tpu.memory_space<vmem_shared>>) attributes {dimension_semantics = [#tpu.dimension_semantics<core_parallel>, #tpu.dimension_semantics<subcore_parallel>], iteration_bounds = array<i64: 2, 16>, scalar_prefetch = 0 : i64, scratch_operands = 3 : i64, tpu.core_type = #tpu.core_type<sc_vector_subcore>, window_params = [{transform_indices = #map}, {transform_indices = #map1}]} {
    %mul3A = arith.constant 640 : i32
    %mul3A_0 = arith.muli %arg1, %mul3A : i32
    %mul3A_1 = arith.constant 80 : i32
    %mul3A_2 = arith.muli %arg0, %mul3A_1 : i32
    "tpu.region"() ({
      %run_scoped3A = tpu.sem_alloc : memref<!tpu.dma_semaphore, #tpu.memory_space<semaphore_mem>>
      %dma_start3A = arith.constant 0 : i32
      %dma_start3A_38 = tpu.memref_slice %arg2[%arg1, %mul3A_2, %dma_start3A] : memref<16x160x128xi32, #tpu.memory_space<hbm>> -> memref<1x80x128xi32, #tpu.memory_space<hbm>>
      %dma_start3A_39 = tpu.memref_squeeze %dma_start3A_38 : memref<1x80x128xi32, #tpu.memory_space<hbm>> -> memref<80x128xi32, #tpu.memory_space<hbm>>
      %dma_start3A_40 = arith.constant 0 : i32
      %dma_start3A_41 = tpu.memref_slice %arg2[%arg1, %mul3A_2, %dma_start3A_40] : memref<16x160x128xi32, #tpu.memory_space<hbm>> -> memref<1x80x128xi32, #tpu.memory_space<hbm>>
      %dma_start3A_42 = tpu.memref_squeeze %dma_start3A_41 : memref<1x80x128xi32, #tpu.memory_space<hbm>> -> memref<80x128xi32, #tpu.memory_space<hbm>>
      tpu.enqueue_dma source(%dma_start3A_42 : memref<80x128xi32, #tpu.memory_space<hbm>>) target(%arg4 : memref<80x128xi32, #tpu.memory_space<vmem>>) target_semaphore(%run_scoped3A : memref<!tpu.dma_semaphore, #tpu.memory_space<semaphore_mem>>)
      %dma_wait3A = arith.constant 0 : i32
      %dma_wait3A_43 = tpu.memref_slice %arg2[%arg1, %mul3A_2, %dma_wait3A] : memref<16x160x128xi32, #tpu.memory_space<hbm>> -> memref<1x80x128xi32, #tpu.memory_space<hbm>>
      %dma_wait3A_44 = tpu.memref_squeeze %dma_wait3A_43 : memref<1x80x128xi32, #tpu.memory_space<hbm>> -> memref<80x128xi32, #tpu.memory_space<hbm>>
      %dma_wait3A_45 = arith.constant 0 : i32
      %dma_wait3A_46 = tpu.memref_slice %arg2[%arg1, %mul3A_2, %dma_wait3A_45] : memref<16x160x128xi32, #tpu.memory_space<hbm>> -> memref<1x80x128xi32, #tpu.memory_space<hbm>>
      %dma_wait3A_47 = tpu.memref_squeeze %dma_wait3A_46 : memref<1x80x128xi32, #tpu.memory_space<hbm>> -> memref<80x128xi32, #tpu.memory_space<hbm>>
      tpu.wait_dma2 semaphore(%run_scoped3A : memref<!tpu.dma_semaphore, #tpu.memory_space<semaphore_mem>>) src(%dma_wait3A_47 : memref<80x128xi32, #tpu.memory_space<hbm>>) dst(%arg4 : memref<80x128xi32, #tpu.memory_space<vmem>>)
      tpu.yield
    }) : () -> ()
    %broadcast_in_dim3A = arith.constant 0.000000e+00 : f32
    %broadcast_in_dim3A_3 = vector.broadcast %broadcast_in_dim3A : f32 to vector<16xf32>
    %scan3A = arith.constant 0 : i32
    %scan3A_4 = arith.constant 0 : i32
    %scan3A_5 = arith.constant 128 : i32
    %scan3A_6 = arith.addi %scan3A_4, %scan3A_5 : i32
    %scan3A_7 = arith.constant 1 : i32
    %scan3A_8 = scf.for %scan3A_38 = %scan3A_4 to %scan3A_6 step %scan3A_7 iter_args(%scan3A_39 = %scan3A) -> (i32)  : i32 {
      %swap3A = arith.index_cast %scan3A_38 : i32 to index
      %swap3A_40 = arith.constant 0 : index
      %swap3A_41 = tpu.vector_load %arg5[%swap3A, %swap3A_40] {strides = array<i32>} : memref<128x16xf32, #tpu.memory_space<vmem>>, vector<1x16xf32>,
      %swap3A_42 = vector.shape_cast %swap3A_41 : vector<1x16xf32> to vector<16xf32>
      %swap3A_43 = vector.shape_cast %broadcast_in_dim3A_3 : vector<16xf32> to vector<1x16xf32>
      tpu.vector_store %arg5[%swap3A, %swap3A_40], %swap3A_43 {strides = array<i32>} : memref<128x16xf32, #tpu.memory_space<vmem>>, vector<1x16xf32>,
      %scan3A_44 = arith.constant 0 : i32
      scf.yield %scan3A_44 : i32
    }
    %scan3A_9 = arith.constant 128 : i32
    %add3A = arith.constant 0 : i32
    %add3A_10 = arith.addi %mul3A_0, %add3A : i32
    "tpu.region"() ({
      %run_scoped3A = tpu.sem_alloc : memref<!tpu.dma_semaphore, #tpu.memory_space<semaphore_mem>>
      %dma_start3A = arith.constant 0 : i32
      %dma_start3A_38 = tpu.memref_slice %arg6[%add3A_10, %dma_start3A] : memref<10240x16xf32, #tpu.memory_space<vmem_shared>> -> memref<128x16xf32, #tpu.memory_space<vmem_shared>>
      %dma_start3A_39 = arith.constant 0 : i32
      %dma_start3A_40 = tpu.memref_slice %arg6[%add3A_10, %dma_start3A_39] : memref<10240x16xf32, #tpu.memory_space<vmem_shared>> -> memref<128x16xf32, #tpu.memory_space<vmem_shared>>
      tpu.enqueue_dma source(%arg5 : memref<128x16xf32, #tpu.memory_space<vmem>>) target(%dma_start3A_40 : memref<128x16xf32, #tpu.memory_space<vmem_shared>>) target_semaphore(%run_scoped3A : memref<!tpu.dma_semaphore, #tpu.memory_space<semaphore_mem>>)
      %dma_wait3A = arith.constant 0 : i32
      %dma_wait3A_41 = tpu.memref_slice %arg6[%add3A_10, %dma_wait3A] : memref<10240x16xf32, #tpu.memory_space<vmem_shared>> -> memref<128x16xf32, #tpu.memory_space<vmem_shared>>
      %dma_wait3A_42 = arith.constant 0 : i32
      %dma_wait3A_43 = tpu.memref_slice %arg6[%add3A_10, %dma_wait3A_42] : memref<10240x16xf32, #tpu.memory_space<vmem_shared>> -> memref<128x16xf32, #tpu.memory_space<vmem_shared>>
      tpu.wait_dma2 semaphore(%run_scoped3A : memref<!tpu.dma_semaphore, #tpu.memory_space<semaphore_mem>>) src(%arg5 : memref<128x16xf32, #tpu.memory_space<vmem>>) dst(%dma_wait3A_43 : memref<128x16xf32, #tpu.memory_space<vmem_shared>>)
      tpu.yield
    }) : () -> ()
    %add3A_11 = arith.constant 128 : i32
    %add3A_12 = arith.addi %mul3A_0, %add3A_11 : i32
    "tpu.region"() ({
      %run_scoped3A = tpu.sem_alloc : memref<!tpu.dma_semaphore, #tpu.memory_space<semaphore_mem>>
      %dma_start3A = arith.constant 0 : i32
      %dma_start3A_38 = tpu.memref_slice %arg6[%add3A_12, %dma_start3A] : memref<10240x16xf32, #tpu.memory_space<vmem_shared>> -> memref<128x16xf32, #tpu.memory_space<vmem_shared>>
      %dma_start3A_39 = arith.constant 0 : i32
      %dma_start3A_40 = tpu.memref_slice %arg6[%add3A_12, %dma_start3A_39] : memref<10240x16xf32, #tpu.memory_space<vmem_shared>> -> memref<128x16xf32, #tpu.memory_space<vmem_shared>>
      tpu.enqueue_dma source(%arg5 : memref<128x16xf32, #tpu.memory_space<vmem>>) target(%dma_start3A_40 : memref<128x16xf32, #tpu.memory_space<vmem_shared>>) target_semaphore(%run_scoped3A : memref<!tpu.dma_semaphore, #tpu.memory_space<semaphore_mem>>)
      %dma_wait3A = arith.constant 0 : i32
      %dma_wait3A_41 = tpu.memref_slice %arg6[%add3A_12, %dma_wait3A] : memref<10240x16xf32, #tpu.memory_space<vmem_shared>> -> memref<128x16xf32, #tpu.memory_space<vmem_shared>>
      %dma_wait3A_42 = arith.constant 0 : i32
      %dma_wait3A_43 = tpu.memref_slice %arg6[%add3A_12, %dma_wait3A_42] : memref<10240x16xf32, #tpu.memory_space<vmem_shared>> -> memref<128x16xf32, #tpu.memory_space<vmem_shared>>
      tpu.wait_dma2 semaphore(%run_scoped3A : memref<!tpu.dma_semaphore, #tpu.memory_space<semaphore_mem>>) src(%arg5 : memref<128x16xf32, #tpu.memory_space<vmem>>) dst(%dma_wait3A_43 : memref<128x16xf32, #tpu.memory_space<vmem_shared>>)
      tpu.yield
    }) : () -> ()
    %add3A_13 = arith.constant 256 : i32
    %add3A_14 = arith.addi %mul3A_0, %add3A_13 : i32
    "tpu.region"() ({
      %run_scoped3A = tpu.sem_alloc : memref<!tpu.dma_semaphore, #tpu.memory_space<semaphore_mem>>
      %dma_start3A = arith.constant 0 : i32
      %dma_start3A_38 = tpu.memref_slice %arg6[%add3A_14, %dma_start3A] : memref<10240x16xf32, #tpu.memory_space<vmem_shared>> -> memref<128x16xf32, #tpu.memory_space<vmem_shared>>
      %dma_start3A_39 = arith.constant 0 : i32
      %dma_start3A_40 = tpu.memref_slice %arg6[%add3A_14, %dma_start3A_39] : memref<10240x16xf32, #tpu.memory_space<vmem_shared>> -> memref<128x16xf32, #tpu.memory_space<vmem_shared>>
      tpu.enqueue_dma source(%arg5 : memref<128x16xf32, #tpu.memory_space<vmem>>) target(%dma_start3A_40 : memref<128x16xf32, #tpu.memory_space<vmem_shared>>) target_semaphore(%run_scoped3A : memref<!tpu.dma_semaphore, #tpu.memory_space<semaphore_mem>>)
      %dma_wait3A = arith.constant 0 : i32
      %dma_wait3A_41 = tpu.memref_slice %arg6[%add3A_14, %dma_wait3A] : memref<10240x16xf32, #tpu.memory_space<vmem_shared>> -> memref<128x16xf32, #tpu.memory_space<vmem_shared>>
      %dma_wait3A_42 = arith.constant 0 : i32
      %dma_wait3A_43 = tpu.memref_slice %arg6[%add3A_14, %dma_wait3A_42] : memref<10240x16xf32, #tpu.memory_space<vmem_shared>> -> memref<128x16xf32, #tpu.memory_space<vmem_shared>>
      tpu.wait_dma2 semaphore(%run_scoped3A : memref<!tpu.dma_semaphore, #tpu.memory_space<semaphore_mem>>) src(%arg5 : memref<128x16xf32, #tpu.memory_space<vmem>>) dst(%dma_wait3A_43 : memref<128x16xf32, #tpu.memory_space<vmem_shared>>)
      tpu.yield
    }) : () -> ()
    %add3A_15 = arith.constant 384 : i32
    %add3A_16 = arith.addi %mul3A_0, %add3A_15 : i32
    "tpu.region"() ({
      %run_scoped3A = tpu.sem_alloc : memref<!tpu.dma_semaphore, #tpu.memory_space<semaphore_mem>>
      %dma_start3A = arith.constant 0 : i32
      %dma_start3A_38 = tpu.memref_slice %arg6[%add3A_16, %dma_start3A] : memref<10240x16xf32, #tpu.memory_space<vmem_shared>> -> memref<128x16xf32, #tpu.memory_space<vmem_shared>>
      %dma_start3A_39 = arith.constant 0 : i32
      %dma_start3A_40 = tpu.memref_slice %arg6[%add3A_16, %dma_start3A_39] : memref<10240x16xf32, #tpu.memory_space<vmem_shared>> -> memref<128x16xf32, #tpu.memory_space<vmem_shared>>
      tpu.enqueue_dma source(%arg5 : memref<128x16xf32, #tpu.memory_space<vmem>>) target(%dma_start3A_40 : memref<128x16xf32, #tpu.memory_space<vmem_shared>>) target_semaphore(%run_scoped3A : memref<!tpu.dma_semaphore, #tpu.memory_space<semaphore_mem>>)
      %dma_wait3A = arith.constant 0 : i32
      %dma_wait3A_41 = tpu.memref_slice %arg6[%add3A_16, %dma_wait3A] : memref<10240x16xf32, #tpu.memory_space<vmem_shared>> -> memref<128x16xf32, #tpu.memory_space<vmem_shared>>
      %dma_wait3A_42 = arith.constant 0 : i32
      %dma_wait3A_43 = tpu.memref_slice %arg6[%add3A_16, %dma_wait3A_42] : memref<10240x16xf32, #tpu.memory_space<vmem_shared>> -> memref<128x16xf32, #tpu.memory_space<vmem_shared>>
      tpu.wait_dma2 semaphore(%run_scoped3A : memref<!tpu.dma_semaphore, #tpu.memory_space<semaphore_mem>>) src(%arg5 : memref<128x16xf32, #tpu.memory_space<vmem>>) dst(%dma_wait3A_43 : memref<128x16xf32, #tpu.memory_space<vmem_shared>>)
      tpu.yield
    }) : () -> ()
    %add3A_17 = arith.constant 512 : i32
    %add3A_18 = arith.addi %mul3A_0, %add3A_17 : i32
    "tpu.region"() ({
      %run_scoped3A = tpu.sem_alloc : memref<!tpu.dma_semaphore, #tpu.memory_space<semaphore_mem>>
      %dma_start3A = arith.constant 0 : i32
      %dma_start3A_38 = tpu.memref_slice %arg6[%add3A_18, %dma_start3A] : memref<10240x16xf32, #tpu.memory_space<vmem_shared>> -> memref<128x16xf32, #tpu.memory_space<vmem_shared>>
      %dma_start3A_39 = arith.constant 0 : i32
      %dma_start3A_40 = tpu.memref_slice %arg6[%add3A_18, %dma_start3A_39] : memref<10240x16xf32, #tpu.memory_space<vmem_shared>> -> memref<128x16xf32, #tpu.memory_space<vmem_shared>>
      tpu.enqueue_dma source(%arg5 : memref<128x16xf32, #tpu.memory_space<vmem>>) target(%dma_start3A_40 : memref<128x16xf32, #tpu.memory_space<vmem_shared>>) target_semaphore(%run_scoped3A : memref<!tpu.dma_semaphore, #tpu.memory_space<semaphore_mem>>)
      %dma_wait3A = arith.constant 0 : i32
      %dma_wait3A_41 = tpu.memref_slice %arg6[%add3A_18, %dma_wait3A] : memref<10240x16xf32, #tpu.memory_space<vmem_shared>> -> memref<128x16xf32, #tpu.memory_space<vmem_shared>>
      %dma_wait3A_42 = arith.constant 0 : i32
      %dma_wait3A_43 = tpu.memref_slice %arg6[%add3A_18, %dma_wait3A_42] : memref<10240x16xf32, #tpu.memory_space<vmem_shared>> -> memref<128x16xf32, #tpu.memory_space<vmem_shared>>
      tpu.wait_dma2 semaphore(%run_scoped3A : memref<!tpu.dma_semaphore, #tpu.memory_space<semaphore_mem>>) src(%arg5 : memref<128x16xf32, #tpu.memory_space<vmem>>) dst(%dma_wait3A_43 : memref<128x16xf32, #tpu.memory_space<vmem_shared>>)
      tpu.yield
    }) : () -> ()
    %broadcast_in_dim3A_19 = arith.constant 1.000000e+00 : f32
    %broadcast_in_dim3A_20 = vector.broadcast %broadcast_in_dim3A_19 : f32 to vector<16xf32>
    %scan3A_21 = arith.constant 0 : i32
    %scan3A_22 = arith.constant 0 : i32
    %scan3A_23 = arith.constant 128 : i32
    %scan3A_24 = arith.addi %scan3A_22, %scan3A_23 : i32
    %scan3A_25 = arith.constant 1 : i32
    %scan3A_26 = scf.for %scan3A_38 = %scan3A_22 to %scan3A_24 step %scan3A_25 iter_args(%scan3A_39 = %scan3A_21) -> (i32)  : i32 {
      %swap3A = arith.index_cast %scan3A_38 : i32 to index
      %swap3A_40 = arith.constant 0 : index
      %swap3A_41 = tpu.vector_load %arg5[%swap3A, %swap3A_40] {strides = array<i32>} : memref<128x16xf32, #tpu.memory_space<vmem>>, vector<1x16xf32>,
      %swap3A_42 = vector.shape_cast %swap3A_41 : vector<1x16xf32> to vector<16xf32>
      %swap3A_43 = vector.shape_cast %broadcast_in_dim3A_20 : vector<16xf32> to vector<1x16xf32>
      tpu.vector_store %arg5[%swap3A, %swap3A_40], %swap3A_43 {strides = array<i32>} : memref<128x16xf32, #tpu.memory_space<vmem>>, vector<1x16xf32>,
      %scan3A_44 = arith.constant 0 : i32
      scf.yield %scan3A_44 : i32
    }
    %scan3A_27 = arith.constant 128 : i32
    %barrier3A = arith.constant 0 : index
    tpu.barrier barrier_id(%barrier3A)
    %scan3A_28 = arith.constant 0 : i32
    %scan3A_29 = arith.constant 0 : i32
    %scan3A_30 = arith.constant 80 : i32
    %scan3A_31 = arith.addi %scan3A_29, %scan3A_30 : i32
    %scan3A_32 = arith.constant 1 : i32
    %scan3A_33 = scf.for %scan3A_38 = %scan3A_29 to %scan3A_31 step %scan3A_32 iter_args(%scan3A_39 = %scan3A_28) -> (i32)  : i32 {
      "tpu.region"() ({
        %run_scoped3A = tpu.sem_alloc : memref<!tpu.dma_semaphore, #tpu.memory_space<semaphore_mem>>
        %dma_start3A = arith.constant 0 : i32
        %dma_start3A_41 = tpu.memref_slice %arg4[%scan3A_38, %dma_start3A] : memref<80x128xi32, #tpu.memory_space<vmem>> -> memref<1x128xi32, #tpu.memory_space<vmem>>
        %dma_start3A_42 = tpu.memref_squeeze %dma_start3A_41 : memref<1x128xi32, #tpu.memory_space<vmem>> -> memref<128xi32, #tpu.memory_space<vmem>>
        %dma_start3A_43 = arith.constant 0 : i32
        %dma_start3A_44 = arith.constant 0 : i32
        %dma_start3A_45 = tpu.memref_slice %arg6[%dma_start3A_43, %dma_start3A_44] : memref<10240x16xf32, #tpu.memory_space<vmem_shared>> -> memref<10240x16xf32, #tpu.memory_space<vmem_shared>>
        tpu.enqueue_indirect_dma source(%arg5 : memref<128x16xf32, #tpu.memory_space<vmem>>) target(%dma_start3A_45 : memref<10240x16xf32, #tpu.memory_space<vmem_shared>>) offsets(%dma_start3A_42 : memref<128xi32, #tpu.memory_space<vmem>>) semaphore(%run_scoped3A : memref<!tpu.dma_semaphore, #tpu.memory_space<semaphore_mem>>) {add = true}
        %dma_wait3A = arith.constant 0 : i32
        %dma_wait3A_46 = tpu.memref_slice %arg4[%scan3A_38, %dma_wait3A] : memref<80x128xi32, #tpu.memory_space<vmem>> -> memref<1x128xi32, #tpu.memory_space<vmem>>
        %dma_wait3A_47 = tpu.memref_squeeze %dma_wait3A_46 : memref<1x128xi32, #tpu.memory_space<vmem>> -> memref<128xi32, #tpu.memory_space<vmem>>
        %dma_wait3A_48 = arith.constant 0 : i32
        %dma_wait3A_49 = arith.constant 0 : i32
        %dma_wait3A_50 = tpu.memref_slice %arg6[%dma_wait3A_48, %dma_wait3A_49] : memref<10240x16xf32, #tpu.memory_space<vmem_shared>> -> memref<10240x16xf32, #tpu.memory_space<vmem_shared>>
        tpu.wait_indirect_dma semaphore(%run_scoped3A : memref<!tpu.dma_semaphore, #tpu.memory_space<semaphore_mem>>) src(%arg5 : memref<128x16xf32, #tpu.memory_space<vmem>>) dst(%dma_wait3A_50 : memref<10240x16xf32, #tpu.memory_space<vmem_shared>>)
        tpu.yield
      }) : () -> ()
      %scan3A_40 = arith.constant 0 : i32
      scf.yield %scan3A_40 : i32
    }
    %scan3A_34 = arith.constant 80 : i32
    %barrier3A_35 = arith.constant 0 : index
    tpu.barrier barrier_id(%barrier3A_35)
    %mul3A_36 = arith.constant 16 : i32
    %mul3A_37 = arith.muli %arg0, %mul3A_36 : i32
    "tpu.region"() ({
      %run_scoped3A = tpu.sem_alloc : memref<!tpu.dma_semaphore, #tpu.memory_space<semaphore_mem>>
      %dma_start3A = tpu.memref_slice %arg3[%mul3A_0, %mul3A_37] : memref<10240x128xf32, #tpu.memory_space<hbm>> -> memref<640x16xf32, #tpu.memory_space<hbm>>
      %dma_start3A_38 = arith.constant 0 : i32
      %dma_start3A_39 = tpu.memref_slice %arg6[%mul3A_0, %dma_start3A_38] : memref<10240x16xf32, #tpu.memory_space<vmem_shared>> -> memref<640x16xf32, #tpu.memory_space<vmem_shared>>
      tpu.enqueue_dma source(%dma_start3A_39 : memref<640x16xf32, #tpu.memory_space<vmem_shared>>) target(%dma_start3A : memref<640x16xf32, #tpu.memory_space<hbm>>) target_semaphore(%run_scoped3A : memref<!tpu.dma_semaphore, #tpu.memory_space<semaphore_mem>>)
      %dma_wait3A = tpu.memref_slice %arg3[%mul3A_0, %mul3A_37] : memref<10240x128xf32, #tpu.memory_space<hbm>> -> memref<640x16xf32, #tpu.memory_space<hbm>>
      %dma_wait3A_40 = arith.constant 0 : i32
      %dma_wait3A_41 = tpu.memref_slice %arg6[%mul3A_0, %dma_wait3A_40] : memref<10240x16xf32, #tpu.memory_space<vmem_shared>> -> memref<640x16xf32, #tpu.memory_space<vmem_shared>>
      tpu.wait_dma2 semaphore(%run_scoped3A : memref<!tpu.dma_semaphore, #tpu.memory_space<semaphore_mem>>) src(%dma_wait3A_41 : memref<640x16xf32, #tpu.memory_space<vmem_shared>>) dst(%dma_wait3A : memref<640x16xf32, #tpu.memory_space<hbm>>)
      tpu.yield
    }) : () -> ()
    return
  }
}

#map = affine_map<(d0, d1) -> (0, 0)>
#map1 = affine_map<(d0, d1) -> (0, 0, 0)>
module attributes {stable_mosaic.version = 14 : i64} {
  func.func @agg(%arg0: i32, %arg1: i32, %arg2: memref<10240x128xf32, #tpu.memory_space<hbm>>, %arg3: memref<16x160x128xi32, #tpu.memory_space<hbm>>, %arg4: memref<16x160x128xi32, #tpu.memory_space<hbm>>, %arg5: memref<10240x128xf32, #tpu.memory_space<hbm>>, %arg6: memref<80x128xi32, #tpu.memory_space<vmem>>, %arg7: memref<80x128xi32, #tpu.memory_space<vmem>>, %arg8: memref<2x128x64xf32, #tpu.memory_space<vmem>>, %arg9: memref<10240x64xf32, #tpu.memory_space<vmem_shared>>, %arg10: memref<10240x64xf32, #tpu.memory_space<vmem_shared>>, %arg11: memref<2x!tpu.dma_semaphore, #tpu.memory_space<semaphore_mem>>) attributes {dimension_semantics = [#tpu.dimension_semantics<core_parallel>, #tpu.dimension_semantics<subcore_parallel>], iteration_bounds = array<i64: 2, 16>, scalar_prefetch = 0 : i64, scratch_operands = 6 : i64, tpu.core_type = #tpu.core_type<sc_vector_subcore>, window_params = [{transform_indices = #map}, {transform_indices = #map1}, {transform_indices = #map1}, {transform_indices = #map}]} {
    %mul3A = arith.constant 640 : i32
    %mul3A_0 = arith.muli %arg1, %mul3A : i32
    %mul3A_1 = arith.constant 64 : i32
    %mul3A_2 = arith.muli %arg0, %mul3A_1 : i32
    "tpu.region"() ({
      %run_scoped3A_165 = tpu.sem_alloc : memref<!tpu.dma_semaphore, #tpu.memory_space<semaphore_mem>>
      %dma_start3A_166 = arith.constant 0 : i32
      %dma_start3A_167 = tpu.memref_slice %arg9[%mul3A_0, %dma_start3A_166] : memref<10240x64xf32, #tpu.memory_space<vmem_shared>> -> memref<640x64xf32, #tpu.memory_space<vmem_shared>>
      %dma_start3A_168 = tpu.memref_slice %arg2[%mul3A_0, %mul3A_2] : memref<10240x128xf32, #tpu.memory_space<hbm>> -> memref<640x64xf32, #tpu.memory_space<hbm>>
      tpu.enqueue_dma source(%dma_start3A_168 : memref<640x64xf32, #tpu.memory_space<hbm>>) target(%dma_start3A_167 : memref<640x64xf32, #tpu.memory_space<vmem_shared>>) target_semaphore(%run_scoped3A_165 : memref<!tpu.dma_semaphore, #tpu.memory_space<semaphore_mem>>)
      %dma_wait3A_169 = arith.constant 0 : i32
      %dma_wait3A_170 = tpu.memref_slice %arg9[%mul3A_0, %dma_wait3A_169] : memref<10240x64xf32, #tpu.memory_space<vmem_shared>> -> memref<640x64xf32, #tpu.memory_space<vmem_shared>>
      %dma_wait3A_171 = tpu.memref_slice %arg2[%mul3A_0, %mul3A_2] : memref<10240x128xf32, #tpu.memory_space<hbm>> -> memref<640x64xf32, #tpu.memory_space<hbm>>
      tpu.wait_dma2 semaphore(%run_scoped3A_165 : memref<!tpu.dma_semaphore, #tpu.memory_space<semaphore_mem>>) src(%dma_wait3A_171 : memref<640x64xf32, #tpu.memory_space<hbm>>) dst(%dma_wait3A_170 : memref<640x64xf32, #tpu.memory_space<vmem_shared>>)
      tpu.yield
    }) : () -> ()
    %broadcast_in_dim3A = arith.constant 0.000000e+00 : f32
    %broadcast_in_dim3A_3 = vector.broadcast %broadcast_in_dim3A : f32 to vector<16xf32>
    %scan3A = arith.constant 0 : i32
    %scan3A_4 = arith.constant 0 : i32
    %scan3A_5 = arith.constant 0 : i32
    %scan3A_6 = arith.constant 128 : i32
    %scan3A_7 = arith.addi %scan3A_5, %scan3A_6 : i32
    %scan3A_8 = arith.constant 1 : i32
    %scan3A_9 = scf.for %scan3A_165 = %scan3A_5 to %scan3A_7 step %scan3A_8 iter_args(%scan3A_166 = %scan3A_4) -> (i32)  : i32 {
      %swap3A = arith.constant 0 : i32
      %swap3A_167 = arith.constant 0 : i32
      %swap3A_168 = tpu.memref_slice %arg8[%scan3A, %swap3A, %swap3A_167] : memref<2x128x64xf32, #tpu.memory_space<vmem>> -> memref<1x128x64xf32, #tpu.memory_space<vmem>>
      %swap3A_169 = tpu.memref_squeeze %swap3A_168 : memref<1x128x64xf32, #tpu.memory_space<vmem>> -> memref<128x64xf32, #tpu.memory_space<vmem>>
      %swap3A_170 = arith.index_cast %scan3A_165 : i32 to index
      %swap3A_171 = arith.constant 0 : index
      %swap3A_172 = tpu.vector_load %swap3A_169[%swap3A_170, %swap3A_171] {strides = array<i32>} : memref<128x64xf32, #tpu.memory_space<vmem>>, vector<1x16xf32>,
      %swap3A_173 = vector.shape_cast %swap3A_172 : vector<1x16xf32> to vector<16xf32>
      %swap3A_174 = vector.shape_cast %broadcast_in_dim3A_3 : vector<16xf32> to vector<1x16xf32>
      tpu.vector_store %swap3A_169[%swap3A_170, %swap3A_171], %swap3A_174 {strides = array<i32>} : memref<128x64xf32, #tpu.memory_space<vmem>>, vector<1x16xf32>,
      %swap3A_175 = arith.constant 0 : i32
      %swap3A_176 = arith.constant 0 : i32
      %swap3A_177 = tpu.memref_slice %arg8[%scan3A, %swap3A_175, %swap3A_176] : memref<2x128x64xf32, #tpu.memory_space<vmem>> -> memref<1x128x64xf32, #tpu.memory_space<vmem>>
      %swap3A_178 = tpu.memref_squeeze %swap3A_177 : memref<1x128x64xf32, #tpu.memory_space<vmem>> -> memref<128x64xf32, #tpu.memory_space<vmem>>
      %swap3A_179 = arith.index_cast %scan3A_165 : i32 to index
      %swap3A_180 = arith.constant 16 : index
      %swap3A_181 = tpu.vector_load %swap3A_178[%swap3A_179, %swap3A_180] {strides = array<i32>} : memref<128x64xf32, #tpu.memory_space<vmem>>, vector<1x16xf32>,
      %swap3A_182 = vector.shape_cast %swap3A_181 : vector<1x16xf32> to vector<16xf32>
      %swap3A_183 = vector.shape_cast %broadcast_in_dim3A_3 : vector<16xf32> to vector<1x16xf32>
      tpu.vector_store %swap3A_178[%swap3A_179, %swap3A_180], %swap3A_183 {strides = array<i32>} : memref<128x64xf32, #tpu.memory_space<vmem>>, vector<1x16xf32>,
      %swap3A_184 = arith.constant 0 : i32
      %swap3A_185 = arith.constant 0 : i32
      %swap3A_186 = tpu.memref_slice %arg8[%scan3A, %swap3A_184, %swap3A_185] : memref<2x128x64xf32, #tpu.memory_space<vmem>> -> memref<1x128x64xf32, #tpu.memory_space<vmem>>
      %swap3A_187 = tpu.memref_squeeze %swap3A_186 : memref<1x128x64xf32, #tpu.memory_space<vmem>> -> memref<128x64xf32, #tpu.memory_space<vmem>>
      %swap3A_188 = arith.index_cast %scan3A_165 : i32 to index
      %swap3A_189 = arith.constant 32 : index
      %swap3A_190 = tpu.vector_load %swap3A_187[%swap3A_188, %swap3A_189] {strides = array<i32>} : memref<128x64xf32, #tpu.memory_space<vmem>>, vector<1x16xf32>,
      %swap3A_191 = vector.shape_cast %swap3A_190 : vector<1x16xf32> to vector<16xf32>
      %swap3A_192 = vector.shape_cast %broadcast_in_dim3A_3 : vector<16xf32> to vector<1x16xf32>
      tpu.vector_store %swap3A_187[%swap3A_188, %swap3A_189], %swap3A_192 {strides = array<i32>} : memref<128x64xf32, #tpu.memory_space<vmem>>, vector<1x16xf32>,
      %swap3A_193 = arith.constant 0 : i32
      %swap3A_194 = arith.constant 0 : i32
      %swap3A_195 = tpu.memref_slice %arg8[%scan3A, %swap3A_193, %swap3A_194] : memref<2x128x64xf32, #tpu.memory_space<vmem>> -> memref<1x128x64xf32, #tpu.memory_space<vmem>>
      %swap3A_196 = tpu.memref_squeeze %swap3A_195 : memref<1x128x64xf32, #tpu.memory_space<vmem>> -> memref<128x64xf32, #tpu.memory_space<vmem>>
      %swap3A_197 = arith.index_cast %scan3A_165 : i32 to index
      %swap3A_198 = arith.constant 48 : index
      %swap3A_199 = tpu.vector_load %swap3A_196[%swap3A_197, %swap3A_198] {strides = array<i32>} : memref<128x64xf32, #tpu.memory_space<vmem>>, vector<1x16xf32>,
      %swap3A_200 = vector.shape_cast %swap3A_199 : vector<1x16xf32> to vector<16xf32>
      %swap3A_201 = vector.shape_cast %broadcast_in_dim3A_3 : vector<16xf32> to vector<1x16xf32>
      tpu.vector_store %swap3A_196[%swap3A_197, %swap3A_198], %swap3A_201 {strides = array<i32>} : memref<128x64xf32, #tpu.memory_space<vmem>>, vector<1x16xf32>,
      %scan3A_202 = arith.constant 0 : i32
      scf.yield %scan3A_202 : i32
    }
    %scan3A_10 = arith.constant 128 : i32
    %add3A = arith.constant 0 : i32
    %add3A_11 = arith.addi %mul3A_0, %add3A : i32
    %run_scoped3A = arith.constant 0 : i32
    "tpu.region"() ({
      %run_scoped3A_165 = tpu.sem_alloc : memref<!tpu.dma_semaphore, #tpu.memory_space<semaphore_mem>>
      %dma_start3A_166 = arith.constant 0 : i32
      %dma_start3A_167 = arith.constant 0 : i32
      %dma_start3A_168 = tpu.memref_slice %arg8[%run_scoped3A, %dma_start3A_166, %dma_start3A_167] : memref<2x128x64xf32, #tpu.memory_space<vmem>> -> memref<1x128x64xf32, #tpu.memory_space<vmem>>
      %dma_start3A_169 = tpu.memref_squeeze %dma_start3A_168 : memref<1x128x64xf32, #tpu.memory_space<vmem>> -> memref<128x64xf32, #tpu.memory_space<vmem>>
      %dma_start3A_170 = arith.constant 0 : i32
      %dma_start3A_171 = tpu.memref_slice %arg10[%add3A_11, %dma_start3A_170] : memref<10240x64xf32, #tpu.memory_space<vmem_shared>> -> memref<128x64xf32, #tpu.memory_space<vmem_shared>>
      %dma_start3A_172 = arith.constant 0 : i32
      %dma_start3A_173 = tpu.memref_slice %arg10[%add3A_11, %dma_start3A_172] : memref<10240x64xf32, #tpu.memory_space<vmem_shared>> -> memref<128x64xf32, #tpu.memory_space<vmem_shared>>
      %dma_start3A_174 = arith.constant 0 : i32
      %dma_start3A_175 = arith.constant 0 : i32
      %dma_start3A_176 = tpu.memref_slice %arg8[%run_scoped3A, %dma_start3A_174, %dma_start3A_175] : memref<2x128x64xf32, #tpu.memory_space<vmem>> -> memref<1x128x64xf32, #tpu.memory_space<vmem>>
      %dma_start3A_177 = tpu.memref_squeeze %dma_start3A_176 : memref<1x128x64xf32, #tpu.memory_space<vmem>> -> memref<128x64xf32, #tpu.memory_space<vmem>>
      tpu.enqueue_dma source(%dma_start3A_177 : memref<128x64xf32, #tpu.memory_space<vmem>>) target(%dma_start3A_173 : memref<128x64xf32, #tpu.memory_space<vmem_shared>>) target_semaphore(%run_scoped3A_165 : memref<!tpu.dma_semaphore, #tpu.memory_space<semaphore_mem>>)
      %dma_wait3A_178 = arith.constant 0 : i32
      %dma_wait3A_179 = arith.constant 0 : i32
      %dma_wait3A_180 = tpu.memref_slice %arg8[%run_scoped3A, %dma_wait3A_178, %dma_wait3A_179] : memref<2x128x64xf32, #tpu.memory_space<vmem>> -> memref<1x128x64xf32, #tpu.memory_space<vmem>>
      %dma_wait3A_181 = tpu.memref_squeeze %dma_wait3A_180 : memref<1x128x64xf32, #tpu.memory_space<vmem>> -> memref<128x64xf32, #tpu.memory_space<vmem>>
      %dma_wait3A_182 = arith.constant 0 : i32
      %dma_wait3A_183 = tpu.memref_slice %arg10[%add3A_11, %dma_wait3A_182] : memref<10240x64xf32, #tpu.memory_space<vmem_shared>> -> memref<128x64xf32, #tpu.memory_space<vmem_shared>>
      %dma_wait3A_184 = arith.constant 0 : i32
      %dma_wait3A_185 = tpu.memref_slice %arg10[%add3A_11, %dma_wait3A_184] : memref<10240x64xf32, #tpu.memory_space<vmem_shared>> -> memref<128x64xf32, #tpu.memory_space<vmem_shared>>
      %dma_wait3A_186 = arith.constant 0 : i32
      %dma_wait3A_187 = arith.constant 0 : i32
      %dma_wait3A_188 = tpu.memref_slice %arg8[%run_scoped3A, %dma_wait3A_186, %dma_wait3A_187] : memref<2x128x64xf32, #tpu.memory_space<vmem>> -> memref<1x128x64xf32, #tpu.memory_space<vmem>>
      %dma_wait3A_189 = tpu.memref_squeeze %dma_wait3A_188 : memref<1x128x64xf32, #tpu.memory_space<vmem>> -> memref<128x64xf32, #tpu.memory_space<vmem>>
      tpu.wait_dma2 semaphore(%run_scoped3A_165 : memref<!tpu.dma_semaphore, #tpu.memory_space<semaphore_mem>>) src(%dma_wait3A_189 : memref<128x64xf32, #tpu.memory_space<vmem>>) dst(%dma_wait3A_185 : memref<128x64xf32, #tpu.memory_space<vmem_shared>>)
      tpu.yield
    }) : () -> ()
    %add3A_12 = arith.constant 128 : i32
    %add3A_13 = arith.addi %mul3A_0, %add3A_12 : i32
    %run_scoped3A_14 = arith.constant 0 : i32
    "tpu.region"() ({
      %run_scoped3A_165 = tpu.sem_alloc : memref<!tpu.dma_semaphore, #tpu.memory_space<semaphore_mem>>
      %dma_start3A_166 = arith.constant 0 : i32
      %dma_start3A_167 = arith.constant 0 : i32
      %dma_start3A_168 = tpu.memref_slice %arg8[%run_scoped3A_14, %dma_start3A_166, %dma_start3A_167] : memref<2x128x64xf32, #tpu.memory_space<vmem>> -> memref<1x128x64xf32, #tpu.memory_space<vmem>>
      %dma_start3A_169 = tpu.memref_squeeze %dma_start3A_168 : memref<1x128x64xf32, #tpu.memory_space<vmem>> -> memref<128x64xf32, #tpu.memory_space<vmem>>
      %dma_start3A_170 = arith.constant 0 : i32
      %dma_start3A_171 = tpu.memref_slice %arg10[%add3A_13, %dma_start3A_170] : memref<10240x64xf32, #tpu.memory_space<vmem_shared>> -> memref<128x64xf32, #tpu.memory_space<vmem_shared>>
      %dma_start3A_172 = arith.constant 0 : i32
      %dma_start3A_173 = tpu.memref_slice %arg10[%add3A_13, %dma_start3A_172] : memref<10240x64xf32, #tpu.memory_space<vmem_shared>> -> memref<128x64xf32, #tpu.memory_space<vmem_shared>>
      %dma_start3A_174 = arith.constant 0 : i32
      %dma_start3A_175 = arith.constant 0 : i32
      %dma_start3A_176 = tpu.memref_slice %arg8[%run_scoped3A_14, %dma_start3A_174, %dma_start3A_175] : memref<2x128x64xf32, #tpu.memory_space<vmem>> -> memref<1x128x64xf32, #tpu.memory_space<vmem>>
      %dma_start3A_177 = tpu.memref_squeeze %dma_start3A_176 : memref<1x128x64xf32, #tpu.memory_space<vmem>> -> memref<128x64xf32, #tpu.memory_space<vmem>>
      tpu.enqueue_dma source(%dma_start3A_177 : memref<128x64xf32, #tpu.memory_space<vmem>>) target(%dma_start3A_173 : memref<128x64xf32, #tpu.memory_space<vmem_shared>>) target_semaphore(%run_scoped3A_165 : memref<!tpu.dma_semaphore, #tpu.memory_space<semaphore_mem>>)
      %dma_wait3A_178 = arith.constant 0 : i32
      %dma_wait3A_179 = arith.constant 0 : i32
      %dma_wait3A_180 = tpu.memref_slice %arg8[%run_scoped3A_14, %dma_wait3A_178, %dma_wait3A_179] : memref<2x128x64xf32, #tpu.memory_space<vmem>> -> memref<1x128x64xf32, #tpu.memory_space<vmem>>
      %dma_wait3A_181 = tpu.memref_squeeze %dma_wait3A_180 : memref<1x128x64xf32, #tpu.memory_space<vmem>> -> memref<128x64xf32, #tpu.memory_space<vmem>>
      %dma_wait3A_182 = arith.constant 0 : i32
      %dma_wait3A_183 = tpu.memref_slice %arg10[%add3A_13, %dma_wait3A_182] : memref<10240x64xf32, #tpu.memory_space<vmem_shared>> -> memref<128x64xf32, #tpu.memory_space<vmem_shared>>
      %dma_wait3A_184 = arith.constant 0 : i32
      %dma_wait3A_185 = tpu.memref_slice %arg10[%add3A_13, %dma_wait3A_184] : memref<10240x64xf32, #tpu.memory_space<vmem_shared>> -> memref<128x64xf32, #tpu.memory_space<vmem_shared>>
      %dma_wait3A_186 = arith.constant 0 : i32
      %dma_wait3A_187 = arith.constant 0 : i32
      %dma_wait3A_188 = tpu.memref_slice %arg8[%run_scoped3A_14, %dma_wait3A_186, %dma_wait3A_187] : memref<2x128x64xf32, #tpu.memory_space<vmem>> -> memref<1x128x64xf32, #tpu.memory_space<vmem>>
      %dma_wait3A_189 = tpu.memref_squeeze %dma_wait3A_188 : memref<1x128x64xf32, #tpu.memory_space<vmem>> -> memref<128x64xf32, #tpu.memory_space<vmem>>
      tpu.wait_dma2 semaphore(%run_scoped3A_165 : memref<!tpu.dma_semaphore, #tpu.memory_space<semaphore_mem>>) src(%dma_wait3A_189 : memref<128x64xf32, #tpu.memory_space<vmem>>) dst(%dma_wait3A_185 : memref<128x64xf32, #tpu.memory_space<vmem_shared>>)
      tpu.yield
    }) : () -> ()
    %add3A_15 = arith.constant 256 : i32
    %add3A_16 = arith.addi %mul3A_0, %add3A_15 : i32
    %run_scoped3A_17 = arith.constant 0 : i32
    "tpu.region"() ({
      %run_scoped3A_165 = tpu.sem_alloc : memref<!tpu.dma_semaphore, #tpu.memory_space<semaphore_mem>>
      %dma_start3A_166 = arith.constant 0 : i32
      %dma_start3A_167 = arith.constant 0 : i32
      %dma_start3A_168 = tpu.memref_slice %arg8[%run_scoped3A_17, %dma_start3A_166, %dma_start3A_167] : memref<2x128x64xf32, #tpu.memory_space<vmem>> -> memref<1x128x64xf32, #tpu.memory_space<vmem>>
      %dma_start3A_169 = tpu.memref_squeeze %dma_start3A_168 : memref<1x128x64xf32, #tpu.memory_space<vmem>> -> memref<128x64xf32, #tpu.memory_space<vmem>>
      %dma_start3A_170 = arith.constant 0 : i32
      %dma_start3A_171 = tpu.memref_slice %arg10[%add3A_16, %dma_start3A_170] : memref<10240x64xf32, #tpu.memory_space<vmem_shared>> -> memref<128x64xf32, #tpu.memory_space<vmem_shared>>
      %dma_start3A_172 = arith.constant 0 : i32
      %dma_start3A_173 = tpu.memref_slice %arg10[%add3A_16, %dma_start3A_172] : memref<10240x64xf32, #tpu.memory_space<vmem_shared>> -> memref<128x64xf32, #tpu.memory_space<vmem_shared>>
      %dma_start3A_174 = arith.constant 0 : i32
      %dma_start3A_175 = arith.constant 0 : i32
      %dma_start3A_176 = tpu.memref_slice %arg8[%run_scoped3A_17, %dma_start3A_174, %dma_start3A_175] : memref<2x128x64xf32, #tpu.memory_space<vmem>> -> memref<1x128x64xf32, #tpu.memory_space<vmem>>
      %dma_start3A_177 = tpu.memref_squeeze %dma_start3A_176 : memref<1x128x64xf32, #tpu.memory_space<vmem>> -> memref<128x64xf32, #tpu.memory_space<vmem>>
      tpu.enqueue_dma source(%dma_start3A_177 : memref<128x64xf32, #tpu.memory_space<vmem>>) target(%dma_start3A_173 : memref<128x64xf32, #tpu.memory_space<vmem_shared>>) target_semaphore(%run_scoped3A_165 : memref<!tpu.dma_semaphore, #tpu.memory_space<semaphore_mem>>)
      %dma_wait3A_178 = arith.constant 0 : i32
      %dma_wait3A_179 = arith.constant 0 : i32
      %dma_wait3A_180 = tpu.memref_slice %arg8[%run_scoped3A_17, %dma_wait3A_178, %dma_wait3A_179] : memref<2x128x64xf32, #tpu.memory_space<vmem>> -> memref<1x128x64xf32, #tpu.memory_space<vmem>>
      %dma_wait3A_181 = tpu.memref_squeeze %dma_wait3A_180 : memref<1x128x64xf32, #tpu.memory_space<vmem>> -> memref<128x64xf32, #tpu.memory_space<vmem>>
      %dma_wait3A_182 = arith.constant 0 : i32
      %dma_wait3A_183 = tpu.memref_slice %arg10[%add3A_16, %dma_wait3A_182] : memref<10240x64xf32, #tpu.memory_space<vmem_shared>> -> memref<128x64xf32, #tpu.memory_space<vmem_shared>>
      %dma_wait3A_184 = arith.constant 0 : i32
      %dma_wait3A_185 = tpu.memref_slice %arg10[%add3A_16, %dma_wait3A_184] : memref<10240x64xf32, #tpu.memory_space<vmem_shared>> -> memref<128x64xf32, #tpu.memory_space<vmem_shared>>
      %dma_wait3A_186 = arith.constant 0 : i32
      %dma_wait3A_187 = arith.constant 0 : i32
      %dma_wait3A_188 = tpu.memref_slice %arg8[%run_scoped3A_17, %dma_wait3A_186, %dma_wait3A_187] : memref<2x128x64xf32, #tpu.memory_space<vmem>> -> memref<1x128x64xf32, #tpu.memory_space<vmem>>
      %dma_wait3A_189 = tpu.memref_squeeze %dma_wait3A_188 : memref<1x128x64xf32, #tpu.memory_space<vmem>> -> memref<128x64xf32, #tpu.memory_space<vmem>>
      tpu.wait_dma2 semaphore(%run_scoped3A_165 : memref<!tpu.dma_semaphore, #tpu.memory_space<semaphore_mem>>) src(%dma_wait3A_189 : memref<128x64xf32, #tpu.memory_space<vmem>>) dst(%dma_wait3A_185 : memref<128x64xf32, #tpu.memory_space<vmem_shared>>)
      tpu.yield
    }) : () -> ()
    %add3A_18 = arith.constant 384 : i32
    %add3A_19 = arith.addi %mul3A_0, %add3A_18 : i32
    %run_scoped3A_20 = arith.constant 0 : i32
    "tpu.region"() ({
      %run_scoped3A_165 = tpu.sem_alloc : memref<!tpu.dma_semaphore, #tpu.memory_space<semaphore_mem>>
      %dma_start3A_166 = arith.constant 0 : i32
      %dma_start3A_167 = arith.constant 0 : i32
      %dma_start3A_168 = tpu.memref_slice %arg8[%run_scoped3A_20, %dma_start3A_166, %dma_start3A_167] : memref<2x128x64xf32, #tpu.memory_space<vmem>> -> memref<1x128x64xf32, #tpu.memory_space<vmem>>
      %dma_start3A_169 = tpu.memref_squeeze %dma_start3A_168 : memref<1x128x64xf32, #tpu.memory_space<vmem>> -> memref<128x64xf32, #tpu.memory_space<vmem>>
      %dma_start3A_170 = arith.constant 0 : i32
      %dma_start3A_171 = tpu.memref_slice %arg10[%add3A_19, %dma_start3A_170] : memref<10240x64xf32, #tpu.memory_space<vmem_shared>> -> memref<128x64xf32, #tpu.memory_space<vmem_shared>>
      %dma_start3A_172 = arith.constant 0 : i32
      %dma_start3A_173 = tpu.memref_slice %arg10[%add3A_19, %dma_start3A_172] : memref<10240x64xf32, #tpu.memory_space<vmem_shared>> -> memref<128x64xf32, #tpu.memory_space<vmem_shared>>
      %dma_start3A_174 = arith.constant 0 : i32
      %dma_start3A_175 = arith.constant 0 : i32
      %dma_start3A_176 = tpu.memref_slice %arg8[%run_scoped3A_20, %dma_start3A_174, %dma_start3A_175] : memref<2x128x64xf32, #tpu.memory_space<vmem>> -> memref<1x128x64xf32, #tpu.memory_space<vmem>>
      %dma_start3A_177 = tpu.memref_squeeze %dma_start3A_176 : memref<1x128x64xf32, #tpu.memory_space<vmem>> -> memref<128x64xf32, #tpu.memory_space<vmem>>
      tpu.enqueue_dma source(%dma_start3A_177 : memref<128x64xf32, #tpu.memory_space<vmem>>) target(%dma_start3A_173 : memref<128x64xf32, #tpu.memory_space<vmem_shared>>) target_semaphore(%run_scoped3A_165 : memref<!tpu.dma_semaphore, #tpu.memory_space<semaphore_mem>>)
      %dma_wait3A_178 = arith.constant 0 : i32
      %dma_wait3A_179 = arith.constant 0 : i32
      %dma_wait3A_180 = tpu.memref_slice %arg8[%run_scoped3A_20, %dma_wait3A_178, %dma_wait3A_179] : memref<2x128x64xf32, #tpu.memory_space<vmem>> -> memref<1x128x64xf32, #tpu.memory_space<vmem>>
      %dma_wait3A_181 = tpu.memref_squeeze %dma_wait3A_180 : memref<1x128x64xf32, #tpu.memory_space<vmem>> -> memref<128x64xf32, #tpu.memory_space<vmem>>
      %dma_wait3A_182 = arith.constant 0 : i32
      %dma_wait3A_183 = tpu.memref_slice %arg10[%add3A_19, %dma_wait3A_182] : memref<10240x64xf32, #tpu.memory_space<vmem_shared>> -> memref<128x64xf32, #tpu.memory_space<vmem_shared>>
      %dma_wait3A_184 = arith.constant 0 : i32
      %dma_wait3A_185 = tpu.memref_slice %arg10[%add3A_19, %dma_wait3A_184] : memref<10240x64xf32, #tpu.memory_space<vmem_shared>> -> memref<128x64xf32, #tpu.memory_space<vmem_shared>>
      %dma_wait3A_186 = arith.constant 0 : i32
      %dma_wait3A_187 = arith.constant 0 : i32
      %dma_wait3A_188 = tpu.memref_slice %arg8[%run_scoped3A_20, %dma_wait3A_186, %dma_wait3A_187] : memref<2x128x64xf32, #tpu.memory_space<vmem>> -> memref<1x128x64xf32, #tpu.memory_space<vmem>>
      %dma_wait3A_189 = tpu.memref_squeeze %dma_wait3A_188 : memref<1x128x64xf32, #tpu.memory_space<vmem>> -> memref<128x64xf32, #tpu.memory_space<vmem>>
      tpu.wait_dma2 semaphore(%run_scoped3A_165 : memref<!tpu.dma_semaphore, #tpu.memory_space<semaphore_mem>>) src(%dma_wait3A_189 : memref<128x64xf32, #tpu.memory_space<vmem>>) dst(%dma_wait3A_185 : memref<128x64xf32, #tpu.memory_space<vmem_shared>>)
      tpu.yield
    }) : () -> ()
    %add3A_21 = arith.constant 512 : i32
    %add3A_22 = arith.addi %mul3A_0, %add3A_21 : i32
    %run_scoped3A_23 = arith.constant 0 : i32
    "tpu.region"() ({
      %run_scoped3A_165 = tpu.sem_alloc : memref<!tpu.dma_semaphore, #tpu.memory_space<semaphore_mem>>
      %dma_start3A_166 = arith.constant 0 : i32
      %dma_start3A_167 = arith.constant 0 : i32
      %dma_start3A_168 = tpu.memref_slice %arg8[%run_scoped3A_23, %dma_start3A_166, %dma_start3A_167] : memref<2x128x64xf32, #tpu.memory_space<vmem>> -> memref<1x128x64xf32, #tpu.memory_space<vmem>>
      %dma_start3A_169 = tpu.memref_squeeze %dma_start3A_168 : memref<1x128x64xf32, #tpu.memory_space<vmem>> -> memref<128x64xf32, #tpu.memory_space<vmem>>
      %dma_start3A_170 = arith.constant 0 : i32
      %dma_start3A_171 = tpu.memref_slice %arg10[%add3A_22, %dma_start3A_170] : memref<10240x64xf32, #tpu.memory_space<vmem_shared>> -> memref<128x64xf32, #tpu.memory_space<vmem_shared>>
      %dma_start3A_172 = arith.constant 0 : i32
      %dma_start3A_173 = tpu.memref_slice %arg10[%add3A_22, %dma_start3A_172] : memref<10240x64xf32, #tpu.memory_space<vmem_shared>> -> memref<128x64xf32, #tpu.memory_space<vmem_shared>>
      %dma_start3A_174 = arith.constant 0 : i32
      %dma_start3A_175 = arith.constant 0 : i32
      %dma_start3A_176 = tpu.memref_slice %arg8[%run_scoped3A_23, %dma_start3A_174, %dma_start3A_175] : memref<2x128x64xf32, #tpu.memory_space<vmem>> -> memref<1x128x64xf32, #tpu.memory_space<vmem>>
      %dma_start3A_177 = tpu.memref_squeeze %dma_start3A_176 : memref<1x128x64xf32, #tpu.memory_space<vmem>> -> memref<128x64xf32, #tpu.memory_space<vmem>>
      tpu.enqueue_dma source(%dma_start3A_177 : memref<128x64xf32, #tpu.memory_space<vmem>>) target(%dma_start3A_173 : memref<128x64xf32, #tpu.memory_space<vmem_shared>>) target_semaphore(%run_scoped3A_165 : memref<!tpu.dma_semaphore, #tpu.memory_space<semaphore_mem>>)
      %dma_wait3A_178 = arith.constant 0 : i32
      %dma_wait3A_179 = arith.constant 0 : i32
      %dma_wait3A_180 = tpu.memref_slice %arg8[%run_scoped3A_23, %dma_wait3A_178, %dma_wait3A_179] : memref<2x128x64xf32, #tpu.memory_space<vmem>> -> memref<1x128x64xf32, #tpu.memory_space<vmem>>
      %dma_wait3A_181 = tpu.memref_squeeze %dma_wait3A_180 : memref<1x128x64xf32, #tpu.memory_space<vmem>> -> memref<128x64xf32, #tpu.memory_space<vmem>>
      %dma_wait3A_182 = arith.constant 0 : i32
      %dma_wait3A_183 = tpu.memref_slice %arg10[%add3A_22, %dma_wait3A_182] : memref<10240x64xf32, #tpu.memory_space<vmem_shared>> -> memref<128x64xf32, #tpu.memory_space<vmem_shared>>
      %dma_wait3A_184 = arith.constant 0 : i32
      %dma_wait3A_185 = tpu.memref_slice %arg10[%add3A_22, %dma_wait3A_184] : memref<10240x64xf32, #tpu.memory_space<vmem_shared>> -> memref<128x64xf32, #tpu.memory_space<vmem_shared>>
      %dma_wait3A_186 = arith.constant 0 : i32
      %dma_wait3A_187 = arith.constant 0 : i32
      %dma_wait3A_188 = tpu.memref_slice %arg8[%run_scoped3A_23, %dma_wait3A_186, %dma_wait3A_187] : memref<2x128x64xf32, #tpu.memory_space<vmem>> -> memref<1x128x64xf32, #tpu.memory_space<vmem>>
      %dma_wait3A_189 = tpu.memref_squeeze %dma_wait3A_188 : memref<1x128x64xf32, #tpu.memory_space<vmem>> -> memref<128x64xf32, #tpu.memory_space<vmem>>
      tpu.wait_dma2 semaphore(%run_scoped3A_165 : memref<!tpu.dma_semaphore, #tpu.memory_space<semaphore_mem>>) src(%dma_wait3A_189 : memref<128x64xf32, #tpu.memory_space<vmem>>) dst(%dma_wait3A_185 : memref<128x64xf32, #tpu.memory_space<vmem_shared>>)
      tpu.yield
    }) : () -> ()
    %barrier3A = arith.constant 0 : index
    tpu.barrier barrier_id(%barrier3A)
    "tpu.region"() ({
      %run_scoped3A_165 = tpu.sem_alloc : memref<!tpu.dma_semaphore, #tpu.memory_space<semaphore_mem>>
      %dma_start3A_166 = arith.constant 0 : i32
      %dma_start3A_167 = arith.constant 0 : i32
      %dma_start3A_168 = tpu.memref_slice %arg3[%arg1, %dma_start3A_166, %dma_start3A_167] : memref<16x160x128xi32, #tpu.memory_space<hbm>> -> memref<1x80x128xi32, #tpu.memory_space<hbm>>
      %dma_start3A_169 = tpu.memref_squeeze %dma_start3A_168 : memref<1x80x128xi32, #tpu.memory_space<hbm>> -> memref<80x128xi32, #tpu.memory_space<hbm>>
      %dma_start3A_170 = arith.constant 0 : i32
      %dma_start3A_171 = arith.constant 0 : i32
      %dma_start3A_172 = tpu.memref_slice %arg3[%arg1, %dma_start3A_170, %dma_start3A_171] : memref<16x160x128xi32, #tpu.memory_space<hbm>> -> memref<1x80x128xi32, #tpu.memory_space<hbm>>
      %dma_start3A_173 = tpu.memref_squeeze %dma_start3A_172 : memref<1x80x128xi32, #tpu.memory_space<hbm>> -> memref<80x128xi32, #tpu.memory_space<hbm>>
      tpu.enqueue_dma source(%dma_start3A_173 : memref<80x128xi32, #tpu.memory_space<hbm>>) target(%arg6 : memref<80x128xi32, #tpu.memory_space<vmem>>) target_semaphore(%run_scoped3A_165 : memref<!tpu.dma_semaphore, #tpu.memory_space<semaphore_mem>>)
      %dma_wait3A_174 = arith.constant 0 : i32
      %dma_wait3A_175 = arith.constant 0 : i32
      %dma_wait3A_176 = tpu.memref_slice %arg3[%arg1, %dma_wait3A_174, %dma_wait3A_175] : memref<16x160x128xi32, #tpu.memory_space<hbm>> -> memref<1x80x128xi32, #tpu.memory_space<hbm>>
      %dma_wait3A_177 = tpu.memref_squeeze %dma_wait3A_176 : memref<1x80x128xi32, #tpu.memory_space<hbm>> -> memref<80x128xi32, #tpu.memory_space<hbm>>
      %dma_wait3A_178 = arith.constant 0 : i32
      %dma_wait3A_179 = arith.constant 0 : i32
      %dma_wait3A_180 = tpu.memref_slice %arg3[%arg1, %dma_wait3A_178, %dma_wait3A_179] : memref<16x160x128xi32, #tpu.memory_space<hbm>> -> memref<1x80x128xi32, #tpu.memory_space<hbm>>
      %dma_wait3A_181 = tpu.memref_squeeze %dma_wait3A_180 : memref<1x80x128xi32, #tpu.memory_space<hbm>> -> memref<80x128xi32, #tpu.memory_space<hbm>>
      tpu.wait_dma2 semaphore(%run_scoped3A_165 : memref<!tpu.dma_semaphore, #tpu.memory_space<semaphore_mem>>) src(%dma_wait3A_181 : memref<80x128xi32, #tpu.memory_space<hbm>>) dst(%arg6 : memref<80x128xi32, #tpu.memory_space<vmem>>)
      tpu.yield
    }) : () -> ()
    "tpu.region"() ({
      %run_scoped3A_165 = tpu.sem_alloc : memref<!tpu.dma_semaphore, #tpu.memory_space<semaphore_mem>>
      %dma_start3A_166 = arith.constant 0 : i32
      %dma_start3A_167 = arith.constant 0 : i32
      %dma_start3A_168 = tpu.memref_slice %arg4[%arg1, %dma_start3A_166, %dma_start3A_167] : memref<16x160x128xi32, #tpu.memory_space<hbm>> -> memref<1x80x128xi32, #tpu.memory_space<hbm>>
      %dma_start3A_169 = tpu.memref_squeeze %dma_start3A_168 : memref<1x80x128xi32, #tpu.memory_space<hbm>> -> memref<80x128xi32, #tpu.memory_space<hbm>>
      %dma_start3A_170 = arith.constant 0 : i32
      %dma_start3A_171 = arith.constant 0 : i32
      %dma_start3A_172 = tpu.memref_slice %arg4[%arg1, %dma_start3A_170, %dma_start3A_171] : memref<16x160x128xi32, #tpu.memory_space<hbm>> -> memref<1x80x128xi32, #tpu.memory_space<hbm>>
      %dma_start3A_173 = tpu.memref_squeeze %dma_start3A_172 : memref<1x80x128xi32, #tpu.memory_space<hbm>> -> memref<80x128xi32, #tpu.memory_space<hbm>>
      tpu.enqueue_dma source(%dma_start3A_173 : memref<80x128xi32, #tpu.memory_space<hbm>>) target(%arg7 : memref<80x128xi32, #tpu.memory_space<vmem>>) target_semaphore(%run_scoped3A_165 : memref<!tpu.dma_semaphore, #tpu.memory_space<semaphore_mem>>)
      %dma_wait3A_174 = arith.constant 0 : i32
      %dma_wait3A_175 = arith.constant 0 : i32
      %dma_wait3A_176 = tpu.memref_slice %arg4[%arg1, %dma_wait3A_174, %dma_wait3A_175] : memref<16x160x128xi32, #tpu.memory_space<hbm>> -> memref<1x80x128xi32, #tpu.memory_space<hbm>>
      %dma_wait3A_177 = tpu.memref_squeeze %dma_wait3A_176 : memref<1x80x128xi32, #tpu.memory_space<hbm>> -> memref<80x128xi32, #tpu.memory_space<hbm>>
      %dma_wait3A_178 = arith.constant 0 : i32
      %dma_wait3A_179 = arith.constant 0 : i32
      %dma_wait3A_180 = tpu.memref_slice %arg4[%arg1, %dma_wait3A_178, %dma_wait3A_179] : memref<16x160x128xi32, #tpu.memory_space<hbm>> -> memref<1x80x128xi32, #tpu.memory_space<hbm>>
      %dma_wait3A_181 = tpu.memref_squeeze %dma_wait3A_180 : memref<1x80x128xi32, #tpu.memory_space<hbm>> -> memref<80x128xi32, #tpu.memory_space<hbm>>
      tpu.wait_dma2 semaphore(%run_scoped3A_165 : memref<!tpu.dma_semaphore, #tpu.memory_space<semaphore_mem>>) src(%dma_wait3A_181 : memref<80x128xi32, #tpu.memory_space<hbm>>) dst(%arg7 : memref<80x128xi32, #tpu.memory_space<vmem>>)
      tpu.yield
    }) : () -> ()
    %dma_start3A = arith.constant 0 : i32
    %dma_start3A_24 = arith.constant 0 : i32
    %dma_start3A_25 = arith.constant 0 : i32
    %dma_start3A_26 = arith.constant 0 : i32
    %dma_start3A_27 = arith.constant 0 : i32
    %dma_start3A_28 = tpu.memref_slice %arg8[%dma_start3A_24, %dma_start3A_26, %dma_start3A_27] : memref<2x128x64xf32, #tpu.memory_space<vmem>> -> memref<1x128x64xf32, #tpu.memory_space<vmem>>
    %dma_start3A_29 = tpu.memref_squeeze %dma_start3A_28 : memref<1x128x64xf32, #tpu.memory_space<vmem>> -> memref<128x64xf32, #tpu.memory_space<vmem>>
    %dma_start3A_30 = arith.constant 0 : i32
    %dma_start3A_31 = tpu.memref_slice %arg6[%dma_start3A, %dma_start3A_30] : memref<80x128xi32, #tpu.memory_space<vmem>> -> memref<1x128xi32, #tpu.memory_space<vmem>>
    %dma_start3A_32 = tpu.memref_squeeze %dma_start3A_31 : memref<1x128xi32, #tpu.memory_space<vmem>> -> memref<128xi32, #tpu.memory_space<vmem>>
    %dma_start3A_33 = arith.constant 0 : i32
    %dma_start3A_34 = arith.constant 0 : i32
    %dma_start3A_35 = tpu.memref_slice %arg9[%dma_start3A_33, %dma_start3A_34] : memref<10240x64xf32, #tpu.memory_space<vmem_shared>> -> memref<10240x64xf32, #tpu.memory_space<vmem_shared>>
    %dma_start3A_36 = tpu.memref_slice %arg11[%dma_start3A_25] : memref<2x!tpu.dma_semaphore, #tpu.memory_space<semaphore_mem>> -> memref<1x!tpu.dma_semaphore, #tpu.memory_space<semaphore_mem>>
    %dma_start3A_37 = tpu.memref_squeeze %dma_start3A_36 : memref<1x!tpu.dma_semaphore, #tpu.memory_space<semaphore_mem>> -> memref<!tpu.dma_semaphore, #tpu.memory_space<semaphore_mem>>
    tpu.enqueue_indirect_dma source(%dma_start3A_35 : memref<10240x64xf32, #tpu.memory_space<vmem_shared>>) target(%dma_start3A_29 : memref<128x64xf32, #tpu.memory_space<vmem>>) offsets(%dma_start3A_32 : memref<128xi32, #tpu.memory_space<vmem>>) semaphore(%dma_start3A_37 : memref<!tpu.dma_semaphore, #tpu.memory_space<semaphore_mem>>)
    %dma_start3A_38 = arith.constant 1 : i32
    %dma_start3A_39 = arith.constant 1 : i32
    %dma_start3A_40 = arith.constant 1 : i32
    %dma_start3A_41 = arith.constant 0 : i32
    %dma_start3A_42 = arith.constant 0 : i32
    %dma_start3A_43 = tpu.memref_slice %arg8[%dma_start3A_39, %dma_start3A_41, %dma_start3A_42] : memref<2x128x64xf32, #tpu.memory_space<vmem>> -> memref<1x128x64xf32, #tpu.memory_space<vmem>>
    %dma_start3A_44 = tpu.memref_squeeze %dma_start3A_43 : memref<1x128x64xf32, #tpu.memory_space<vmem>> -> memref<128x64xf32, #tpu.memory_space<vmem>>
    %dma_start3A_45 = arith.constant 0 : i32
    %dma_start3A_46 = tpu.memref_slice %arg6[%dma_start3A_38, %dma_start3A_45] : memref<80x128xi32, #tpu.memory_space<vmem>> -> memref<1x128xi32, #tpu.memory_space<vmem>>
    %dma_start3A_47 = tpu.memref_squeeze %dma_start3A_46 : memref<1x128xi32, #tpu.memory_space<vmem>> -> memref<128xi32, #tpu.memory_space<vmem>>
    %dma_start3A_48 = arith.constant 0 : i32
    %dma_start3A_49 = arith.constant 0 : i32
    %dma_start3A_50 = tpu.memref_slice %arg9[%dma_start3A_48, %dma_start3A_49] : memref<10240x64xf32, #tpu.memory_space<vmem_shared>> -> memref<10240x64xf32, #tpu.memory_space<vmem_shared>>
    %dma_start3A_51 = tpu.memref_slice %arg11[%dma_start3A_40] : memref<2x!tpu.dma_semaphore, #tpu.memory_space<semaphore_mem>> -> memref<1x!tpu.dma_semaphore, #tpu.memory_space<semaphore_mem>>
    %dma_start3A_52 = tpu.memref_squeeze %dma_start3A_51 : memref<1x!tpu.dma_semaphore, #tpu.memory_space<semaphore_mem>> -> memref<!tpu.dma_semaphore, #tpu.memory_space<semaphore_mem>>
    tpu.enqueue_indirect_dma source(%dma_start3A_50 : memref<10240x64xf32, #tpu.memory_space<vmem_shared>>) target(%dma_start3A_44 : memref<128x64xf32, #tpu.memory_space<vmem>>) offsets(%dma_start3A_47 : memref<128xi32, #tpu.memory_space<vmem>>) semaphore(%dma_start3A_52 : memref<!tpu.dma_semaphore, #tpu.memory_space<semaphore_mem>>)
    %scan3A_53 = arith.constant 0 : i32
    %scan3A_54 = arith.constant 0 : i32
    %scan3A_55 = arith.constant 39 : i32
    %scan3A_56 = arith.addi %scan3A_54, %scan3A_55 : i32
    %scan3A_57 = arith.constant 1 : i32
    %scan3A_58 = scf.for %scan3A_165 = %scan3A_54 to %scan3A_56 step %scan3A_57 iter_args(%scan3A_166 = %scan3A_53) -> (i32)  : i32 {
      %mul3A_167 = arith.constant 2 : i32
      %mul3A_168 = arith.muli %scan3A_165, %mul3A_167 : i32
      %add3A_169 = arith.constant 0 : i32
      %add3A_170 = arith.addi %mul3A_168, %add3A_169 : i32
      %dma_wait3A_171 = arith.constant 0 : i32
      %dma_wait3A_172 = arith.constant 0 : i32
      %dma_wait3A_173 = arith.constant 0 : i32
      %dma_wait3A_174 = arith.constant 0 : i32
      %dma_wait3A_175 = tpu.memref_slice %arg8[%dma_wait3A_171, %dma_wait3A_173, %dma_wait3A_174] : memref<2x128x64xf32, #tpu.memory_space<vmem>> -> memref<1x128x64xf32, #tpu.memory_space<vmem>>
      %dma_wait3A_176 = tpu.memref_squeeze %dma_wait3A_175 : memref<1x128x64xf32, #tpu.memory_space<vmem>> -> memref<128x64xf32, #tpu.memory_space<vmem>>
      %dma_wait3A_177 = arith.constant 0 : i32
      %dma_wait3A_178 = tpu.memref_slice %arg6[%add3A_170, %dma_wait3A_177] : memref<80x128xi32, #tpu.memory_space<vmem>> -> memref<1x128xi32, #tpu.memory_space<vmem>>
      %dma_wait3A_179 = tpu.memref_squeeze %dma_wait3A_178 : memref<1x128xi32, #tpu.memory_space<vmem>> -> memref<128xi32, #tpu.memory_space<vmem>>
      %dma_wait3A_180 = arith.constant 0 : i32
      %dma_wait3A_181 = arith.constant 0 : i32
      %dma_wait3A_182 = tpu.memref_slice %arg9[%dma_wait3A_180, %dma_wait3A_181] : memref<10240x64xf32, #tpu.memory_space<vmem_shared>> -> memref<10240x64xf32, #tpu.memory_space<vmem_shared>>
      %dma_wait3A_183 = tpu.memref_slice %arg11[%dma_wait3A_172] : memref<2x!tpu.dma_semaphore, #tpu.memory_space<semaphore_mem>> -> memref<1x!tpu.dma_semaphore, #tpu.memory_space<semaphore_mem>>
      %dma_wait3A_184 = tpu.memref_squeeze %dma_wait3A_183 : memref<1x!tpu.dma_semaphore, #tpu.memory_space<semaphore_mem>> -> memref<!tpu.dma_semaphore, #tpu.memory_space<semaphore_mem>>
      tpu.wait_indirect_dma semaphore(%dma_wait3A_184 : memref<!tpu.dma_semaphore, #tpu.memory_space<semaphore_mem>>) src(%dma_wait3A_182 : memref<10240x64xf32, #tpu.memory_space<vmem_shared>>) dst(%dma_wait3A_176 : memref<128x64xf32, #tpu.memory_space<vmem>>)
      %run_scoped3A_185 = arith.constant 0 : i32
      "tpu.region"() ({
        %run_scoped3A_236 = tpu.sem_alloc : memref<!tpu.dma_semaphore, #tpu.memory_space<semaphore_mem>>
        %dma_start3A_237 = arith.constant 0 : i32
        %dma_start3A_238 = arith.constant 0 : i32
        %dma_start3A_239 = tpu.memref_slice %arg8[%run_scoped3A_185, %dma_start3A_237, %dma_start3A_238] : memref<2x128x64xf32, #tpu.memory_space<vmem>> -> memref<1x128x64xf32, #tpu.memory_space<vmem>>
        %dma_start3A_240 = tpu.memref_squeeze %dma_start3A_239 : memref<1x128x64xf32, #tpu.memory_space<vmem>> -> memref<128x64xf32, #tpu.memory_space<vmem>>
        %dma_start3A_241 = arith.constant 0 : i32
        %dma_start3A_242 = tpu.memref_slice %arg7[%add3A_170, %dma_start3A_241] : memref<80x128xi32, #tpu.memory_space<vmem>> -> memref<1x128xi32, #tpu.memory_space<vmem>>
        %dma_start3A_243 = tpu.memref_squeeze %dma_start3A_242 : memref<1x128xi32, #tpu.memory_space<vmem>> -> memref<128xi32, #tpu.memory_space<vmem>>
        %dma_start3A_244 = arith.constant 0 : i32
        %dma_start3A_245 = arith.constant 0 : i32
        %dma_start3A_246 = tpu.memref_slice %arg10[%dma_start3A_244, %dma_start3A_245] : memref<10240x64xf32, #tpu.memory_space<vmem_shared>> -> memref<10240x64xf32, #tpu.memory_space<vmem_shared>>
        tpu.enqueue_indirect_dma source(%dma_start3A_240 : memref<128x64xf32, #tpu.memory_space<vmem>>) target(%dma_start3A_246 : memref<10240x64xf32, #tpu.memory_space<vmem_shared>>) offsets(%dma_start3A_243 : memref<128xi32, #tpu.memory_space<vmem>>) semaphore(%run_scoped3A_236 : memref<!tpu.dma_semaphore, #tpu.memory_space<semaphore_mem>>) {add = true}
        %dma_wait3A_247 = arith.constant 0 : i32
        %dma_wait3A_248 = arith.constant 0 : i32
        %dma_wait3A_249 = tpu.memref_slice %arg8[%run_scoped3A_185, %dma_wait3A_247, %dma_wait3A_248] : memref<2x128x64xf32, #tpu.memory_space<vmem>> -> memref<1x128x64xf32, #tpu.memory_space<vmem>>
        %dma_wait3A_250 = tpu.memref_squeeze %dma_wait3A_249 : memref<1x128x64xf32, #tpu.memory_space<vmem>> -> memref<128x64xf32, #tpu.memory_space<vmem>>
        %dma_wait3A_251 = arith.constant 0 : i32
        %dma_wait3A_252 = tpu.memref_slice %arg7[%add3A_170, %dma_wait3A_251] : memref<80x128xi32, #tpu.memory_space<vmem>> -> memref<1x128xi32, #tpu.memory_space<vmem>>
        %dma_wait3A_253 = tpu.memref_squeeze %dma_wait3A_252 : memref<1x128xi32, #tpu.memory_space<vmem>> -> memref<128xi32, #tpu.memory_space<vmem>>
        %dma_wait3A_254 = arith.constant 0 : i32
        %dma_wait3A_255 = arith.constant 0 : i32
        %dma_wait3A_256 = tpu.memref_slice %arg10[%dma_wait3A_254, %dma_wait3A_255] : memref<10240x64xf32, #tpu.memory_space<vmem_shared>> -> memref<10240x64xf32, #tpu.memory_space<vmem_shared>>
        tpu.wait_indirect_dma semaphore(%run_scoped3A_236 : memref<!tpu.dma_semaphore, #tpu.memory_space<semaphore_mem>>) src(%dma_wait3A_250 : memref<128x64xf32, #tpu.memory_space<vmem>>) dst(%dma_wait3A_256 : memref<10240x64xf32, #tpu.memory_space<vmem_shared>>)
        tpu.yield
      }) : () -> ()
      %add3A_186 = arith.constant 2 : i32
      %add3A_187 = arith.addi %add3A_170, %add3A_186 : i32
      %dma_start3A_188 = arith.constant 0 : i32
      %dma_start3A_189 = arith.constant 0 : i32
      %dma_start3A_190 = arith.constant 0 : i32
      %dma_start3A_191 = arith.constant 0 : i32
      %dma_start3A_192 = tpu.memref_slice %arg8[%dma_start3A_188, %dma_start3A_190, %dma_start3A_191] : memref<2x128x64xf32, #tpu.memory_space<vmem>> -> memref<1x128x64xf32, #tpu.memory_space<vmem>>
      %dma_start3A_193 = tpu.memref_squeeze %dma_start3A_192 : memref<1x128x64xf32, #tpu.memory_space<vmem>> -> memref<128x64xf32, #tpu.memory_space<vmem>>
      %dma_start3A_194 = arith.constant 0 : i32
      %dma_start3A_195 = tpu.memref_slice %arg6[%add3A_187, %dma_start3A_194] : memref<80x128xi32, #tpu.memory_space<vmem>> -> memref<1x128xi32, #tpu.memory_space<vmem>>
      %dma_start3A_196 = tpu.memref_squeeze %dma_start3A_195 : memref<1x128xi32, #tpu.memory_space<vmem>> -> memref<128xi32, #tpu.memory_space<vmem>>
      %dma_start3A_197 = arith.constant 0 : i32
      %dma_start3A_198 = arith.constant 0 : i32
      %dma_start3A_199 = tpu.memref_slice %arg9[%dma_start3A_197, %dma_start3A_198] : memref<10240x64xf32, #tpu.memory_space<vmem_shared>> -> memref<10240x64xf32, #tpu.memory_space<vmem_shared>>
      %dma_start3A_200 = tpu.memref_slice %arg11[%dma_start3A_189] : memref<2x!tpu.dma_semaphore, #tpu.memory_space<semaphore_mem>> -> memref<1x!tpu.dma_semaphore, #tpu.memory_space<semaphore_mem>>
      %dma_start3A_201 = tpu.memref_squeeze %dma_start3A_200 : memref<1x!tpu.dma_semaphore, #tpu.memory_space<semaphore_mem>> -> memref<!tpu.dma_semaphore, #tpu.memory_space<semaphore_mem>>
      tpu.enqueue_indirect_dma source(%dma_start3A_199 : memref<10240x64xf32, #tpu.memory_space<vmem_shared>>) target(%dma_start3A_193 : memref<128x64xf32, #tpu.memory_space<vmem>>) offsets(%dma_start3A_196 : memref<128xi32, #tpu.memory_space<vmem>>) semaphore(%dma_start3A_201 : memref<!tpu.dma_semaphore, #tpu.memory_space<semaphore_mem>>)
      %add3A_202 = arith.constant 1 : i32
      %add3A_203 = arith.addi %mul3A_168, %add3A_202 : i32
      %dma_wait3A_204 = arith.constant 1 : i32
      %dma_wait3A_205 = arith.constant 1 : i32
      %dma_wait3A_206 = arith.constant 0 : i32
      %dma_wait3A_207 = arith.constant 0 : i32
      %dma_wait3A_208 = tpu.memref_slice %arg8[%dma_wait3A_204, %dma_wait3A_206, %dma_wait3A_207] : memref<2x128x64xf32, #tpu.memory_space<vmem>> -> memref<1x128x64xf32, #tpu.memory_space<vmem>>
      %dma_wait3A_209 = tpu.memref_squeeze %dma_wait3A_208 : memref<1x128x64xf32, #tpu.memory_space<vmem>> -> memref<128x64xf32, #tpu.memory_space<vmem>>
      %dma_wait3A_210 = arith.constant 0 : i32
      %dma_wait3A_211 = tpu.memref_slice %arg6[%add3A_203, %dma_wait3A_210] : memref<80x128xi32, #tpu.memory_space<vmem>> -> memref<1x128xi32, #tpu.memory_space<vmem>>
      %dma_wait3A_212 = tpu.memref_squeeze %dma_wait3A_211 : memref<1x128xi32, #tpu.memory_space<vmem>> -> memref<128xi32, #tpu.memory_space<vmem>>
      %dma_wait3A_213 = arith.constant 0 : i32
      %dma_wait3A_214 = arith.constant 0 : i32
      %dma_wait3A_215 = tpu.memref_slice %arg9[%dma_wait3A_213, %dma_wait3A_214] : memref<10240x64xf32, #tpu.memory_space<vmem_shared>> -> memref<10240x64xf32, #tpu.memory_space<vmem_shared>>
      %dma_wait3A_216 = tpu.memref_slice %arg11[%dma_wait3A_205] : memref<2x!tpu.dma_semaphore, #tpu.memory_space<semaphore_mem>> -> memref<1x!tpu.dma_semaphore, #tpu.memory_space<semaphore_mem>>
      %dma_wait3A_217 = tpu.memref_squeeze %dma_wait3A_216 : memref<1x!tpu.dma_semaphore, #tpu.memory_space<semaphore_mem>> -> memref<!tpu.dma_semaphore, #tpu.memory_space<semaphore_mem>>
      tpu.wait_indirect_dma semaphore(%dma_wait3A_217 : memref<!tpu.dma_semaphore, #tpu.memory_space<semaphore_mem>>) src(%dma_wait3A_215 : memref<10240x64xf32, #tpu.memory_space<vmem_shared>>) dst(%dma_wait3A_209 : memref<128x64xf32, #tpu.memory_space<vmem>>)
      %run_scoped3A_218 = arith.constant 1 : i32
      "tpu.region"() ({
        %run_scoped3A_236 = tpu.sem_alloc : memref<!tpu.dma_semaphore, #tpu.memory_space<semaphore_mem>>
        %dma_start3A_237 = arith.constant 0 : i32
        %dma_start3A_238 = arith.constant 0 : i32
        %dma_start3A_239 = tpu.memref_slice %arg8[%run_scoped3A_218, %dma_start3A_237, %dma_start3A_238] : memref<2x128x64xf32, #tpu.memory_space<vmem>> -> memref<1x128x64xf32, #tpu.memory_space<vmem>>
        %dma_start3A_240 = tpu.memref_squeeze %dma_start3A_239 : memref<1x128x64xf32, #tpu.memory_space<vmem>> -> memref<128x64xf32, #tpu.memory_space<vmem>>
        %dma_start3A_241 = arith.constant 0 : i32
        %dma_start3A_242 = tpu.memref_slice %arg7[%add3A_203, %dma_start3A_241] : memref<80x128xi32, #tpu.memory_space<vmem>> -> memref<1x128xi32, #tpu.memory_space<vmem>>
        %dma_start3A_243 = tpu.memref_squeeze %dma_start3A_242 : memref<1x128xi32, #tpu.memory_space<vmem>> -> memref<128xi32, #tpu.memory_space<vmem>>
        %dma_start3A_244 = arith.constant 0 : i32
        %dma_start3A_245 = arith.constant 0 : i32
        %dma_start3A_246 = tpu.memref_slice %arg10[%dma_start3A_244, %dma_start3A_245] : memref<10240x64xf32, #tpu.memory_space<vmem_shared>> -> memref<10240x64xf32, #tpu.memory_space<vmem_shared>>
        tpu.enqueue_indirect_dma source(%dma_start3A_240 : memref<128x64xf32, #tpu.memory_space<vmem>>) target(%dma_start3A_246 : memref<10240x64xf32, #tpu.memory_space<vmem_shared>>) offsets(%dma_start3A_243 : memref<128xi32, #tpu.memory_space<vmem>>) semaphore(%run_scoped3A_236 : memref<!tpu.dma_semaphore, #tpu.memory_space<semaphore_mem>>) {add = true}
        %dma_wait3A_247 = arith.constant 0 : i32
        %dma_wait3A_248 = arith.constant 0 : i32
        %dma_wait3A_249 = tpu.memref_slice %arg8[%run_scoped3A_218, %dma_wait3A_247, %dma_wait3A_248] : memref<2x128x64xf32, #tpu.memory_space<vmem>> -> memref<1x128x64xf32, #tpu.memory_space<vmem>>
        %dma_wait3A_250 = tpu.memref_squeeze %dma_wait3A_249 : memref<1x128x64xf32, #tpu.memory_space<vmem>> -> memref<128x64xf32, #tpu.memory_space<vmem>>
        %dma_wait3A_251 = arith.constant 0 : i32
        %dma_wait3A_252 = tpu.memref_slice %arg7[%add3A_203, %dma_wait3A_251] : memref<80x128xi32, #tpu.memory_space<vmem>> -> memref<1x128xi32, #tpu.memory_space<vmem>>
        %dma_wait3A_253 = tpu.memref_squeeze %dma_wait3A_252 : memref<1x128xi32, #tpu.memory_space<vmem>> -> memref<128xi32, #tpu.memory_space<vmem>>
        %dma_wait3A_254 = arith.constant 0 : i32
        %dma_wait3A_255 = arith.constant 0 : i32
        %dma_wait3A_256 = tpu.memref_slice %arg10[%dma_wait3A_254, %dma_wait3A_255] : memref<10240x64xf32, #tpu.memory_space<vmem_shared>> -> memref<10240x64xf32, #tpu.memory_space<vmem_shared>>
        tpu.wait_indirect_dma semaphore(%run_scoped3A_236 : memref<!tpu.dma_semaphore, #tpu.memory_space<semaphore_mem>>) src(%dma_wait3A_250 : memref<128x64xf32, #tpu.memory_space<vmem>>) dst(%dma_wait3A_256 : memref<10240x64xf32, #tpu.memory_space<vmem_shared>>)
        tpu.yield
      }) : () -> ()
      %add3A_219 = arith.constant 2 : i32
      %add3A_220 = arith.addi %add3A_203, %add3A_219 : i32
      %dma_start3A_221 = arith.constant 1 : i32
      %dma_start3A_222 = arith.constant 1 : i32
      %dma_start3A_223 = arith.constant 0 : i32
      %dma_start3A_224 = arith.constant 0 : i32
      %dma_start3A_225 = tpu.memref_slice %arg8[%dma_start3A_221, %dma_start3A_223, %dma_start3A_224] : memref<2x128x64xf32, #tpu.memory_space<vmem>> -> memref<1x128x64xf32, #tpu.memory_space<vmem>>
      %dma_start3A_226 = tpu.memref_squeeze %dma_start3A_225 : memref<1x128x64xf32, #tpu.memory_space<vmem>> -> memref<128x64xf32, #tpu.memory_space<vmem>>
      %dma_start3A_227 = arith.constant 0 : i32
      %dma_start3A_228 = tpu.memref_slice %arg6[%add3A_220, %dma_start3A_227] : memref<80x128xi32, #tpu.memory_space<vmem>> -> memref<1x128xi32, #tpu.memory_space<vmem>>
      %dma_start3A_229 = tpu.memref_squeeze %dma_start3A_228 : memref<1x128xi32, #tpu.memory_space<vmem>> -> memref<128xi32, #tpu.memory_space<vmem>>
      %dma_start3A_230 = arith.constant 0 : i32
      %dma_start3A_231 = arith.constant 0 : i32
      %dma_start3A_232 = tpu.memref_slice %arg9[%dma_start3A_230, %dma_start3A_231] : memref<10240x64xf32, #tpu.memory_space<vmem_shared>> -> memref<10240x64xf32, #tpu.memory_space<vmem_shared>>
      %dma_start3A_233 = tpu.memref_slice %arg11[%dma_start3A_222] : memref<2x!tpu.dma_semaphore, #tpu.memory_space<semaphore_mem>> -> memref<1x!tpu.dma_semaphore, #tpu.memory_space<semaphore_mem>>
      %dma_start3A_234 = tpu.memref_squeeze %dma_start3A_233 : memref<1x!tpu.dma_semaphore, #tpu.memory_space<semaphore_mem>> -> memref<!tpu.dma_semaphore, #tpu.memory_space<semaphore_mem>>
      tpu.enqueue_indirect_dma source(%dma_start3A_232 : memref<10240x64xf32, #tpu.memory_space<vmem_shared>>) target(%dma_start3A_226 : memref<128x64xf32, #tpu.memory_space<vmem>>) offsets(%dma_start3A_229 : memref<128xi32, #tpu.memory_space<vmem>>) semaphore(%dma_start3A_234 : memref<!tpu.dma_semaphore, #tpu.memory_space<semaphore_mem>>)
      %scan3A_235 = arith.constant 0 : i32
      scf.yield %scan3A_235 : i32
    }
    %scan3A_59 = arith.constant 39 : i32
    %dma_wait3A = arith.constant 78 : i32
    %dma_wait3A_60 = arith.constant 0 : i32
    %dma_wait3A_61 = arith.constant 0 : i32
    %dma_wait3A_62 = arith.constant 0 : i32
    %dma_wait3A_63 = arith.constant 0 : i32
    %dma_wait3A_64 = tpu.memref_slice %arg8[%dma_wait3A_60, %dma_wait3A_62, %dma_wait3A_63] : memref<2x128x64xf32, #tpu.memory_space<vmem>> -> memref<1x128x64xf32, #tpu.memory_space<vmem>>
    %dma_wait3A_65 = tpu.memref_squeeze %dma_wait3A_64 : memref<1x128x64xf32, #tpu.memory_space<vmem>> -> memref<128x64xf32, #tpu.memory_space<vmem>>
    %dma_wait3A_66 = arith.constant 0 : i32
    %dma_wait3A_67 = tpu.memref_slice %arg6[%dma_wait3A, %dma_wait3A_66] : memref<80x128xi32, #tpu.memory_space<vmem>> -> memref<1x128xi32, #tpu.memory_space<vmem>>
    %dma_wait3A_68 = tpu.memref_squeeze %dma_wait3A_67 : memref<1x128xi32, #tpu.memory_space<vmem>> -> memref<128xi32, #tpu.memory_space<vmem>>
    %dma_wait3A_69 = arith.constant 0 : i32
    %dma_wait3A_70 = arith.constant 0 : i32
    %dma_wait3A_71 = tpu.memref_slice %arg9[%dma_wait3A_69, %dma_wait3A_70] : memref<10240x64xf32, #tpu.memory_space<vmem_shared>> -> memref<10240x64xf32, #tpu.memory_space<vmem_shared>>
    %dma_wait3A_72 = tpu.memref_slice %arg11[%dma_wait3A_61] : memref<2x!tpu.dma_semaphore, #tpu.memory_space<semaphore_mem>> -> memref<1x!tpu.dma_semaphore, #tpu.memory_space<semaphore_mem>>
    %dma_wait3A_73 = tpu.memref_squeeze %dma_wait3A_72 : memref<1x!tpu.dma_semaphore, #tpu.memory_space<semaphore_mem>> -> memref<!tpu.dma_semaphore, #tpu.memory_space<semaphore_mem>>
    tpu.wait_indirect_dma semaphore(%dma_wait3A_73 : memref<!tpu.dma_semaphore, #tpu.memory_space<semaphore_mem>>) src(%dma_wait3A_71 : memref<10240x64xf32, #tpu.memory_space<vmem_shared>>) dst(%dma_wait3A_65 : memref<128x64xf32, #tpu.memory_space<vmem>>)
    %run_scoped3A_74 = arith.constant 0 : i32
    %run_scoped3A_75 = arith.constant 78 : i32
    "tpu.region"() ({
      %run_scoped3A_165 = tpu.sem_alloc : memref<!tpu.dma_semaphore, #tpu.memory_space<semaphore_mem>>
      %dma_start3A_166 = arith.constant 0 : i32
      %dma_start3A_167 = arith.constant 0 : i32
      %dma_start3A_168 = tpu.memref_slice %arg8[%run_scoped3A_74, %dma_start3A_166, %dma_start3A_167] : memref<2x128x64xf32, #tpu.memory_space<vmem>> -> memref<1x128x64xf32, #tpu.memory_space<vmem>>
      %dma_start3A_169 = tpu.memref_squeeze %dma_start3A_168 : memref<1x128x64xf32, #tpu.memory_space<vmem>> -> memref<128x64xf32, #tpu.memory_space<vmem>>
      %dma_start3A_170 = arith.constant 0 : i32
      %dma_start3A_171 = tpu.memref_slice %arg7[%run_scoped3A_75, %dma_start3A_170] : memref<80x128xi32, #tpu.memory_space<vmem>> -> memref<1x128xi32, #tpu.memory_space<vmem>>
      %dma_start3A_172 = tpu.memref_squeeze %dma_start3A_171 : memref<1x128xi32, #tpu.memory_space<vmem>> -> memref<128xi32, #tpu.memory_space<vmem>>
      %dma_start3A_173 = arith.constant 0 : i32
      %dma_start3A_174 = arith.constant 0 : i32
      %dma_start3A_175 = tpu.memref_slice %arg10[%dma_start3A_173, %dma_start3A_174] : memref<10240x64xf32, #tpu.memory_space<vmem_shared>> -> memref<10240x64xf32, #tpu.memory_space<vmem_shared>>
      tpu.enqueue_indirect_dma source(%dma_start3A_169 : memref<128x64xf32, #tpu.memory_space<vmem>>) target(%dma_start3A_175 : memref<10240x64xf32, #tpu.memory_space<vmem_shared>>) offsets(%dma_start3A_172 : memref<128xi32, #tpu.memory_space<vmem>>) semaphore(%run_scoped3A_165 : memref<!tpu.dma_semaphore, #tpu.memory_space<semaphore_mem>>) {add = true}
      %dma_wait3A_176 = arith.constant 0 : i32
      %dma_wait3A_177 = arith.constant 0 : i32
      %dma_wait3A_178 = tpu.memref_slice %arg8[%run_scoped3A_74, %dma_wait3A_176, %dma_wait3A_177] : memref<2x128x64xf32, #tpu.memory_space<vmem>> -> memref<1x128x64xf32, #tpu.memory_space<vmem>>
      %dma_wait3A_179 = tpu.memref_squeeze %dma_wait3A_178 : memref<1x128x64xf32, #tpu.memory_space<vmem>> -> memref<128x64xf32, #tpu.memory_space<vmem>>
      %dma_wait3A_180 = arith.constant 0 : i32
      %dma_wait3A_181 = tpu.memref_slice %arg7[%run_scoped3A_75, %dma_wait3A_180] : memref<80x128xi32, #tpu.memory_space<vmem>> -> memref<1x128xi32, #tpu.memory_space<vmem>>
      %dma_wait3A_182 = tpu.memref_squeeze %dma_wait3A_181 : memref<1x128xi32, #tpu.memory_space<vmem>> -> memref<128xi32, #tpu.memory_space<vmem>>
      %dma_wait3A_183 = arith.constant 0 : i32
      %dma_wait3A_184 = arith.constant 0 : i32
      %dma_wait3A_185 = tpu.memref_slice %arg10[%dma_wait3A_183, %dma_wait3A_184] : memref<10240x64xf32, #tpu.memory_space<vmem_shared>> -> memref<10240x64xf32, #tpu.memory_space<vmem_shared>>
      tpu.wait_indirect_dma semaphore(%run_scoped3A_165 : memref<!tpu.dma_semaphore, #tpu.memory_space<semaphore_mem>>) src(%dma_wait3A_179 : memref<128x64xf32, #tpu.memory_space<vmem>>) dst(%dma_wait3A_185 : memref<10240x64xf32, #tpu.memory_space<vmem_shared>>)
      tpu.yield
    }) : () -> ()
    %dma_wait3A_76 = arith.constant 79 : i32
    %dma_wait3A_77 = arith.constant 1 : i32
    %dma_wait3A_78 = arith.constant 1 : i32
    %dma_wait3A_79 = arith.constant 0 : i32
    %dma_wait3A_80 = arith.constant 0 : i32
    %dma_wait3A_81 = tpu.memref_slice %arg8[%dma_wait3A_77, %dma_wait3A_79, %dma_wait3A_80] : memref<2x128x64xf32, #tpu.memory_space<vmem>> -> memref<1x128x64xf32, #tpu.memory_space<vmem>>
    %dma_wait3A_82 = tpu.memref_squeeze %dma_wait3A_81 : memref<1x128x64xf32, #tpu.memory_space<vmem>> -> memref<128x64xf32, #tpu.memory_space<vmem>>
    %dma_wait3A_83 = arith.constant 0 : i32
    %dma_wait3A_84 = tpu.memref_slice %arg6[%dma_wait3A_76, %dma_wait3A_83] : memref<80x128xi32, #tpu.memory_space<vmem>> -> memref<1x128xi32, #tpu.memory_space<vmem>>
    %dma_wait3A_85 = tpu.memref_squeeze %dma_wait3A_84 : memref<1x128xi32, #tpu.memory_space<vmem>> -> memref<128xi32, #tpu.memory_space<vmem>>
    %dma_wait3A_86 = arith.constant 0 : i32
    %dma_wait3A_87 = arith.constant 0 : i32
    %dma_wait3A_88 = tpu.memref_slice %arg9[%dma_wait3A_86, %dma_wait3A_87] : memref<10240x64xf32, #tpu.memory_space<vmem_shared>> -> memref<10240x64xf32, #tpu.memory_space<vmem_shared>>
    %dma_wait3A_89 = tpu.memref_slice %arg11[%dma_wait3A_78] : memref<2x!tpu.dma_semaphore, #tpu.memory_space<semaphore_mem>> -> memref<1x!tpu.dma_semaphore, #tpu.memory_space<semaphore_mem>>
    %dma_wait3A_90 = tpu.memref_squeeze %dma_wait3A_89 : memref<1x!tpu.dma_semaphore, #tpu.memory_space<semaphore_mem>> -> memref<!tpu.dma_semaphore, #tpu.memory_space<semaphore_mem>>
    tpu.wait_indirect_dma semaphore(%dma_wait3A_90 : memref<!tpu.dma_semaphore, #tpu.memory_space<semaphore_mem>>) src(%dma_wait3A_88 : memref<10240x64xf32, #tpu.memory_space<vmem_shared>>) dst(%dma_wait3A_82 : memref<128x64xf32, #tpu.memory_space<vmem>>)
    %run_scoped3A_91 = arith.constant 1 : i32
    %run_scoped3A_92 = arith.constant 79 : i32
    "tpu.region"() ({
      %run_scoped3A_165 = tpu.sem_alloc : memref<!tpu.dma_semaphore, #tpu.memory_space<semaphore_mem>>
      %dma_start3A_166 = arith.constant 0 : i32
      %dma_start3A_167 = arith.constant 0 : i32
      %dma_start3A_168 = tpu.memref_slice %arg8[%run_scoped3A_91, %dma_start3A_166, %dma_start3A_167] : memref<2x128x64xf32, #tpu.memory_space<vmem>> -> memref<1x128x64xf32, #tpu.memory_space<vmem>>
      %dma_start3A_169 = tpu.memref_squeeze %dma_start3A_168 : memref<1x128x64xf32, #tpu.memory_space<vmem>> -> memref<128x64xf32, #tpu.memory_space<vmem>>
      %dma_start3A_170 = arith.constant 0 : i32
      %dma_start3A_171 = tpu.memref_slice %arg7[%run_scoped3A_92, %dma_start3A_170] : memref<80x128xi32, #tpu.memory_space<vmem>> -> memref<1x128xi32, #tpu.memory_space<vmem>>
      %dma_start3A_172 = tpu.memref_squeeze %dma_start3A_171 : memref<1x128xi32, #tpu.memory_space<vmem>> -> memref<128xi32, #tpu.memory_space<vmem>>
      %dma_start3A_173 = arith.constant 0 : i32
      %dma_start3A_174 = arith.constant 0 : i32
      %dma_start3A_175 = tpu.memref_slice %arg10[%dma_start3A_173, %dma_start3A_174] : memref<10240x64xf32, #tpu.memory_space<vmem_shared>> -> memref<10240x64xf32, #tpu.memory_space<vmem_shared>>
      tpu.enqueue_indirect_dma source(%dma_start3A_169 : memref<128x64xf32, #tpu.memory_space<vmem>>) target(%dma_start3A_175 : memref<10240x64xf32, #tpu.memory_space<vmem_shared>>) offsets(%dma_start3A_172 : memref<128xi32, #tpu.memory_space<vmem>>) semaphore(%run_scoped3A_165 : memref<!tpu.dma_semaphore, #tpu.memory_space<semaphore_mem>>) {add = true}
      %dma_wait3A_176 = arith.constant 0 : i32
      %dma_wait3A_177 = arith.constant 0 : i32
      %dma_wait3A_178 = tpu.memref_slice %arg8[%run_scoped3A_91, %dma_wait3A_176, %dma_wait3A_177] : memref<2x128x64xf32, #tpu.memory_space<vmem>> -> memref<1x128x64xf32, #tpu.memory_space<vmem>>
      %dma_wait3A_179 = tpu.memref_squeeze %dma_wait3A_178 : memref<1x128x64xf32, #tpu.memory_space<vmem>> -> memref<128x64xf32, #tpu.memory_space<vmem>>
      %dma_wait3A_180 = arith.constant 0 : i32
      %dma_wait3A_181 = tpu.memref_slice %arg7[%run_scoped3A_92, %dma_wait3A_180] : memref<80x128xi32, #tpu.memory_space<vmem>> -> memref<1x128xi32, #tpu.memory_space<vmem>>
      %dma_wait3A_182 = tpu.memref_squeeze %dma_wait3A_181 : memref<1x128xi32, #tpu.memory_space<vmem>> -> memref<128xi32, #tpu.memory_space<vmem>>
      %dma_wait3A_183 = arith.constant 0 : i32
      %dma_wait3A_184 = arith.constant 0 : i32
      %dma_wait3A_185 = tpu.memref_slice %arg10[%dma_wait3A_183, %dma_wait3A_184] : memref<10240x64xf32, #tpu.memory_space<vmem_shared>> -> memref<10240x64xf32, #tpu.memory_space<vmem_shared>>
      tpu.wait_indirect_dma semaphore(%run_scoped3A_165 : memref<!tpu.dma_semaphore, #tpu.memory_space<semaphore_mem>>) src(%dma_wait3A_179 : memref<128x64xf32, #tpu.memory_space<vmem>>) dst(%dma_wait3A_185 : memref<10240x64xf32, #tpu.memory_space<vmem_shared>>)
      tpu.yield
    }) : () -> ()
    "tpu.region"() ({
      %run_scoped3A_165 = tpu.sem_alloc : memref<!tpu.dma_semaphore, #tpu.memory_space<semaphore_mem>>
      %dma_start3A_166 = arith.constant 80 : i32
      %dma_start3A_167 = arith.constant 0 : i32
      %dma_start3A_168 = tpu.memref_slice %arg3[%arg1, %dma_start3A_166, %dma_start3A_167] : memref<16x160x128xi32, #tpu.memory_space<hbm>> -> memref<1x80x128xi32, #tpu.memory_space<hbm>>
      %dma_start3A_169 = tpu.memref_squeeze %dma_start3A_168 : memref<1x80x128xi32, #tpu.memory_space<hbm>> -> memref<80x128xi32, #tpu.memory_space<hbm>>
      %dma_start3A_170 = arith.constant 80 : i32
      %dma_start3A_171 = arith.constant 0 : i32
      %dma_start3A_172 = tpu.memref_slice %arg3[%arg1, %dma_start3A_170, %dma_start3A_171] : memref<16x160x128xi32, #tpu.memory_space<hbm>> -> memref<1x80x128xi32, #tpu.memory_space<hbm>>
      %dma_start3A_173 = tpu.memref_squeeze %dma_start3A_172 : memref<1x80x128xi32, #tpu.memory_space<hbm>> -> memref<80x128xi32, #tpu.memory_space<hbm>>
      tpu.enqueue_dma source(%dma_start3A_173 : memref<80x128xi32, #tpu.memory_space<hbm>>) target(%arg6 : memref<80x128xi32, #tpu.memory_space<vmem>>) target_semaphore(%run_scoped3A_165 : memref<!tpu.dma_semaphore, #tpu.memory_space<semaphore_mem>>)
      %dma_wait3A_174 = arith.constant 80 : i32
      %dma_wait3A_175 = arith.constant 0 : i32
      %dma_wait3A_176 = tpu.memref_slice %arg3[%arg1, %dma_wait3A_174, %dma_wait3A_175] : memref<16x160x128xi32, #tpu.memory_space<hbm>> -> memref<1x80x128xi32, #tpu.memory_space<hbm>>
      %dma_wait3A_177 = tpu.memref_squeeze %dma_wait3A_176 : memref<1x80x128xi32, #tpu.memory_space<hbm>> -> memref<80x128xi32, #tpu.memory_space<hbm>>
      %dma_wait3A_178 = arith.constant 80 : i32
      %dma_wait3A_179 = arith.constant 0 : i32
      %dma_wait3A_180 = tpu.memref_slice %arg3[%arg1, %dma_wait3A_178, %dma_wait3A_179] : memref<16x160x128xi32, #tpu.memory_space<hbm>> -> memref<1x80x128xi32, #tpu.memory_space<hbm>>
      %dma_wait3A_181 = tpu.memref_squeeze %dma_wait3A_180 : memref<1x80x128xi32, #tpu.memory_space<hbm>> -> memref<80x128xi32, #tpu.memory_space<hbm>>
      tpu.wait_dma2 semaphore(%run_scoped3A_165 : memref<!tpu.dma_semaphore, #tpu.memory_space<semaphore_mem>>) src(%dma_wait3A_181 : memref<80x128xi32, #tpu.memory_space<hbm>>) dst(%arg6 : memref<80x128xi32, #tpu.memory_space<vmem>>)
      tpu.yield
    }) : () -> ()
    "tpu.region"() ({
      %run_scoped3A_165 = tpu.sem_alloc : memref<!tpu.dma_semaphore, #tpu.memory_space<semaphore_mem>>
      %dma_start3A_166 = arith.constant 80 : i32
      %dma_start3A_167 = arith.constant 0 : i32
      %dma_start3A_168 = tpu.memref_slice %arg4[%arg1, %dma_start3A_166, %dma_start3A_167] : memref<16x160x128xi32, #tpu.memory_space<hbm>> -> memref<1x80x128xi32, #tpu.memory_space<hbm>>
      %dma_start3A_169 = tpu.memref_squeeze %dma_start3A_168 : memref<1x80x128xi32, #tpu.memory_space<hbm>> -> memref<80x128xi32, #tpu.memory_space<hbm>>
      %dma_start3A_170 = arith.constant 80 : i32
      %dma_start3A_171 = arith.constant 0 : i32
      %dma_start3A_172 = tpu.memref_slice %arg4[%arg1, %dma_start3A_170, %dma_start3A_171] : memref<16x160x128xi32, #tpu.memory_space<hbm>> -> memref<1x80x128xi32, #tpu.memory_space<hbm>>
      %dma_start3A_173 = tpu.memref_squeeze %dma_start3A_172 : memref<1x80x128xi32, #tpu.memory_space<hbm>> -> memref<80x128xi32, #tpu.memory_space<hbm>>
      tpu.enqueue_dma source(%dma_start3A_173 : memref<80x128xi32, #tpu.memory_space<hbm>>) target(%arg7 : memref<80x128xi32, #tpu.memory_space<vmem>>) target_semaphore(%run_scoped3A_165 : memref<!tpu.dma_semaphore, #tpu.memory_space<semaphore_mem>>)
      %dma_wait3A_174 = arith.constant 80 : i32
      %dma_wait3A_175 = arith.constant 0 : i32
      %dma_wait3A_176 = tpu.memref_slice %arg4[%arg1, %dma_wait3A_174, %dma_wait3A_175] : memref<16x160x128xi32, #tpu.memory_space<hbm>> -> memref<1x80x128xi32, #tpu.memory_space<hbm>>
      %dma_wait3A_177 = tpu.memref_squeeze %dma_wait3A_176 : memref<1x80x128xi32, #tpu.memory_space<hbm>> -> memref<80x128xi32, #tpu.memory_space<hbm>>
      %dma_wait3A_178 = arith.constant 80 : i32
      %dma_wait3A_179 = arith.constant 0 : i32
      %dma_wait3A_180 = tpu.memref_slice %arg4[%arg1, %dma_wait3A_178, %dma_wait3A_179] : memref<16x160x128xi32, #tpu.memory_space<hbm>> -> memref<1x80x128xi32, #tpu.memory_space<hbm>>
      %dma_wait3A_181 = tpu.memref_squeeze %dma_wait3A_180 : memref<1x80x128xi32, #tpu.memory_space<hbm>> -> memref<80x128xi32, #tpu.memory_space<hbm>>
      tpu.wait_dma2 semaphore(%run_scoped3A_165 : memref<!tpu.dma_semaphore, #tpu.memory_space<semaphore_mem>>) src(%dma_wait3A_181 : memref<80x128xi32, #tpu.memory_space<hbm>>) dst(%arg7 : memref<80x128xi32, #tpu.memory_space<vmem>>)
      tpu.yield
    }) : () -> ()
    %dma_start3A_93 = arith.constant 0 : i32
    %dma_start3A_94 = arith.constant 0 : i32
    %dma_start3A_95 = arith.constant 0 : i32
    %dma_start3A_96 = arith.constant 0 : i32
    %dma_start3A_97 = arith.constant 0 : i32
    %dma_start3A_98 = tpu.memref_slice %arg8[%dma_start3A_94, %dma_start3A_96, %dma_start3A_97] : memref<2x128x64xf32, #tpu.memory_space<vmem>> -> memref<1x128x64xf32, #tpu.memory_space<vmem>>
    %dma_start3A_99 = tpu.memref_squeeze %dma_start3A_98 : memref<1x128x64xf32, #tpu.memory_space<vmem>> -> memref<128x64xf32, #tpu.memory_space<vmem>>
    %dma_start3A_100 = arith.constant 0 : i32
    %dma_start3A_101 = tpu.memref_slice %arg6[%dma_start3A_93, %dma_start3A_100] : memref<80x128xi32, #tpu.memory_space<vmem>> -> memref<1x128xi32, #tpu.memory_space<vmem>>
    %dma_start3A_102 = tpu.memref_squeeze %dma_start3A_101 : memref<1x128xi32, #tpu.memory_space<vmem>> -> memref<128xi32, #tpu.memory_space<vmem>>
    %dma_start3A_103 = arith.constant 0 : i32
    %dma_start3A_104 = arith.constant 0 : i32
    %dma_start3A_105 = tpu.memref_slice %arg9[%dma_start3A_103, %dma_start3A_104] : memref<10240x64xf32, #tpu.memory_space<vmem_shared>> -> memref<10240x64xf32, #tpu.memory_space<vmem_shared>>
    %dma_start3A_106 = tpu.memref_slice %arg11[%dma_start3A_95] : memref<2x!tpu.dma_semaphore, #tpu.memory_space<semaphore_mem>> -> memref<1x!tpu.dma_semaphore, #tpu.memory_space<semaphore_mem>>
    %dma_start3A_107 = tpu.memref_squeeze %dma_start3A_106 : memref<1x!tpu.dma_semaphore, #tpu.memory_space<semaphore_mem>> -> memref<!tpu.dma_semaphore, #tpu.memory_space<semaphore_mem>>
    tpu.enqueue_indirect_dma source(%dma_start3A_105 : memref<10240x64xf32, #tpu.memory_space<vmem_shared>>) target(%dma_start3A_99 : memref<128x64xf32, #tpu.memory_space<vmem>>) offsets(%dma_start3A_102 : memref<128xi32, #tpu.memory_space<vmem>>) semaphore(%dma_start3A_107 : memref<!tpu.dma_semaphore, #tpu.memory_space<semaphore_mem>>)
    %dma_start3A_108 = arith.constant 1 : i32
    %dma_start3A_109 = arith.constant 1 : i32
    %dma_start3A_110 = arith.constant 1 : i32
    %dma_start3A_111 = arith.constant 0 : i32
    %dma_start3A_112 = arith.constant 0 : i32
    %dma_start3A_113 = tpu.memref_slice %arg8[%dma_start3A_109, %dma_start3A_111, %dma_start3A_112] : memref<2x128x64xf32, #tpu.memory_space<vmem>> -> memref<1x128x64xf32, #tpu.memory_space<vmem>>
    %dma_start3A_114 = tpu.memref_squeeze %dma_start3A_113 : memref<1x128x64xf32, #tpu.memory_space<vmem>> -> memref<128x64xf32, #tpu.memory_space<vmem>>
    %dma_start3A_115 = arith.constant 0 : i32
    %dma_start3A_116 = tpu.memref_slice %arg6[%dma_start3A_108, %dma_start3A_115] : memref<80x128xi32, #tpu.memory_space<vmem>> -> memref<1x128xi32, #tpu.memory_space<vmem>>
    %dma_start3A_117 = tpu.memref_squeeze %dma_start3A_116 : memref<1x128xi32, #tpu.memory_space<vmem>> -> memref<128xi32, #tpu.memory_space<vmem>>
    %dma_start3A_118 = arith.constant 0 : i32
    %dma_start3A_119 = arith.constant 0 : i32
    %dma_start3A_120 = tpu.memref_slice %arg9[%dma_start3A_118, %dma_start3A_119] : memref<10240x64xf32, #tpu.memory_space<vmem_shared>> -> memref<10240x64xf32, #tpu.memory_space<vmem_shared>>
    %dma_start3A_121 = tpu.memref_slice %arg11[%dma_start3A_110] : memref<2x!tpu.dma_semaphore, #tpu.memory_space<semaphore_mem>> -> memref<1x!tpu.dma_semaphore, #tpu.memory_space<semaphore_mem>>
    %dma_start3A_122 = tpu.memref_squeeze %dma_start3A_121 : memref<1x!tpu.dma_semaphore, #tpu.memory_space<semaphore_mem>> -> memref<!tpu.dma_semaphore, #tpu.memory_space<semaphore_mem>>
    tpu.enqueue_indirect_dma source(%dma_start3A_120 : memref<10240x64xf32, #tpu.memory_space<vmem_shared>>) target(%dma_start3A_114 : memref<128x64xf32, #tpu.memory_space<vmem>>) offsets(%dma_start3A_117 : memref<128xi32, #tpu.memory_space<vmem>>) semaphore(%dma_start3A_122 : memref<!tpu.dma_semaphore, #tpu.memory_space<semaphore_mem>>)
    %scan3A_123 = arith.constant 0 : i32
    %scan3A_124 = arith.constant 0 : i32
    %scan3A_125 = arith.constant 39 : i32
    %scan3A_126 = arith.addi %scan3A_124, %scan3A_125 : i32
    %scan3A_127 = arith.constant 1 : i32
    %scan3A_128 = scf.for %scan3A_165 = %scan3A_124 to %scan3A_126 step %scan3A_127 iter_args(%scan3A_166 = %scan3A_123) -> (i32)  : i32 {
      %mul3A_167 = arith.constant 2 : i32
      %mul3A_168 = arith.muli %scan3A_165, %mul3A_167 : i32
      %add3A_169 = arith.constant 0 : i32
      %add3A_170 = arith.addi %mul3A_168, %add3A_169 : i32
      %dma_wait3A_171 = arith.constant 0 : i32
      %dma_wait3A_172 = arith.constant 0 : i32
      %dma_wait3A_173 = arith.constant 0 : i32
      %dma_wait3A_174 = arith.constant 0 : i32
      %dma_wait3A_175 = tpu.memref_slice %arg8[%dma_wait3A_171, %dma_wait3A_173, %dma_wait3A_174] : memref<2x128x64xf32, #tpu.memory_space<vmem>> -> memref<1x128x64xf32, #tpu.memory_space<vmem>>
      %dma_wait3A_176 = tpu.memref_squeeze %dma_wait3A_175 : memref<1x128x64xf32, #tpu.memory_space<vmem>> -> memref<128x64xf32, #tpu.memory_space<vmem>>
      %dma_wait3A_177 = arith.constant 0 : i32
      %dma_wait3A_178 = tpu.memref_slice %arg6[%add3A_170, %dma_wait3A_177] : memref<80x128xi32, #tpu.memory_space<vmem>> -> memref<1x128xi32, #tpu.memory_space<vmem>>
      %dma_wait3A_179 = tpu.memref_squeeze %dma_wait3A_178 : memref<1x128xi32, #tpu.memory_space<vmem>> -> memref<128xi32, #tpu.memory_space<vmem>>
      %dma_wait3A_180 = arith.constant 0 : i32
      %dma_wait3A_181 = arith.constant 0 : i32
      %dma_wait3A_182 = tpu.memref_slice %arg9[%dma_wait3A_180, %dma_wait3A_181] : memref<10240x64xf32, #tpu.memory_space<vmem_shared>> -> memref<10240x64xf32, #tpu.memory_space<vmem_shared>>
      %dma_wait3A_183 = tpu.memref_slice %arg11[%dma_wait3A_172] : memref<2x!tpu.dma_semaphore, #tpu.memory_space<semaphore_mem>> -> memref<1x!tpu.dma_semaphore, #tpu.memory_space<semaphore_mem>>
      %dma_wait3A_184 = tpu.memref_squeeze %dma_wait3A_183 : memref<1x!tpu.dma_semaphore, #tpu.memory_space<semaphore_mem>> -> memref<!tpu.dma_semaphore, #tpu.memory_space<semaphore_mem>>
      tpu.wait_indirect_dma semaphore(%dma_wait3A_184 : memref<!tpu.dma_semaphore, #tpu.memory_space<semaphore_mem>>) src(%dma_wait3A_182 : memref<10240x64xf32, #tpu.memory_space<vmem_shared>>) dst(%dma_wait3A_176 : memref<128x64xf32, #tpu.memory_space<vmem>>)
      %run_scoped3A_185 = arith.constant 0 : i32
      "tpu.region"() ({
        %run_scoped3A_236 = tpu.sem_alloc : memref<!tpu.dma_semaphore, #tpu.memory_space<semaphore_mem>>
        %dma_start3A_237 = arith.constant 0 : i32
        %dma_start3A_238 = arith.constant 0 : i32
        %dma_start3A_239 = tpu.memref_slice %arg8[%run_scoped3A_185, %dma_start3A_237, %dma_start3A_238] : memref<2x128x64xf32, #tpu.memory_space<vmem>> -> memref<1x128x64xf32, #tpu.memory_space<vmem>>
        %dma_start3A_240 = tpu.memref_squeeze %dma_start3A_239 : memref<1x128x64xf32, #tpu.memory_space<vmem>> -> memref<128x64xf32, #tpu.memory_space<vmem>>
        %dma_start3A_241 = arith.constant 0 : i32
        %dma_start3A_242 = tpu.memref_slice %arg7[%add3A_170, %dma_start3A_241] : memref<80x128xi32, #tpu.memory_space<vmem>> -> memref<1x128xi32, #tpu.memory_space<vmem>>
        %dma_start3A_243 = tpu.memref_squeeze %dma_start3A_242 : memref<1x128xi32, #tpu.memory_space<vmem>> -> memref<128xi32, #tpu.memory_space<vmem>>
        %dma_start3A_244 = arith.constant 0 : i32
        %dma_start3A_245 = arith.constant 0 : i32
        %dma_start3A_246 = tpu.memref_slice %arg10[%dma_start3A_244, %dma_start3A_245] : memref<10240x64xf32, #tpu.memory_space<vmem_shared>> -> memref<10240x64xf32, #tpu.memory_space<vmem_shared>>
        tpu.enqueue_indirect_dma source(%dma_start3A_240 : memref<128x64xf32, #tpu.memory_space<vmem>>) target(%dma_start3A_246 : memref<10240x64xf32, #tpu.memory_space<vmem_shared>>) offsets(%dma_start3A_243 : memref<128xi32, #tpu.memory_space<vmem>>) semaphore(%run_scoped3A_236 : memref<!tpu.dma_semaphore, #tpu.memory_space<semaphore_mem>>) {add = true}
        %dma_wait3A_247 = arith.constant 0 : i32
        %dma_wait3A_248 = arith.constant 0 : i32
        %dma_wait3A_249 = tpu.memref_slice %arg8[%run_scoped3A_185, %dma_wait3A_247, %dma_wait3A_248] : memref<2x128x64xf32, #tpu.memory_space<vmem>> -> memref<1x128x64xf32, #tpu.memory_space<vmem>>
        %dma_wait3A_250 = tpu.memref_squeeze %dma_wait3A_249 : memref<1x128x64xf32, #tpu.memory_space<vmem>> -> memref<128x64xf32, #tpu.memory_space<vmem>>
        %dma_wait3A_251 = arith.constant 0 : i32
        %dma_wait3A_252 = tpu.memref_slice %arg7[%add3A_170, %dma_wait3A_251] : memref<80x128xi32, #tpu.memory_space<vmem>> -> memref<1x128xi32, #tpu.memory_space<vmem>>
        %dma_wait3A_253 = tpu.memref_squeeze %dma_wait3A_252 : memref<1x128xi32, #tpu.memory_space<vmem>> -> memref<128xi32, #tpu.memory_space<vmem>>
        %dma_wait3A_254 = arith.constant 0 : i32
        %dma_wait3A_255 = arith.constant 0 : i32
        %dma_wait3A_256 = tpu.memref_slice %arg10[%dma_wait3A_254, %dma_wait3A_255] : memref<10240x64xf32, #tpu.memory_space<vmem_shared>> -> memref<10240x64xf32, #tpu.memory_space<vmem_shared>>
        tpu.wait_indirect_dma semaphore(%run_scoped3A_236 : memref<!tpu.dma_semaphore, #tpu.memory_space<semaphore_mem>>) src(%dma_wait3A_250 : memref<128x64xf32, #tpu.memory_space<vmem>>) dst(%dma_wait3A_256 : memref<10240x64xf32, #tpu.memory_space<vmem_shared>>)
        tpu.yield
      }) : () -> ()
      %add3A_186 = arith.constant 2 : i32
      %add3A_187 = arith.addi %add3A_170, %add3A_186 : i32
      %dma_start3A_188 = arith.constant 0 : i32
      %dma_start3A_189 = arith.constant 0 : i32
      %dma_start3A_190 = arith.constant 0 : i32
      %dma_start3A_191 = arith.constant 0 : i32
      %dma_start3A_192 = tpu.memref_slice %arg8[%dma_start3A_188, %dma_start3A_190, %dma_start3A_191] : memref<2x128x64xf32, #tpu.memory_space<vmem>> -> memref<1x128x64xf32, #tpu.memory_space<vmem>>
      %dma_start3A_193 = tpu.memref_squeeze %dma_start3A_192 : memref<1x128x64xf32, #tpu.memory_space<vmem>> -> memref<128x64xf32, #tpu.memory_space<vmem>>
      %dma_start3A_194 = arith.constant 0 : i32
      %dma_start3A_195 = tpu.memref_slice %arg6[%add3A_187, %dma_start3A_194] : memref<80x128xi32, #tpu.memory_space<vmem>> -> memref<1x128xi32, #tpu.memory_space<vmem>>
      %dma_start3A_196 = tpu.memref_squeeze %dma_start3A_195 : memref<1x128xi32, #tpu.memory_space<vmem>> -> memref<128xi32, #tpu.memory_space<vmem>>
      %dma_start3A_197 = arith.constant 0 : i32
      %dma_start3A_198 = arith.constant 0 : i32
      %dma_start3A_199 = tpu.memref_slice %arg9[%dma_start3A_197, %dma_start3A_198] : memref<10240x64xf32, #tpu.memory_space<vmem_shared>> -> memref<10240x64xf32, #tpu.memory_space<vmem_shared>>
      %dma_start3A_200 = tpu.memref_slice %arg11[%dma_start3A_189] : memref<2x!tpu.dma_semaphore, #tpu.memory_space<semaphore_mem>> -> memref<1x!tpu.dma_semaphore, #tpu.memory_space<semaphore_mem>>
      %dma_start3A_201 = tpu.memref_squeeze %dma_start3A_200 : memref<1x!tpu.dma_semaphore, #tpu.memory_space<semaphore_mem>> -> memref<!tpu.dma_semaphore, #tpu.memory_space<semaphore_mem>>
      tpu.enqueue_indirect_dma source(%dma_start3A_199 : memref<10240x64xf32, #tpu.memory_space<vmem_shared>>) target(%dma_start3A_193 : memref<128x64xf32, #tpu.memory_space<vmem>>) offsets(%dma_start3A_196 : memref<128xi32, #tpu.memory_space<vmem>>) semaphore(%dma_start3A_201 : memref<!tpu.dma_semaphore, #tpu.memory_space<semaphore_mem>>)
      %add3A_202 = arith.constant 1 : i32
      %add3A_203 = arith.addi %mul3A_168, %add3A_202 : i32
      %dma_wait3A_204 = arith.constant 1 : i32
      %dma_wait3A_205 = arith.constant 1 : i32
      %dma_wait3A_206 = arith.constant 0 : i32
      %dma_wait3A_207 = arith.constant 0 : i32
      %dma_wait3A_208 = tpu.memref_slice %arg8[%dma_wait3A_204, %dma_wait3A_206, %dma_wait3A_207] : memref<2x128x64xf32, #tpu.memory_space<vmem>> -> memref<1x128x64xf32, #tpu.memory_space<vmem>>
      %dma_wait3A_209 = tpu.memref_squeeze %dma_wait3A_208 : memref<1x128x64xf32, #tpu.memory_space<vmem>> -> memref<128x64xf32, #tpu.memory_space<vmem>>
      %dma_wait3A_210 = arith.constant 0 : i32
      %dma_wait3A_211 = tpu.memref_slice %arg6[%add3A_203, %dma_wait3A_210] : memref<80x128xi32, #tpu.memory_space<vmem>> -> memref<1x128xi32, #tpu.memory_space<vmem>>
      %dma_wait3A_212 = tpu.memref_squeeze %dma_wait3A_211 : memref<1x128xi32, #tpu.memory_space<vmem>> -> memref<128xi32, #tpu.memory_space<vmem>>
      %dma_wait3A_213 = arith.constant 0 : i32
      %dma_wait3A_214 = arith.constant 0 : i32
      %dma_wait3A_215 = tpu.memref_slice %arg9[%dma_wait3A_213, %dma_wait3A_214] : memref<10240x64xf32, #tpu.memory_space<vmem_shared>> -> memref<10240x64xf32, #tpu.memory_space<vmem_shared>>
      %dma_wait3A_216 = tpu.memref_slice %arg11[%dma_wait3A_205] : memref<2x!tpu.dma_semaphore, #tpu.memory_space<semaphore_mem>> -> memref<1x!tpu.dma_semaphore, #tpu.memory_space<semaphore_mem>>
      %dma_wait3A_217 = tpu.memref_squeeze %dma_wait3A_216 : memref<1x!tpu.dma_semaphore, #tpu.memory_space<semaphore_mem>> -> memref<!tpu.dma_semaphore, #tpu.memory_space<semaphore_mem>>
      tpu.wait_indirect_dma semaphore(%dma_wait3A_217 : memref<!tpu.dma_semaphore, #tpu.memory_space<semaphore_mem>>) src(%dma_wait3A_215 : memref<10240x64xf32, #tpu.memory_space<vmem_shared>>) dst(%dma_wait3A_209 : memref<128x64xf32, #tpu.memory_space<vmem>>)
      %run_scoped3A_218 = arith.constant 1 : i32
      "tpu.region"() ({
        %run_scoped3A_236 = tpu.sem_alloc : memref<!tpu.dma_semaphore, #tpu.memory_space<semaphore_mem>>
        %dma_start3A_237 = arith.constant 0 : i32
        %dma_start3A_238 = arith.constant 0 : i32
        %dma_start3A_239 = tpu.memref_slice %arg8[%run_scoped3A_218, %dma_start3A_237, %dma_start3A_238] : memref<2x128x64xf32, #tpu.memory_space<vmem>> -> memref<1x128x64xf32, #tpu.memory_space<vmem>>
        %dma_start3A_240 = tpu.memref_squeeze %dma_start3A_239 : memref<1x128x64xf32, #tpu.memory_space<vmem>> -> memref<128x64xf32, #tpu.memory_space<vmem>>
        %dma_start3A_241 = arith.constant 0 : i32
        %dma_start3A_242 = tpu.memref_slice %arg7[%add3A_203, %dma_start3A_241] : memref<80x128xi32, #tpu.memory_space<vmem>> -> memref<1x128xi32, #tpu.memory_space<vmem>>
        %dma_start3A_243 = tpu.memref_squeeze %dma_start3A_242 : memref<1x128xi32, #tpu.memory_space<vmem>> -> memref<128xi32, #tpu.memory_space<vmem>>
        %dma_start3A_244 = arith.constant 0 : i32
        %dma_start3A_245 = arith.constant 0 : i32
        %dma_start3A_246 = tpu.memref_slice %arg10[%dma_start3A_244, %dma_start3A_245] : memref<10240x64xf32, #tpu.memory_space<vmem_shared>> -> memref<10240x64xf32, #tpu.memory_space<vmem_shared>>
        tpu.enqueue_indirect_dma source(%dma_start3A_240 : memref<128x64xf32, #tpu.memory_space<vmem>>) target(%dma_start3A_246 : memref<10240x64xf32, #tpu.memory_space<vmem_shared>>) offsets(%dma_start3A_243 : memref<128xi32, #tpu.memory_space<vmem>>) semaphore(%run_scoped3A_236 : memref<!tpu.dma_semaphore, #tpu.memory_space<semaphore_mem>>) {add = true}
        %dma_wait3A_247 = arith.constant 0 : i32
        %dma_wait3A_248 = arith.constant 0 : i32
        %dma_wait3A_249 = tpu.memref_slice %arg8[%run_scoped3A_218, %dma_wait3A_247, %dma_wait3A_248] : memref<2x128x64xf32, #tpu.memory_space<vmem>> -> memref<1x128x64xf32, #tpu.memory_space<vmem>>
        %dma_wait3A_250 = tpu.memref_squeeze %dma_wait3A_249 : memref<1x128x64xf32, #tpu.memory_space<vmem>> -> memref<128x64xf32, #tpu.memory_space<vmem>>
        %dma_wait3A_251 = arith.constant 0 : i32
        %dma_wait3A_252 = tpu.memref_slice %arg7[%add3A_203, %dma_wait3A_251] : memref<80x128xi32, #tpu.memory_space<vmem>> -> memref<1x128xi32, #tpu.memory_space<vmem>>
        %dma_wait3A_253 = tpu.memref_squeeze %dma_wait3A_252 : memref<1x128xi32, #tpu.memory_space<vmem>> -> memref<128xi32, #tpu.memory_space<vmem>>
        %dma_wait3A_254 = arith.constant 0 : i32
        %dma_wait3A_255 = arith.constant 0 : i32
        %dma_wait3A_256 = tpu.memref_slice %arg10[%dma_wait3A_254, %dma_wait3A_255] : memref<10240x64xf32, #tpu.memory_space<vmem_shared>> -> memref<10240x64xf32, #tpu.memory_space<vmem_shared>>
        tpu.wait_indirect_dma semaphore(%run_scoped3A_236 : memref<!tpu.dma_semaphore, #tpu.memory_space<semaphore_mem>>) src(%dma_wait3A_250 : memref<128x64xf32, #tpu.memory_space<vmem>>) dst(%dma_wait3A_256 : memref<10240x64xf32, #tpu.memory_space<vmem_shared>>)
        tpu.yield
      }) : () -> ()
      %add3A_219 = arith.constant 2 : i32
      %add3A_220 = arith.addi %add3A_203, %add3A_219 : i32
      %dma_start3A_221 = arith.constant 1 : i32
      %dma_start3A_222 = arith.constant 1 : i32
      %dma_start3A_223 = arith.constant 0 : i32
      %dma_start3A_224 = arith.constant 0 : i32
      %dma_start3A_225 = tpu.memref_slice %arg8[%dma_start3A_221, %dma_start3A_223, %dma_start3A_224] : memref<2x128x64xf32, #tpu.memory_space<vmem>> -> memref<1x128x64xf32, #tpu.memory_space<vmem>>
      %dma_start3A_226 = tpu.memref_squeeze %dma_start3A_225 : memref<1x128x64xf32, #tpu.memory_space<vmem>> -> memref<128x64xf32, #tpu.memory_space<vmem>>
      %dma_start3A_227 = arith.constant 0 : i32
      %dma_start3A_228 = tpu.memref_slice %arg6[%add3A_220, %dma_start3A_227] : memref<80x128xi32, #tpu.memory_space<vmem>> -> memref<1x128xi32, #tpu.memory_space<vmem>>
      %dma_start3A_229 = tpu.memref_squeeze %dma_start3A_228 : memref<1x128xi32, #tpu.memory_space<vmem>> -> memref<128xi32, #tpu.memory_space<vmem>>
      %dma_start3A_230 = arith.constant 0 : i32
      %dma_start3A_231 = arith.constant 0 : i32
      %dma_start3A_232 = tpu.memref_slice %arg9[%dma_start3A_230, %dma_start3A_231] : memref<10240x64xf32, #tpu.memory_space<vmem_shared>> -> memref<10240x64xf32, #tpu.memory_space<vmem_shared>>
      %dma_start3A_233 = tpu.memref_slice %arg11[%dma_start3A_222] : memref<2x!tpu.dma_semaphore, #tpu.memory_space<semaphore_mem>> -> memref<1x!tpu.dma_semaphore, #tpu.memory_space<semaphore_mem>>
      %dma_start3A_234 = tpu.memref_squeeze %dma_start3A_233 : memref<1x!tpu.dma_semaphore, #tpu.memory_space<semaphore_mem>> -> memref<!tpu.dma_semaphore, #tpu.memory_space<semaphore_mem>>
      tpu.enqueue_indirect_dma source(%dma_start3A_232 : memref<10240x64xf32, #tpu.memory_space<vmem_shared>>) target(%dma_start3A_226 : memref<128x64xf32, #tpu.memory_space<vmem>>) offsets(%dma_start3A_229 : memref<128xi32, #tpu.memory_space<vmem>>) semaphore(%dma_start3A_234 : memref<!tpu.dma_semaphore, #tpu.memory_space<semaphore_mem>>)
      %scan3A_235 = arith.constant 0 : i32
      scf.yield %scan3A_235 : i32
    }
    %scan3A_129 = arith.constant 39 : i32
    %dma_wait3A_130 = arith.constant 78 : i32
    %dma_wait3A_131 = arith.constant 0 : i32
    %dma_wait3A_132 = arith.constant 0 : i32
    %dma_wait3A_133 = arith.constant 0 : i32
    %dma_wait3A_134 = arith.constant 0 : i32
    %dma_wait3A_135 = tpu.memref_slice %arg8[%dma_wait3A_131, %dma_wait3A_133, %dma_wait3A_134] : memref<2x128x64xf32, #tpu.memory_space<vmem>> -> memref<1x128x64xf32, #tpu.memory_space<vmem>>
    %dma_wait3A_136 = tpu.memref_squeeze %dma_wait3A_135 : memref<1x128x64xf32, #tpu.memory_space<vmem>> -> memref<128x64xf32, #tpu.memory_space<vmem>>
    %dma_wait3A_137 = arith.constant 0 : i32
    %dma_wait3A_138 = tpu.memref_slice %arg6[%dma_wait3A_130, %dma_wait3A_137] : memref<80x128xi32, #tpu.memory_space<vmem>> -> memref<1x128xi32, #tpu.memory_space<vmem>>
    %dma_wait3A_139 = tpu.memref_squeeze %dma_wait3A_138 : memref<1x128xi32, #tpu.memory_space<vmem>> -> memref<128xi32, #tpu.memory_space<vmem>>
    %dma_wait3A_140 = arith.constant 0 : i32
    %dma_wait3A_141 = arith.constant 0 : i32
    %dma_wait3A_142 = tpu.memref_slice %arg9[%dma_wait3A_140, %dma_wait3A_141] : memref<10240x64xf32, #tpu.memory_space<vmem_shared>> -> memref<10240x64xf32, #tpu.memory_space<vmem_shared>>
    %dma_wait3A_143 = tpu.memref_slice %arg11[%dma_wait3A_132] : memref<2x!tpu.dma_semaphore, #tpu.memory_space<semaphore_mem>> -> memref<1x!tpu.dma_semaphore, #tpu.memory_space<semaphore_mem>>
    %dma_wait3A_144 = tpu.memref_squeeze %dma_wait3A_143 : memref<1x!tpu.dma_semaphore, #tpu.memory_space<semaphore_mem>> -> memref<!tpu.dma_semaphore, #tpu.memory_space<semaphore_mem>>
    tpu.wait_indirect_dma semaphore(%dma_wait3A_144 : memref<!tpu.dma_semaphore, #tpu.memory_space<semaphore_mem>>) src(%dma_wait3A_142 : memref<10240x64xf32, #tpu.memory_space<vmem_shared>>) dst(%dma_wait3A_136 : memref<128x64xf32, #tpu.memory_space<vmem>>)
    %run_scoped3A_145 = arith.constant 0 : i32
    %run_scoped3A_146 = arith.constant 78 : i32
    "tpu.region"() ({
      %run_scoped3A_165 = tpu.sem_alloc : memref<!tpu.dma_semaphore, #tpu.memory_space<semaphore_mem>>
      %dma_start3A_166 = arith.constant 0 : i32
      %dma_start3A_167 = arith.constant 0 : i32
      %dma_start3A_168 = tpu.memref_slice %arg8[%run_scoped3A_145, %dma_start3A_166, %dma_start3A_167] : memref<2x128x64xf32, #tpu.memory_space<vmem>> -> memref<1x128x64xf32, #tpu.memory_space<vmem>>
      %dma_start3A_169 = tpu.memref_squeeze %dma_start3A_168 : memref<1x128x64xf32, #tpu.memory_space<vmem>> -> memref<128x64xf32, #tpu.memory_space<vmem>>
      %dma_start3A_170 = arith.constant 0 : i32
      %dma_start3A_171 = tpu.memref_slice %arg7[%run_scoped3A_146, %dma_start3A_170] : memref<80x128xi32, #tpu.memory_space<vmem>> -> memref<1x128xi32, #tpu.memory_space<vmem>>
      %dma_start3A_172 = tpu.memref_squeeze %dma_start3A_171 : memref<1x128xi32, #tpu.memory_space<vmem>> -> memref<128xi32, #tpu.memory_space<vmem>>
      %dma_start3A_173 = arith.constant 0 : i32
      %dma_start3A_174 = arith.constant 0 : i32
      %dma_start3A_175 = tpu.memref_slice %arg10[%dma_start3A_173, %dma_start3A_174] : memref<10240x64xf32, #tpu.memory_space<vmem_shared>> -> memref<10240x64xf32, #tpu.memory_space<vmem_shared>>
      tpu.enqueue_indirect_dma source(%dma_start3A_169 : memref<128x64xf32, #tpu.memory_space<vmem>>) target(%dma_start3A_175 : memref<10240x64xf32, #tpu.memory_space<vmem_shared>>) offsets(%dma_start3A_172 : memref<128xi32, #tpu.memory_space<vmem>>) semaphore(%run_scoped3A_165 : memref<!tpu.dma_semaphore, #tpu.memory_space<semaphore_mem>>) {add = true}
      %dma_wait3A_176 = arith.constant 0 : i32
      %dma_wait3A_177 = arith.constant 0 : i32
      %dma_wait3A_178 = tpu.memref_slice %arg8[%run_scoped3A_145, %dma_wait3A_176, %dma_wait3A_177] : memref<2x128x64xf32, #tpu.memory_space<vmem>> -> memref<1x128x64xf32, #tpu.memory_space<vmem>>
      %dma_wait3A_179 = tpu.memref_squeeze %dma_wait3A_178 : memref<1x128x64xf32, #tpu.memory_space<vmem>> -> memref<128x64xf32, #tpu.memory_space<vmem>>
      %dma_wait3A_180 = arith.constant 0 : i32
      %dma_wait3A_181 = tpu.memref_slice %arg7[%run_scoped3A_146, %dma_wait3A_180] : memref<80x128xi32, #tpu.memory_space<vmem>> -> memref<1x128xi32, #tpu.memory_space<vmem>>
      %dma_wait3A_182 = tpu.memref_squeeze %dma_wait3A_181 : memref<1x128xi32, #tpu.memory_space<vmem>> -> memref<128xi32, #tpu.memory_space<vmem>>
      %dma_wait3A_183 = arith.constant 0 : i32
      %dma_wait3A_184 = arith.constant 0 : i32
      %dma_wait3A_185 = tpu.memref_slice %arg10[%dma_wait3A_183, %dma_wait3A_184] : memref<10240x64xf32, #tpu.memory_space<vmem_shared>> -> memref<10240x64xf32, #tpu.memory_space<vmem_shared>>
      tpu.wait_indirect_dma semaphore(%run_scoped3A_165 : memref<!tpu.dma_semaphore, #tpu.memory_space<semaphore_mem>>) src(%dma_wait3A_179 : memref<128x64xf32, #tpu.memory_space<vmem>>) dst(%dma_wait3A_185 : memref<10240x64xf32, #tpu.memory_space<vmem_shared>>)
      tpu.yield
    }) : () -> ()
    %dma_wait3A_147 = arith.constant 79 : i32
    %dma_wait3A_148 = arith.constant 1 : i32
    %dma_wait3A_149 = arith.constant 1 : i32
    %dma_wait3A_150 = arith.constant 0 : i32
    %dma_wait3A_151 = arith.constant 0 : i32
    %dma_wait3A_152 = tpu.memref_slice %arg8[%dma_wait3A_148, %dma_wait3A_150, %dma_wait3A_151] : memref<2x128x64xf32, #tpu.memory_space<vmem>> -> memref<1x128x64xf32, #tpu.memory_space<vmem>>
    %dma_wait3A_153 = tpu.memref_squeeze %dma_wait3A_152 : memref<1x128x64xf32, #tpu.memory_space<vmem>> -> memref<128x64xf32, #tpu.memory_space<vmem>>
    %dma_wait3A_154 = arith.constant 0 : i32
    %dma_wait3A_155 = tpu.memref_slice %arg6[%dma_wait3A_147, %dma_wait3A_154] : memref<80x128xi32, #tpu.memory_space<vmem>> -> memref<1x128xi32, #tpu.memory_space<vmem>>
    %dma_wait3A_156 = tpu.memref_squeeze %dma_wait3A_155 : memref<1x128xi32, #tpu.memory_space<vmem>> -> memref<128xi32, #tpu.memory_space<vmem>>
    %dma_wait3A_157 = arith.constant 0 : i32
    %dma_wait3A_158 = arith.constant 0 : i32
    %dma_wait3A_159 = tpu.memref_slice %arg9[%dma_wait3A_157, %dma_wait3A_158] : memref<10240x64xf32, #tpu.memory_space<vmem_shared>> -> memref<10240x64xf32, #tpu.memory_space<vmem_shared>>
    %dma_wait3A_160 = tpu.memref_slice %arg11[%dma_wait3A_149] : memref<2x!tpu.dma_semaphore, #tpu.memory_space<semaphore_mem>> -> memref<1x!tpu.dma_semaphore, #tpu.memory_space<semaphore_mem>>
    %dma_wait3A_161 = tpu.memref_squeeze %dma_wait3A_160 : memref<1x!tpu.dma_semaphore, #tpu.memory_space<semaphore_mem>> -> memref<!tpu.dma_semaphore, #tpu.memory_space<semaphore_mem>>
    tpu.wait_indirect_dma semaphore(%dma_wait3A_161 : memref<!tpu.dma_semaphore, #tpu.memory_space<semaphore_mem>>) src(%dma_wait3A_159 : memref<10240x64xf32, #tpu.memory_space<vmem_shared>>) dst(%dma_wait3A_153 : memref<128x64xf32, #tpu.memory_space<vmem>>)
    %run_scoped3A_162 = arith.constant 1 : i32
    %run_scoped3A_163 = arith.constant 79 : i32
    "tpu.region"() ({
      %run_scoped3A_165 = tpu.sem_alloc : memref<!tpu.dma_semaphore, #tpu.memory_space<semaphore_mem>>
      %dma_start3A_166 = arith.constant 0 : i32
      %dma_start3A_167 = arith.constant 0 : i32
      %dma_start3A_168 = tpu.memref_slice %arg8[%run_scoped3A_162, %dma_start3A_166, %dma_start3A_167] : memref<2x128x64xf32, #tpu.memory_space<vmem>> -> memref<1x128x64xf32, #tpu.memory_space<vmem>>
      %dma_start3A_169 = tpu.memref_squeeze %dma_start3A_168 : memref<1x128x64xf32, #tpu.memory_space<vmem>> -> memref<128x64xf32, #tpu.memory_space<vmem>>
      %dma_start3A_170 = arith.constant 0 : i32
      %dma_start3A_171 = tpu.memref_slice %arg7[%run_scoped3A_163, %dma_start3A_170] : memref<80x128xi32, #tpu.memory_space<vmem>> -> memref<1x128xi32, #tpu.memory_space<vmem>>
      %dma_start3A_172 = tpu.memref_squeeze %dma_start3A_171 : memref<1x128xi32, #tpu.memory_space<vmem>> -> memref<128xi32, #tpu.memory_space<vmem>>
      %dma_start3A_173 = arith.constant 0 : i32
      %dma_start3A_174 = arith.constant 0 : i32
      %dma_start3A_175 = tpu.memref_slice %arg10[%dma_start3A_173, %dma_start3A_174] : memref<10240x64xf32, #tpu.memory_space<vmem_shared>> -> memref<10240x64xf32, #tpu.memory_space<vmem_shared>>
      tpu.enqueue_indirect_dma source(%dma_start3A_169 : memref<128x64xf32, #tpu.memory_space<vmem>>) target(%dma_start3A_175 : memref<10240x64xf32, #tpu.memory_space<vmem_shared>>) offsets(%dma_start3A_172 : memref<128xi32, #tpu.memory_space<vmem>>) semaphore(%run_scoped3A_165 : memref<!tpu.dma_semaphore, #tpu.memory_space<semaphore_mem>>) {add = true}
      %dma_wait3A_176 = arith.constant 0 : i32
      %dma_wait3A_177 = arith.constant 0 : i32
      %dma_wait3A_178 = tpu.memref_slice %arg8[%run_scoped3A_162, %dma_wait3A_176, %dma_wait3A_177] : memref<2x128x64xf32, #tpu.memory_space<vmem>> -> memref<1x128x64xf32, #tpu.memory_space<vmem>>
      %dma_wait3A_179 = tpu.memref_squeeze %dma_wait3A_178 : memref<1x128x64xf32, #tpu.memory_space<vmem>> -> memref<128x64xf32, #tpu.memory_space<vmem>>
      %dma_wait3A_180 = arith.constant 0 : i32
      %dma_wait3A_181 = tpu.memref_slice %arg7[%run_scoped3A_163, %dma_wait3A_180] : memref<80x128xi32, #tpu.memory_space<vmem>> -> memref<1x128xi32, #tpu.memory_space<vmem>>
      %dma_wait3A_182 = tpu.memref_squeeze %dma_wait3A_181 : memref<1x128xi32, #tpu.memory_space<vmem>> -> memref<128xi32, #tpu.memory_space<vmem>>
      %dma_wait3A_183 = arith.constant 0 : i32
      %dma_wait3A_184 = arith.constant 0 : i32
      %dma_wait3A_185 = tpu.memref_slice %arg10[%dma_wait3A_183, %dma_wait3A_184] : memref<10240x64xf32, #tpu.memory_space<vmem_shared>> -> memref<10240x64xf32, #tpu.memory_space<vmem_shared>>
      tpu.wait_indirect_dma semaphore(%run_scoped3A_165 : memref<!tpu.dma_semaphore, #tpu.memory_space<semaphore_mem>>) src(%dma_wait3A_179 : memref<128x64xf32, #tpu.memory_space<vmem>>) dst(%dma_wait3A_185 : memref<10240x64xf32, #tpu.memory_space<vmem_shared>>)
      tpu.yield
    }) : () -> ()
    %barrier3A_164 = arith.constant 0 : index
    tpu.barrier barrier_id(%barrier3A_164)
    "tpu.region"() ({
      %run_scoped3A_165 = tpu.sem_alloc : memref<!tpu.dma_semaphore, #tpu.memory_space<semaphore_mem>>
      %dma_start3A_166 = tpu.memref_slice %arg5[%mul3A_0, %mul3A_2] : memref<10240x128xf32, #tpu.memory_space<hbm>> -> memref<640x64xf32, #tpu.memory_space<hbm>>
      %dma_start3A_167 = arith.constant 0 : i32
      %dma_start3A_168 = tpu.memref_slice %arg10[%mul3A_0, %dma_start3A_167] : memref<10240x64xf32, #tpu.memory_space<vmem_shared>> -> memref<640x64xf32, #tpu.memory_space<vmem_shared>>
      tpu.enqueue_dma source(%dma_start3A_168 : memref<640x64xf32, #tpu.memory_space<vmem_shared>>) target(%dma_start3A_166 : memref<640x64xf32, #tpu.memory_space<hbm>>) target_semaphore(%run_scoped3A_165 : memref<!tpu.dma_semaphore, #tpu.memory_space<semaphore_mem>>)
      %dma_wait3A_169 = tpu.memref_slice %arg5[%mul3A_0, %mul3A_2] : memref<10240x128xf32, #tpu.memory_space<hbm>> -> memref<640x64xf32, #tpu.memory_space<hbm>>
      %dma_wait3A_170 = arith.constant 0 : i32
      %dma_wait3A_171 = tpu.memref_slice %arg10[%mul3A_0, %dma_wait3A_170] : memref<10240x64xf32, #tpu.memory_space<vmem_shared>> -> memref<640x64xf32, #tpu.memory_space<vmem_shared>>
      tpu.wait_dma2 semaphore(%run_scoped3A_165 : memref<!tpu.dma_semaphore, #tpu.memory_space<semaphore_mem>>) src(%dma_wait3A_171 : memref<640x64xf32, #tpu.memory_space<vmem_shared>>) dst(%dma_wait3A_169 : memref<640x64xf32, #tpu.memory_space<hbm>>)
      tpu.yield
    }) : () -> ()
    return
  }
}

#map = affine_map<(d0, d1) -> (0, 0)>
#map1 = affine_map<(d0, d1) -> (0, 0, 0)>
module attributes {stable_mosaic.version = 14 : i64} {
  func.func @agg(%arg0: i32, %arg1: i32, %arg2: memref<10240x128xf32, #tpu.memory_space<hbm>>, %arg3: memref<16x160x128xi32, #tpu.memory_space<hbm>>, %arg4: memref<16x160x128xi32, #tpu.memory_space<hbm>>, %arg5: memref<10240x128xf32, #tpu.memory_space<hbm>>, %arg6: memref<80x128xi32, #tpu.memory_space<vmem>>, %arg7: memref<80x128xi32, #tpu.memory_space<vmem>>, %arg8: memref<2x128x64xf32, #tpu.memory_space<vmem>>, %arg9: memref<10240x64xf32, #tpu.memory_space<vmem_shared>>, %arg10: memref<10240x64xf32, #tpu.memory_space<vmem_shared>>, %arg11: memref<2x!tpu.dma_semaphore, #tpu.memory_space<semaphore_mem>>) attributes {dimension_semantics = [#tpu.dimension_semantics<core_parallel>, #tpu.dimension_semantics<subcore_parallel>], iteration_bounds = array<i64: 2, 16>, scalar_prefetch = 0 : i64, scratch_operands = 6 : i64, tpu.core_type = #tpu.core_type<sc_vector_subcore>, window_params = [{transform_indices = #map}, {transform_indices = #map1}, {transform_indices = #map1}, {transform_indices = #map}]} {
    %mul3A = arith.constant 640 : i32
    %mul3A_0 = arith.muli %arg1, %mul3A : i32
    %mul3A_1 = arith.constant 64 : i32
    %mul3A_2 = arith.muli %arg0, %mul3A_1 : i32
    "tpu.region"() ({
      %run_scoped3A_165 = tpu.sem_alloc : memref<!tpu.dma_semaphore, #tpu.memory_space<semaphore_mem>>
      %dma_start3A_166 = arith.constant 0 : i32
      %dma_start3A_167 = tpu.memref_slice %arg9[%mul3A_0, %dma_start3A_166] : memref<10240x64xf32, #tpu.memory_space<vmem_shared>> -> memref<640x64xf32, #tpu.memory_space<vmem_shared>>
      %dma_start3A_168 = tpu.memref_slice %arg2[%mul3A_0, %mul3A_2] : memref<10240x128xf32, #tpu.memory_space<hbm>> -> memref<640x64xf32, #tpu.memory_space<hbm>>
      tpu.enqueue_dma source(%dma_start3A_168 : memref<640x64xf32, #tpu.memory_space<hbm>>) target(%dma_start3A_167 : memref<640x64xf32, #tpu.memory_space<vmem_shared>>) target_semaphore(%run_scoped3A_165 : memref<!tpu.dma_semaphore, #tpu.memory_space<semaphore_mem>>)
      %dma_wait3A_169 = arith.constant 0 : i32
      %dma_wait3A_170 = tpu.memref_slice %arg9[%mul3A_0, %dma_wait3A_169] : memref<10240x64xf32, #tpu.memory_space<vmem_shared>> -> memref<640x64xf32, #tpu.memory_space<vmem_shared>>
      %dma_wait3A_171 = tpu.memref_slice %arg2[%mul3A_0, %mul3A_2] : memref<10240x128xf32, #tpu.memory_space<hbm>> -> memref<640x64xf32, #tpu.memory_space<hbm>>
      tpu.wait_dma2 semaphore(%run_scoped3A_165 : memref<!tpu.dma_semaphore, #tpu.memory_space<semaphore_mem>>) src(%dma_wait3A_171 : memref<640x64xf32, #tpu.memory_space<hbm>>) dst(%dma_wait3A_170 : memref<640x64xf32, #tpu.memory_space<vmem_shared>>)
      tpu.yield
    }) : () -> ()
    %broadcast_in_dim3A = arith.constant 0.000000e+00 : f32
    %broadcast_in_dim3A_3 = vector.broadcast %broadcast_in_dim3A : f32 to vector<16xf32>
    %scan3A = arith.constant 0 : i32
    %scan3A_4 = arith.constant 0 : i32
    %scan3A_5 = arith.constant 0 : i32
    %scan3A_6 = arith.constant 128 : i32
    %scan3A_7 = arith.addi %scan3A_5, %scan3A_6 : i32
    %scan3A_8 = arith.constant 1 : i32
    %scan3A_9 = scf.for %scan3A_165 = %scan3A_5 to %scan3A_7 step %scan3A_8 iter_args(%scan3A_166 = %scan3A_4) -> (i32)  : i32 {
      %swap3A = arith.constant 0 : i32
      %swap3A_167 = arith.constant 0 : i32
      %swap3A_168 = tpu.memref_slice %arg8[%scan3A, %swap3A, %swap3A_167] : memref<2x128x64xf32, #tpu.memory_space<vmem>> -> memref<1x128x64xf32, #tpu.memory_space<vmem>>
      %swap3A_169 = tpu.memref_squeeze %swap3A_168 : memref<1x128x64xf32, #tpu.memory_space<vmem>> -> memref<128x64xf32, #tpu.memory_space<vmem>>
      %swap3A_170 = arith.index_cast %scan3A_165 : i32 to index
      %swap3A_171 = arith.constant 0 : index
      %swap3A_172 = tpu.vector_load %swap3A_169[%swap3A_170, %swap3A_171] {strides = array<i32>} : memref<128x64xf32, #tpu.memory_space<vmem>>, vector<1x16xf32>,
      %swap3A_173 = vector.shape_cast %swap3A_172 : vector<1x16xf32> to vector<16xf32>
      %swap3A_174 = vector.shape_cast %broadcast_in_dim3A_3 : vector<16xf32> to vector<1x16xf32>
      tpu.vector_store %swap3A_169[%swap3A_170, %swap3A_171], %swap3A_174 {strides = array<i32>} : memref<128x64xf32, #tpu.memory_space<vmem>>, vector<1x16xf32>,
      %swap3A_175 = arith.constant 0 : i32
      %swap3A_176 = arith.constant 0 : i32
      %swap3A_177 = tpu.memref_slice %arg8[%scan3A, %swap3A_175, %swap3A_176] : memref<2x128x64xf32, #tpu.memory_space<vmem>> -> memref<1x128x64xf32, #tpu.memory_space<vmem>>
      %swap3A_178 = tpu.memref_squeeze %swap3A_177 : memref<1x128x64xf32, #tpu.memory_space<vmem>> -> memref<128x64xf32, #tpu.memory_space<vmem>>
      %swap3A_179 = arith.index_cast %scan3A_165 : i32 to index
      %swap3A_180 = arith.constant 16 : index
      %swap3A_181 = tpu.vector_load %swap3A_178[%swap3A_179, %swap3A_180] {strides = array<i32>} : memref<128x64xf32, #tpu.memory_space<vmem>>, vector<1x16xf32>,
      %swap3A_182 = vector.shape_cast %swap3A_181 : vector<1x16xf32> to vector<16xf32>
      %swap3A_183 = vector.shape_cast %broadcast_in_dim3A_3 : vector<16xf32> to vector<1x16xf32>
      tpu.vector_store %swap3A_178[%swap3A_179, %swap3A_180], %swap3A_183 {strides = array<i32>} : memref<128x64xf32, #tpu.memory_space<vmem>>, vector<1x16xf32>,
      %swap3A_184 = arith.constant 0 : i32
      %swap3A_185 = arith.constant 0 : i32
      %swap3A_186 = tpu.memref_slice %arg8[%scan3A, %swap3A_184, %swap3A_185] : memref<2x128x64xf32, #tpu.memory_space<vmem>> -> memref<1x128x64xf32, #tpu.memory_space<vmem>>
      %swap3A_187 = tpu.memref_squeeze %swap3A_186 : memref<1x128x64xf32, #tpu.memory_space<vmem>> -> memref<128x64xf32, #tpu.memory_space<vmem>>
      %swap3A_188 = arith.index_cast %scan3A_165 : i32 to index
      %swap3A_189 = arith.constant 32 : index
      %swap3A_190 = tpu.vector_load %swap3A_187[%swap3A_188, %swap3A_189] {strides = array<i32>} : memref<128x64xf32, #tpu.memory_space<vmem>>, vector<1x16xf32>,
      %swap3A_191 = vector.shape_cast %swap3A_190 : vector<1x16xf32> to vector<16xf32>
      %swap3A_192 = vector.shape_cast %broadcast_in_dim3A_3 : vector<16xf32> to vector<1x16xf32>
      tpu.vector_store %swap3A_187[%swap3A_188, %swap3A_189], %swap3A_192 {strides = array<i32>} : memref<128x64xf32, #tpu.memory_space<vmem>>, vector<1x16xf32>,
      %swap3A_193 = arith.constant 0 : i32
      %swap3A_194 = arith.constant 0 : i32
      %swap3A_195 = tpu.memref_slice %arg8[%scan3A, %swap3A_193, %swap3A_194] : memref<2x128x64xf32, #tpu.memory_space<vmem>> -> memref<1x128x64xf32, #tpu.memory_space<vmem>>
      %swap3A_196 = tpu.memref_squeeze %swap3A_195 : memref<1x128x64xf32, #tpu.memory_space<vmem>> -> memref<128x64xf32, #tpu.memory_space<vmem>>
      %swap3A_197 = arith.index_cast %scan3A_165 : i32 to index
      %swap3A_198 = arith.constant 48 : index
      %swap3A_199 = tpu.vector_load %swap3A_196[%swap3A_197, %swap3A_198] {strides = array<i32>} : memref<128x64xf32, #tpu.memory_space<vmem>>, vector<1x16xf32>,
      %swap3A_200 = vector.shape_cast %swap3A_199 : vector<1x16xf32> to vector<16xf32>
      %swap3A_201 = vector.shape_cast %broadcast_in_dim3A_3 : vector<16xf32> to vector<1x16xf32>
      tpu.vector_store %swap3A_196[%swap3A_197, %swap3A_198], %swap3A_201 {strides = array<i32>} : memref<128x64xf32, #tpu.memory_space<vmem>>, vector<1x16xf32>,
      %scan3A_202 = arith.constant 0 : i32
      scf.yield %scan3A_202 : i32
    }
    %scan3A_10 = arith.constant 128 : i32
    %add3A = arith.constant 0 : i32
    %add3A_11 = arith.addi %mul3A_0, %add3A : i32
    %run_scoped3A = arith.constant 0 : i32
    "tpu.region"() ({
      %run_scoped3A_165 = tpu.sem_alloc : memref<!tpu.dma_semaphore, #tpu.memory_space<semaphore_mem>>
      %dma_start3A_166 = arith.constant 0 : i32
      %dma_start3A_167 = arith.constant 0 : i32
      %dma_start3A_168 = tpu.memref_slice %arg8[%run_scoped3A, %dma_start3A_166, %dma_start3A_167] : memref<2x128x64xf32, #tpu.memory_space<vmem>> -> memref<1x128x64xf32, #tpu.memory_space<vmem>>
      %dma_start3A_169 = tpu.memref_squeeze %dma_start3A_168 : memref<1x128x64xf32, #tpu.memory_space<vmem>> -> memref<128x64xf32, #tpu.memory_space<vmem>>
      %dma_start3A_170 = arith.constant 0 : i32
      %dma_start3A_171 = tpu.memref_slice %arg10[%add3A_11, %dma_start3A_170] : memref<10240x64xf32, #tpu.memory_space<vmem_shared>> -> memref<128x64xf32, #tpu.memory_space<vmem_shared>>
      %dma_start3A_172 = arith.constant 0 : i32
      %dma_start3A_173 = tpu.memref_slice %arg10[%add3A_11, %dma_start3A_172] : memref<10240x64xf32, #tpu.memory_space<vmem_shared>> -> memref<128x64xf32, #tpu.memory_space<vmem_shared>>
      %dma_start3A_174 = arith.constant 0 : i32
      %dma_start3A_175 = arith.constant 0 : i32
      %dma_start3A_176 = tpu.memref_slice %arg8[%run_scoped3A, %dma_start3A_174, %dma_start3A_175] : memref<2x128x64xf32, #tpu.memory_space<vmem>> -> memref<1x128x64xf32, #tpu.memory_space<vmem>>
      %dma_start3A_177 = tpu.memref_squeeze %dma_start3A_176 : memref<1x128x64xf32, #tpu.memory_space<vmem>> -> memref<128x64xf32, #tpu.memory_space<vmem>>
      tpu.enqueue_dma source(%dma_start3A_177 : memref<128x64xf32, #tpu.memory_space<vmem>>) target(%dma_start3A_173 : memref<128x64xf32, #tpu.memory_space<vmem_shared>>) target_semaphore(%run_scoped3A_165 : memref<!tpu.dma_semaphore, #tpu.memory_space<semaphore_mem>>)
      %dma_wait3A_178 = arith.constant 0 : i32
      %dma_wait3A_179 = arith.constant 0 : i32
      %dma_wait3A_180 = tpu.memref_slice %arg8[%run_scoped3A, %dma_wait3A_178, %dma_wait3A_179] : memref<2x128x64xf32, #tpu.memory_space<vmem>> -> memref<1x128x64xf32, #tpu.memory_space<vmem>>
      %dma_wait3A_181 = tpu.memref_squeeze %dma_wait3A_180 : memref<1x128x64xf32, #tpu.memory_space<vmem>> -> memref<128x64xf32, #tpu.memory_space<vmem>>
      %dma_wait3A_182 = arith.constant 0 : i32
      %dma_wait3A_183 = tpu.memref_slice %arg10[%add3A_11, %dma_wait3A_182] : memref<10240x64xf32, #tpu.memory_space<vmem_shared>> -> memref<128x64xf32, #tpu.memory_space<vmem_shared>>
      %dma_wait3A_184 = arith.constant 0 : i32
      %dma_wait3A_185 = tpu.memref_slice %arg10[%add3A_11, %dma_wait3A_184] : memref<10240x64xf32, #tpu.memory_space<vmem_shared>> -> memref<128x64xf32, #tpu.memory_space<vmem_shared>>
      %dma_wait3A_186 = arith.constant 0 : i32
      %dma_wait3A_187 = arith.constant 0 : i32
      %dma_wait3A_188 = tpu.memref_slice %arg8[%run_scoped3A, %dma_wait3A_186, %dma_wait3A_187] : memref<2x128x64xf32, #tpu.memory_space<vmem>> -> memref<1x128x64xf32, #tpu.memory_space<vmem>>
      %dma_wait3A_189 = tpu.memref_squeeze %dma_wait3A_188 : memref<1x128x64xf32, #tpu.memory_space<vmem>> -> memref<128x64xf32, #tpu.memory_space<vmem>>
      tpu.wait_dma2 semaphore(%run_scoped3A_165 : memref<!tpu.dma_semaphore, #tpu.memory_space<semaphore_mem>>) src(%dma_wait3A_189 : memref<128x64xf32, #tpu.memory_space<vmem>>) dst(%dma_wait3A_185 : memref<128x64xf32, #tpu.memory_space<vmem_shared>>)
      tpu.yield
    }) : () -> ()
    %add3A_12 = arith.constant 128 : i32
    %add3A_13 = arith.addi %mul3A_0, %add3A_12 : i32
    %run_scoped3A_14 = arith.constant 0 : i32
    "tpu.region"() ({
      %run_scoped3A_165 = tpu.sem_alloc : memref<!tpu.dma_semaphore, #tpu.memory_space<semaphore_mem>>
      %dma_start3A_166 = arith.constant 0 : i32
      %dma_start3A_167 = arith.constant 0 : i32
      %dma_start3A_168 = tpu.memref_slice %arg8[%run_scoped3A_14, %dma_start3A_166, %dma_start3A_167] : memref<2x128x64xf32, #tpu.memory_space<vmem>> -> memref<1x128x64xf32, #tpu.memory_space<vmem>>
      %dma_start3A_169 = tpu.memref_squeeze %dma_start3A_168 : memref<1x128x64xf32, #tpu.memory_space<vmem>> -> memref<128x64xf32, #tpu.memory_space<vmem>>
      %dma_start3A_170 = arith.constant 0 : i32
      %dma_start3A_171 = tpu.memref_slice %arg10[%add3A_13, %dma_start3A_170] : memref<10240x64xf32, #tpu.memory_space<vmem_shared>> -> memref<128x64xf32, #tpu.memory_space<vmem_shared>>
      %dma_start3A_172 = arith.constant 0 : i32
      %dma_start3A_173 = tpu.memref_slice %arg10[%add3A_13, %dma_start3A_172] : memref<10240x64xf32, #tpu.memory_space<vmem_shared>> -> memref<128x64xf32, #tpu.memory_space<vmem_shared>>
      %dma_start3A_174 = arith.constant 0 : i32
      %dma_start3A_175 = arith.constant 0 : i32
      %dma_start3A_176 = tpu.memref_slice %arg8[%run_scoped3A_14, %dma_start3A_174, %dma_start3A_175] : memref<2x128x64xf32, #tpu.memory_space<vmem>> -> memref<1x128x64xf32, #tpu.memory_space<vmem>>
      %dma_start3A_177 = tpu.memref_squeeze %dma_start3A_176 : memref<1x128x64xf32, #tpu.memory_space<vmem>> -> memref<128x64xf32, #tpu.memory_space<vmem>>
      tpu.enqueue_dma source(%dma_start3A_177 : memref<128x64xf32, #tpu.memory_space<vmem>>) target(%dma_start3A_173 : memref<128x64xf32, #tpu.memory_space<vmem_shared>>) target_semaphore(%run_scoped3A_165 : memref<!tpu.dma_semaphore, #tpu.memory_space<semaphore_mem>>)
      %dma_wait3A_178 = arith.constant 0 : i32
      %dma_wait3A_179 = arith.constant 0 : i32
      %dma_wait3A_180 = tpu.memref_slice %arg8[%run_scoped3A_14, %dma_wait3A_178, %dma_wait3A_179] : memref<2x128x64xf32, #tpu.memory_space<vmem>> -> memref<1x128x64xf32, #tpu.memory_space<vmem>>
      %dma_wait3A_181 = tpu.memref_squeeze %dma_wait3A_180 : memref<1x128x64xf32, #tpu.memory_space<vmem>> -> memref<128x64xf32, #tpu.memory_space<vmem>>
      %dma_wait3A_182 = arith.constant 0 : i32
      %dma_wait3A_183 = tpu.memref_slice %arg10[%add3A_13, %dma_wait3A_182] : memref<10240x64xf32, #tpu.memory_space<vmem_shared>> -> memref<128x64xf32, #tpu.memory_space<vmem_shared>>
      %dma_wait3A_184 = arith.constant 0 : i32
      %dma_wait3A_185 = tpu.memref_slice %arg10[%add3A_13, %dma_wait3A_184] : memref<10240x64xf32, #tpu.memory_space<vmem_shared>> -> memref<128x64xf32, #tpu.memory_space<vmem_shared>>
      %dma_wait3A_186 = arith.constant 0 : i32
      %dma_wait3A_187 = arith.constant 0 : i32
      %dma_wait3A_188 = tpu.memref_slice %arg8[%run_scoped3A_14, %dma_wait3A_186, %dma_wait3A_187] : memref<2x128x64xf32, #tpu.memory_space<vmem>> -> memref<1x128x64xf32, #tpu.memory_space<vmem>>
      %dma_wait3A_189 = tpu.memref_squeeze %dma_wait3A_188 : memref<1x128x64xf32, #tpu.memory_space<vmem>> -> memref<128x64xf32, #tpu.memory_space<vmem>>
      tpu.wait_dma2 semaphore(%run_scoped3A_165 : memref<!tpu.dma_semaphore, #tpu.memory_space<semaphore_mem>>) src(%dma_wait3A_189 : memref<128x64xf32, #tpu.memory_space<vmem>>) dst(%dma_wait3A_185 : memref<128x64xf32, #tpu.memory_space<vmem_shared>>)
      tpu.yield
    }) : () -> ()
    %add3A_15 = arith.constant 256 : i32
    %add3A_16 = arith.addi %mul3A_0, %add3A_15 : i32
    %run_scoped3A_17 = arith.constant 0 : i32
    "tpu.region"() ({
      %run_scoped3A_165 = tpu.sem_alloc : memref<!tpu.dma_semaphore, #tpu.memory_space<semaphore_mem>>
      %dma_start3A_166 = arith.constant 0 : i32
      %dma_start3A_167 = arith.constant 0 : i32
      %dma_start3A_168 = tpu.memref_slice %arg8[%run_scoped3A_17, %dma_start3A_166, %dma_start3A_167] : memref<2x128x64xf32, #tpu.memory_space<vmem>> -> memref<1x128x64xf32, #tpu.memory_space<vmem>>
      %dma_start3A_169 = tpu.memref_squeeze %dma_start3A_168 : memref<1x128x64xf32, #tpu.memory_space<vmem>> -> memref<128x64xf32, #tpu.memory_space<vmem>>
      %dma_start3A_170 = arith.constant 0 : i32
      %dma_start3A_171 = tpu.memref_slice %arg10[%add3A_16, %dma_start3A_170] : memref<10240x64xf32, #tpu.memory_space<vmem_shared>> -> memref<128x64xf32, #tpu.memory_space<vmem_shared>>
      %dma_start3A_172 = arith.constant 0 : i32
      %dma_start3A_173 = tpu.memref_slice %arg10[%add3A_16, %dma_start3A_172] : memref<10240x64xf32, #tpu.memory_space<vmem_shared>> -> memref<128x64xf32, #tpu.memory_space<vmem_shared>>
      %dma_start3A_174 = arith.constant 0 : i32
      %dma_start3A_175 = arith.constant 0 : i32
      %dma_start3A_176 = tpu.memref_slice %arg8[%run_scoped3A_17, %dma_start3A_174, %dma_start3A_175] : memref<2x128x64xf32, #tpu.memory_space<vmem>> -> memref<1x128x64xf32, #tpu.memory_space<vmem>>
      %dma_start3A_177 = tpu.memref_squeeze %dma_start3A_176 : memref<1x128x64xf32, #tpu.memory_space<vmem>> -> memref<128x64xf32, #tpu.memory_space<vmem>>
      tpu.enqueue_dma source(%dma_start3A_177 : memref<128x64xf32, #tpu.memory_space<vmem>>) target(%dma_start3A_173 : memref<128x64xf32, #tpu.memory_space<vmem_shared>>) target_semaphore(%run_scoped3A_165 : memref<!tpu.dma_semaphore, #tpu.memory_space<semaphore_mem>>)
      %dma_wait3A_178 = arith.constant 0 : i32
      %dma_wait3A_179 = arith.constant 0 : i32
      %dma_wait3A_180 = tpu.memref_slice %arg8[%run_scoped3A_17, %dma_wait3A_178, %dma_wait3A_179] : memref<2x128x64xf32, #tpu.memory_space<vmem>> -> memref<1x128x64xf32, #tpu.memory_space<vmem>>
      %dma_wait3A_181 = tpu.memref_squeeze %dma_wait3A_180 : memref<1x128x64xf32, #tpu.memory_space<vmem>> -> memref<128x64xf32, #tpu.memory_space<vmem>>
      %dma_wait3A_182 = arith.constant 0 : i32
      %dma_wait3A_183 = tpu.memref_slice %arg10[%add3A_16, %dma_wait3A_182] : memref<10240x64xf32, #tpu.memory_space<vmem_shared>> -> memref<128x64xf32, #tpu.memory_space<vmem_shared>>
      %dma_wait3A_184 = arith.constant 0 : i32
      %dma_wait3A_185 = tpu.memref_slice %arg10[%add3A_16, %dma_wait3A_184] : memref<10240x64xf32, #tpu.memory_space<vmem_shared>> -> memref<128x64xf32, #tpu.memory_space<vmem_shared>>
      %dma_wait3A_186 = arith.constant 0 : i32
      %dma_wait3A_187 = arith.constant 0 : i32
      %dma_wait3A_188 = tpu.memref_slice %arg8[%run_scoped3A_17, %dma_wait3A_186, %dma_wait3A_187] : memref<2x128x64xf32, #tpu.memory_space<vmem>> -> memref<1x128x64xf32, #tpu.memory_space<vmem>>
      %dma_wait3A_189 = tpu.memref_squeeze %dma_wait3A_188 : memref<1x128x64xf32, #tpu.memory_space<vmem>> -> memref<128x64xf32, #tpu.memory_space<vmem>>
      tpu.wait_dma2 semaphore(%run_scoped3A_165 : memref<!tpu.dma_semaphore, #tpu.memory_space<semaphore_mem>>) src(%dma_wait3A_189 : memref<128x64xf32, #tpu.memory_space<vmem>>) dst(%dma_wait3A_185 : memref<128x64xf32, #tpu.memory_space<vmem_shared>>)
      tpu.yield
    }) : () -> ()
    %add3A_18 = arith.constant 384 : i32
    %add3A_19 = arith.addi %mul3A_0, %add3A_18 : i32
    %run_scoped3A_20 = arith.constant 0 : i32
    "tpu.region"() ({
      %run_scoped3A_165 = tpu.sem_alloc : memref<!tpu.dma_semaphore, #tpu.memory_space<semaphore_mem>>
      %dma_start3A_166 = arith.constant 0 : i32
      %dma_start3A_167 = arith.constant 0 : i32
      %dma_start3A_168 = tpu.memref_slice %arg8[%run_scoped3A_20, %dma_start3A_166, %dma_start3A_167] : memref<2x128x64xf32, #tpu.memory_space<vmem>> -> memref<1x128x64xf32, #tpu.memory_space<vmem>>
      %dma_start3A_169 = tpu.memref_squeeze %dma_start3A_168 : memref<1x128x64xf32, #tpu.memory_space<vmem>> -> memref<128x64xf32, #tpu.memory_space<vmem>>
      %dma_start3A_170 = arith.constant 0 : i32
      %dma_start3A_171 = tpu.memref_slice %arg10[%add3A_19, %dma_start3A_170] : memref<10240x64xf32, #tpu.memory_space<vmem_shared>> -> memref<128x64xf32, #tpu.memory_space<vmem_shared>>
      %dma_start3A_172 = arith.constant 0 : i32
      %dma_start3A_173 = tpu.memref_slice %arg10[%add3A_19, %dma_start3A_172] : memref<10240x64xf32, #tpu.memory_space<vmem_shared>> -> memref<128x64xf32, #tpu.memory_space<vmem_shared>>
      %dma_start3A_174 = arith.constant 0 : i32
      %dma_start3A_175 = arith.constant 0 : i32
      %dma_start3A_176 = tpu.memref_slice %arg8[%run_scoped3A_20, %dma_start3A_174, %dma_start3A_175] : memref<2x128x64xf32, #tpu.memory_space<vmem>> -> memref<1x128x64xf32, #tpu.memory_space<vmem>>
      %dma_start3A_177 = tpu.memref_squeeze %dma_start3A_176 : memref<1x128x64xf32, #tpu.memory_space<vmem>> -> memref<128x64xf32, #tpu.memory_space<vmem>>
      tpu.enqueue_dma source(%dma_start3A_177 : memref<128x64xf32, #tpu.memory_space<vmem>>) target(%dma_start3A_173 : memref<128x64xf32, #tpu.memory_space<vmem_shared>>) target_semaphore(%run_scoped3A_165 : memref<!tpu.dma_semaphore, #tpu.memory_space<semaphore_mem>>)
      %dma_wait3A_178 = arith.constant 0 : i32
      %dma_wait3A_179 = arith.constant 0 : i32
      %dma_wait3A_180 = tpu.memref_slice %arg8[%run_scoped3A_20, %dma_wait3A_178, %dma_wait3A_179] : memref<2x128x64xf32, #tpu.memory_space<vmem>> -> memref<1x128x64xf32, #tpu.memory_space<vmem>>
      %dma_wait3A_181 = tpu.memref_squeeze %dma_wait3A_180 : memref<1x128x64xf32, #tpu.memory_space<vmem>> -> memref<128x64xf32, #tpu.memory_space<vmem>>
      %dma_wait3A_182 = arith.constant 0 : i32
      %dma_wait3A_183 = tpu.memref_slice %arg10[%add3A_19, %dma_wait3A_182] : memref<10240x64xf32, #tpu.memory_space<vmem_shared>> -> memref<128x64xf32, #tpu.memory_space<vmem_shared>>
      %dma_wait3A_184 = arith.constant 0 : i32
      %dma_wait3A_185 = tpu.memref_slice %arg10[%add3A_19, %dma_wait3A_184] : memref<10240x64xf32, #tpu.memory_space<vmem_shared>> -> memref<128x64xf32, #tpu.memory_space<vmem_shared>>
      %dma_wait3A_186 = arith.constant 0 : i32
      %dma_wait3A_187 = arith.constant 0 : i32
      %dma_wait3A_188 = tpu.memref_slice %arg8[%run_scoped3A_20, %dma_wait3A_186, %dma_wait3A_187] : memref<2x128x64xf32, #tpu.memory_space<vmem>> -> memref<1x128x64xf32, #tpu.memory_space<vmem>>
      %dma_wait3A_189 = tpu.memref_squeeze %dma_wait3A_188 : memref<1x128x64xf32, #tpu.memory_space<vmem>> -> memref<128x64xf32, #tpu.memory_space<vmem>>
      tpu.wait_dma2 semaphore(%run_scoped3A_165 : memref<!tpu.dma_semaphore, #tpu.memory_space<semaphore_mem>>) src(%dma_wait3A_189 : memref<128x64xf32, #tpu.memory_space<vmem>>) dst(%dma_wait3A_185 : memref<128x64xf32, #tpu.memory_space<vmem_shared>>)
      tpu.yield
    }) : () -> ()
    %add3A_21 = arith.constant 512 : i32
    %add3A_22 = arith.addi %mul3A_0, %add3A_21 : i32
    %run_scoped3A_23 = arith.constant 0 : i32
    "tpu.region"() ({
      %run_scoped3A_165 = tpu.sem_alloc : memref<!tpu.dma_semaphore, #tpu.memory_space<semaphore_mem>>
      %dma_start3A_166 = arith.constant 0 : i32
      %dma_start3A_167 = arith.constant 0 : i32
      %dma_start3A_168 = tpu.memref_slice %arg8[%run_scoped3A_23, %dma_start3A_166, %dma_start3A_167] : memref<2x128x64xf32, #tpu.memory_space<vmem>> -> memref<1x128x64xf32, #tpu.memory_space<vmem>>
      %dma_start3A_169 = tpu.memref_squeeze %dma_start3A_168 : memref<1x128x64xf32, #tpu.memory_space<vmem>> -> memref<128x64xf32, #tpu.memory_space<vmem>>
      %dma_start3A_170 = arith.constant 0 : i32
      %dma_start3A_171 = tpu.memref_slice %arg10[%add3A_22, %dma_start3A_170] : memref<10240x64xf32, #tpu.memory_space<vmem_shared>> -> memref<128x64xf32, #tpu.memory_space<vmem_shared>>
      %dma_start3A_172 = arith.constant 0 : i32
      %dma_start3A_173 = tpu.memref_slice %arg10[%add3A_22, %dma_start3A_172] : memref<10240x64xf32, #tpu.memory_space<vmem_shared>> -> memref<128x64xf32, #tpu.memory_space<vmem_shared>>
      %dma_start3A_174 = arith.constant 0 : i32
      %dma_start3A_175 = arith.constant 0 : i32
      %dma_start3A_176 = tpu.memref_slice %arg8[%run_scoped3A_23, %dma_start3A_174, %dma_start3A_175] : memref<2x128x64xf32, #tpu.memory_space<vmem>> -> memref<1x128x64xf32, #tpu.memory_space<vmem>>
      %dma_start3A_177 = tpu.memref_squeeze %dma_start3A_176 : memref<1x128x64xf32, #tpu.memory_space<vmem>> -> memref<128x64xf32, #tpu.memory_space<vmem>>
      tpu.enqueue_dma source(%dma_start3A_177 : memref<128x64xf32, #tpu.memory_space<vmem>>) target(%dma_start3A_173 : memref<128x64xf32, #tpu.memory_space<vmem_shared>>) target_semaphore(%run_scoped3A_165 : memref<!tpu.dma_semaphore, #tpu.memory_space<semaphore_mem>>)
      %dma_wait3A_178 = arith.constant 0 : i32
      %dma_wait3A_179 = arith.constant 0 : i32
      %dma_wait3A_180 = tpu.memref_slice %arg8[%run_scoped3A_23, %dma_wait3A_178, %dma_wait3A_179] : memref<2x128x64xf32, #tpu.memory_space<vmem>> -> memref<1x128x64xf32, #tpu.memory_space<vmem>>
      %dma_wait3A_181 = tpu.memref_squeeze %dma_wait3A_180 : memref<1x128x64xf32, #tpu.memory_space<vmem>> -> memref<128x64xf32, #tpu.memory_space<vmem>>
      %dma_wait3A_182 = arith.constant 0 : i32
      %dma_wait3A_183 = tpu.memref_slice %arg10[%add3A_22, %dma_wait3A_182] : memref<10240x64xf32, #tpu.memory_space<vmem_shared>> -> memref<128x64xf32, #tpu.memory_space<vmem_shared>>
      %dma_wait3A_184 = arith.constant 0 : i32
      %dma_wait3A_185 = tpu.memref_slice %arg10[%add3A_22, %dma_wait3A_184] : memref<10240x64xf32, #tpu.memory_space<vmem_shared>> -> memref<128x64xf32, #tpu.memory_space<vmem_shared>>
      %dma_wait3A_186 = arith.constant 0 : i32
      %dma_wait3A_187 = arith.constant 0 : i32
      %dma_wait3A_188 = tpu.memref_slice %arg8[%run_scoped3A_23, %dma_wait3A_186, %dma_wait3A_187] : memref<2x128x64xf32, #tpu.memory_space<vmem>> -> memref<1x128x64xf32, #tpu.memory_space<vmem>>
      %dma_wait3A_189 = tpu.memref_squeeze %dma_wait3A_188 : memref<1x128x64xf32, #tpu.memory_space<vmem>> -> memref<128x64xf32, #tpu.memory_space<vmem>>
      tpu.wait_dma2 semaphore(%run_scoped3A_165 : memref<!tpu.dma_semaphore, #tpu.memory_space<semaphore_mem>>) src(%dma_wait3A_189 : memref<128x64xf32, #tpu.memory_space<vmem>>) dst(%dma_wait3A_185 : memref<128x64xf32, #tpu.memory_space<vmem_shared>>)
      tpu.yield
    }) : () -> ()
    %barrier3A = arith.constant 0 : index
    tpu.barrier barrier_id(%barrier3A)
    "tpu.region"() ({
      %run_scoped3A_165 = tpu.sem_alloc : memref<!tpu.dma_semaphore, #tpu.memory_space<semaphore_mem>>
      %dma_start3A_166 = arith.constant 0 : i32
      %dma_start3A_167 = arith.constant 0 : i32
      %dma_start3A_168 = tpu.memref_slice %arg3[%arg1, %dma_start3A_166, %dma_start3A_167] : memref<16x160x128xi32, #tpu.memory_space<hbm>> -> memref<1x80x128xi32, #tpu.memory_space<hbm>>
      %dma_start3A_169 = tpu.memref_squeeze %dma_start3A_168 : memref<1x80x128xi32, #tpu.memory_space<hbm>> -> memref<80x128xi32, #tpu.memory_space<hbm>>
      %dma_start3A_170 = arith.constant 0 : i32
      %dma_start3A_171 = arith.constant 0 : i32
      %dma_start3A_172 = tpu.memref_slice %arg3[%arg1, %dma_start3A_170, %dma_start3A_171] : memref<16x160x128xi32, #tpu.memory_space<hbm>> -> memref<1x80x128xi32, #tpu.memory_space<hbm>>
      %dma_start3A_173 = tpu.memref_squeeze %dma_start3A_172 : memref<1x80x128xi32, #tpu.memory_space<hbm>> -> memref<80x128xi32, #tpu.memory_space<hbm>>
      tpu.enqueue_dma source(%dma_start3A_173 : memref<80x128xi32, #tpu.memory_space<hbm>>) target(%arg6 : memref<80x128xi32, #tpu.memory_space<vmem>>) target_semaphore(%run_scoped3A_165 : memref<!tpu.dma_semaphore, #tpu.memory_space<semaphore_mem>>)
      %dma_wait3A_174 = arith.constant 0 : i32
      %dma_wait3A_175 = arith.constant 0 : i32
      %dma_wait3A_176 = tpu.memref_slice %arg3[%arg1, %dma_wait3A_174, %dma_wait3A_175] : memref<16x160x128xi32, #tpu.memory_space<hbm>> -> memref<1x80x128xi32, #tpu.memory_space<hbm>>
      %dma_wait3A_177 = tpu.memref_squeeze %dma_wait3A_176 : memref<1x80x128xi32, #tpu.memory_space<hbm>> -> memref<80x128xi32, #tpu.memory_space<hbm>>
      %dma_wait3A_178 = arith.constant 0 : i32
      %dma_wait3A_179 = arith.constant 0 : i32
      %dma_wait3A_180 = tpu.memref_slice %arg3[%arg1, %dma_wait3A_178, %dma_wait3A_179] : memref<16x160x128xi32, #tpu.memory_space<hbm>> -> memref<1x80x128xi32, #tpu.memory_space<hbm>>
      %dma_wait3A_181 = tpu.memref_squeeze %dma_wait3A_180 : memref<1x80x128xi32, #tpu.memory_space<hbm>> -> memref<80x128xi32, #tpu.memory_space<hbm>>
      tpu.wait_dma2 semaphore(%run_scoped3A_165 : memref<!tpu.dma_semaphore, #tpu.memory_space<semaphore_mem>>) src(%dma_wait3A_181 : memref<80x128xi32, #tpu.memory_space<hbm>>) dst(%arg6 : memref<80x128xi32, #tpu.memory_space<vmem>>)
      tpu.yield
    }) : () -> ()
    "tpu.region"() ({
      %run_scoped3A_165 = tpu.sem_alloc : memref<!tpu.dma_semaphore, #tpu.memory_space<semaphore_mem>>
      %dma_start3A_166 = arith.constant 0 : i32
      %dma_start3A_167 = arith.constant 0 : i32
      %dma_start3A_168 = tpu.memref_slice %arg4[%arg1, %dma_start3A_166, %dma_start3A_167] : memref<16x160x128xi32, #tpu.memory_space<hbm>> -> memref<1x80x128xi32, #tpu.memory_space<hbm>>
      %dma_start3A_169 = tpu.memref_squeeze %dma_start3A_168 : memref<1x80x128xi32, #tpu.memory_space<hbm>> -> memref<80x128xi32, #tpu.memory_space<hbm>>
      %dma_start3A_170 = arith.constant 0 : i32
      %dma_start3A_171 = arith.constant 0 : i32
      %dma_start3A_172 = tpu.memref_slice %arg4[%arg1, %dma_start3A_170, %dma_start3A_171] : memref<16x160x128xi32, #tpu.memory_space<hbm>> -> memref<1x80x128xi32, #tpu.memory_space<hbm>>
      %dma_start3A_173 = tpu.memref_squeeze %dma_start3A_172 : memref<1x80x128xi32, #tpu.memory_space<hbm>> -> memref<80x128xi32, #tpu.memory_space<hbm>>
      tpu.enqueue_dma source(%dma_start3A_173 : memref<80x128xi32, #tpu.memory_space<hbm>>) target(%arg7 : memref<80x128xi32, #tpu.memory_space<vmem>>) target_semaphore(%run_scoped3A_165 : memref<!tpu.dma_semaphore, #tpu.memory_space<semaphore_mem>>)
      %dma_wait3A_174 = arith.constant 0 : i32
      %dma_wait3A_175 = arith.constant 0 : i32
      %dma_wait3A_176 = tpu.memref_slice %arg4[%arg1, %dma_wait3A_174, %dma_wait3A_175] : memref<16x160x128xi32, #tpu.memory_space<hbm>> -> memref<1x80x128xi32, #tpu.memory_space<hbm>>
      %dma_wait3A_177 = tpu.memref_squeeze %dma_wait3A_176 : memref<1x80x128xi32, #tpu.memory_space<hbm>> -> memref<80x128xi32, #tpu.memory_space<hbm>>
      %dma_wait3A_178 = arith.constant 0 : i32
      %dma_wait3A_179 = arith.constant 0 : i32
      %dma_wait3A_180 = tpu.memref_slice %arg4[%arg1, %dma_wait3A_178, %dma_wait3A_179] : memref<16x160x128xi32, #tpu.memory_space<hbm>> -> memref<1x80x128xi32, #tpu.memory_space<hbm>>
      %dma_wait3A_181 = tpu.memref_squeeze %dma_wait3A_180 : memref<1x80x128xi32, #tpu.memory_space<hbm>> -> memref<80x128xi32, #tpu.memory_space<hbm>>
      tpu.wait_dma2 semaphore(%run_scoped3A_165 : memref<!tpu.dma_semaphore, #tpu.memory_space<semaphore_mem>>) src(%dma_wait3A_181 : memref<80x128xi32, #tpu.memory_space<hbm>>) dst(%arg7 : memref<80x128xi32, #tpu.memory_space<vmem>>)
      tpu.yield
    }) : () -> ()
    %dma_start3A = arith.constant 0 : i32
    %dma_start3A_24 = arith.constant 0 : i32
    %dma_start3A_25 = arith.constant 0 : i32
    %dma_start3A_26 = arith.constant 0 : i32
    %dma_start3A_27 = arith.constant 0 : i32
    %dma_start3A_28 = tpu.memref_slice %arg8[%dma_start3A_24, %dma_start3A_26, %dma_start3A_27] : memref<2x128x64xf32, #tpu.memory_space<vmem>> -> memref<1x128x64xf32, #tpu.memory_space<vmem>>
    %dma_start3A_29 = tpu.memref_squeeze %dma_start3A_28 : memref<1x128x64xf32, #tpu.memory_space<vmem>> -> memref<128x64xf32, #tpu.memory_space<vmem>>
    %dma_start3A_30 = arith.constant 0 : i32
    %dma_start3A_31 = tpu.memref_slice %arg6[%dma_start3A, %dma_start3A_30] : memref<80x128xi32, #tpu.memory_space<vmem>> -> memref<1x128xi32, #tpu.memory_space<vmem>>
    %dma_start3A_32 = tpu.memref_squeeze %dma_start3A_31 : memref<1x128xi32, #tpu.memory_space<vmem>> -> memref<128xi32, #tpu.memory_space<vmem>>
    %dma_start3A_33 = arith.constant 0 : i32
    %dma_start3A_34 = arith.constant 0 : i32
    %dma_start3A_35 = tpu.memref_slice %arg9[%dma_start3A_33, %dma_start3A_34] : memref<10240x64xf32, #tpu.memory_space<vmem_shared>> -> memref<10240x64xf32, #tpu.memory_space<vmem_shared>>
    %dma_start3A_36 = tpu.memref_slice %arg11[%dma_start3A_25] : memref<2x!tpu.dma_semaphore, #tpu.memory_space<semaphore_mem>> -> memref<1x!tpu.dma_semaphore, #tpu.memory_space<semaphore_mem>>
    %dma_start3A_37 = tpu.memref_squeeze %dma_start3A_36 : memref<1x!tpu.dma_semaphore, #tpu.memory_space<semaphore_mem>> -> memref<!tpu.dma_semaphore, #tpu.memory_space<semaphore_mem>>
    tpu.enqueue_indirect_dma source(%dma_start3A_35 : memref<10240x64xf32, #tpu.memory_space<vmem_shared>>) target(%dma_start3A_29 : memref<128x64xf32, #tpu.memory_space<vmem>>) offsets(%dma_start3A_32 : memref<128xi32, #tpu.memory_space<vmem>>) semaphore(%dma_start3A_37 : memref<!tpu.dma_semaphore, #tpu.memory_space<semaphore_mem>>)
    %dma_start3A_38 = arith.constant 1 : i32
    %dma_start3A_39 = arith.constant 1 : i32
    %dma_start3A_40 = arith.constant 1 : i32
    %dma_start3A_41 = arith.constant 0 : i32
    %dma_start3A_42 = arith.constant 0 : i32
    %dma_start3A_43 = tpu.memref_slice %arg8[%dma_start3A_39, %dma_start3A_41, %dma_start3A_42] : memref<2x128x64xf32, #tpu.memory_space<vmem>> -> memref<1x128x64xf32, #tpu.memory_space<vmem>>
    %dma_start3A_44 = tpu.memref_squeeze %dma_start3A_43 : memref<1x128x64xf32, #tpu.memory_space<vmem>> -> memref<128x64xf32, #tpu.memory_space<vmem>>
    %dma_start3A_45 = arith.constant 0 : i32
    %dma_start3A_46 = tpu.memref_slice %arg6[%dma_start3A_38, %dma_start3A_45] : memref<80x128xi32, #tpu.memory_space<vmem>> -> memref<1x128xi32, #tpu.memory_space<vmem>>
    %dma_start3A_47 = tpu.memref_squeeze %dma_start3A_46 : memref<1x128xi32, #tpu.memory_space<vmem>> -> memref<128xi32, #tpu.memory_space<vmem>>
    %dma_start3A_48 = arith.constant 0 : i32
    %dma_start3A_49 = arith.constant 0 : i32
    %dma_start3A_50 = tpu.memref_slice %arg9[%dma_start3A_48, %dma_start3A_49] : memref<10240x64xf32, #tpu.memory_space<vmem_shared>> -> memref<10240x64xf32, #tpu.memory_space<vmem_shared>>
    %dma_start3A_51 = tpu.memref_slice %arg11[%dma_start3A_40] : memref<2x!tpu.dma_semaphore, #tpu.memory_space<semaphore_mem>> -> memref<1x!tpu.dma_semaphore, #tpu.memory_space<semaphore_mem>>
    %dma_start3A_52 = tpu.memref_squeeze %dma_start3A_51 : memref<1x!tpu.dma_semaphore, #tpu.memory_space<semaphore_mem>> -> memref<!tpu.dma_semaphore, #tpu.memory_space<semaphore_mem>>
    tpu.enqueue_indirect_dma source(%dma_start3A_50 : memref<10240x64xf32, #tpu.memory_space<vmem_shared>>) target(%dma_start3A_44 : memref<128x64xf32, #tpu.memory_space<vmem>>) offsets(%dma_start3A_47 : memref<128xi32, #tpu.memory_space<vmem>>) semaphore(%dma_start3A_52 : memref<!tpu.dma_semaphore, #tpu.memory_space<semaphore_mem>>)
    %scan3A_53 = arith.constant 0 : i32
    %scan3A_54 = arith.constant 0 : i32
    %scan3A_55 = arith.constant 39 : i32
    %scan3A_56 = arith.addi %scan3A_54, %scan3A_55 : i32
    %scan3A_57 = arith.constant 1 : i32
    %scan3A_58 = scf.for %scan3A_165 = %scan3A_54 to %scan3A_56 step %scan3A_57 iter_args(%scan3A_166 = %scan3A_53) -> (i32)  : i32 {
      %mul3A_167 = arith.constant 2 : i32
      %mul3A_168 = arith.muli %scan3A_165, %mul3A_167 : i32
      %add3A_169 = arith.constant 0 : i32
      %add3A_170 = arith.addi %mul3A_168, %add3A_169 : i32
      %dma_wait3A_171 = arith.constant 0 : i32
      %dma_wait3A_172 = arith.constant 0 : i32
      %dma_wait3A_173 = arith.constant 0 : i32
      %dma_wait3A_174 = arith.constant 0 : i32
      %dma_wait3A_175 = tpu.memref_slice %arg8[%dma_wait3A_171, %dma_wait3A_173, %dma_wait3A_174] : memref<2x128x64xf32, #tpu.memory_space<vmem>> -> memref<1x128x64xf32, #tpu.memory_space<vmem>>
      %dma_wait3A_176 = tpu.memref_squeeze %dma_wait3A_175 : memref<1x128x64xf32, #tpu.memory_space<vmem>> -> memref<128x64xf32, #tpu.memory_space<vmem>>
      %dma_wait3A_177 = arith.constant 0 : i32
      %dma_wait3A_178 = tpu.memref_slice %arg6[%add3A_170, %dma_wait3A_177] : memref<80x128xi32, #tpu.memory_space<vmem>> -> memref<1x128xi32, #tpu.memory_space<vmem>>
      %dma_wait3A_179 = tpu.memref_squeeze %dma_wait3A_178 : memref<1x128xi32, #tpu.memory_space<vmem>> -> memref<128xi32, #tpu.memory_space<vmem>>
      %dma_wait3A_180 = arith.constant 0 : i32
      %dma_wait3A_181 = arith.constant 0 : i32
      %dma_wait3A_182 = tpu.memref_slice %arg9[%dma_wait3A_180, %dma_wait3A_181] : memref<10240x64xf32, #tpu.memory_space<vmem_shared>> -> memref<10240x64xf32, #tpu.memory_space<vmem_shared>>
      %dma_wait3A_183 = tpu.memref_slice %arg11[%dma_wait3A_172] : memref<2x!tpu.dma_semaphore, #tpu.memory_space<semaphore_mem>> -> memref<1x!tpu.dma_semaphore, #tpu.memory_space<semaphore_mem>>
      %dma_wait3A_184 = tpu.memref_squeeze %dma_wait3A_183 : memref<1x!tpu.dma_semaphore, #tpu.memory_space<semaphore_mem>> -> memref<!tpu.dma_semaphore, #tpu.memory_space<semaphore_mem>>
      tpu.wait_indirect_dma semaphore(%dma_wait3A_184 : memref<!tpu.dma_semaphore, #tpu.memory_space<semaphore_mem>>) src(%dma_wait3A_182 : memref<10240x64xf32, #tpu.memory_space<vmem_shared>>) dst(%dma_wait3A_176 : memref<128x64xf32, #tpu.memory_space<vmem>>)
      %run_scoped3A_185 = arith.constant 0 : i32
      "tpu.region"() ({
        %run_scoped3A_236 = tpu.sem_alloc : memref<!tpu.dma_semaphore, #tpu.memory_space<semaphore_mem>>
        %dma_start3A_237 = arith.constant 0 : i32
        %dma_start3A_238 = arith.constant 0 : i32
        %dma_start3A_239 = tpu.memref_slice %arg8[%run_scoped3A_185, %dma_start3A_237, %dma_start3A_238] : memref<2x128x64xf32, #tpu.memory_space<vmem>> -> memref<1x128x64xf32, #tpu.memory_space<vmem>>
        %dma_start3A_240 = tpu.memref_squeeze %dma_start3A_239 : memref<1x128x64xf32, #tpu.memory_space<vmem>> -> memref<128x64xf32, #tpu.memory_space<vmem>>
        %dma_start3A_241 = arith.constant 0 : i32
        %dma_start3A_242 = tpu.memref_slice %arg7[%add3A_170, %dma_start3A_241] : memref<80x128xi32, #tpu.memory_space<vmem>> -> memref<1x128xi32, #tpu.memory_space<vmem>>
        %dma_start3A_243 = tpu.memref_squeeze %dma_start3A_242 : memref<1x128xi32, #tpu.memory_space<vmem>> -> memref<128xi32, #tpu.memory_space<vmem>>
        %dma_start3A_244 = arith.constant 0 : i32
        %dma_start3A_245 = arith.constant 0 : i32
        %dma_start3A_246 = tpu.memref_slice %arg10[%dma_start3A_244, %dma_start3A_245] : memref<10240x64xf32, #tpu.memory_space<vmem_shared>> -> memref<10240x64xf32, #tpu.memory_space<vmem_shared>>
        tpu.enqueue_indirect_dma source(%dma_start3A_240 : memref<128x64xf32, #tpu.memory_space<vmem>>) target(%dma_start3A_246 : memref<10240x64xf32, #tpu.memory_space<vmem_shared>>) offsets(%dma_start3A_243 : memref<128xi32, #tpu.memory_space<vmem>>) semaphore(%run_scoped3A_236 : memref<!tpu.dma_semaphore, #tpu.memory_space<semaphore_mem>>) {add = true}
        %dma_wait3A_247 = arith.constant 0 : i32
        %dma_wait3A_248 = arith.constant 0 : i32
        %dma_wait3A_249 = tpu.memref_slice %arg8[%run_scoped3A_185, %dma_wait3A_247, %dma_wait3A_248] : memref<2x128x64xf32, #tpu.memory_space<vmem>> -> memref<1x128x64xf32, #tpu.memory_space<vmem>>
        %dma_wait3A_250 = tpu.memref_squeeze %dma_wait3A_249 : memref<1x128x64xf32, #tpu.memory_space<vmem>> -> memref<128x64xf32, #tpu.memory_space<vmem>>
        %dma_wait3A_251 = arith.constant 0 : i32
        %dma_wait3A_252 = tpu.memref_slice %arg7[%add3A_170, %dma_wait3A_251] : memref<80x128xi32, #tpu.memory_space<vmem>> -> memref<1x128xi32, #tpu.memory_space<vmem>>
        %dma_wait3A_253 = tpu.memref_squeeze %dma_wait3A_252 : memref<1x128xi32, #tpu.memory_space<vmem>> -> memref<128xi32, #tpu.memory_space<vmem>>
        %dma_wait3A_254 = arith.constant 0 : i32
        %dma_wait3A_255 = arith.constant 0 : i32
        %dma_wait3A_256 = tpu.memref_slice %arg10[%dma_wait3A_254, %dma_wait3A_255] : memref<10240x64xf32, #tpu.memory_space<vmem_shared>> -> memref<10240x64xf32, #tpu.memory_space<vmem_shared>>
        tpu.wait_indirect_dma semaphore(%run_scoped3A_236 : memref<!tpu.dma_semaphore, #tpu.memory_space<semaphore_mem>>) src(%dma_wait3A_250 : memref<128x64xf32, #tpu.memory_space<vmem>>) dst(%dma_wait3A_256 : memref<10240x64xf32, #tpu.memory_space<vmem_shared>>)
        tpu.yield
      }) : () -> ()
      %add3A_186 = arith.constant 2 : i32
      %add3A_187 = arith.addi %add3A_170, %add3A_186 : i32
      %dma_start3A_188 = arith.constant 0 : i32
      %dma_start3A_189 = arith.constant 0 : i32
      %dma_start3A_190 = arith.constant 0 : i32
      %dma_start3A_191 = arith.constant 0 : i32
      %dma_start3A_192 = tpu.memref_slice %arg8[%dma_start3A_188, %dma_start3A_190, %dma_start3A_191] : memref<2x128x64xf32, #tpu.memory_space<vmem>> -> memref<1x128x64xf32, #tpu.memory_space<vmem>>
      %dma_start3A_193 = tpu.memref_squeeze %dma_start3A_192 : memref<1x128x64xf32, #tpu.memory_space<vmem>> -> memref<128x64xf32, #tpu.memory_space<vmem>>
      %dma_start3A_194 = arith.constant 0 : i32
      %dma_start3A_195 = tpu.memref_slice %arg6[%add3A_187, %dma_start3A_194] : memref<80x128xi32, #tpu.memory_space<vmem>> -> memref<1x128xi32, #tpu.memory_space<vmem>>
      %dma_start3A_196 = tpu.memref_squeeze %dma_start3A_195 : memref<1x128xi32, #tpu.memory_space<vmem>> -> memref<128xi32, #tpu.memory_space<vmem>>
      %dma_start3A_197 = arith.constant 0 : i32
      %dma_start3A_198 = arith.constant 0 : i32
      %dma_start3A_199 = tpu.memref_slice %arg9[%dma_start3A_197, %dma_start3A_198] : memref<10240x64xf32, #tpu.memory_space<vmem_shared>> -> memref<10240x64xf32, #tpu.memory_space<vmem_shared>>
      %dma_start3A_200 = tpu.memref_slice %arg11[%dma_start3A_189] : memref<2x!tpu.dma_semaphore, #tpu.memory_space<semaphore_mem>> -> memref<1x!tpu.dma_semaphore, #tpu.memory_space<semaphore_mem>>
      %dma_start3A_201 = tpu.memref_squeeze %dma_start3A_200 : memref<1x!tpu.dma_semaphore, #tpu.memory_space<semaphore_mem>> -> memref<!tpu.dma_semaphore, #tpu.memory_space<semaphore_mem>>
      tpu.enqueue_indirect_dma source(%dma_start3A_199 : memref<10240x64xf32, #tpu.memory_space<vmem_shared>>) target(%dma_start3A_193 : memref<128x64xf32, #tpu.memory_space<vmem>>) offsets(%dma_start3A_196 : memref<128xi32, #tpu.memory_space<vmem>>) semaphore(%dma_start3A_201 : memref<!tpu.dma_semaphore, #tpu.memory_space<semaphore_mem>>)
      %add3A_202 = arith.constant 1 : i32
      %add3A_203 = arith.addi %mul3A_168, %add3A_202 : i32
      %dma_wait3A_204 = arith.constant 1 : i32
      %dma_wait3A_205 = arith.constant 1 : i32
      %dma_wait3A_206 = arith.constant 0 : i32
      %dma_wait3A_207 = arith.constant 0 : i32
      %dma_wait3A_208 = tpu.memref_slice %arg8[%dma_wait3A_204, %dma_wait3A_206, %dma_wait3A_207] : memref<2x128x64xf32, #tpu.memory_space<vmem>> -> memref<1x128x64xf32, #tpu.memory_space<vmem>>
      %dma_wait3A_209 = tpu.memref_squeeze %dma_wait3A_208 : memref<1x128x64xf32, #tpu.memory_space<vmem>> -> memref<128x64xf32, #tpu.memory_space<vmem>>
      %dma_wait3A_210 = arith.constant 0 : i32
      %dma_wait3A_211 = tpu.memref_slice %arg6[%add3A_203, %dma_wait3A_210] : memref<80x128xi32, #tpu.memory_space<vmem>> -> memref<1x128xi32, #tpu.memory_space<vmem>>
      %dma_wait3A_212 = tpu.memref_squeeze %dma_wait3A_211 : memref<1x128xi32, #tpu.memory_space<vmem>> -> memref<128xi32, #tpu.memory_space<vmem>>
      %dma_wait3A_213 = arith.constant 0 : i32
      %dma_wait3A_214 = arith.constant 0 : i32
      %dma_wait3A_215 = tpu.memref_slice %arg9[%dma_wait3A_213, %dma_wait3A_214] : memref<10240x64xf32, #tpu.memory_space<vmem_shared>> -> memref<10240x64xf32, #tpu.memory_space<vmem_shared>>
      %dma_wait3A_216 = tpu.memref_slice %arg11[%dma_wait3A_205] : memref<2x!tpu.dma_semaphore, #tpu.memory_space<semaphore_mem>> -> memref<1x!tpu.dma_semaphore, #tpu.memory_space<semaphore_mem>>
      %dma_wait3A_217 = tpu.memref_squeeze %dma_wait3A_216 : memref<1x!tpu.dma_semaphore, #tpu.memory_space<semaphore_mem>> -> memref<!tpu.dma_semaphore, #tpu.memory_space<semaphore_mem>>
      tpu.wait_indirect_dma semaphore(%dma_wait3A_217 : memref<!tpu.dma_semaphore, #tpu.memory_space<semaphore_mem>>) src(%dma_wait3A_215 : memref<10240x64xf32, #tpu.memory_space<vmem_shared>>) dst(%dma_wait3A_209 : memref<128x64xf32, #tpu.memory_space<vmem>>)
      %run_scoped3A_218 = arith.constant 1 : i32
      "tpu.region"() ({
        %run_scoped3A_236 = tpu.sem_alloc : memref<!tpu.dma_semaphore, #tpu.memory_space<semaphore_mem>>
        %dma_start3A_237 = arith.constant 0 : i32
        %dma_start3A_238 = arith.constant 0 : i32
        %dma_start3A_239 = tpu.memref_slice %arg8[%run_scoped3A_218, %dma_start3A_237, %dma_start3A_238] : memref<2x128x64xf32, #tpu.memory_space<vmem>> -> memref<1x128x64xf32, #tpu.memory_space<vmem>>
        %dma_start3A_240 = tpu.memref_squeeze %dma_start3A_239 : memref<1x128x64xf32, #tpu.memory_space<vmem>> -> memref<128x64xf32, #tpu.memory_space<vmem>>
        %dma_start3A_241 = arith.constant 0 : i32
        %dma_start3A_242 = tpu.memref_slice %arg7[%add3A_203, %dma_start3A_241] : memref<80x128xi32, #tpu.memory_space<vmem>> -> memref<1x128xi32, #tpu.memory_space<vmem>>
        %dma_start3A_243 = tpu.memref_squeeze %dma_start3A_242 : memref<1x128xi32, #tpu.memory_space<vmem>> -> memref<128xi32, #tpu.memory_space<vmem>>
        %dma_start3A_244 = arith.constant 0 : i32
        %dma_start3A_245 = arith.constant 0 : i32
        %dma_start3A_246 = tpu.memref_slice %arg10[%dma_start3A_244, %dma_start3A_245] : memref<10240x64xf32, #tpu.memory_space<vmem_shared>> -> memref<10240x64xf32, #tpu.memory_space<vmem_shared>>
        tpu.enqueue_indirect_dma source(%dma_start3A_240 : memref<128x64xf32, #tpu.memory_space<vmem>>) target(%dma_start3A_246 : memref<10240x64xf32, #tpu.memory_space<vmem_shared>>) offsets(%dma_start3A_243 : memref<128xi32, #tpu.memory_space<vmem>>) semaphore(%run_scoped3A_236 : memref<!tpu.dma_semaphore, #tpu.memory_space<semaphore_mem>>) {add = true}
        %dma_wait3A_247 = arith.constant 0 : i32
        %dma_wait3A_248 = arith.constant 0 : i32
        %dma_wait3A_249 = tpu.memref_slice %arg8[%run_scoped3A_218, %dma_wait3A_247, %dma_wait3A_248] : memref<2x128x64xf32, #tpu.memory_space<vmem>> -> memref<1x128x64xf32, #tpu.memory_space<vmem>>
        %dma_wait3A_250 = tpu.memref_squeeze %dma_wait3A_249 : memref<1x128x64xf32, #tpu.memory_space<vmem>> -> memref<128x64xf32, #tpu.memory_space<vmem>>
        %dma_wait3A_251 = arith.constant 0 : i32
        %dma_wait3A_252 = tpu.memref_slice %arg7[%add3A_203, %dma_wait3A_251] : memref<80x128xi32, #tpu.memory_space<vmem>> -> memref<1x128xi32, #tpu.memory_space<vmem>>
        %dma_wait3A_253 = tpu.memref_squeeze %dma_wait3A_252 : memref<1x128xi32, #tpu.memory_space<vmem>> -> memref<128xi32, #tpu.memory_space<vmem>>
        %dma_wait3A_254 = arith.constant 0 : i32
        %dma_wait3A_255 = arith.constant 0 : i32
        %dma_wait3A_256 = tpu.memref_slice %arg10[%dma_wait3A_254, %dma_wait3A_255] : memref<10240x64xf32, #tpu.memory_space<vmem_shared>> -> memref<10240x64xf32, #tpu.memory_space<vmem_shared>>
        tpu.wait_indirect_dma semaphore(%run_scoped3A_236 : memref<!tpu.dma_semaphore, #tpu.memory_space<semaphore_mem>>) src(%dma_wait3A_250 : memref<128x64xf32, #tpu.memory_space<vmem>>) dst(%dma_wait3A_256 : memref<10240x64xf32, #tpu.memory_space<vmem_shared>>)
        tpu.yield
      }) : () -> ()
      %add3A_219 = arith.constant 2 : i32
      %add3A_220 = arith.addi %add3A_203, %add3A_219 : i32
      %dma_start3A_221 = arith.constant 1 : i32
      %dma_start3A_222 = arith.constant 1 : i32
      %dma_start3A_223 = arith.constant 0 : i32
      %dma_start3A_224 = arith.constant 0 : i32
      %dma_start3A_225 = tpu.memref_slice %arg8[%dma_start3A_221, %dma_start3A_223, %dma_start3A_224] : memref<2x128x64xf32, #tpu.memory_space<vmem>> -> memref<1x128x64xf32, #tpu.memory_space<vmem>>
      %dma_start3A_226 = tpu.memref_squeeze %dma_start3A_225 : memref<1x128x64xf32, #tpu.memory_space<vmem>> -> memref<128x64xf32, #tpu.memory_space<vmem>>
      %dma_start3A_227 = arith.constant 0 : i32
      %dma_start3A_228 = tpu.memref_slice %arg6[%add3A_220, %dma_start3A_227] : memref<80x128xi32, #tpu.memory_space<vmem>> -> memref<1x128xi32, #tpu.memory_space<vmem>>
      %dma_start3A_229 = tpu.memref_squeeze %dma_start3A_228 : memref<1x128xi32, #tpu.memory_space<vmem>> -> memref<128xi32, #tpu.memory_space<vmem>>
      %dma_start3A_230 = arith.constant 0 : i32
      %dma_start3A_231 = arith.constant 0 : i32
      %dma_start3A_232 = tpu.memref_slice %arg9[%dma_start3A_230, %dma_start3A_231] : memref<10240x64xf32, #tpu.memory_space<vmem_shared>> -> memref<10240x64xf32, #tpu.memory_space<vmem_shared>>
      %dma_start3A_233 = tpu.memref_slice %arg11[%dma_start3A_222] : memref<2x!tpu.dma_semaphore, #tpu.memory_space<semaphore_mem>> -> memref<1x!tpu.dma_semaphore, #tpu.memory_space<semaphore_mem>>
      %dma_start3A_234 = tpu.memref_squeeze %dma_start3A_233 : memref<1x!tpu.dma_semaphore, #tpu.memory_space<semaphore_mem>> -> memref<!tpu.dma_semaphore, #tpu.memory_space<semaphore_mem>>
      tpu.enqueue_indirect_dma source(%dma_start3A_232 : memref<10240x64xf32, #tpu.memory_space<vmem_shared>>) target(%dma_start3A_226 : memref<128x64xf32, #tpu.memory_space<vmem>>) offsets(%dma_start3A_229 : memref<128xi32, #tpu.memory_space<vmem>>) semaphore(%dma_start3A_234 : memref<!tpu.dma_semaphore, #tpu.memory_space<semaphore_mem>>)
      %scan3A_235 = arith.constant 0 : i32
      scf.yield %scan3A_235 : i32
    }
    %scan3A_59 = arith.constant 39 : i32
    %dma_wait3A = arith.constant 78 : i32
    %dma_wait3A_60 = arith.constant 0 : i32
    %dma_wait3A_61 = arith.constant 0 : i32
    %dma_wait3A_62 = arith.constant 0 : i32
    %dma_wait3A_63 = arith.constant 0 : i32
    %dma_wait3A_64 = tpu.memref_slice %arg8[%dma_wait3A_60, %dma_wait3A_62, %dma_wait3A_63] : memref<2x128x64xf32, #tpu.memory_space<vmem>> -> memref<1x128x64xf32, #tpu.memory_space<vmem>>
    %dma_wait3A_65 = tpu.memref_squeeze %dma_wait3A_64 : memref<1x128x64xf32, #tpu.memory_space<vmem>> -> memref<128x64xf32, #tpu.memory_space<vmem>>
    %dma_wait3A_66 = arith.constant 0 : i32
    %dma_wait3A_67 = tpu.memref_slice %arg6[%dma_wait3A, %dma_wait3A_66] : memref<80x128xi32, #tpu.memory_space<vmem>> -> memref<1x128xi32, #tpu.memory_space<vmem>>
    %dma_wait3A_68 = tpu.memref_squeeze %dma_wait3A_67 : memref<1x128xi32, #tpu.memory_space<vmem>> -> memref<128xi32, #tpu.memory_space<vmem>>
    %dma_wait3A_69 = arith.constant 0 : i32
    %dma_wait3A_70 = arith.constant 0 : i32
    %dma_wait3A_71 = tpu.memref_slice %arg9[%dma_wait3A_69, %dma_wait3A_70] : memref<10240x64xf32, #tpu.memory_space<vmem_shared>> -> memref<10240x64xf32, #tpu.memory_space<vmem_shared>>
    %dma_wait3A_72 = tpu.memref_slice %arg11[%dma_wait3A_61] : memref<2x!tpu.dma_semaphore, #tpu.memory_space<semaphore_mem>> -> memref<1x!tpu.dma_semaphore, #tpu.memory_space<semaphore_mem>>
    %dma_wait3A_73 = tpu.memref_squeeze %dma_wait3A_72 : memref<1x!tpu.dma_semaphore, #tpu.memory_space<semaphore_mem>> -> memref<!tpu.dma_semaphore, #tpu.memory_space<semaphore_mem>>
    tpu.wait_indirect_dma semaphore(%dma_wait3A_73 : memref<!tpu.dma_semaphore, #tpu.memory_space<semaphore_mem>>) src(%dma_wait3A_71 : memref<10240x64xf32, #tpu.memory_space<vmem_shared>>) dst(%dma_wait3A_65 : memref<128x64xf32, #tpu.memory_space<vmem>>)
    %run_scoped3A_74 = arith.constant 0 : i32
    %run_scoped3A_75 = arith.constant 78 : i32
    "tpu.region"() ({
      %run_scoped3A_165 = tpu.sem_alloc : memref<!tpu.dma_semaphore, #tpu.memory_space<semaphore_mem>>
      %dma_start3A_166 = arith.constant 0 : i32
      %dma_start3A_167 = arith.constant 0 : i32
      %dma_start3A_168 = tpu.memref_slice %arg8[%run_scoped3A_74, %dma_start3A_166, %dma_start3A_167] : memref<2x128x64xf32, #tpu.memory_space<vmem>> -> memref<1x128x64xf32, #tpu.memory_space<vmem>>
      %dma_start3A_169 = tpu.memref_squeeze %dma_start3A_168 : memref<1x128x64xf32, #tpu.memory_space<vmem>> -> memref<128x64xf32, #tpu.memory_space<vmem>>
      %dma_start3A_170 = arith.constant 0 : i32
      %dma_start3A_171 = tpu.memref_slice %arg7[%run_scoped3A_75, %dma_start3A_170] : memref<80x128xi32, #tpu.memory_space<vmem>> -> memref<1x128xi32, #tpu.memory_space<vmem>>
      %dma_start3A_172 = tpu.memref_squeeze %dma_start3A_171 : memref<1x128xi32, #tpu.memory_space<vmem>> -> memref<128xi32, #tpu.memory_space<vmem>>
      %dma_start3A_173 = arith.constant 0 : i32
      %dma_start3A_174 = arith.constant 0 : i32
      %dma_start3A_175 = tpu.memref_slice %arg10[%dma_start3A_173, %dma_start3A_174] : memref<10240x64xf32, #tpu.memory_space<vmem_shared>> -> memref<10240x64xf32, #tpu.memory_space<vmem_shared>>
      tpu.enqueue_indirect_dma source(%dma_start3A_169 : memref<128x64xf32, #tpu.memory_space<vmem>>) target(%dma_start3A_175 : memref<10240x64xf32, #tpu.memory_space<vmem_shared>>) offsets(%dma_start3A_172 : memref<128xi32, #tpu.memory_space<vmem>>) semaphore(%run_scoped3A_165 : memref<!tpu.dma_semaphore, #tpu.memory_space<semaphore_mem>>) {add = true}
      %dma_wait3A_176 = arith.constant 0 : i32
      %dma_wait3A_177 = arith.constant 0 : i32
      %dma_wait3A_178 = tpu.memref_slice %arg8[%run_scoped3A_74, %dma_wait3A_176, %dma_wait3A_177] : memref<2x128x64xf32, #tpu.memory_space<vmem>> -> memref<1x128x64xf32, #tpu.memory_space<vmem>>
      %dma_wait3A_179 = tpu.memref_squeeze %dma_wait3A_178 : memref<1x128x64xf32, #tpu.memory_space<vmem>> -> memref<128x64xf32, #tpu.memory_space<vmem>>
      %dma_wait3A_180 = arith.constant 0 : i32
      %dma_wait3A_181 = tpu.memref_slice %arg7[%run_scoped3A_75, %dma_wait3A_180] : memref<80x128xi32, #tpu.memory_space<vmem>> -> memref<1x128xi32, #tpu.memory_space<vmem>>
      %dma_wait3A_182 = tpu.memref_squeeze %dma_wait3A_181 : memref<1x128xi32, #tpu.memory_space<vmem>> -> memref<128xi32, #tpu.memory_space<vmem>>
      %dma_wait3A_183 = arith.constant 0 : i32
      %dma_wait3A_184 = arith.constant 0 : i32
      %dma_wait3A_185 = tpu.memref_slice %arg10[%dma_wait3A_183, %dma_wait3A_184] : memref<10240x64xf32, #tpu.memory_space<vmem_shared>> -> memref<10240x64xf32, #tpu.memory_space<vmem_shared>>
      tpu.wait_indirect_dma semaphore(%run_scoped3A_165 : memref<!tpu.dma_semaphore, #tpu.memory_space<semaphore_mem>>) src(%dma_wait3A_179 : memref<128x64xf32, #tpu.memory_space<vmem>>) dst(%dma_wait3A_185 : memref<10240x64xf32, #tpu.memory_space<vmem_shared>>)
      tpu.yield
    }) : () -> ()
    %dma_wait3A_76 = arith.constant 79 : i32
    %dma_wait3A_77 = arith.constant 1 : i32
    %dma_wait3A_78 = arith.constant 1 : i32
    %dma_wait3A_79 = arith.constant 0 : i32
    %dma_wait3A_80 = arith.constant 0 : i32
    %dma_wait3A_81 = tpu.memref_slice %arg8[%dma_wait3A_77, %dma_wait3A_79, %dma_wait3A_80] : memref<2x128x64xf32, #tpu.memory_space<vmem>> -> memref<1x128x64xf32, #tpu.memory_space<vmem>>
    %dma_wait3A_82 = tpu.memref_squeeze %dma_wait3A_81 : memref<1x128x64xf32, #tpu.memory_space<vmem>> -> memref<128x64xf32, #tpu.memory_space<vmem>>
    %dma_wait3A_83 = arith.constant 0 : i32
    %dma_wait3A_84 = tpu.memref_slice %arg6[%dma_wait3A_76, %dma_wait3A_83] : memref<80x128xi32, #tpu.memory_space<vmem>> -> memref<1x128xi32, #tpu.memory_space<vmem>>
    %dma_wait3A_85 = tpu.memref_squeeze %dma_wait3A_84 : memref<1x128xi32, #tpu.memory_space<vmem>> -> memref<128xi32, #tpu.memory_space<vmem>>
    %dma_wait3A_86 = arith.constant 0 : i32
    %dma_wait3A_87 = arith.constant 0 : i32
    %dma_wait3A_88 = tpu.memref_slice %arg9[%dma_wait3A_86, %dma_wait3A_87] : memref<10240x64xf32, #tpu.memory_space<vmem_shared>> -> memref<10240x64xf32, #tpu.memory_space<vmem_shared>>
    %dma_wait3A_89 = tpu.memref_slice %arg11[%dma_wait3A_78] : memref<2x!tpu.dma_semaphore, #tpu.memory_space<semaphore_mem>> -> memref<1x!tpu.dma_semaphore, #tpu.memory_space<semaphore_mem>>
    %dma_wait3A_90 = tpu.memref_squeeze %dma_wait3A_89 : memref<1x!tpu.dma_semaphore, #tpu.memory_space<semaphore_mem>> -> memref<!tpu.dma_semaphore, #tpu.memory_space<semaphore_mem>>
    tpu.wait_indirect_dma semaphore(%dma_wait3A_90 : memref<!tpu.dma_semaphore, #tpu.memory_space<semaphore_mem>>) src(%dma_wait3A_88 : memref<10240x64xf32, #tpu.memory_space<vmem_shared>>) dst(%dma_wait3A_82 : memref<128x64xf32, #tpu.memory_space<vmem>>)
    %run_scoped3A_91 = arith.constant 1 : i32
    %run_scoped3A_92 = arith.constant 79 : i32
    "tpu.region"() ({
      %run_scoped3A_165 = tpu.sem_alloc : memref<!tpu.dma_semaphore, #tpu.memory_space<semaphore_mem>>
      %dma_start3A_166 = arith.constant 0 : i32
      %dma_start3A_167 = arith.constant 0 : i32
      %dma_start3A_168 = tpu.memref_slice %arg8[%run_scoped3A_91, %dma_start3A_166, %dma_start3A_167] : memref<2x128x64xf32, #tpu.memory_space<vmem>> -> memref<1x128x64xf32, #tpu.memory_space<vmem>>
      %dma_start3A_169 = tpu.memref_squeeze %dma_start3A_168 : memref<1x128x64xf32, #tpu.memory_space<vmem>> -> memref<128x64xf32, #tpu.memory_space<vmem>>
      %dma_start3A_170 = arith.constant 0 : i32
      %dma_start3A_171 = tpu.memref_slice %arg7[%run_scoped3A_92, %dma_start3A_170] : memref<80x128xi32, #tpu.memory_space<vmem>> -> memref<1x128xi32, #tpu.memory_space<vmem>>
      %dma_start3A_172 = tpu.memref_squeeze %dma_start3A_171 : memref<1x128xi32, #tpu.memory_space<vmem>> -> memref<128xi32, #tpu.memory_space<vmem>>
      %dma_start3A_173 = arith.constant 0 : i32
      %dma_start3A_174 = arith.constant 0 : i32
      %dma_start3A_175 = tpu.memref_slice %arg10[%dma_start3A_173, %dma_start3A_174] : memref<10240x64xf32, #tpu.memory_space<vmem_shared>> -> memref<10240x64xf32, #tpu.memory_space<vmem_shared>>
      tpu.enqueue_indirect_dma source(%dma_start3A_169 : memref<128x64xf32, #tpu.memory_space<vmem>>) target(%dma_start3A_175 : memref<10240x64xf32, #tpu.memory_space<vmem_shared>>) offsets(%dma_start3A_172 : memref<128xi32, #tpu.memory_space<vmem>>) semaphore(%run_scoped3A_165 : memref<!tpu.dma_semaphore, #tpu.memory_space<semaphore_mem>>) {add = true}
      %dma_wait3A_176 = arith.constant 0 : i32
      %dma_wait3A_177 = arith.constant 0 : i32
      %dma_wait3A_178 = tpu.memref_slice %arg8[%run_scoped3A_91, %dma_wait3A_176, %dma_wait3A_177] : memref<2x128x64xf32, #tpu.memory_space<vmem>> -> memref<1x128x64xf32, #tpu.memory_space<vmem>>
      %dma_wait3A_179 = tpu.memref_squeeze %dma_wait3A_178 : memref<1x128x64xf32, #tpu.memory_space<vmem>> -> memref<128x64xf32, #tpu.memory_space<vmem>>
      %dma_wait3A_180 = arith.constant 0 : i32
      %dma_wait3A_181 = tpu.memref_slice %arg7[%run_scoped3A_92, %dma_wait3A_180] : memref<80x128xi32, #tpu.memory_space<vmem>> -> memref<1x128xi32, #tpu.memory_space<vmem>>
      %dma_wait3A_182 = tpu.memref_squeeze %dma_wait3A_181 : memref<1x128xi32, #tpu.memory_space<vmem>> -> memref<128xi32, #tpu.memory_space<vmem>>
      %dma_wait3A_183 = arith.constant 0 : i32
      %dma_wait3A_184 = arith.constant 0 : i32
      %dma_wait3A_185 = tpu.memref_slice %arg10[%dma_wait3A_183, %dma_wait3A_184] : memref<10240x64xf32, #tpu.memory_space<vmem_shared>> -> memref<10240x64xf32, #tpu.memory_space<vmem_shared>>
      tpu.wait_indirect_dma semaphore(%run_scoped3A_165 : memref<!tpu.dma_semaphore, #tpu.memory_space<semaphore_mem>>) src(%dma_wait3A_179 : memref<128x64xf32, #tpu.memory_space<vmem>>) dst(%dma_wait3A_185 : memref<10240x64xf32, #tpu.memory_space<vmem_shared>>)
      tpu.yield
    }) : () -> ()
    "tpu.region"() ({
      %run_scoped3A_165 = tpu.sem_alloc : memref<!tpu.dma_semaphore, #tpu.memory_space<semaphore_mem>>
      %dma_start3A_166 = arith.constant 80 : i32
      %dma_start3A_167 = arith.constant 0 : i32
      %dma_start3A_168 = tpu.memref_slice %arg3[%arg1, %dma_start3A_166, %dma_start3A_167] : memref<16x160x128xi32, #tpu.memory_space<hbm>> -> memref<1x80x128xi32, #tpu.memory_space<hbm>>
      %dma_start3A_169 = tpu.memref_squeeze %dma_start3A_168 : memref<1x80x128xi32, #tpu.memory_space<hbm>> -> memref<80x128xi32, #tpu.memory_space<hbm>>
      %dma_start3A_170 = arith.constant 80 : i32
      %dma_start3A_171 = arith.constant 0 : i32
      %dma_start3A_172 = tpu.memref_slice %arg3[%arg1, %dma_start3A_170, %dma_start3A_171] : memref<16x160x128xi32, #tpu.memory_space<hbm>> -> memref<1x80x128xi32, #tpu.memory_space<hbm>>
      %dma_start3A_173 = tpu.memref_squeeze %dma_start3A_172 : memref<1x80x128xi32, #tpu.memory_space<hbm>> -> memref<80x128xi32, #tpu.memory_space<hbm>>
      tpu.enqueue_dma source(%dma_start3A_173 : memref<80x128xi32, #tpu.memory_space<hbm>>) target(%arg6 : memref<80x128xi32, #tpu.memory_space<vmem>>) target_semaphore(%run_scoped3A_165 : memref<!tpu.dma_semaphore, #tpu.memory_space<semaphore_mem>>)
      %dma_wait3A_174 = arith.constant 80 : i32
      %dma_wait3A_175 = arith.constant 0 : i32
      %dma_wait3A_176 = tpu.memref_slice %arg3[%arg1, %dma_wait3A_174, %dma_wait3A_175] : memref<16x160x128xi32, #tpu.memory_space<hbm>> -> memref<1x80x128xi32, #tpu.memory_space<hbm>>
      %dma_wait3A_177 = tpu.memref_squeeze %dma_wait3A_176 : memref<1x80x128xi32, #tpu.memory_space<hbm>> -> memref<80x128xi32, #tpu.memory_space<hbm>>
      %dma_wait3A_178 = arith.constant 80 : i32
      %dma_wait3A_179 = arith.constant 0 : i32
      %dma_wait3A_180 = tpu.memref_slice %arg3[%arg1, %dma_wait3A_178, %dma_wait3A_179] : memref<16x160x128xi32, #tpu.memory_space<hbm>> -> memref<1x80x128xi32, #tpu.memory_space<hbm>>
      %dma_wait3A_181 = tpu.memref_squeeze %dma_wait3A_180 : memref<1x80x128xi32, #tpu.memory_space<hbm>> -> memref<80x128xi32, #tpu.memory_space<hbm>>
      tpu.wait_dma2 semaphore(%run_scoped3A_165 : memref<!tpu.dma_semaphore, #tpu.memory_space<semaphore_mem>>) src(%dma_wait3A_181 : memref<80x128xi32, #tpu.memory_space<hbm>>) dst(%arg6 : memref<80x128xi32, #tpu.memory_space<vmem>>)
      tpu.yield
    }) : () -> ()
    "tpu.region"() ({
      %run_scoped3A_165 = tpu.sem_alloc : memref<!tpu.dma_semaphore, #tpu.memory_space<semaphore_mem>>
      %dma_start3A_166 = arith.constant 80 : i32
      %dma_start3A_167 = arith.constant 0 : i32
      %dma_start3A_168 = tpu.memref_slice %arg4[%arg1, %dma_start3A_166, %dma_start3A_167] : memref<16x160x128xi32, #tpu.memory_space<hbm>> -> memref<1x80x128xi32, #tpu.memory_space<hbm>>
      %dma_start3A_169 = tpu.memref_squeeze %dma_start3A_168 : memref<1x80x128xi32, #tpu.memory_space<hbm>> -> memref<80x128xi32, #tpu.memory_space<hbm>>
      %dma_start3A_170 = arith.constant 80 : i32
      %dma_start3A_171 = arith.constant 0 : i32
      %dma_start3A_172 = tpu.memref_slice %arg4[%arg1, %dma_start3A_170, %dma_start3A_171] : memref<16x160x128xi32, #tpu.memory_space<hbm>> -> memref<1x80x128xi32, #tpu.memory_space<hbm>>
      %dma_start3A_173 = tpu.memref_squeeze %dma_start3A_172 : memref<1x80x128xi32, #tpu.memory_space<hbm>> -> memref<80x128xi32, #tpu.memory_space<hbm>>
      tpu.enqueue_dma source(%dma_start3A_173 : memref<80x128xi32, #tpu.memory_space<hbm>>) target(%arg7 : memref<80x128xi32, #tpu.memory_space<vmem>>) target_semaphore(%run_scoped3A_165 : memref<!tpu.dma_semaphore, #tpu.memory_space<semaphore_mem>>)
      %dma_wait3A_174 = arith.constant 80 : i32
      %dma_wait3A_175 = arith.constant 0 : i32
      %dma_wait3A_176 = tpu.memref_slice %arg4[%arg1, %dma_wait3A_174, %dma_wait3A_175] : memref<16x160x128xi32, #tpu.memory_space<hbm>> -> memref<1x80x128xi32, #tpu.memory_space<hbm>>
      %dma_wait3A_177 = tpu.memref_squeeze %dma_wait3A_176 : memref<1x80x128xi32, #tpu.memory_space<hbm>> -> memref<80x128xi32, #tpu.memory_space<hbm>>
      %dma_wait3A_178 = arith.constant 80 : i32
      %dma_wait3A_179 = arith.constant 0 : i32
      %dma_wait3A_180 = tpu.memref_slice %arg4[%arg1, %dma_wait3A_178, %dma_wait3A_179] : memref<16x160x128xi32, #tpu.memory_space<hbm>> -> memref<1x80x128xi32, #tpu.memory_space<hbm>>
      %dma_wait3A_181 = tpu.memref_squeeze %dma_wait3A_180 : memref<1x80x128xi32, #tpu.memory_space<hbm>> -> memref<80x128xi32, #tpu.memory_space<hbm>>
      tpu.wait_dma2 semaphore(%run_scoped3A_165 : memref<!tpu.dma_semaphore, #tpu.memory_space<semaphore_mem>>) src(%dma_wait3A_181 : memref<80x128xi32, #tpu.memory_space<hbm>>) dst(%arg7 : memref<80x128xi32, #tpu.memory_space<vmem>>)
      tpu.yield
    }) : () -> ()
    %dma_start3A_93 = arith.constant 0 : i32
    %dma_start3A_94 = arith.constant 0 : i32
    %dma_start3A_95 = arith.constant 0 : i32
    %dma_start3A_96 = arith.constant 0 : i32
    %dma_start3A_97 = arith.constant 0 : i32
    %dma_start3A_98 = tpu.memref_slice %arg8[%dma_start3A_94, %dma_start3A_96, %dma_start3A_97] : memref<2x128x64xf32, #tpu.memory_space<vmem>> -> memref<1x128x64xf32, #tpu.memory_space<vmem>>
    %dma_start3A_99 = tpu.memref_squeeze %dma_start3A_98 : memref<1x128x64xf32, #tpu.memory_space<vmem>> -> memref<128x64xf32, #tpu.memory_space<vmem>>
    %dma_start3A_100 = arith.constant 0 : i32
    %dma_start3A_101 = tpu.memref_slice %arg6[%dma_start3A_93, %dma_start3A_100] : memref<80x128xi32, #tpu.memory_space<vmem>> -> memref<1x128xi32, #tpu.memory_space<vmem>>
    %dma_start3A_102 = tpu.memref_squeeze %dma_start3A_101 : memref<1x128xi32, #tpu.memory_space<vmem>> -> memref<128xi32, #tpu.memory_space<vmem>>
    %dma_start3A_103 = arith.constant 0 : i32
    %dma_start3A_104 = arith.constant 0 : i32
    %dma_start3A_105 = tpu.memref_slice %arg9[%dma_start3A_103, %dma_start3A_104] : memref<10240x64xf32, #tpu.memory_space<vmem_shared>> -> memref<10240x64xf32, #tpu.memory_space<vmem_shared>>
    %dma_start3A_106 = tpu.memref_slice %arg11[%dma_start3A_95] : memref<2x!tpu.dma_semaphore, #tpu.memory_space<semaphore_mem>> -> memref<1x!tpu.dma_semaphore, #tpu.memory_space<semaphore_mem>>
    %dma_start3A_107 = tpu.memref_squeeze %dma_start3A_106 : memref<1x!tpu.dma_semaphore, #tpu.memory_space<semaphore_mem>> -> memref<!tpu.dma_semaphore, #tpu.memory_space<semaphore_mem>>
    tpu.enqueue_indirect_dma source(%dma_start3A_105 : memref<10240x64xf32, #tpu.memory_space<vmem_shared>>) target(%dma_start3A_99 : memref<128x64xf32, #tpu.memory_space<vmem>>) offsets(%dma_start3A_102 : memref<128xi32, #tpu.memory_space<vmem>>) semaphore(%dma_start3A_107 : memref<!tpu.dma_semaphore, #tpu.memory_space<semaphore_mem>>)
    %dma_start3A_108 = arith.constant 1 : i32
    %dma_start3A_109 = arith.constant 1 : i32
    %dma_start3A_110 = arith.constant 1 : i32
    %dma_start3A_111 = arith.constant 0 : i32
    %dma_start3A_112 = arith.constant 0 : i32
    %dma_start3A_113 = tpu.memref_slice %arg8[%dma_start3A_109, %dma_start3A_111, %dma_start3A_112] : memref<2x128x64xf32, #tpu.memory_space<vmem>> -> memref<1x128x64xf32, #tpu.memory_space<vmem>>
    %dma_start3A_114 = tpu.memref_squeeze %dma_start3A_113 : memref<1x128x64xf32, #tpu.memory_space<vmem>> -> memref<128x64xf32, #tpu.memory_space<vmem>>
    %dma_start3A_115 = arith.constant 0 : i32
    %dma_start3A_116 = tpu.memref_slice %arg6[%dma_start3A_108, %dma_start3A_115] : memref<80x128xi32, #tpu.memory_space<vmem>> -> memref<1x128xi32, #tpu.memory_space<vmem>>
    %dma_start3A_117 = tpu.memref_squeeze %dma_start3A_116 : memref<1x128xi32, #tpu.memory_space<vmem>> -> memref<128xi32, #tpu.memory_space<vmem>>
    %dma_start3A_118 = arith.constant 0 : i32
    %dma_start3A_119 = arith.constant 0 : i32
    %dma_start3A_120 = tpu.memref_slice %arg9[%dma_start3A_118, %dma_start3A_119] : memref<10240x64xf32, #tpu.memory_space<vmem_shared>> -> memref<10240x64xf32, #tpu.memory_space<vmem_shared>>
    %dma_start3A_121 = tpu.memref_slice %arg11[%dma_start3A_110] : memref<2x!tpu.dma_semaphore, #tpu.memory_space<semaphore_mem>> -> memref<1x!tpu.dma_semaphore, #tpu.memory_space<semaphore_mem>>
    %dma_start3A_122 = tpu.memref_squeeze %dma_start3A_121 : memref<1x!tpu.dma_semaphore, #tpu.memory_space<semaphore_mem>> -> memref<!tpu.dma_semaphore, #tpu.memory_space<semaphore_mem>>
    tpu.enqueue_indirect_dma source(%dma_start3A_120 : memref<10240x64xf32, #tpu.memory_space<vmem_shared>>) target(%dma_start3A_114 : memref<128x64xf32, #tpu.memory_space<vmem>>) offsets(%dma_start3A_117 : memref<128xi32, #tpu.memory_space<vmem>>) semaphore(%dma_start3A_122 : memref<!tpu.dma_semaphore, #tpu.memory_space<semaphore_mem>>)
    %scan3A_123 = arith.constant 0 : i32
    %scan3A_124 = arith.constant 0 : i32
    %scan3A_125 = arith.constant 39 : i32
    %scan3A_126 = arith.addi %scan3A_124, %scan3A_125 : i32
    %scan3A_127 = arith.constant 1 : i32
    %scan3A_128 = scf.for %scan3A_165 = %scan3A_124 to %scan3A_126 step %scan3A_127 iter_args(%scan3A_166 = %scan3A_123) -> (i32)  : i32 {
      %mul3A_167 = arith.constant 2 : i32
      %mul3A_168 = arith.muli %scan3A_165, %mul3A_167 : i32
      %add3A_169 = arith.constant 0 : i32
      %add3A_170 = arith.addi %mul3A_168, %add3A_169 : i32
      %dma_wait3A_171 = arith.constant 0 : i32
      %dma_wait3A_172 = arith.constant 0 : i32
      %dma_wait3A_173 = arith.constant 0 : i32
      %dma_wait3A_174 = arith.constant 0 : i32
      %dma_wait3A_175 = tpu.memref_slice %arg8[%dma_wait3A_171, %dma_wait3A_173, %dma_wait3A_174] : memref<2x128x64xf32, #tpu.memory_space<vmem>> -> memref<1x128x64xf32, #tpu.memory_space<vmem>>
      %dma_wait3A_176 = tpu.memref_squeeze %dma_wait3A_175 : memref<1x128x64xf32, #tpu.memory_space<vmem>> -> memref<128x64xf32, #tpu.memory_space<vmem>>
      %dma_wait3A_177 = arith.constant 0 : i32
      %dma_wait3A_178 = tpu.memref_slice %arg6[%add3A_170, %dma_wait3A_177] : memref<80x128xi32, #tpu.memory_space<vmem>> -> memref<1x128xi32, #tpu.memory_space<vmem>>
      %dma_wait3A_179 = tpu.memref_squeeze %dma_wait3A_178 : memref<1x128xi32, #tpu.memory_space<vmem>> -> memref<128xi32, #tpu.memory_space<vmem>>
      %dma_wait3A_180 = arith.constant 0 : i32
      %dma_wait3A_181 = arith.constant 0 : i32
      %dma_wait3A_182 = tpu.memref_slice %arg9[%dma_wait3A_180, %dma_wait3A_181] : memref<10240x64xf32, #tpu.memory_space<vmem_shared>> -> memref<10240x64xf32, #tpu.memory_space<vmem_shared>>
      %dma_wait3A_183 = tpu.memref_slice %arg11[%dma_wait3A_172] : memref<2x!tpu.dma_semaphore, #tpu.memory_space<semaphore_mem>> -> memref<1x!tpu.dma_semaphore, #tpu.memory_space<semaphore_mem>>
      %dma_wait3A_184 = tpu.memref_squeeze %dma_wait3A_183 : memref<1x!tpu.dma_semaphore, #tpu.memory_space<semaphore_mem>> -> memref<!tpu.dma_semaphore, #tpu.memory_space<semaphore_mem>>
      tpu.wait_indirect_dma semaphore(%dma_wait3A_184 : memref<!tpu.dma_semaphore, #tpu.memory_space<semaphore_mem>>) src(%dma_wait3A_182 : memref<10240x64xf32, #tpu.memory_space<vmem_shared>>) dst(%dma_wait3A_176 : memref<128x64xf32, #tpu.memory_space<vmem>>)
      %run_scoped3A_185 = arith.constant 0 : i32
      "tpu.region"() ({
        %run_scoped3A_236 = tpu.sem_alloc : memref<!tpu.dma_semaphore, #tpu.memory_space<semaphore_mem>>
        %dma_start3A_237 = arith.constant 0 : i32
        %dma_start3A_238 = arith.constant 0 : i32
        %dma_start3A_239 = tpu.memref_slice %arg8[%run_scoped3A_185, %dma_start3A_237, %dma_start3A_238] : memref<2x128x64xf32, #tpu.memory_space<vmem>> -> memref<1x128x64xf32, #tpu.memory_space<vmem>>
        %dma_start3A_240 = tpu.memref_squeeze %dma_start3A_239 : memref<1x128x64xf32, #tpu.memory_space<vmem>> -> memref<128x64xf32, #tpu.memory_space<vmem>>
        %dma_start3A_241 = arith.constant 0 : i32
        %dma_start3A_242 = tpu.memref_slice %arg7[%add3A_170, %dma_start3A_241] : memref<80x128xi32, #tpu.memory_space<vmem>> -> memref<1x128xi32, #tpu.memory_space<vmem>>
        %dma_start3A_243 = tpu.memref_squeeze %dma_start3A_242 : memref<1x128xi32, #tpu.memory_space<vmem>> -> memref<128xi32, #tpu.memory_space<vmem>>
        %dma_start3A_244 = arith.constant 0 : i32
        %dma_start3A_245 = arith.constant 0 : i32
        %dma_start3A_246 = tpu.memref_slice %arg10[%dma_start3A_244, %dma_start3A_245] : memref<10240x64xf32, #tpu.memory_space<vmem_shared>> -> memref<10240x64xf32, #tpu.memory_space<vmem_shared>>
        tpu.enqueue_indirect_dma source(%dma_start3A_240 : memref<128x64xf32, #tpu.memory_space<vmem>>) target(%dma_start3A_246 : memref<10240x64xf32, #tpu.memory_space<vmem_shared>>) offsets(%dma_start3A_243 : memref<128xi32, #tpu.memory_space<vmem>>) semaphore(%run_scoped3A_236 : memref<!tpu.dma_semaphore, #tpu.memory_space<semaphore_mem>>) {add = true}
        %dma_wait3A_247 = arith.constant 0 : i32
        %dma_wait3A_248 = arith.constant 0 : i32
        %dma_wait3A_249 = tpu.memref_slice %arg8[%run_scoped3A_185, %dma_wait3A_247, %dma_wait3A_248] : memref<2x128x64xf32, #tpu.memory_space<vmem>> -> memref<1x128x64xf32, #tpu.memory_space<vmem>>
        %dma_wait3A_250 = tpu.memref_squeeze %dma_wait3A_249 : memref<1x128x64xf32, #tpu.memory_space<vmem>> -> memref<128x64xf32, #tpu.memory_space<vmem>>
        %dma_wait3A_251 = arith.constant 0 : i32
        %dma_wait3A_252 = tpu.memref_slice %arg7[%add3A_170, %dma_wait3A_251] : memref<80x128xi32, #tpu.memory_space<vmem>> -> memref<1x128xi32, #tpu.memory_space<vmem>>
        %dma_wait3A_253 = tpu.memref_squeeze %dma_wait3A_252 : memref<1x128xi32, #tpu.memory_space<vmem>> -> memref<128xi32, #tpu.memory_space<vmem>>
        %dma_wait3A_254 = arith.constant 0 : i32
        %dma_wait3A_255 = arith.constant 0 : i32
        %dma_wait3A_256 = tpu.memref_slice %arg10[%dma_wait3A_254, %dma_wait3A_255] : memref<10240x64xf32, #tpu.memory_space<vmem_shared>> -> memref<10240x64xf32, #tpu.memory_space<vmem_shared>>
        tpu.wait_indirect_dma semaphore(%run_scoped3A_236 : memref<!tpu.dma_semaphore, #tpu.memory_space<semaphore_mem>>) src(%dma_wait3A_250 : memref<128x64xf32, #tpu.memory_space<vmem>>) dst(%dma_wait3A_256 : memref<10240x64xf32, #tpu.memory_space<vmem_shared>>)
        tpu.yield
      }) : () -> ()
      %add3A_186 = arith.constant 2 : i32
      %add3A_187 = arith.addi %add3A_170, %add3A_186 : i32
      %dma_start3A_188 = arith.constant 0 : i32
      %dma_start3A_189 = arith.constant 0 : i32
      %dma_start3A_190 = arith.constant 0 : i32
      %dma_start3A_191 = arith.constant 0 : i32
      %dma_start3A_192 = tpu.memref_slice %arg8[%dma_start3A_188, %dma_start3A_190, %dma_start3A_191] : memref<2x128x64xf32, #tpu.memory_space<vmem>> -> memref<1x128x64xf32, #tpu.memory_space<vmem>>
      %dma_start3A_193 = tpu.memref_squeeze %dma_start3A_192 : memref<1x128x64xf32, #tpu.memory_space<vmem>> -> memref<128x64xf32, #tpu.memory_space<vmem>>
      %dma_start3A_194 = arith.constant 0 : i32
      %dma_start3A_195 = tpu.memref_slice %arg6[%add3A_187, %dma_start3A_194] : memref<80x128xi32, #tpu.memory_space<vmem>> -> memref<1x128xi32, #tpu.memory_space<vmem>>
      %dma_start3A_196 = tpu.memref_squeeze %dma_start3A_195 : memref<1x128xi32, #tpu.memory_space<vmem>> -> memref<128xi32, #tpu.memory_space<vmem>>
      %dma_start3A_197 = arith.constant 0 : i32
      %dma_start3A_198 = arith.constant 0 : i32
      %dma_start3A_199 = tpu.memref_slice %arg9[%dma_start3A_197, %dma_start3A_198] : memref<10240x64xf32, #tpu.memory_space<vmem_shared>> -> memref<10240x64xf32, #tpu.memory_space<vmem_shared>>
      %dma_start3A_200 = tpu.memref_slice %arg11[%dma_start3A_189] : memref<2x!tpu.dma_semaphore, #tpu.memory_space<semaphore_mem>> -> memref<1x!tpu.dma_semaphore, #tpu.memory_space<semaphore_mem>>
      %dma_start3A_201 = tpu.memref_squeeze %dma_start3A_200 : memref<1x!tpu.dma_semaphore, #tpu.memory_space<semaphore_mem>> -> memref<!tpu.dma_semaphore, #tpu.memory_space<semaphore_mem>>
      tpu.enqueue_indirect_dma source(%dma_start3A_199 : memref<10240x64xf32, #tpu.memory_space<vmem_shared>>) target(%dma_start3A_193 : memref<128x64xf32, #tpu.memory_space<vmem>>) offsets(%dma_start3A_196 : memref<128xi32, #tpu.memory_space<vmem>>) semaphore(%dma_start3A_201 : memref<!tpu.dma_semaphore, #tpu.memory_space<semaphore_mem>>)
      %add3A_202 = arith.constant 1 : i32
      %add3A_203 = arith.addi %mul3A_168, %add3A_202 : i32
      %dma_wait3A_204 = arith.constant 1 : i32
      %dma_wait3A_205 = arith.constant 1 : i32
      %dma_wait3A_206 = arith.constant 0 : i32
      %dma_wait3A_207 = arith.constant 0 : i32
      %dma_wait3A_208 = tpu.memref_slice %arg8[%dma_wait3A_204, %dma_wait3A_206, %dma_wait3A_207] : memref<2x128x64xf32, #tpu.memory_space<vmem>> -> memref<1x128x64xf32, #tpu.memory_space<vmem>>
      %dma_wait3A_209 = tpu.memref_squeeze %dma_wait3A_208 : memref<1x128x64xf32, #tpu.memory_space<vmem>> -> memref<128x64xf32, #tpu.memory_space<vmem>>
      %dma_wait3A_210 = arith.constant 0 : i32
      %dma_wait3A_211 = tpu.memref_slice %arg6[%add3A_203, %dma_wait3A_210] : memref<80x128xi32, #tpu.memory_space<vmem>> -> memref<1x128xi32, #tpu.memory_space<vmem>>
      %dma_wait3A_212 = tpu.memref_squeeze %dma_wait3A_211 : memref<1x128xi32, #tpu.memory_space<vmem>> -> memref<128xi32, #tpu.memory_space<vmem>>
      %dma_wait3A_213 = arith.constant 0 : i32
      %dma_wait3A_214 = arith.constant 0 : i32
      %dma_wait3A_215 = tpu.memref_slice %arg9[%dma_wait3A_213, %dma_wait3A_214] : memref<10240x64xf32, #tpu.memory_space<vmem_shared>> -> memref<10240x64xf32, #tpu.memory_space<vmem_shared>>
      %dma_wait3A_216 = tpu.memref_slice %arg11[%dma_wait3A_205] : memref<2x!tpu.dma_semaphore, #tpu.memory_space<semaphore_mem>> -> memref<1x!tpu.dma_semaphore, #tpu.memory_space<semaphore_mem>>
      %dma_wait3A_217 = tpu.memref_squeeze %dma_wait3A_216 : memref<1x!tpu.dma_semaphore, #tpu.memory_space<semaphore_mem>> -> memref<!tpu.dma_semaphore, #tpu.memory_space<semaphore_mem>>
      tpu.wait_indirect_dma semaphore(%dma_wait3A_217 : memref<!tpu.dma_semaphore, #tpu.memory_space<semaphore_mem>>) src(%dma_wait3A_215 : memref<10240x64xf32, #tpu.memory_space<vmem_shared>>) dst(%dma_wait3A_209 : memref<128x64xf32, #tpu.memory_space<vmem>>)
      %run_scoped3A_218 = arith.constant 1 : i32
      "tpu.region"() ({
        %run_scoped3A_236 = tpu.sem_alloc : memref<!tpu.dma_semaphore, #tpu.memory_space<semaphore_mem>>
        %dma_start3A_237 = arith.constant 0 : i32
        %dma_start3A_238 = arith.constant 0 : i32
        %dma_start3A_239 = tpu.memref_slice %arg8[%run_scoped3A_218, %dma_start3A_237, %dma_start3A_238] : memref<2x128x64xf32, #tpu.memory_space<vmem>> -> memref<1x128x64xf32, #tpu.memory_space<vmem>>
        %dma_start3A_240 = tpu.memref_squeeze %dma_start3A_239 : memref<1x128x64xf32, #tpu.memory_space<vmem>> -> memref<128x64xf32, #tpu.memory_space<vmem>>
        %dma_start3A_241 = arith.constant 0 : i32
        %dma_start3A_242 = tpu.memref_slice %arg7[%add3A_203, %dma_start3A_241] : memref<80x128xi32, #tpu.memory_space<vmem>> -> memref<1x128xi32, #tpu.memory_space<vmem>>
        %dma_start3A_243 = tpu.memref_squeeze %dma_start3A_242 : memref<1x128xi32, #tpu.memory_space<vmem>> -> memref<128xi32, #tpu.memory_space<vmem>>
        %dma_start3A_244 = arith.constant 0 : i32
        %dma_start3A_245 = arith.constant 0 : i32
        %dma_start3A_246 = tpu.memref_slice %arg10[%dma_start3A_244, %dma_start3A_245] : memref<10240x64xf32, #tpu.memory_space<vmem_shared>> -> memref<10240x64xf32, #tpu.memory_space<vmem_shared>>
        tpu.enqueue_indirect_dma source(%dma_start3A_240 : memref<128x64xf32, #tpu.memory_space<vmem>>) target(%dma_start3A_246 : memref<10240x64xf32, #tpu.memory_space<vmem_shared>>) offsets(%dma_start3A_243 : memref<128xi32, #tpu.memory_space<vmem>>) semaphore(%run_scoped3A_236 : memref<!tpu.dma_semaphore, #tpu.memory_space<semaphore_mem>>) {add = true}
        %dma_wait3A_247 = arith.constant 0 : i32
        %dma_wait3A_248 = arith.constant 0 : i32
        %dma_wait3A_249 = tpu.memref_slice %arg8[%run_scoped3A_218, %dma_wait3A_247, %dma_wait3A_248] : memref<2x128x64xf32, #tpu.memory_space<vmem>> -> memref<1x128x64xf32, #tpu.memory_space<vmem>>
        %dma_wait3A_250 = tpu.memref_squeeze %dma_wait3A_249 : memref<1x128x64xf32, #tpu.memory_space<vmem>> -> memref<128x64xf32, #tpu.memory_space<vmem>>
        %dma_wait3A_251 = arith.constant 0 : i32
        %dma_wait3A_252 = tpu.memref_slice %arg7[%add3A_203, %dma_wait3A_251] : memref<80x128xi32, #tpu.memory_space<vmem>> -> memref<1x128xi32, #tpu.memory_space<vmem>>
        %dma_wait3A_253 = tpu.memref_squeeze %dma_wait3A_252 : memref<1x128xi32, #tpu.memory_space<vmem>> -> memref<128xi32, #tpu.memory_space<vmem>>
        %dma_wait3A_254 = arith.constant 0 : i32
        %dma_wait3A_255 = arith.constant 0 : i32
        %dma_wait3A_256 = tpu.memref_slice %arg10[%dma_wait3A_254, %dma_wait3A_255] : memref<10240x64xf32, #tpu.memory_space<vmem_shared>> -> memref<10240x64xf32, #tpu.memory_space<vmem_shared>>
        tpu.wait_indirect_dma semaphore(%run_scoped3A_236 : memref<!tpu.dma_semaphore, #tpu.memory_space<semaphore_mem>>) src(%dma_wait3A_250 : memref<128x64xf32, #tpu.memory_space<vmem>>) dst(%dma_wait3A_256 : memref<10240x64xf32, #tpu.memory_space<vmem_shared>>)
        tpu.yield
      }) : () -> ()
      %add3A_219 = arith.constant 2 : i32
      %add3A_220 = arith.addi %add3A_203, %add3A_219 : i32
      %dma_start3A_221 = arith.constant 1 : i32
      %dma_start3A_222 = arith.constant 1 : i32
      %dma_start3A_223 = arith.constant 0 : i32
      %dma_start3A_224 = arith.constant 0 : i32
      %dma_start3A_225 = tpu.memref_slice %arg8[%dma_start3A_221, %dma_start3A_223, %dma_start3A_224] : memref<2x128x64xf32, #tpu.memory_space<vmem>> -> memref<1x128x64xf32, #tpu.memory_space<vmem>>
      %dma_start3A_226 = tpu.memref_squeeze %dma_start3A_225 : memref<1x128x64xf32, #tpu.memory_space<vmem>> -> memref<128x64xf32, #tpu.memory_space<vmem>>
      %dma_start3A_227 = arith.constant 0 : i32
      %dma_start3A_228 = tpu.memref_slice %arg6[%add3A_220, %dma_start3A_227] : memref<80x128xi32, #tpu.memory_space<vmem>> -> memref<1x128xi32, #tpu.memory_space<vmem>>
      %dma_start3A_229 = tpu.memref_squeeze %dma_start3A_228 : memref<1x128xi32, #tpu.memory_space<vmem>> -> memref<128xi32, #tpu.memory_space<vmem>>
      %dma_start3A_230 = arith.constant 0 : i32
      %dma_start3A_231 = arith.constant 0 : i32
      %dma_start3A_232 = tpu.memref_slice %arg9[%dma_start3A_230, %dma_start3A_231] : memref<10240x64xf32, #tpu.memory_space<vmem_shared>> -> memref<10240x64xf32, #tpu.memory_space<vmem_shared>>
      %dma_start3A_233 = tpu.memref_slice %arg11[%dma_start3A_222] : memref<2x!tpu.dma_semaphore, #tpu.memory_space<semaphore_mem>> -> memref<1x!tpu.dma_semaphore, #tpu.memory_space<semaphore_mem>>
      %dma_start3A_234 = tpu.memref_squeeze %dma_start3A_233 : memref<1x!tpu.dma_semaphore, #tpu.memory_space<semaphore_mem>> -> memref<!tpu.dma_semaphore, #tpu.memory_space<semaphore_mem>>
      tpu.enqueue_indirect_dma source(%dma_start3A_232 : memref<10240x64xf32, #tpu.memory_space<vmem_shared>>) target(%dma_start3A_226 : memref<128x64xf32, #tpu.memory_space<vmem>>) offsets(%dma_start3A_229 : memref<128xi32, #tpu.memory_space<vmem>>) semaphore(%dma_start3A_234 : memref<!tpu.dma_semaphore, #tpu.memory_space<semaphore_mem>>)
      %scan3A_235 = arith.constant 0 : i32
      scf.yield %scan3A_235 : i32
    }
    %scan3A_129 = arith.constant 39 : i32
    %dma_wait3A_130 = arith.constant 78 : i32
    %dma_wait3A_131 = arith.constant 0 : i32
    %dma_wait3A_132 = arith.constant 0 : i32
    %dma_wait3A_133 = arith.constant 0 : i32
    %dma_wait3A_134 = arith.constant 0 : i32
    %dma_wait3A_135 = tpu.memref_slice %arg8[%dma_wait3A_131, %dma_wait3A_133, %dma_wait3A_134] : memref<2x128x64xf32, #tpu.memory_space<vmem>> -> memref<1x128x64xf32, #tpu.memory_space<vmem>>
    %dma_wait3A_136 = tpu.memref_squeeze %dma_wait3A_135 : memref<1x128x64xf32, #tpu.memory_space<vmem>> -> memref<128x64xf32, #tpu.memory_space<vmem>>
    %dma_wait3A_137 = arith.constant 0 : i32
    %dma_wait3A_138 = tpu.memref_slice %arg6[%dma_wait3A_130, %dma_wait3A_137] : memref<80x128xi32, #tpu.memory_space<vmem>> -> memref<1x128xi32, #tpu.memory_space<vmem>>
    %dma_wait3A_139 = tpu.memref_squeeze %dma_wait3A_138 : memref<1x128xi32, #tpu.memory_space<vmem>> -> memref<128xi32, #tpu.memory_space<vmem>>
    %dma_wait3A_140 = arith.constant 0 : i32
    %dma_wait3A_141 = arith.constant 0 : i32
    %dma_wait3A_142 = tpu.memref_slice %arg9[%dma_wait3A_140, %dma_wait3A_141] : memref<10240x64xf32, #tpu.memory_space<vmem_shared>> -> memref<10240x64xf32, #tpu.memory_space<vmem_shared>>
    %dma_wait3A_143 = tpu.memref_slice %arg11[%dma_wait3A_132] : memref<2x!tpu.dma_semaphore, #tpu.memory_space<semaphore_mem>> -> memref<1x!tpu.dma_semaphore, #tpu.memory_space<semaphore_mem>>
    %dma_wait3A_144 = tpu.memref_squeeze %dma_wait3A_143 : memref<1x!tpu.dma_semaphore, #tpu.memory_space<semaphore_mem>> -> memref<!tpu.dma_semaphore, #tpu.memory_space<semaphore_mem>>
    tpu.wait_indirect_dma semaphore(%dma_wait3A_144 : memref<!tpu.dma_semaphore, #tpu.memory_space<semaphore_mem>>) src(%dma_wait3A_142 : memref<10240x64xf32, #tpu.memory_space<vmem_shared>>) dst(%dma_wait3A_136 : memref<128x64xf32, #tpu.memory_space<vmem>>)
    %run_scoped3A_145 = arith.constant 0 : i32
    %run_scoped3A_146 = arith.constant 78 : i32
    "tpu.region"() ({
      %run_scoped3A_165 = tpu.sem_alloc : memref<!tpu.dma_semaphore, #tpu.memory_space<semaphore_mem>>
      %dma_start3A_166 = arith.constant 0 : i32
      %dma_start3A_167 = arith.constant 0 : i32
      %dma_start3A_168 = tpu.memref_slice %arg8[%run_scoped3A_145, %dma_start3A_166, %dma_start3A_167] : memref<2x128x64xf32, #tpu.memory_space<vmem>> -> memref<1x128x64xf32, #tpu.memory_space<vmem>>
      %dma_start3A_169 = tpu.memref_squeeze %dma_start3A_168 : memref<1x128x64xf32, #tpu.memory_space<vmem>> -> memref<128x64xf32, #tpu.memory_space<vmem>>
      %dma_start3A_170 = arith.constant 0 : i32
      %dma_start3A_171 = tpu.memref_slice %arg7[%run_scoped3A_146, %dma_start3A_170] : memref<80x128xi32, #tpu.memory_space<vmem>> -> memref<1x128xi32, #tpu.memory_space<vmem>>
      %dma_start3A_172 = tpu.memref_squeeze %dma_start3A_171 : memref<1x128xi32, #tpu.memory_space<vmem>> -> memref<128xi32, #tpu.memory_space<vmem>>
      %dma_start3A_173 = arith.constant 0 : i32
      %dma_start3A_174 = arith.constant 0 : i32
      %dma_start3A_175 = tpu.memref_slice %arg10[%dma_start3A_173, %dma_start3A_174] : memref<10240x64xf32, #tpu.memory_space<vmem_shared>> -> memref<10240x64xf32, #tpu.memory_space<vmem_shared>>
      tpu.enqueue_indirect_dma source(%dma_start3A_169 : memref<128x64xf32, #tpu.memory_space<vmem>>) target(%dma_start3A_175 : memref<10240x64xf32, #tpu.memory_space<vmem_shared>>) offsets(%dma_start3A_172 : memref<128xi32, #tpu.memory_space<vmem>>) semaphore(%run_scoped3A_165 : memref<!tpu.dma_semaphore, #tpu.memory_space<semaphore_mem>>) {add = true}
      %dma_wait3A_176 = arith.constant 0 : i32
      %dma_wait3A_177 = arith.constant 0 : i32
      %dma_wait3A_178 = tpu.memref_slice %arg8[%run_scoped3A_145, %dma_wait3A_176, %dma_wait3A_177] : memref<2x128x64xf32, #tpu.memory_space<vmem>> -> memref<1x128x64xf32, #tpu.memory_space<vmem>>
      %dma_wait3A_179 = tpu.memref_squeeze %dma_wait3A_178 : memref<1x128x64xf32, #tpu.memory_space<vmem>> -> memref<128x64xf32, #tpu.memory_space<vmem>>
      %dma_wait3A_180 = arith.constant 0 : i32
      %dma_wait3A_181 = tpu.memref_slice %arg7[%run_scoped3A_146, %dma_wait3A_180] : memref<80x128xi32, #tpu.memory_space<vmem>> -> memref<1x128xi32, #tpu.memory_space<vmem>>
      %dma_wait3A_182 = tpu.memref_squeeze %dma_wait3A_181 : memref<1x128xi32, #tpu.memory_space<vmem>> -> memref<128xi32, #tpu.memory_space<vmem>>
      %dma_wait3A_183 = arith.constant 0 : i32
      %dma_wait3A_184 = arith.constant 0 : i32
      %dma_wait3A_185 = tpu.memref_slice %arg10[%dma_wait3A_183, %dma_wait3A_184] : memref<10240x64xf32, #tpu.memory_space<vmem_shared>> -> memref<10240x64xf32, #tpu.memory_space<vmem_shared>>
      tpu.wait_indirect_dma semaphore(%run_scoped3A_165 : memref<!tpu.dma_semaphore, #tpu.memory_space<semaphore_mem>>) src(%dma_wait3A_179 : memref<128x64xf32, #tpu.memory_space<vmem>>) dst(%dma_wait3A_185 : memref<10240x64xf32, #tpu.memory_space<vmem_shared>>)
      tpu.yield
    }) : () -> ()
    %dma_wait3A_147 = arith.constant 79 : i32
    %dma_wait3A_148 = arith.constant 1 : i32
    %dma_wait3A_149 = arith.constant 1 : i32
    %dma_wait3A_150 = arith.constant 0 : i32
    %dma_wait3A_151 = arith.constant 0 : i32
    %dma_wait3A_152 = tpu.memref_slice %arg8[%dma_wait3A_148, %dma_wait3A_150, %dma_wait3A_151] : memref<2x128x64xf32, #tpu.memory_space<vmem>> -> memref<1x128x64xf32, #tpu.memory_space<vmem>>
    %dma_wait3A_153 = tpu.memref_squeeze %dma_wait3A_152 : memref<1x128x64xf32, #tpu.memory_space<vmem>> -> memref<128x64xf32, #tpu.memory_space<vmem>>
    %dma_wait3A_154 = arith.constant 0 : i32
    %dma_wait3A_155 = tpu.memref_slice %arg6[%dma_wait3A_147, %dma_wait3A_154] : memref<80x128xi32, #tpu.memory_space<vmem>> -> memref<1x128xi32, #tpu.memory_space<vmem>>
    %dma_wait3A_156 = tpu.memref_squeeze %dma_wait3A_155 : memref<1x128xi32, #tpu.memory_space<vmem>> -> memref<128xi32, #tpu.memory_space<vmem>>
    %dma_wait3A_157 = arith.constant 0 : i32
    %dma_wait3A_158 = arith.constant 0 : i32
    %dma_wait3A_159 = tpu.memref_slice %arg9[%dma_wait3A_157, %dma_wait3A_158] : memref<10240x64xf32, #tpu.memory_space<vmem_shared>> -> memref<10240x64xf32, #tpu.memory_space<vmem_shared>>
    %dma_wait3A_160 = tpu.memref_slice %arg11[%dma_wait3A_149] : memref<2x!tpu.dma_semaphore, #tpu.memory_space<semaphore_mem>> -> memref<1x!tpu.dma_semaphore, #tpu.memory_space<semaphore_mem>>
    %dma_wait3A_161 = tpu.memref_squeeze %dma_wait3A_160 : memref<1x!tpu.dma_semaphore, #tpu.memory_space<semaphore_mem>> -> memref<!tpu.dma_semaphore, #tpu.memory_space<semaphore_mem>>
    tpu.wait_indirect_dma semaphore(%dma_wait3A_161 : memref<!tpu.dma_semaphore, #tpu.memory_space<semaphore_mem>>) src(%dma_wait3A_159 : memref<10240x64xf32, #tpu.memory_space<vmem_shared>>) dst(%dma_wait3A_153 : memref<128x64xf32, #tpu.memory_space<vmem>>)
    %run_scoped3A_162 = arith.constant 1 : i32
    %run_scoped3A_163 = arith.constant 79 : i32
    "tpu.region"() ({
      %run_scoped3A_165 = tpu.sem_alloc : memref<!tpu.dma_semaphore, #tpu.memory_space<semaphore_mem>>
      %dma_start3A_166 = arith.constant 0 : i32
      %dma_start3A_167 = arith.constant 0 : i32
      %dma_start3A_168 = tpu.memref_slice %arg8[%run_scoped3A_162, %dma_start3A_166, %dma_start3A_167] : memref<2x128x64xf32, #tpu.memory_space<vmem>> -> memref<1x128x64xf32, #tpu.memory_space<vmem>>
      %dma_start3A_169 = tpu.memref_squeeze %dma_start3A_168 : memref<1x128x64xf32, #tpu.memory_space<vmem>> -> memref<128x64xf32, #tpu.memory_space<vmem>>
      %dma_start3A_170 = arith.constant 0 : i32
      %dma_start3A_171 = tpu.memref_slice %arg7[%run_scoped3A_163, %dma_start3A_170] : memref<80x128xi32, #tpu.memory_space<vmem>> -> memref<1x128xi32, #tpu.memory_space<vmem>>
      %dma_start3A_172 = tpu.memref_squeeze %dma_start3A_171 : memref<1x128xi32, #tpu.memory_space<vmem>> -> memref<128xi32, #tpu.memory_space<vmem>>
      %dma_start3A_173 = arith.constant 0 : i32
      %dma_start3A_174 = arith.constant 0 : i32
      %dma_start3A_175 = tpu.memref_slice %arg10[%dma_start3A_173, %dma_start3A_174] : memref<10240x64xf32, #tpu.memory_space<vmem_shared>> -> memref<10240x64xf32, #tpu.memory_space<vmem_shared>>
      tpu.enqueue_indirect_dma source(%dma_start3A_169 : memref<128x64xf32, #tpu.memory_space<vmem>>) target(%dma_start3A_175 : memref<10240x64xf32, #tpu.memory_space<vmem_shared>>) offsets(%dma_start3A_172 : memref<128xi32, #tpu.memory_space<vmem>>) semaphore(%run_scoped3A_165 : memref<!tpu.dma_semaphore, #tpu.memory_space<semaphore_mem>>) {add = true}
      %dma_wait3A_176 = arith.constant 0 : i32
      %dma_wait3A_177 = arith.constant 0 : i32
      %dma_wait3A_178 = tpu.memref_slice %arg8[%run_scoped3A_162, %dma_wait3A_176, %dma_wait3A_177] : memref<2x128x64xf32, #tpu.memory_space<vmem>> -> memref<1x128x64xf32, #tpu.memory_space<vmem>>
      %dma_wait3A_179 = tpu.memref_squeeze %dma_wait3A_178 : memref<1x128x64xf32, #tpu.memory_space<vmem>> -> memref<128x64xf32, #tpu.memory_space<vmem>>
      %dma_wait3A_180 = arith.constant 0 : i32
      %dma_wait3A_181 = tpu.memref_slice %arg7[%run_scoped3A_163, %dma_wait3A_180] : memref<80x128xi32, #tpu.memory_space<vmem>> -> memref<1x128xi32, #tpu.memory_space<vmem>>
      %dma_wait3A_182 = tpu.memref_squeeze %dma_wait3A_181 : memref<1x128xi32, #tpu.memory_space<vmem>> -> memref<128xi32, #tpu.memory_space<vmem>>
      %dma_wait3A_183 = arith.constant 0 : i32
      %dma_wait3A_184 = arith.constant 0 : i32
      %dma_wait3A_185 = tpu.memref_slice %arg10[%dma_wait3A_183, %dma_wait3A_184] : memref<10240x64xf32, #tpu.memory_space<vmem_shared>> -> memref<10240x64xf32, #tpu.memory_space<vmem_shared>>
      tpu.wait_indirect_dma semaphore(%run_scoped3A_165 : memref<!tpu.dma_semaphore, #tpu.memory_space<semaphore_mem>>) src(%dma_wait3A_179 : memref<128x64xf32, #tpu.memory_space<vmem>>) dst(%dma_wait3A_185 : memref<10240x64xf32, #tpu.memory_space<vmem_shared>>)
      tpu.yield
    }) : () -> ()
    %barrier3A_164 = arith.constant 0 : index
    tpu.barrier barrier_id(%barrier3A_164)
    "tpu.region"() ({
      %run_scoped3A_165 = tpu.sem_alloc : memref<!tpu.dma_semaphore, #tpu.memory_space<semaphore_mem>>
      %dma_start3A_166 = tpu.memref_slice %arg5[%mul3A_0, %mul3A_2] : memref<10240x128xf32, #tpu.memory_space<hbm>> -> memref<640x64xf32, #tpu.memory_space<hbm>>
      %dma_start3A_167 = arith.constant 0 : i32
      %dma_start3A_168 = tpu.memref_slice %arg10[%mul3A_0, %dma_start3A_167] : memref<10240x64xf32, #tpu.memory_space<vmem_shared>> -> memref<640x64xf32, #tpu.memory_space<vmem_shared>>
      tpu.enqueue_dma source(%dma_start3A_168 : memref<640x64xf32, #tpu.memory_space<vmem_shared>>) target(%dma_start3A_166 : memref<640x64xf32, #tpu.memory_space<hbm>>) target_semaphore(%run_scoped3A_165 : memref<!tpu.dma_semaphore, #tpu.memory_space<semaphore_mem>>)
      %dma_wait3A_169 = tpu.memref_slice %arg5[%mul3A_0, %mul3A_2] : memref<10240x128xf32, #tpu.memory_space<hbm>> -> memref<640x64xf32, #tpu.memory_space<hbm>>
      %dma_wait3A_170 = arith.constant 0 : i32
      %dma_wait3A_171 = tpu.memref_slice %arg10[%mul3A_0, %dma_wait3A_170] : memref<10240x64xf32, #tpu.memory_space<vmem_shared>> -> memref<640x64xf32, #tpu.memory_space<vmem_shared>>
      tpu.wait_dma2 semaphore(%run_scoped3A_165 : memref<!tpu.dma_semaphore, #tpu.memory_space<semaphore_mem>>) src(%dma_wait3A_171 : memref<640x64xf32, #tpu.memory_space<vmem_shared>>) dst(%dma_wait3A_169 : memref<640x64xf32, #tpu.memory_space<hbm>>)
      tpu.yield
    }) : () -> ()
    return
  }
}

#map = affine_map<(d0, d1) -> (0, 0)>
#map1 = affine_map<(d0, d1) -> (0, 0, 0)>
module attributes {stable_mosaic.version = 14 : i64} {
  func.func @agg(%arg0: i32, %arg1: i32, %arg2: memref<10240x128xf32, #tpu.memory_space<hbm>>, %arg3: memref<16x160x128xi32, #tpu.memory_space<hbm>>, %arg4: memref<16x160x128xi32, #tpu.memory_space<hbm>>, %arg5: memref<10240x128xf32, #tpu.memory_space<hbm>>, %arg6: memref<160x128xi32, #tpu.memory_space<vmem>>, %arg7: memref<160x128xi32, #tpu.memory_space<vmem>>, %arg8: memref<2x128x32xf32, #tpu.memory_space<vmem>>, %arg9: memref<10240x32xf32, #tpu.memory_space<vmem_shared>>, %arg10: memref<10240x32xf32, #tpu.memory_space<vmem_shared>>, %arg11: memref<2x!tpu.dma_semaphore, #tpu.memory_space<semaphore_mem>>) attributes {dimension_semantics = [#tpu.dimension_semantics<core_parallel>, #tpu.dimension_semantics<subcore_parallel>], iteration_bounds = array<i64: 2, 16>, scalar_prefetch = 0 : i64, scratch_operands = 6 : i64, tpu.core_type = #tpu.core_type<sc_vector_subcore>, window_params = [{transform_indices = #map}, {transform_indices = #map1}, {transform_indices = #map1}, {transform_indices = #map}]} {
    %mul3A = arith.constant 640 : i32
    %mul3A_0 = arith.muli %arg1, %mul3A : i32
    %mul3A_1 = arith.constant 32 : i32
    %mul3A_2 = arith.muli %arg0, %mul3A_1 : i32
    "tpu.region"() ({
      %run_scoped3A_94 = tpu.sem_alloc : memref<!tpu.dma_semaphore, #tpu.memory_space<semaphore_mem>>
      %dma_start3A_95 = arith.constant 0 : i32
      %dma_start3A_96 = tpu.memref_slice %arg9[%mul3A_0, %dma_start3A_95] : memref<10240x32xf32, #tpu.memory_space<vmem_shared>> -> memref<640x32xf32, #tpu.memory_space<vmem_shared>>
      %dma_start3A_97 = tpu.memref_slice %arg2[%mul3A_0, %mul3A_2] : memref<10240x128xf32, #tpu.memory_space<hbm>> -> memref<640x32xf32, #tpu.memory_space<hbm>>
      tpu.enqueue_dma source(%dma_start3A_97 : memref<640x32xf32, #tpu.memory_space<hbm>>) target(%dma_start3A_96 : memref<640x32xf32, #tpu.memory_space<vmem_shared>>) target_semaphore(%run_scoped3A_94 : memref<!tpu.dma_semaphore, #tpu.memory_space<semaphore_mem>>)
      %dma_wait3A_98 = arith.constant 0 : i32
      %dma_wait3A_99 = tpu.memref_slice %arg9[%mul3A_0, %dma_wait3A_98] : memref<10240x32xf32, #tpu.memory_space<vmem_shared>> -> memref<640x32xf32, #tpu.memory_space<vmem_shared>>
      %dma_wait3A_100 = tpu.memref_slice %arg2[%mul3A_0, %mul3A_2] : memref<10240x128xf32, #tpu.memory_space<hbm>> -> memref<640x32xf32, #tpu.memory_space<hbm>>
      tpu.wait_dma2 semaphore(%run_scoped3A_94 : memref<!tpu.dma_semaphore, #tpu.memory_space<semaphore_mem>>) src(%dma_wait3A_100 : memref<640x32xf32, #tpu.memory_space<hbm>>) dst(%dma_wait3A_99 : memref<640x32xf32, #tpu.memory_space<vmem_shared>>)
      tpu.yield
    }) : () -> ()
    %broadcast_in_dim3A = arith.constant 0.000000e+00 : f32
    %broadcast_in_dim3A_3 = vector.broadcast %broadcast_in_dim3A : f32 to vector<16xf32>
    %scan3A = arith.constant 0 : i32
    %scan3A_4 = arith.constant 0 : i32
    %scan3A_5 = arith.constant 0 : i32
    %scan3A_6 = arith.constant 128 : i32
    %scan3A_7 = arith.addi %scan3A_5, %scan3A_6 : i32
    %scan3A_8 = arith.constant 1 : i32
    %scan3A_9 = scf.for %scan3A_94 = %scan3A_5 to %scan3A_7 step %scan3A_8 iter_args(%scan3A_95 = %scan3A_4) -> (i32)  : i32 {
      %swap3A = arith.constant 0 : i32
      %swap3A_96 = arith.constant 0 : i32
      %swap3A_97 = tpu.memref_slice %arg8[%scan3A, %swap3A, %swap3A_96] : memref<2x128x32xf32, #tpu.memory_space<vmem>> -> memref<1x128x32xf32, #tpu.memory_space<vmem>>
      %swap3A_98 = tpu.memref_squeeze %swap3A_97 : memref<1x128x32xf32, #tpu.memory_space<vmem>> -> memref<128x32xf32, #tpu.memory_space<vmem>>
      %swap3A_99 = arith.index_cast %scan3A_94 : i32 to index
      %swap3A_100 = arith.constant 0 : index
      %swap3A_101 = tpu.vector_load %swap3A_98[%swap3A_99, %swap3A_100] {strides = array<i32>} : memref<128x32xf32, #tpu.memory_space<vmem>>, vector<1x16xf32>,
      %swap3A_102 = vector.shape_cast %swap3A_101 : vector<1x16xf32> to vector<16xf32>
      %swap3A_103 = vector.shape_cast %broadcast_in_dim3A_3 : vector<16xf32> to vector<1x16xf32>
      tpu.vector_store %swap3A_98[%swap3A_99, %swap3A_100], %swap3A_103 {strides = array<i32>} : memref<128x32xf32, #tpu.memory_space<vmem>>, vector<1x16xf32>,
      %swap3A_104 = arith.constant 0 : i32
      %swap3A_105 = arith.constant 0 : i32
      %swap3A_106 = tpu.memref_slice %arg8[%scan3A, %swap3A_104, %swap3A_105] : memref<2x128x32xf32, #tpu.memory_space<vmem>> -> memref<1x128x32xf32, #tpu.memory_space<vmem>>
      %swap3A_107 = tpu.memref_squeeze %swap3A_106 : memref<1x128x32xf32, #tpu.memory_space<vmem>> -> memref<128x32xf32, #tpu.memory_space<vmem>>
      %swap3A_108 = arith.index_cast %scan3A_94 : i32 to index
      %swap3A_109 = arith.constant 16 : index
      %swap3A_110 = tpu.vector_load %swap3A_107[%swap3A_108, %swap3A_109] {strides = array<i32>} : memref<128x32xf32, #tpu.memory_space<vmem>>, vector<1x16xf32>,
      %swap3A_111 = vector.shape_cast %swap3A_110 : vector<1x16xf32> to vector<16xf32>
      %swap3A_112 = vector.shape_cast %broadcast_in_dim3A_3 : vector<16xf32> to vector<1x16xf32>
      tpu.vector_store %swap3A_107[%swap3A_108, %swap3A_109], %swap3A_112 {strides = array<i32>} : memref<128x32xf32, #tpu.memory_space<vmem>>, vector<1x16xf32>,
      %scan3A_113 = arith.constant 0 : i32
      scf.yield %scan3A_113 : i32
    }
    %scan3A_10 = arith.constant 128 : i32
    %add3A = arith.constant 0 : i32
    %add3A_11 = arith.addi %mul3A_0, %add3A : i32
    %run_scoped3A = arith.constant 0 : i32
    "tpu.region"() ({
      %run_scoped3A_94 = tpu.sem_alloc : memref<!tpu.dma_semaphore, #tpu.memory_space<semaphore_mem>>
      %dma_start3A_95 = arith.constant 0 : i32
      %dma_start3A_96 = arith.constant 0 : i32
      %dma_start3A_97 = tpu.memref_slice %arg8[%run_scoped3A, %dma_start3A_95, %dma_start3A_96] : memref<2x128x32xf32, #tpu.memory_space<vmem>> -> memref<1x128x32xf32, #tpu.memory_space<vmem>>
      %dma_start3A_98 = tpu.memref_squeeze %dma_start3A_97 : memref<1x128x32xf32, #tpu.memory_space<vmem>> -> memref<128x32xf32, #tpu.memory_space<vmem>>
      %dma_start3A_99 = arith.constant 0 : i32
      %dma_start3A_100 = tpu.memref_slice %arg10[%add3A_11, %dma_start3A_99] : memref<10240x32xf32, #tpu.memory_space<vmem_shared>> -> memref<128x32xf32, #tpu.memory_space<vmem_shared>>
      %dma_start3A_101 = arith.constant 0 : i32
      %dma_start3A_102 = tpu.memref_slice %arg10[%add3A_11, %dma_start3A_101] : memref<10240x32xf32, #tpu.memory_space<vmem_shared>> -> memref<128x32xf32, #tpu.memory_space<vmem_shared>>
      %dma_start3A_103 = arith.constant 0 : i32
      %dma_start3A_104 = arith.constant 0 : i32
      %dma_start3A_105 = tpu.memref_slice %arg8[%run_scoped3A, %dma_start3A_103, %dma_start3A_104] : memref<2x128x32xf32, #tpu.memory_space<vmem>> -> memref<1x128x32xf32, #tpu.memory_space<vmem>>
      %dma_start3A_106 = tpu.memref_squeeze %dma_start3A_105 : memref<1x128x32xf32, #tpu.memory_space<vmem>> -> memref<128x32xf32, #tpu.memory_space<vmem>>
      tpu.enqueue_dma source(%dma_start3A_106 : memref<128x32xf32, #tpu.memory_space<vmem>>) target(%dma_start3A_102 : memref<128x32xf32, #tpu.memory_space<vmem_shared>>) target_semaphore(%run_scoped3A_94 : memref<!tpu.dma_semaphore, #tpu.memory_space<semaphore_mem>>)
      %dma_wait3A_107 = arith.constant 0 : i32
      %dma_wait3A_108 = arith.constant 0 : i32
      %dma_wait3A_109 = tpu.memref_slice %arg8[%run_scoped3A, %dma_wait3A_107, %dma_wait3A_108] : memref<2x128x32xf32, #tpu.memory_space<vmem>> -> memref<1x128x32xf32, #tpu.memory_space<vmem>>
      %dma_wait3A_110 = tpu.memref_squeeze %dma_wait3A_109 : memref<1x128x32xf32, #tpu.memory_space<vmem>> -> memref<128x32xf32, #tpu.memory_space<vmem>>
      %dma_wait3A_111 = arith.constant 0 : i32
      %dma_wait3A_112 = tpu.memref_slice %arg10[%add3A_11, %dma_wait3A_111] : memref<10240x32xf32, #tpu.memory_space<vmem_shared>> -> memref<128x32xf32, #tpu.memory_space<vmem_shared>>
      %dma_wait3A_113 = arith.constant 0 : i32
      %dma_wait3A_114 = tpu.memref_slice %arg10[%add3A_11, %dma_wait3A_113] : memref<10240x32xf32, #tpu.memory_space<vmem_shared>> -> memref<128x32xf32, #tpu.memory_space<vmem_shared>>
      %dma_wait3A_115 = arith.constant 0 : i32
      %dma_wait3A_116 = arith.constant 0 : i32
      %dma_wait3A_117 = tpu.memref_slice %arg8[%run_scoped3A, %dma_wait3A_115, %dma_wait3A_116] : memref<2x128x32xf32, #tpu.memory_space<vmem>> -> memref<1x128x32xf32, #tpu.memory_space<vmem>>
      %dma_wait3A_118 = tpu.memref_squeeze %dma_wait3A_117 : memref<1x128x32xf32, #tpu.memory_space<vmem>> -> memref<128x32xf32, #tpu.memory_space<vmem>>
      tpu.wait_dma2 semaphore(%run_scoped3A_94 : memref<!tpu.dma_semaphore, #tpu.memory_space<semaphore_mem>>) src(%dma_wait3A_118 : memref<128x32xf32, #tpu.memory_space<vmem>>) dst(%dma_wait3A_114 : memref<128x32xf32, #tpu.memory_space<vmem_shared>>)
      tpu.yield
    }) : () -> ()
    %add3A_12 = arith.constant 128 : i32
    %add3A_13 = arith.addi %mul3A_0, %add3A_12 : i32
    %run_scoped3A_14 = arith.constant 0 : i32
    "tpu.region"() ({
      %run_scoped3A_94 = tpu.sem_alloc : memref<!tpu.dma_semaphore, #tpu.memory_space<semaphore_mem>>
      %dma_start3A_95 = arith.constant 0 : i32
      %dma_start3A_96 = arith.constant 0 : i32
      %dma_start3A_97 = tpu.memref_slice %arg8[%run_scoped3A_14, %dma_start3A_95, %dma_start3A_96] : memref<2x128x32xf32, #tpu.memory_space<vmem>> -> memref<1x128x32xf32, #tpu.memory_space<vmem>>
      %dma_start3A_98 = tpu.memref_squeeze %dma_start3A_97 : memref<1x128x32xf32, #tpu.memory_space<vmem>> -> memref<128x32xf32, #tpu.memory_space<vmem>>
      %dma_start3A_99 = arith.constant 0 : i32
      %dma_start3A_100 = tpu.memref_slice %arg10[%add3A_13, %dma_start3A_99] : memref<10240x32xf32, #tpu.memory_space<vmem_shared>> -> memref<128x32xf32, #tpu.memory_space<vmem_shared>>
      %dma_start3A_101 = arith.constant 0 : i32
      %dma_start3A_102 = tpu.memref_slice %arg10[%add3A_13, %dma_start3A_101] : memref<10240x32xf32, #tpu.memory_space<vmem_shared>> -> memref<128x32xf32, #tpu.memory_space<vmem_shared>>
      %dma_start3A_103 = arith.constant 0 : i32
      %dma_start3A_104 = arith.constant 0 : i32
      %dma_start3A_105 = tpu.memref_slice %arg8[%run_scoped3A_14, %dma_start3A_103, %dma_start3A_104] : memref<2x128x32xf32, #tpu.memory_space<vmem>> -> memref<1x128x32xf32, #tpu.memory_space<vmem>>
      %dma_start3A_106 = tpu.memref_squeeze %dma_start3A_105 : memref<1x128x32xf32, #tpu.memory_space<vmem>> -> memref<128x32xf32, #tpu.memory_space<vmem>>
      tpu.enqueue_dma source(%dma_start3A_106 : memref<128x32xf32, #tpu.memory_space<vmem>>) target(%dma_start3A_102 : memref<128x32xf32, #tpu.memory_space<vmem_shared>>) target_semaphore(%run_scoped3A_94 : memref<!tpu.dma_semaphore, #tpu.memory_space<semaphore_mem>>)
      %dma_wait3A_107 = arith.constant 0 : i32
      %dma_wait3A_108 = arith.constant 0 : i32
      %dma_wait3A_109 = tpu.memref_slice %arg8[%run_scoped3A_14, %dma_wait3A_107, %dma_wait3A_108] : memref<2x128x32xf32, #tpu.memory_space<vmem>> -> memref<1x128x32xf32, #tpu.memory_space<vmem>>
      %dma_wait3A_110 = tpu.memref_squeeze %dma_wait3A_109 : memref<1x128x32xf32, #tpu.memory_space<vmem>> -> memref<128x32xf32, #tpu.memory_space<vmem>>
      %dma_wait3A_111 = arith.constant 0 : i32
      %dma_wait3A_112 = tpu.memref_slice %arg10[%add3A_13, %dma_wait3A_111] : memref<10240x32xf32, #tpu.memory_space<vmem_shared>> -> memref<128x32xf32, #tpu.memory_space<vmem_shared>>
      %dma_wait3A_113 = arith.constant 0 : i32
      %dma_wait3A_114 = tpu.memref_slice %arg10[%add3A_13, %dma_wait3A_113] : memref<10240x32xf32, #tpu.memory_space<vmem_shared>> -> memref<128x32xf32, #tpu.memory_space<vmem_shared>>
      %dma_wait3A_115 = arith.constant 0 : i32
      %dma_wait3A_116 = arith.constant 0 : i32
      %dma_wait3A_117 = tpu.memref_slice %arg8[%run_scoped3A_14, %dma_wait3A_115, %dma_wait3A_116] : memref<2x128x32xf32, #tpu.memory_space<vmem>> -> memref<1x128x32xf32, #tpu.memory_space<vmem>>
      %dma_wait3A_118 = tpu.memref_squeeze %dma_wait3A_117 : memref<1x128x32xf32, #tpu.memory_space<vmem>> -> memref<128x32xf32, #tpu.memory_space<vmem>>
      tpu.wait_dma2 semaphore(%run_scoped3A_94 : memref<!tpu.dma_semaphore, #tpu.memory_space<semaphore_mem>>) src(%dma_wait3A_118 : memref<128x32xf32, #tpu.memory_space<vmem>>) dst(%dma_wait3A_114 : memref<128x32xf32, #tpu.memory_space<vmem_shared>>)
      tpu.yield
    }) : () -> ()
    %add3A_15 = arith.constant 256 : i32
    %add3A_16 = arith.addi %mul3A_0, %add3A_15 : i32
    %run_scoped3A_17 = arith.constant 0 : i32
    "tpu.region"() ({
      %run_scoped3A_94 = tpu.sem_alloc : memref<!tpu.dma_semaphore, #tpu.memory_space<semaphore_mem>>
      %dma_start3A_95 = arith.constant 0 : i32
      %dma_start3A_96 = arith.constant 0 : i32
      %dma_start3A_97 = tpu.memref_slice %arg8[%run_scoped3A_17, %dma_start3A_95, %dma_start3A_96] : memref<2x128x32xf32, #tpu.memory_space<vmem>> -> memref<1x128x32xf32, #tpu.memory_space<vmem>>
      %dma_start3A_98 = tpu.memref_squeeze %dma_start3A_97 : memref<1x128x32xf32, #tpu.memory_space<vmem>> -> memref<128x32xf32, #tpu.memory_space<vmem>>
      %dma_start3A_99 = arith.constant 0 : i32
      %dma_start3A_100 = tpu.memref_slice %arg10[%add3A_16, %dma_start3A_99] : memref<10240x32xf32, #tpu.memory_space<vmem_shared>> -> memref<128x32xf32, #tpu.memory_space<vmem_shared>>
      %dma_start3A_101 = arith.constant 0 : i32
      %dma_start3A_102 = tpu.memref_slice %arg10[%add3A_16, %dma_start3A_101] : memref<10240x32xf32, #tpu.memory_space<vmem_shared>> -> memref<128x32xf32, #tpu.memory_space<vmem_shared>>
      %dma_start3A_103 = arith.constant 0 : i32
      %dma_start3A_104 = arith.constant 0 : i32
      %dma_start3A_105 = tpu.memref_slice %arg8[%run_scoped3A_17, %dma_start3A_103, %dma_start3A_104] : memref<2x128x32xf32, #tpu.memory_space<vmem>> -> memref<1x128x32xf32, #tpu.memory_space<vmem>>
      %dma_start3A_106 = tpu.memref_squeeze %dma_start3A_105 : memref<1x128x32xf32, #tpu.memory_space<vmem>> -> memref<128x32xf32, #tpu.memory_space<vmem>>
      tpu.enqueue_dma source(%dma_start3A_106 : memref<128x32xf32, #tpu.memory_space<vmem>>) target(%dma_start3A_102 : memref<128x32xf32, #tpu.memory_space<vmem_shared>>) target_semaphore(%run_scoped3A_94 : memref<!tpu.dma_semaphore, #tpu.memory_space<semaphore_mem>>)
      %dma_wait3A_107 = arith.constant 0 : i32
      %dma_wait3A_108 = arith.constant 0 : i32
      %dma_wait3A_109 = tpu.memref_slice %arg8[%run_scoped3A_17, %dma_wait3A_107, %dma_wait3A_108] : memref<2x128x32xf32, #tpu.memory_space<vmem>> -> memref<1x128x32xf32, #tpu.memory_space<vmem>>
      %dma_wait3A_110 = tpu.memref_squeeze %dma_wait3A_109 : memref<1x128x32xf32, #tpu.memory_space<vmem>> -> memref<128x32xf32, #tpu.memory_space<vmem>>
      %dma_wait3A_111 = arith.constant 0 : i32
      %dma_wait3A_112 = tpu.memref_slice %arg10[%add3A_16, %dma_wait3A_111] : memref<10240x32xf32, #tpu.memory_space<vmem_shared>> -> memref<128x32xf32, #tpu.memory_space<vmem_shared>>
      %dma_wait3A_113 = arith.constant 0 : i32
      %dma_wait3A_114 = tpu.memref_slice %arg10[%add3A_16, %dma_wait3A_113] : memref<10240x32xf32, #tpu.memory_space<vmem_shared>> -> memref<128x32xf32, #tpu.memory_space<vmem_shared>>
      %dma_wait3A_115 = arith.constant 0 : i32
      %dma_wait3A_116 = arith.constant 0 : i32
      %dma_wait3A_117 = tpu.memref_slice %arg8[%run_scoped3A_17, %dma_wait3A_115, %dma_wait3A_116] : memref<2x128x32xf32, #tpu.memory_space<vmem>> -> memref<1x128x32xf32, #tpu.memory_space<vmem>>
      %dma_wait3A_118 = tpu.memref_squeeze %dma_wait3A_117 : memref<1x128x32xf32, #tpu.memory_space<vmem>> -> memref<128x32xf32, #tpu.memory_space<vmem>>
      tpu.wait_dma2 semaphore(%run_scoped3A_94 : memref<!tpu.dma_semaphore, #tpu.memory_space<semaphore_mem>>) src(%dma_wait3A_118 : memref<128x32xf32, #tpu.memory_space<vmem>>) dst(%dma_wait3A_114 : memref<128x32xf32, #tpu.memory_space<vmem_shared>>)
      tpu.yield
    }) : () -> ()
    %add3A_18 = arith.constant 384 : i32
    %add3A_19 = arith.addi %mul3A_0, %add3A_18 : i32
    %run_scoped3A_20 = arith.constant 0 : i32
    "tpu.region"() ({
      %run_scoped3A_94 = tpu.sem_alloc : memref<!tpu.dma_semaphore, #tpu.memory_space<semaphore_mem>>
      %dma_start3A_95 = arith.constant 0 : i32
      %dma_start3A_96 = arith.constant 0 : i32
      %dma_start3A_97 = tpu.memref_slice %arg8[%run_scoped3A_20, %dma_start3A_95, %dma_start3A_96] : memref<2x128x32xf32, #tpu.memory_space<vmem>> -> memref<1x128x32xf32, #tpu.memory_space<vmem>>
      %dma_start3A_98 = tpu.memref_squeeze %dma_start3A_97 : memref<1x128x32xf32, #tpu.memory_space<vmem>> -> memref<128x32xf32, #tpu.memory_space<vmem>>
      %dma_start3A_99 = arith.constant 0 : i32
      %dma_start3A_100 = tpu.memref_slice %arg10[%add3A_19, %dma_start3A_99] : memref<10240x32xf32, #tpu.memory_space<vmem_shared>> -> memref<128x32xf32, #tpu.memory_space<vmem_shared>>
      %dma_start3A_101 = arith.constant 0 : i32
      %dma_start3A_102 = tpu.memref_slice %arg10[%add3A_19, %dma_start3A_101] : memref<10240x32xf32, #tpu.memory_space<vmem_shared>> -> memref<128x32xf32, #tpu.memory_space<vmem_shared>>
      %dma_start3A_103 = arith.constant 0 : i32
      %dma_start3A_104 = arith.constant 0 : i32
      %dma_start3A_105 = tpu.memref_slice %arg8[%run_scoped3A_20, %dma_start3A_103, %dma_start3A_104] : memref<2x128x32xf32, #tpu.memory_space<vmem>> -> memref<1x128x32xf32, #tpu.memory_space<vmem>>
      %dma_start3A_106 = tpu.memref_squeeze %dma_start3A_105 : memref<1x128x32xf32, #tpu.memory_space<vmem>> -> memref<128x32xf32, #tpu.memory_space<vmem>>
      tpu.enqueue_dma source(%dma_start3A_106 : memref<128x32xf32, #tpu.memory_space<vmem>>) target(%dma_start3A_102 : memref<128x32xf32, #tpu.memory_space<vmem_shared>>) target_semaphore(%run_scoped3A_94 : memref<!tpu.dma_semaphore, #tpu.memory_space<semaphore_mem>>)
      %dma_wait3A_107 = arith.constant 0 : i32
      %dma_wait3A_108 = arith.constant 0 : i32
      %dma_wait3A_109 = tpu.memref_slice %arg8[%run_scoped3A_20, %dma_wait3A_107, %dma_wait3A_108] : memref<2x128x32xf32, #tpu.memory_space<vmem>> -> memref<1x128x32xf32, #tpu.memory_space<vmem>>
      %dma_wait3A_110 = tpu.memref_squeeze %dma_wait3A_109 : memref<1x128x32xf32, #tpu.memory_space<vmem>> -> memref<128x32xf32, #tpu.memory_space<vmem>>
      %dma_wait3A_111 = arith.constant 0 : i32
      %dma_wait3A_112 = tpu.memref_slice %arg10[%add3A_19, %dma_wait3A_111] : memref<10240x32xf32, #tpu.memory_space<vmem_shared>> -> memref<128x32xf32, #tpu.memory_space<vmem_shared>>
      %dma_wait3A_113 = arith.constant 0 : i32
      %dma_wait3A_114 = tpu.memref_slice %arg10[%add3A_19, %dma_wait3A_113] : memref<10240x32xf32, #tpu.memory_space<vmem_shared>> -> memref<128x32xf32, #tpu.memory_space<vmem_shared>>
      %dma_wait3A_115 = arith.constant 0 : i32
      %dma_wait3A_116 = arith.constant 0 : i32
      %dma_wait3A_117 = tpu.memref_slice %arg8[%run_scoped3A_20, %dma_wait3A_115, %dma_wait3A_116] : memref<2x128x32xf32, #tpu.memory_space<vmem>> -> memref<1x128x32xf32, #tpu.memory_space<vmem>>
      %dma_wait3A_118 = tpu.memref_squeeze %dma_wait3A_117 : memref<1x128x32xf32, #tpu.memory_space<vmem>> -> memref<128x32xf32, #tpu.memory_space<vmem>>
      tpu.wait_dma2 semaphore(%run_scoped3A_94 : memref<!tpu.dma_semaphore, #tpu.memory_space<semaphore_mem>>) src(%dma_wait3A_118 : memref<128x32xf32, #tpu.memory_space<vmem>>) dst(%dma_wait3A_114 : memref<128x32xf32, #tpu.memory_space<vmem_shared>>)
      tpu.yield
    }) : () -> ()
    %add3A_21 = arith.constant 512 : i32
    %add3A_22 = arith.addi %mul3A_0, %add3A_21 : i32
    %run_scoped3A_23 = arith.constant 0 : i32
    "tpu.region"() ({
      %run_scoped3A_94 = tpu.sem_alloc : memref<!tpu.dma_semaphore, #tpu.memory_space<semaphore_mem>>
      %dma_start3A_95 = arith.constant 0 : i32
      %dma_start3A_96 = arith.constant 0 : i32
      %dma_start3A_97 = tpu.memref_slice %arg8[%run_scoped3A_23, %dma_start3A_95, %dma_start3A_96] : memref<2x128x32xf32, #tpu.memory_space<vmem>> -> memref<1x128x32xf32, #tpu.memory_space<vmem>>
      %dma_start3A_98 = tpu.memref_squeeze %dma_start3A_97 : memref<1x128x32xf32, #tpu.memory_space<vmem>> -> memref<128x32xf32, #tpu.memory_space<vmem>>
      %dma_start3A_99 = arith.constant 0 : i32
      %dma_start3A_100 = tpu.memref_slice %arg10[%add3A_22, %dma_start3A_99] : memref<10240x32xf32, #tpu.memory_space<vmem_shared>> -> memref<128x32xf32, #tpu.memory_space<vmem_shared>>
      %dma_start3A_101 = arith.constant 0 : i32
      %dma_start3A_102 = tpu.memref_slice %arg10[%add3A_22, %dma_start3A_101] : memref<10240x32xf32, #tpu.memory_space<vmem_shared>> -> memref<128x32xf32, #tpu.memory_space<vmem_shared>>
      %dma_start3A_103 = arith.constant 0 : i32
      %dma_start3A_104 = arith.constant 0 : i32
      %dma_start3A_105 = tpu.memref_slice %arg8[%run_scoped3A_23, %dma_start3A_103, %dma_start3A_104] : memref<2x128x32xf32, #tpu.memory_space<vmem>> -> memref<1x128x32xf32, #tpu.memory_space<vmem>>
      %dma_start3A_106 = tpu.memref_squeeze %dma_start3A_105 : memref<1x128x32xf32, #tpu.memory_space<vmem>> -> memref<128x32xf32, #tpu.memory_space<vmem>>
      tpu.enqueue_dma source(%dma_start3A_106 : memref<128x32xf32, #tpu.memory_space<vmem>>) target(%dma_start3A_102 : memref<128x32xf32, #tpu.memory_space<vmem_shared>>) target_semaphore(%run_scoped3A_94 : memref<!tpu.dma_semaphore, #tpu.memory_space<semaphore_mem>>)
      %dma_wait3A_107 = arith.constant 0 : i32
      %dma_wait3A_108 = arith.constant 0 : i32
      %dma_wait3A_109 = tpu.memref_slice %arg8[%run_scoped3A_23, %dma_wait3A_107, %dma_wait3A_108] : memref<2x128x32xf32, #tpu.memory_space<vmem>> -> memref<1x128x32xf32, #tpu.memory_space<vmem>>
      %dma_wait3A_110 = tpu.memref_squeeze %dma_wait3A_109 : memref<1x128x32xf32, #tpu.memory_space<vmem>> -> memref<128x32xf32, #tpu.memory_space<vmem>>
      %dma_wait3A_111 = arith.constant 0 : i32
      %dma_wait3A_112 = tpu.memref_slice %arg10[%add3A_22, %dma_wait3A_111] : memref<10240x32xf32, #tpu.memory_space<vmem_shared>> -> memref<128x32xf32, #tpu.memory_space<vmem_shared>>
      %dma_wait3A_113 = arith.constant 0 : i32
      %dma_wait3A_114 = tpu.memref_slice %arg10[%add3A_22, %dma_wait3A_113] : memref<10240x32xf32, #tpu.memory_space<vmem_shared>> -> memref<128x32xf32, #tpu.memory_space<vmem_shared>>
      %dma_wait3A_115 = arith.constant 0 : i32
      %dma_wait3A_116 = arith.constant 0 : i32
      %dma_wait3A_117 = tpu.memref_slice %arg8[%run_scoped3A_23, %dma_wait3A_115, %dma_wait3A_116] : memref<2x128x32xf32, #tpu.memory_space<vmem>> -> memref<1x128x32xf32, #tpu.memory_space<vmem>>
      %dma_wait3A_118 = tpu.memref_squeeze %dma_wait3A_117 : memref<1x128x32xf32, #tpu.memory_space<vmem>> -> memref<128x32xf32, #tpu.memory_space<vmem>>
      tpu.wait_dma2 semaphore(%run_scoped3A_94 : memref<!tpu.dma_semaphore, #tpu.memory_space<semaphore_mem>>) src(%dma_wait3A_118 : memref<128x32xf32, #tpu.memory_space<vmem>>) dst(%dma_wait3A_114 : memref<128x32xf32, #tpu.memory_space<vmem_shared>>)
      tpu.yield
    }) : () -> ()
    %barrier3A = arith.constant 0 : index
    tpu.barrier barrier_id(%barrier3A)
    "tpu.region"() ({
      %run_scoped3A_94 = tpu.sem_alloc : memref<!tpu.dma_semaphore, #tpu.memory_space<semaphore_mem>>
      %dma_start3A_95 = arith.constant 0 : i32
      %dma_start3A_96 = arith.constant 0 : i32
      %dma_start3A_97 = tpu.memref_slice %arg3[%arg1, %dma_start3A_95, %dma_start3A_96] : memref<16x160x128xi32, #tpu.memory_space<hbm>> -> memref<1x160x128xi32, #tpu.memory_space<hbm>>
      %dma_start3A_98 = tpu.memref_squeeze %dma_start3A_97 : memref<1x160x128xi32, #tpu.memory_space<hbm>> -> memref<160x128xi32, #tpu.memory_space<hbm>>
      %dma_start3A_99 = arith.constant 0 : i32
      %dma_start3A_100 = arith.constant 0 : i32
      %dma_start3A_101 = tpu.memref_slice %arg3[%arg1, %dma_start3A_99, %dma_start3A_100] : memref<16x160x128xi32, #tpu.memory_space<hbm>> -> memref<1x160x128xi32, #tpu.memory_space<hbm>>
      %dma_start3A_102 = tpu.memref_squeeze %dma_start3A_101 : memref<1x160x128xi32, #tpu.memory_space<hbm>> -> memref<160x128xi32, #tpu.memory_space<hbm>>
      tpu.enqueue_dma source(%dma_start3A_102 : memref<160x128xi32, #tpu.memory_space<hbm>>) target(%arg6 : memref<160x128xi32, #tpu.memory_space<vmem>>) target_semaphore(%run_scoped3A_94 : memref<!tpu.dma_semaphore, #tpu.memory_space<semaphore_mem>>)
      %dma_wait3A_103 = arith.constant 0 : i32
      %dma_wait3A_104 = arith.constant 0 : i32
      %dma_wait3A_105 = tpu.memref_slice %arg3[%arg1, %dma_wait3A_103, %dma_wait3A_104] : memref<16x160x128xi32, #tpu.memory_space<hbm>> -> memref<1x160x128xi32, #tpu.memory_space<hbm>>
      %dma_wait3A_106 = tpu.memref_squeeze %dma_wait3A_105 : memref<1x160x128xi32, #tpu.memory_space<hbm>> -> memref<160x128xi32, #tpu.memory_space<hbm>>
      %dma_wait3A_107 = arith.constant 0 : i32
      %dma_wait3A_108 = arith.constant 0 : i32
      %dma_wait3A_109 = tpu.memref_slice %arg3[%arg1, %dma_wait3A_107, %dma_wait3A_108] : memref<16x160x128xi32, #tpu.memory_space<hbm>> -> memref<1x160x128xi32, #tpu.memory_space<hbm>>
      %dma_wait3A_110 = tpu.memref_squeeze %dma_wait3A_109 : memref<1x160x128xi32, #tpu.memory_space<hbm>> -> memref<160x128xi32, #tpu.memory_space<hbm>>
      tpu.wait_dma2 semaphore(%run_scoped3A_94 : memref<!tpu.dma_semaphore, #tpu.memory_space<semaphore_mem>>) src(%dma_wait3A_110 : memref<160x128xi32, #tpu.memory_space<hbm>>) dst(%arg6 : memref<160x128xi32, #tpu.memory_space<vmem>>)
      tpu.yield
    }) : () -> ()
    "tpu.region"() ({
      %run_scoped3A_94 = tpu.sem_alloc : memref<!tpu.dma_semaphore, #tpu.memory_space<semaphore_mem>>
      %dma_start3A_95 = arith.constant 0 : i32
      %dma_start3A_96 = arith.constant 0 : i32
      %dma_start3A_97 = tpu.memref_slice %arg4[%arg1, %dma_start3A_95, %dma_start3A_96] : memref<16x160x128xi32, #tpu.memory_space<hbm>> -> memref<1x160x128xi32, #tpu.memory_space<hbm>>
      %dma_start3A_98 = tpu.memref_squeeze %dma_start3A_97 : memref<1x160x128xi32, #tpu.memory_space<hbm>> -> memref<160x128xi32, #tpu.memory_space<hbm>>
      %dma_start3A_99 = arith.constant 0 : i32
      %dma_start3A_100 = arith.constant 0 : i32
      %dma_start3A_101 = tpu.memref_slice %arg4[%arg1, %dma_start3A_99, %dma_start3A_100] : memref<16x160x128xi32, #tpu.memory_space<hbm>> -> memref<1x160x128xi32, #tpu.memory_space<hbm>>
      %dma_start3A_102 = tpu.memref_squeeze %dma_start3A_101 : memref<1x160x128xi32, #tpu.memory_space<hbm>> -> memref<160x128xi32, #tpu.memory_space<hbm>>
      tpu.enqueue_dma source(%dma_start3A_102 : memref<160x128xi32, #tpu.memory_space<hbm>>) target(%arg7 : memref<160x128xi32, #tpu.memory_space<vmem>>) target_semaphore(%run_scoped3A_94 : memref<!tpu.dma_semaphore, #tpu.memory_space<semaphore_mem>>)
      %dma_wait3A_103 = arith.constant 0 : i32
      %dma_wait3A_104 = arith.constant 0 : i32
      %dma_wait3A_105 = tpu.memref_slice %arg4[%arg1, %dma_wait3A_103, %dma_wait3A_104] : memref<16x160x128xi32, #tpu.memory_space<hbm>> -> memref<1x160x128xi32, #tpu.memory_space<hbm>>
      %dma_wait3A_106 = tpu.memref_squeeze %dma_wait3A_105 : memref<1x160x128xi32, #tpu.memory_space<hbm>> -> memref<160x128xi32, #tpu.memory_space<hbm>>
      %dma_wait3A_107 = arith.constant 0 : i32
      %dma_wait3A_108 = arith.constant 0 : i32
      %dma_wait3A_109 = tpu.memref_slice %arg4[%arg1, %dma_wait3A_107, %dma_wait3A_108] : memref<16x160x128xi32, #tpu.memory_space<hbm>> -> memref<1x160x128xi32, #tpu.memory_space<hbm>>
      %dma_wait3A_110 = tpu.memref_squeeze %dma_wait3A_109 : memref<1x160x128xi32, #tpu.memory_space<hbm>> -> memref<160x128xi32, #tpu.memory_space<hbm>>
      tpu.wait_dma2 semaphore(%run_scoped3A_94 : memref<!tpu.dma_semaphore, #tpu.memory_space<semaphore_mem>>) src(%dma_wait3A_110 : memref<160x128xi32, #tpu.memory_space<hbm>>) dst(%arg7 : memref<160x128xi32, #tpu.memory_space<vmem>>)
      tpu.yield
    }) : () -> ()
    %dma_start3A = arith.constant 0 : i32
    %dma_start3A_24 = arith.constant 0 : i32
    %dma_start3A_25 = arith.constant 0 : i32
    %dma_start3A_26 = arith.constant 0 : i32
    %dma_start3A_27 = arith.constant 0 : i32
    %dma_start3A_28 = tpu.memref_slice %arg8[%dma_start3A_24, %dma_start3A_26, %dma_start3A_27] : memref<2x128x32xf32, #tpu.memory_space<vmem>> -> memref<1x128x32xf32, #tpu.memory_space<vmem>>
    %dma_start3A_29 = tpu.memref_squeeze %dma_start3A_28 : memref<1x128x32xf32, #tpu.memory_space<vmem>> -> memref<128x32xf32, #tpu.memory_space<vmem>>
    %dma_start3A_30 = arith.constant 0 : i32
    %dma_start3A_31 = tpu.memref_slice %arg6[%dma_start3A, %dma_start3A_30] : memref<160x128xi32, #tpu.memory_space<vmem>> -> memref<1x128xi32, #tpu.memory_space<vmem>>
    %dma_start3A_32 = tpu.memref_squeeze %dma_start3A_31 : memref<1x128xi32, #tpu.memory_space<vmem>> -> memref<128xi32, #tpu.memory_space<vmem>>
    %dma_start3A_33 = arith.constant 0 : i32
    %dma_start3A_34 = arith.constant 0 : i32
    %dma_start3A_35 = tpu.memref_slice %arg9[%dma_start3A_33, %dma_start3A_34] : memref<10240x32xf32, #tpu.memory_space<vmem_shared>> -> memref<10240x32xf32, #tpu.memory_space<vmem_shared>>
    %dma_start3A_36 = tpu.memref_slice %arg11[%dma_start3A_25] : memref<2x!tpu.dma_semaphore, #tpu.memory_space<semaphore_mem>> -> memref<1x!tpu.dma_semaphore, #tpu.memory_space<semaphore_mem>>
    %dma_start3A_37 = tpu.memref_squeeze %dma_start3A_36 : memref<1x!tpu.dma_semaphore, #tpu.memory_space<semaphore_mem>> -> memref<!tpu.dma_semaphore, #tpu.memory_space<semaphore_mem>>
    tpu.enqueue_indirect_dma source(%dma_start3A_35 : memref<10240x32xf32, #tpu.memory_space<vmem_shared>>) target(%dma_start3A_29 : memref<128x32xf32, #tpu.memory_space<vmem>>) offsets(%dma_start3A_32 : memref<128xi32, #tpu.memory_space<vmem>>) semaphore(%dma_start3A_37 : memref<!tpu.dma_semaphore, #tpu.memory_space<semaphore_mem>>)
    %dma_start3A_38 = arith.constant 1 : i32
    %dma_start3A_39 = arith.constant 1 : i32
    %dma_start3A_40 = arith.constant 1 : i32
    %dma_start3A_41 = arith.constant 0 : i32
    %dma_start3A_42 = arith.constant 0 : i32
    %dma_start3A_43 = tpu.memref_slice %arg8[%dma_start3A_39, %dma_start3A_41, %dma_start3A_42] : memref<2x128x32xf32, #tpu.memory_space<vmem>> -> memref<1x128x32xf32, #tpu.memory_space<vmem>>
    %dma_start3A_44 = tpu.memref_squeeze %dma_start3A_43 : memref<1x128x32xf32, #tpu.memory_space<vmem>> -> memref<128x32xf32, #tpu.memory_space<vmem>>
    %dma_start3A_45 = arith.constant 0 : i32
    %dma_start3A_46 = tpu.memref_slice %arg6[%dma_start3A_38, %dma_start3A_45] : memref<160x128xi32, #tpu.memory_space<vmem>> -> memref<1x128xi32, #tpu.memory_space<vmem>>
    %dma_start3A_47 = tpu.memref_squeeze %dma_start3A_46 : memref<1x128xi32, #tpu.memory_space<vmem>> -> memref<128xi32, #tpu.memory_space<vmem>>
    %dma_start3A_48 = arith.constant 0 : i32
    %dma_start3A_49 = arith.constant 0 : i32
    %dma_start3A_50 = tpu.memref_slice %arg9[%dma_start3A_48, %dma_start3A_49] : memref<10240x32xf32, #tpu.memory_space<vmem_shared>> -> memref<10240x32xf32, #tpu.memory_space<vmem_shared>>
    %dma_start3A_51 = tpu.memref_slice %arg11[%dma_start3A_40] : memref<2x!tpu.dma_semaphore, #tpu.memory_space<semaphore_mem>> -> memref<1x!tpu.dma_semaphore, #tpu.memory_space<semaphore_mem>>
    %dma_start3A_52 = tpu.memref_squeeze %dma_start3A_51 : memref<1x!tpu.dma_semaphore, #tpu.memory_space<semaphore_mem>> -> memref<!tpu.dma_semaphore, #tpu.memory_space<semaphore_mem>>
    tpu.enqueue_indirect_dma source(%dma_start3A_50 : memref<10240x32xf32, #tpu.memory_space<vmem_shared>>) target(%dma_start3A_44 : memref<128x32xf32, #tpu.memory_space<vmem>>) offsets(%dma_start3A_47 : memref<128xi32, #tpu.memory_space<vmem>>) semaphore(%dma_start3A_52 : memref<!tpu.dma_semaphore, #tpu.memory_space<semaphore_mem>>)
    %scan3A_53 = arith.constant 0 : i32
    %scan3A_54 = arith.constant 0 : i32
    %scan3A_55 = arith.constant 79 : i32
    %scan3A_56 = arith.addi %scan3A_54, %scan3A_55 : i32
    %scan3A_57 = arith.constant 1 : i32
    %scan3A_58 = scf.for %scan3A_94 = %scan3A_54 to %scan3A_56 step %scan3A_57 iter_args(%scan3A_95 = %scan3A_53) -> (i32)  : i32 {
      %mul3A_96 = arith.constant 2 : i32
      %mul3A_97 = arith.muli %scan3A_94, %mul3A_96 : i32
      %add3A_98 = arith.constant 0 : i32
      %add3A_99 = arith.addi %mul3A_97, %add3A_98 : i32
      %dma_wait3A_100 = arith.constant 0 : i32
      %dma_wait3A_101 = arith.constant 0 : i32
      %dma_wait3A_102 = arith.constant 0 : i32
      %dma_wait3A_103 = arith.constant 0 : i32
      %dma_wait3A_104 = tpu.memref_slice %arg8[%dma_wait3A_100, %dma_wait3A_102, %dma_wait3A_103] : memref<2x128x32xf32, #tpu.memory_space<vmem>> -> memref<1x128x32xf32, #tpu.memory_space<vmem>>
      %dma_wait3A_105 = tpu.memref_squeeze %dma_wait3A_104 : memref<1x128x32xf32, #tpu.memory_space<vmem>> -> memref<128x32xf32, #tpu.memory_space<vmem>>
      %dma_wait3A_106 = arith.constant 0 : i32
      %dma_wait3A_107 = tpu.memref_slice %arg6[%add3A_99, %dma_wait3A_106] : memref<160x128xi32, #tpu.memory_space<vmem>> -> memref<1x128xi32, #tpu.memory_space<vmem>>
      %dma_wait3A_108 = tpu.memref_squeeze %dma_wait3A_107 : memref<1x128xi32, #tpu.memory_space<vmem>> -> memref<128xi32, #tpu.memory_space<vmem>>
      %dma_wait3A_109 = arith.constant 0 : i32
      %dma_wait3A_110 = arith.constant 0 : i32
      %dma_wait3A_111 = tpu.memref_slice %arg9[%dma_wait3A_109, %dma_wait3A_110] : memref<10240x32xf32, #tpu.memory_space<vmem_shared>> -> memref<10240x32xf32, #tpu.memory_space<vmem_shared>>
      %dma_wait3A_112 = tpu.memref_slice %arg11[%dma_wait3A_101] : memref<2x!tpu.dma_semaphore, #tpu.memory_space<semaphore_mem>> -> memref<1x!tpu.dma_semaphore, #tpu.memory_space<semaphore_mem>>
      %dma_wait3A_113 = tpu.memref_squeeze %dma_wait3A_112 : memref<1x!tpu.dma_semaphore, #tpu.memory_space<semaphore_mem>> -> memref<!tpu.dma_semaphore, #tpu.memory_space<semaphore_mem>>
      tpu.wait_indirect_dma semaphore(%dma_wait3A_113 : memref<!tpu.dma_semaphore, #tpu.memory_space<semaphore_mem>>) src(%dma_wait3A_111 : memref<10240x32xf32, #tpu.memory_space<vmem_shared>>) dst(%dma_wait3A_105 : memref<128x32xf32, #tpu.memory_space<vmem>>)
      %run_scoped3A_114 = arith.constant 0 : i32
      "tpu.region"() ({
        %run_scoped3A_165 = tpu.sem_alloc : memref<!tpu.dma_semaphore, #tpu.memory_space<semaphore_mem>>
        %dma_start3A_166 = arith.constant 0 : i32
        %dma_start3A_167 = arith.constant 0 : i32
        %dma_start3A_168 = tpu.memref_slice %arg8[%run_scoped3A_114, %dma_start3A_166, %dma_start3A_167] : memref<2x128x32xf32, #tpu.memory_space<vmem>> -> memref<1x128x32xf32, #tpu.memory_space<vmem>>
        %dma_start3A_169 = tpu.memref_squeeze %dma_start3A_168 : memref<1x128x32xf32, #tpu.memory_space<vmem>> -> memref<128x32xf32, #tpu.memory_space<vmem>>
        %dma_start3A_170 = arith.constant 0 : i32
        %dma_start3A_171 = tpu.memref_slice %arg7[%add3A_99, %dma_start3A_170] : memref<160x128xi32, #tpu.memory_space<vmem>> -> memref<1x128xi32, #tpu.memory_space<vmem>>
        %dma_start3A_172 = tpu.memref_squeeze %dma_start3A_171 : memref<1x128xi32, #tpu.memory_space<vmem>> -> memref<128xi32, #tpu.memory_space<vmem>>
        %dma_start3A_173 = arith.constant 0 : i32
        %dma_start3A_174 = arith.constant 0 : i32
        %dma_start3A_175 = tpu.memref_slice %arg10[%dma_start3A_173, %dma_start3A_174] : memref<10240x32xf32, #tpu.memory_space<vmem_shared>> -> memref<10240x32xf32, #tpu.memory_space<vmem_shared>>
        tpu.enqueue_indirect_dma source(%dma_start3A_169 : memref<128x32xf32, #tpu.memory_space<vmem>>) target(%dma_start3A_175 : memref<10240x32xf32, #tpu.memory_space<vmem_shared>>) offsets(%dma_start3A_172 : memref<128xi32, #tpu.memory_space<vmem>>) semaphore(%run_scoped3A_165 : memref<!tpu.dma_semaphore, #tpu.memory_space<semaphore_mem>>) {add = true}
        %dma_wait3A_176 = arith.constant 0 : i32
        %dma_wait3A_177 = arith.constant 0 : i32
        %dma_wait3A_178 = tpu.memref_slice %arg8[%run_scoped3A_114, %dma_wait3A_176, %dma_wait3A_177] : memref<2x128x32xf32, #tpu.memory_space<vmem>> -> memref<1x128x32xf32, #tpu.memory_space<vmem>>
        %dma_wait3A_179 = tpu.memref_squeeze %dma_wait3A_178 : memref<1x128x32xf32, #tpu.memory_space<vmem>> -> memref<128x32xf32, #tpu.memory_space<vmem>>
        %dma_wait3A_180 = arith.constant 0 : i32
        %dma_wait3A_181 = tpu.memref_slice %arg7[%add3A_99, %dma_wait3A_180] : memref<160x128xi32, #tpu.memory_space<vmem>> -> memref<1x128xi32, #tpu.memory_space<vmem>>
        %dma_wait3A_182 = tpu.memref_squeeze %dma_wait3A_181 : memref<1x128xi32, #tpu.memory_space<vmem>> -> memref<128xi32, #tpu.memory_space<vmem>>
        %dma_wait3A_183 = arith.constant 0 : i32
        %dma_wait3A_184 = arith.constant 0 : i32
        %dma_wait3A_185 = tpu.memref_slice %arg10[%dma_wait3A_183, %dma_wait3A_184] : memref<10240x32xf32, #tpu.memory_space<vmem_shared>> -> memref<10240x32xf32, #tpu.memory_space<vmem_shared>>
        tpu.wait_indirect_dma semaphore(%run_scoped3A_165 : memref<!tpu.dma_semaphore, #tpu.memory_space<semaphore_mem>>) src(%dma_wait3A_179 : memref<128x32xf32, #tpu.memory_space<vmem>>) dst(%dma_wait3A_185 : memref<10240x32xf32, #tpu.memory_space<vmem_shared>>)
        tpu.yield
      }) : () -> ()
      %add3A_115 = arith.constant 2 : i32
      %add3A_116 = arith.addi %add3A_99, %add3A_115 : i32
      %dma_start3A_117 = arith.constant 0 : i32
      %dma_start3A_118 = arith.constant 0 : i32
      %dma_start3A_119 = arith.constant 0 : i32
      %dma_start3A_120 = arith.constant 0 : i32
      %dma_start3A_121 = tpu.memref_slice %arg8[%dma_start3A_117, %dma_start3A_119, %dma_start3A_120] : memref<2x128x32xf32, #tpu.memory_space<vmem>> -> memref<1x128x32xf32, #tpu.memory_space<vmem>>
      %dma_start3A_122 = tpu.memref_squeeze %dma_start3A_121 : memref<1x128x32xf32, #tpu.memory_space<vmem>> -> memref<128x32xf32, #tpu.memory_space<vmem>>
      %dma_start3A_123 = arith.constant 0 : i32
      %dma_start3A_124 = tpu.memref_slice %arg6[%add3A_116, %dma_start3A_123] : memref<160x128xi32, #tpu.memory_space<vmem>> -> memref<1x128xi32, #tpu.memory_space<vmem>>
      %dma_start3A_125 = tpu.memref_squeeze %dma_start3A_124 : memref<1x128xi32, #tpu.memory_space<vmem>> -> memref<128xi32, #tpu.memory_space<vmem>>
      %dma_start3A_126 = arith.constant 0 : i32
      %dma_start3A_127 = arith.constant 0 : i32
      %dma_start3A_128 = tpu.memref_slice %arg9[%dma_start3A_126, %dma_start3A_127] : memref<10240x32xf32, #tpu.memory_space<vmem_shared>> -> memref<10240x32xf32, #tpu.memory_space<vmem_shared>>
      %dma_start3A_129 = tpu.memref_slice %arg11[%dma_start3A_118] : memref<2x!tpu.dma_semaphore, #tpu.memory_space<semaphore_mem>> -> memref<1x!tpu.dma_semaphore, #tpu.memory_space<semaphore_mem>>
      %dma_start3A_130 = tpu.memref_squeeze %dma_start3A_129 : memref<1x!tpu.dma_semaphore, #tpu.memory_space<semaphore_mem>> -> memref<!tpu.dma_semaphore, #tpu.memory_space<semaphore_mem>>
      tpu.enqueue_indirect_dma source(%dma_start3A_128 : memref<10240x32xf32, #tpu.memory_space<vmem_shared>>) target(%dma_start3A_122 : memref<128x32xf32, #tpu.memory_space<vmem>>) offsets(%dma_start3A_125 : memref<128xi32, #tpu.memory_space<vmem>>) semaphore(%dma_start3A_130 : memref<!tpu.dma_semaphore, #tpu.memory_space<semaphore_mem>>)
      %add3A_131 = arith.constant 1 : i32
      %add3A_132 = arith.addi %mul3A_97, %add3A_131 : i32
      %dma_wait3A_133 = arith.constant 1 : i32
      %dma_wait3A_134 = arith.constant 1 : i32
      %dma_wait3A_135 = arith.constant 0 : i32
      %dma_wait3A_136 = arith.constant 0 : i32
      %dma_wait3A_137 = tpu.memref_slice %arg8[%dma_wait3A_133, %dma_wait3A_135, %dma_wait3A_136] : memref<2x128x32xf32, #tpu.memory_space<vmem>> -> memref<1x128x32xf32, #tpu.memory_space<vmem>>
      %dma_wait3A_138 = tpu.memref_squeeze %dma_wait3A_137 : memref<1x128x32xf32, #tpu.memory_space<vmem>> -> memref<128x32xf32, #tpu.memory_space<vmem>>
      %dma_wait3A_139 = arith.constant 0 : i32
      %dma_wait3A_140 = tpu.memref_slice %arg6[%add3A_132, %dma_wait3A_139] : memref<160x128xi32, #tpu.memory_space<vmem>> -> memref<1x128xi32, #tpu.memory_space<vmem>>
      %dma_wait3A_141 = tpu.memref_squeeze %dma_wait3A_140 : memref<1x128xi32, #tpu.memory_space<vmem>> -> memref<128xi32, #tpu.memory_space<vmem>>
      %dma_wait3A_142 = arith.constant 0 : i32
      %dma_wait3A_143 = arith.constant 0 : i32
      %dma_wait3A_144 = tpu.memref_slice %arg9[%dma_wait3A_142, %dma_wait3A_143] : memref<10240x32xf32, #tpu.memory_space<vmem_shared>> -> memref<10240x32xf32, #tpu.memory_space<vmem_shared>>
      %dma_wait3A_145 = tpu.memref_slice %arg11[%dma_wait3A_134] : memref<2x!tpu.dma_semaphore, #tpu.memory_space<semaphore_mem>> -> memref<1x!tpu.dma_semaphore, #tpu.memory_space<semaphore_mem>>
      %dma_wait3A_146 = tpu.memref_squeeze %dma_wait3A_145 : memref<1x!tpu.dma_semaphore, #tpu.memory_space<semaphore_mem>> -> memref<!tpu.dma_semaphore, #tpu.memory_space<semaphore_mem>>
      tpu.wait_indirect_dma semaphore(%dma_wait3A_146 : memref<!tpu.dma_semaphore, #tpu.memory_space<semaphore_mem>>) src(%dma_wait3A_144 : memref<10240x32xf32, #tpu.memory_space<vmem_shared>>) dst(%dma_wait3A_138 : memref<128x32xf32, #tpu.memory_space<vmem>>)
      %run_scoped3A_147 = arith.constant 1 : i32
      "tpu.region"() ({
        %run_scoped3A_165 = tpu.sem_alloc : memref<!tpu.dma_semaphore, #tpu.memory_space<semaphore_mem>>
        %dma_start3A_166 = arith.constant 0 : i32
        %dma_start3A_167 = arith.constant 0 : i32
        %dma_start3A_168 = tpu.memref_slice %arg8[%run_scoped3A_147, %dma_start3A_166, %dma_start3A_167] : memref<2x128x32xf32, #tpu.memory_space<vmem>> -> memref<1x128x32xf32, #tpu.memory_space<vmem>>
        %dma_start3A_169 = tpu.memref_squeeze %dma_start3A_168 : memref<1x128x32xf32, #tpu.memory_space<vmem>> -> memref<128x32xf32, #tpu.memory_space<vmem>>
        %dma_start3A_170 = arith.constant 0 : i32
        %dma_start3A_171 = tpu.memref_slice %arg7[%add3A_132, %dma_start3A_170] : memref<160x128xi32, #tpu.memory_space<vmem>> -> memref<1x128xi32, #tpu.memory_space<vmem>>
        %dma_start3A_172 = tpu.memref_squeeze %dma_start3A_171 : memref<1x128xi32, #tpu.memory_space<vmem>> -> memref<128xi32, #tpu.memory_space<vmem>>
        %dma_start3A_173 = arith.constant 0 : i32
        %dma_start3A_174 = arith.constant 0 : i32
        %dma_start3A_175 = tpu.memref_slice %arg10[%dma_start3A_173, %dma_start3A_174] : memref<10240x32xf32, #tpu.memory_space<vmem_shared>> -> memref<10240x32xf32, #tpu.memory_space<vmem_shared>>
        tpu.enqueue_indirect_dma source(%dma_start3A_169 : memref<128x32xf32, #tpu.memory_space<vmem>>) target(%dma_start3A_175 : memref<10240x32xf32, #tpu.memory_space<vmem_shared>>) offsets(%dma_start3A_172 : memref<128xi32, #tpu.memory_space<vmem>>) semaphore(%run_scoped3A_165 : memref<!tpu.dma_semaphore, #tpu.memory_space<semaphore_mem>>) {add = true}
        %dma_wait3A_176 = arith.constant 0 : i32
        %dma_wait3A_177 = arith.constant 0 : i32
        %dma_wait3A_178 = tpu.memref_slice %arg8[%run_scoped3A_147, %dma_wait3A_176, %dma_wait3A_177] : memref<2x128x32xf32, #tpu.memory_space<vmem>> -> memref<1x128x32xf32, #tpu.memory_space<vmem>>
        %dma_wait3A_179 = tpu.memref_squeeze %dma_wait3A_178 : memref<1x128x32xf32, #tpu.memory_space<vmem>> -> memref<128x32xf32, #tpu.memory_space<vmem>>
        %dma_wait3A_180 = arith.constant 0 : i32
        %dma_wait3A_181 = tpu.memref_slice %arg7[%add3A_132, %dma_wait3A_180] : memref<160x128xi32, #tpu.memory_space<vmem>> -> memref<1x128xi32, #tpu.memory_space<vmem>>
        %dma_wait3A_182 = tpu.memref_squeeze %dma_wait3A_181 : memref<1x128xi32, #tpu.memory_space<vmem>> -> memref<128xi32, #tpu.memory_space<vmem>>
        %dma_wait3A_183 = arith.constant 0 : i32
        %dma_wait3A_184 = arith.constant 0 : i32
        %dma_wait3A_185 = tpu.memref_slice %arg10[%dma_wait3A_183, %dma_wait3A_184] : memref<10240x32xf32, #tpu.memory_space<vmem_shared>> -> memref<10240x32xf32, #tpu.memory_space<vmem_shared>>
        tpu.wait_indirect_dma semaphore(%run_scoped3A_165 : memref<!tpu.dma_semaphore, #tpu.memory_space<semaphore_mem>>) src(%dma_wait3A_179 : memref<128x32xf32, #tpu.memory_space<vmem>>) dst(%dma_wait3A_185 : memref<10240x32xf32, #tpu.memory_space<vmem_shared>>)
        tpu.yield
      }) : () -> ()
      %add3A_148 = arith.constant 2 : i32
      %add3A_149 = arith.addi %add3A_132, %add3A_148 : i32
      %dma_start3A_150 = arith.constant 1 : i32
      %dma_start3A_151 = arith.constant 1 : i32
      %dma_start3A_152 = arith.constant 0 : i32
      %dma_start3A_153 = arith.constant 0 : i32
      %dma_start3A_154 = tpu.memref_slice %arg8[%dma_start3A_150, %dma_start3A_152, %dma_start3A_153] : memref<2x128x32xf32, #tpu.memory_space<vmem>> -> memref<1x128x32xf32, #tpu.memory_space<vmem>>
      %dma_start3A_155 = tpu.memref_squeeze %dma_start3A_154 : memref<1x128x32xf32, #tpu.memory_space<vmem>> -> memref<128x32xf32, #tpu.memory_space<vmem>>
      %dma_start3A_156 = arith.constant 0 : i32
      %dma_start3A_157 = tpu.memref_slice %arg6[%add3A_149, %dma_start3A_156] : memref<160x128xi32, #tpu.memory_space<vmem>> -> memref<1x128xi32, #tpu.memory_space<vmem>>
      %dma_start3A_158 = tpu.memref_squeeze %dma_start3A_157 : memref<1x128xi32, #tpu.memory_space<vmem>> -> memref<128xi32, #tpu.memory_space<vmem>>
      %dma_start3A_159 = arith.constant 0 : i32
      %dma_start3A_160 = arith.constant 0 : i32
      %dma_start3A_161 = tpu.memref_slice %arg9[%dma_start3A_159, %dma_start3A_160] : memref<10240x32xf32, #tpu.memory_space<vmem_shared>> -> memref<10240x32xf32, #tpu.memory_space<vmem_shared>>
      %dma_start3A_162 = tpu.memref_slice %arg11[%dma_start3A_151] : memref<2x!tpu.dma_semaphore, #tpu.memory_space<semaphore_mem>> -> memref<1x!tpu.dma_semaphore, #tpu.memory_space<semaphore_mem>>
      %dma_start3A_163 = tpu.memref_squeeze %dma_start3A_162 : memref<1x!tpu.dma_semaphore, #tpu.memory_space<semaphore_mem>> -> memref<!tpu.dma_semaphore, #tpu.memory_space<semaphore_mem>>
      tpu.enqueue_indirect_dma source(%dma_start3A_161 : memref<10240x32xf32, #tpu.memory_space<vmem_shared>>) target(%dma_start3A_155 : memref<128x32xf32, #tpu.memory_space<vmem>>) offsets(%dma_start3A_158 : memref<128xi32, #tpu.memory_space<vmem>>) semaphore(%dma_start3A_163 : memref<!tpu.dma_semaphore, #tpu.memory_space<semaphore_mem>>)
      %scan3A_164 = arith.constant 0 : i32
      scf.yield %scan3A_164 : i32
    }
    %scan3A_59 = arith.constant 79 : i32
    %dma_wait3A = arith.constant 158 : i32
    %dma_wait3A_60 = arith.constant 0 : i32
    %dma_wait3A_61 = arith.constant 0 : i32
    %dma_wait3A_62 = arith.constant 0 : i32
    %dma_wait3A_63 = arith.constant 0 : i32
    %dma_wait3A_64 = tpu.memref_slice %arg8[%dma_wait3A_60, %dma_wait3A_62, %dma_wait3A_63] : memref<2x128x32xf32, #tpu.memory_space<vmem>> -> memref<1x128x32xf32, #tpu.memory_space<vmem>>
    %dma_wait3A_65 = tpu.memref_squeeze %dma_wait3A_64 : memref<1x128x32xf32, #tpu.memory_space<vmem>> -> memref<128x32xf32, #tpu.memory_space<vmem>>
    %dma_wait3A_66 = arith.constant 0 : i32
    %dma_wait3A_67 = tpu.memref_slice %arg6[%dma_wait3A, %dma_wait3A_66] : memref<160x128xi32, #tpu.memory_space<vmem>> -> memref<1x128xi32, #tpu.memory_space<vmem>>
    %dma_wait3A_68 = tpu.memref_squeeze %dma_wait3A_67 : memref<1x128xi32, #tpu.memory_space<vmem>> -> memref<128xi32, #tpu.memory_space<vmem>>
    %dma_wait3A_69 = arith.constant 0 : i32
    %dma_wait3A_70 = arith.constant 0 : i32
    %dma_wait3A_71 = tpu.memref_slice %arg9[%dma_wait3A_69, %dma_wait3A_70] : memref<10240x32xf32, #tpu.memory_space<vmem_shared>> -> memref<10240x32xf32, #tpu.memory_space<vmem_shared>>
    %dma_wait3A_72 = tpu.memref_slice %arg11[%dma_wait3A_61] : memref<2x!tpu.dma_semaphore, #tpu.memory_space<semaphore_mem>> -> memref<1x!tpu.dma_semaphore, #tpu.memory_space<semaphore_mem>>
    %dma_wait3A_73 = tpu.memref_squeeze %dma_wait3A_72 : memref<1x!tpu.dma_semaphore, #tpu.memory_space<semaphore_mem>> -> memref<!tpu.dma_semaphore, #tpu.memory_space<semaphore_mem>>
    tpu.wait_indirect_dma semaphore(%dma_wait3A_73 : memref<!tpu.dma_semaphore, #tpu.memory_space<semaphore_mem>>) src(%dma_wait3A_71 : memref<10240x32xf32, #tpu.memory_space<vmem_shared>>) dst(%dma_wait3A_65 : memref<128x32xf32, #tpu.memory_space<vmem>>)
    %run_scoped3A_74 = arith.constant 0 : i32
    %run_scoped3A_75 = arith.constant 158 : i32
    "tpu.region"() ({
      %run_scoped3A_94 = tpu.sem_alloc : memref<!tpu.dma_semaphore, #tpu.memory_space<semaphore_mem>>
      %dma_start3A_95 = arith.constant 0 : i32
      %dma_start3A_96 = arith.constant 0 : i32
      %dma_start3A_97 = tpu.memref_slice %arg8[%run_scoped3A_74, %dma_start3A_95, %dma_start3A_96] : memref<2x128x32xf32, #tpu.memory_space<vmem>> -> memref<1x128x32xf32, #tpu.memory_space<vmem>>
      %dma_start3A_98 = tpu.memref_squeeze %dma_start3A_97 : memref<1x128x32xf32, #tpu.memory_space<vmem>> -> memref<128x32xf32, #tpu.memory_space<vmem>>
      %dma_start3A_99 = arith.constant 0 : i32
      %dma_start3A_100 = tpu.memref_slice %arg7[%run_scoped3A_75, %dma_start3A_99] : memref<160x128xi32, #tpu.memory_space<vmem>> -> memref<1x128xi32, #tpu.memory_space<vmem>>
      %dma_start3A_101 = tpu.memref_squeeze %dma_start3A_100 : memref<1x128xi32, #tpu.memory_space<vmem>> -> memref<128xi32, #tpu.memory_space<vmem>>
      %dma_start3A_102 = arith.constant 0 : i32
      %dma_start3A_103 = arith.constant 0 : i32
      %dma_start3A_104 = tpu.memref_slice %arg10[%dma_start3A_102, %dma_start3A_103] : memref<10240x32xf32, #tpu.memory_space<vmem_shared>> -> memref<10240x32xf32, #tpu.memory_space<vmem_shared>>
      tpu.enqueue_indirect_dma source(%dma_start3A_98 : memref<128x32xf32, #tpu.memory_space<vmem>>) target(%dma_start3A_104 : memref<10240x32xf32, #tpu.memory_space<vmem_shared>>) offsets(%dma_start3A_101 : memref<128xi32, #tpu.memory_space<vmem>>) semaphore(%run_scoped3A_94 : memref<!tpu.dma_semaphore, #tpu.memory_space<semaphore_mem>>) {add = true}
      %dma_wait3A_105 = arith.constant 0 : i32
      %dma_wait3A_106 = arith.constant 0 : i32
      %dma_wait3A_107 = tpu.memref_slice %arg8[%run_scoped3A_74, %dma_wait3A_105, %dma_wait3A_106] : memref<2x128x32xf32, #tpu.memory_space<vmem>> -> memref<1x128x32xf32, #tpu.memory_space<vmem>>
      %dma_wait3A_108 = tpu.memref_squeeze %dma_wait3A_107 : memref<1x128x32xf32, #tpu.memory_space<vmem>> -> memref<128x32xf32, #tpu.memory_space<vmem>>
      %dma_wait3A_109 = arith.constant 0 : i32
      %dma_wait3A_110 = tpu.memref_slice %arg7[%run_scoped3A_75, %dma_wait3A_109] : memref<160x128xi32, #tpu.memory_space<vmem>> -> memref<1x128xi32, #tpu.memory_space<vmem>>
      %dma_wait3A_111 = tpu.memref_squeeze %dma_wait3A_110 : memref<1x128xi32, #tpu.memory_space<vmem>> -> memref<128xi32, #tpu.memory_space<vmem>>
      %dma_wait3A_112 = arith.constant 0 : i32
      %dma_wait3A_113 = arith.constant 0 : i32
      %dma_wait3A_114 = tpu.memref_slice %arg10[%dma_wait3A_112, %dma_wait3A_113] : memref<10240x32xf32, #tpu.memory_space<vmem_shared>> -> memref<10240x32xf32, #tpu.memory_space<vmem_shared>>
      tpu.wait_indirect_dma semaphore(%run_scoped3A_94 : memref<!tpu.dma_semaphore, #tpu.memory_space<semaphore_mem>>) src(%dma_wait3A_108 : memref<128x32xf32, #tpu.memory_space<vmem>>) dst(%dma_wait3A_114 : memref<10240x32xf32, #tpu.memory_space<vmem_shared>>)
      tpu.yield
    }) : () -> ()
    %dma_wait3A_76 = arith.constant 159 : i32
    %dma_wait3A_77 = arith.constant 1 : i32
    %dma_wait3A_78 = arith.constant 1 : i32
    %dma_wait3A_79 = arith.constant 0 : i32
    %dma_wait3A_80 = arith.constant 0 : i32
    %dma_wait3A_81 = tpu.memref_slice %arg8[%dma_wait3A_77, %dma_wait3A_79, %dma_wait3A_80] : memref<2x128x32xf32, #tpu.memory_space<vmem>> -> memref<1x128x32xf32, #tpu.memory_space<vmem>>
    %dma_wait3A_82 = tpu.memref_squeeze %dma_wait3A_81 : memref<1x128x32xf32, #tpu.memory_space<vmem>> -> memref<128x32xf32, #tpu.memory_space<vmem>>
    %dma_wait3A_83 = arith.constant 0 : i32
    %dma_wait3A_84 = tpu.memref_slice %arg6[%dma_wait3A_76, %dma_wait3A_83] : memref<160x128xi32, #tpu.memory_space<vmem>> -> memref<1x128xi32, #tpu.memory_space<vmem>>
    %dma_wait3A_85 = tpu.memref_squeeze %dma_wait3A_84 : memref<1x128xi32, #tpu.memory_space<vmem>> -> memref<128xi32, #tpu.memory_space<vmem>>
    %dma_wait3A_86 = arith.constant 0 : i32
    %dma_wait3A_87 = arith.constant 0 : i32
    %dma_wait3A_88 = tpu.memref_slice %arg9[%dma_wait3A_86, %dma_wait3A_87] : memref<10240x32xf32, #tpu.memory_space<vmem_shared>> -> memref<10240x32xf32, #tpu.memory_space<vmem_shared>>
    %dma_wait3A_89 = tpu.memref_slice %arg11[%dma_wait3A_78] : memref<2x!tpu.dma_semaphore, #tpu.memory_space<semaphore_mem>> -> memref<1x!tpu.dma_semaphore, #tpu.memory_space<semaphore_mem>>
    %dma_wait3A_90 = tpu.memref_squeeze %dma_wait3A_89 : memref<1x!tpu.dma_semaphore, #tpu.memory_space<semaphore_mem>> -> memref<!tpu.dma_semaphore, #tpu.memory_space<semaphore_mem>>
    tpu.wait_indirect_dma semaphore(%dma_wait3A_90 : memref<!tpu.dma_semaphore, #tpu.memory_space<semaphore_mem>>) src(%dma_wait3A_88 : memref<10240x32xf32, #tpu.memory_space<vmem_shared>>) dst(%dma_wait3A_82 : memref<128x32xf32, #tpu.memory_space<vmem>>)
    %run_scoped3A_91 = arith.constant 1 : i32
    %run_scoped3A_92 = arith.constant 159 : i32
    "tpu.region"() ({
      %run_scoped3A_94 = tpu.sem_alloc : memref<!tpu.dma_semaphore, #tpu.memory_space<semaphore_mem>>
      %dma_start3A_95 = arith.constant 0 : i32
      %dma_start3A_96 = arith.constant 0 : i32
      %dma_start3A_97 = tpu.memref_slice %arg8[%run_scoped3A_91, %dma_start3A_95, %dma_start3A_96] : memref<2x128x32xf32, #tpu.memory_space<vmem>> -> memref<1x128x32xf32, #tpu.memory_space<vmem>>
      %dma_start3A_98 = tpu.memref_squeeze %dma_start3A_97 : memref<1x128x32xf32, #tpu.memory_space<vmem>> -> memref<128x32xf32, #tpu.memory_space<vmem>>
      %dma_start3A_99 = arith.constant 0 : i32
      %dma_start3A_100 = tpu.memref_slice %arg7[%run_scoped3A_92, %dma_start3A_99] : memref<160x128xi32, #tpu.memory_space<vmem>> -> memref<1x128xi32, #tpu.memory_space<vmem>>
      %dma_start3A_101 = tpu.memref_squeeze %dma_start3A_100 : memref<1x128xi32, #tpu.memory_space<vmem>> -> memref<128xi32, #tpu.memory_space<vmem>>
      %dma_start3A_102 = arith.constant 0 : i32
      %dma_start3A_103 = arith.constant 0 : i32
      %dma_start3A_104 = tpu.memref_slice %arg10[%dma_start3A_102, %dma_start3A_103] : memref<10240x32xf32, #tpu.memory_space<vmem_shared>> -> memref<10240x32xf32, #tpu.memory_space<vmem_shared>>
      tpu.enqueue_indirect_dma source(%dma_start3A_98 : memref<128x32xf32, #tpu.memory_space<vmem>>) target(%dma_start3A_104 : memref<10240x32xf32, #tpu.memory_space<vmem_shared>>) offsets(%dma_start3A_101 : memref<128xi32, #tpu.memory_space<vmem>>) semaphore(%run_scoped3A_94 : memref<!tpu.dma_semaphore, #tpu.memory_space<semaphore_mem>>) {add = true}
      %dma_wait3A_105 = arith.constant 0 : i32
      %dma_wait3A_106 = arith.constant 0 : i32
      %dma_wait3A_107 = tpu.memref_slice %arg8[%run_scoped3A_91, %dma_wait3A_105, %dma_wait3A_106] : memref<2x128x32xf32, #tpu.memory_space<vmem>> -> memref<1x128x32xf32, #tpu.memory_space<vmem>>
      %dma_wait3A_108 = tpu.memref_squeeze %dma_wait3A_107 : memref<1x128x32xf32, #tpu.memory_space<vmem>> -> memref<128x32xf32, #tpu.memory_space<vmem>>
      %dma_wait3A_109 = arith.constant 0 : i32
      %dma_wait3A_110 = tpu.memref_slice %arg7[%run_scoped3A_92, %dma_wait3A_109] : memref<160x128xi32, #tpu.memory_space<vmem>> -> memref<1x128xi32, #tpu.memory_space<vmem>>
      %dma_wait3A_111 = tpu.memref_squeeze %dma_wait3A_110 : memref<1x128xi32, #tpu.memory_space<vmem>> -> memref<128xi32, #tpu.memory_space<vmem>>
      %dma_wait3A_112 = arith.constant 0 : i32
      %dma_wait3A_113 = arith.constant 0 : i32
      %dma_wait3A_114 = tpu.memref_slice %arg10[%dma_wait3A_112, %dma_wait3A_113] : memref<10240x32xf32, #tpu.memory_space<vmem_shared>> -> memref<10240x32xf32, #tpu.memory_space<vmem_shared>>
      tpu.wait_indirect_dma semaphore(%run_scoped3A_94 : memref<!tpu.dma_semaphore, #tpu.memory_space<semaphore_mem>>) src(%dma_wait3A_108 : memref<128x32xf32, #tpu.memory_space<vmem>>) dst(%dma_wait3A_114 : memref<10240x32xf32, #tpu.memory_space<vmem_shared>>)
      tpu.yield
    }) : () -> ()
    %barrier3A_93 = arith.constant 0 : index
    tpu.barrier barrier_id(%barrier3A_93)
    "tpu.region"() ({
      %run_scoped3A_94 = tpu.sem_alloc : memref<!tpu.dma_semaphore, #tpu.memory_space<semaphore_mem>>
      %dma_start3A_95 = tpu.memref_slice %arg5[%mul3A_0, %mul3A_2] : memref<10240x128xf32, #tpu.memory_space<hbm>> -> memref<640x32xf32, #tpu.memory_space<hbm>>
      %dma_start3A_96 = arith.constant 0 : i32
      %dma_start3A_97 = tpu.memref_slice %arg10[%mul3A_0, %dma_start3A_96] : memref<10240x32xf32, #tpu.memory_space<vmem_shared>> -> memref<640x32xf32, #tpu.memory_space<vmem_shared>>
      tpu.enqueue_dma source(%dma_start3A_97 : memref<640x32xf32, #tpu.memory_space<vmem_shared>>) target(%dma_start3A_95 : memref<640x32xf32, #tpu.memory_space<hbm>>) target_semaphore(%run_scoped3A_94 : memref<!tpu.dma_semaphore, #tpu.memory_space<semaphore_mem>>)
      %dma_wait3A_98 = tpu.memref_slice %arg5[%mul3A_0, %mul3A_2] : memref<10240x128xf32, #tpu.memory_space<hbm>> -> memref<640x32xf32, #tpu.memory_space<hbm>>
      %dma_wait3A_99 = arith.constant 0 : i32
      %dma_wait3A_100 = tpu.memref_slice %arg10[%mul3A_0, %dma_wait3A_99] : memref<10240x32xf32, #tpu.memory_space<vmem_shared>> -> memref<640x32xf32, #tpu.memory_space<vmem_shared>>
      tpu.wait_dma2 semaphore(%run_scoped3A_94 : memref<!tpu.dma_semaphore, #tpu.memory_space<semaphore_mem>>) src(%dma_wait3A_100 : memref<640x32xf32, #tpu.memory_space<vmem_shared>>) dst(%dma_wait3A_98 : memref<640x32xf32, #tpu.memory_space<hbm>>)
      tpu.yield
    }) : () -> ()
    return
  }
}

module attributes {stable_mosaic.version = 14 : i64} {
  func.func @body(%arg0: i32, %arg1: memref<1024x128xf32, #tpu.memory_space<vmem>>, %arg2: memref<1024x128xf32, #tpu.memory_space<vmem>>, %arg3: memref<128x128xf32, #tpu.memory_space<vmem>>, %arg4: memref<1024x1xf32, #tpu.memory_space<vmem>>, %arg5: memref<1024x128xf32, #tpu.memory_space<vmem>>) attributes {dimension_semantics = [#tpu.dimension_semantics<arbitrary>], iteration_bounds = array<i64: 10>, scalar_prefetch = 0 : i64, scratch_operands = 0 : i64, tpu.core_type = #tpu.core_type<tc>, window_params = [{transform_indices = @transform_0, window_bounds = array<i64: 1024, 128>}, {transform_indices = @transform_1, window_bounds = array<i64: 1024, 128>}, {pipeline_mode = #tpu.pipeline_mode<synchronous>, transform_indices = @transform_2, window_bounds = array<i64: 128, 128>}, {transform_indices = @transform_3, window_bounds = array<i64: 1024, 1>}, {transform_indices = @transform_4, window_bounds = array<i64: 1024, 128>}]} {
    %get3A = arith.constant 0 : index
    %get3A_0 = arith.constant 0 : index
    %get3A_1 = vector.load %arg1[%get3A, %get3A_0] : memref<1024x128xf32, #tpu.memory_space<vmem>>, vector<1024x1xf32>
    %get3A_2 = arith.constant 0 : index
    %get3A_3 = arith.constant 16 : index
    %get3A_4 = vector.load %arg1[%get3A_2, %get3A_3] : memref<1024x128xf32, #tpu.memory_space<vmem>>, vector<1024x1xf32>
    %add3A = arith.addf %get3A_1, %get3A_4 : vector<1024x1xf32>
    %add3A_5 = arith.constant 1.000000e+00 : f32
    %add3A_6 = vector.broadcast %add3A_5 : f32 to vector<1024x1xf32>
    %add3A_7 = arith.addf %add3A, %add3A_6 : vector<1024x1xf32>
    %rsqrt3A = math.rsqrt %add3A_7 : vector<1024x1xf32>
    %get3A_8 = arith.constant 0 : index
    %get3A_9 = arith.constant 0 : index
    %get3A_10 = vector.load %arg2[%get3A_8, %get3A_9] : memref<1024x128xf32, #tpu.memory_space<vmem>>, vector<1024x128xf32>
    %get3A_11 = arith.constant 0 : index
    %get3A_12 = arith.constant 0 : index
    %get3A_13 = vector.load %arg3[%get3A_11, %get3A_12] : memref<128x128xf32, #tpu.memory_space<vmem>>, vector<128x128xf32>
    %dot_general3A = arith.constant dense<0.000000e+00> : vector<1024x128xf32>
    %dot_general3A_14 = tpu.matmul %get3A_10, %get3A_13, %dot_general3A {dimension_numbers = #tpu.dot_dimension_numbers<[1], [0], [0], [1], [0, 0, 1, 1], [], []>, transpose_lhs_hint = false} : vector<1024x128xf32>, vector<128x128xf32>, vector<1024x128xf32> -> vector<1024x128xf32>
    %mul3A = vector.broadcast %rsqrt3A : vector<1024x1xf32> to vector<1024x128xf32>
    %mul3A_15 = arith.mulf %dot_general3A_14, %mul3A : vector<1024x128xf32>
    %swap3A = arith.constant 0 : index
    %swap3A_16 = arith.constant 0 : index
    %swap3A_17 = vector.load %arg4[%swap3A, %swap3A_16] : memref<1024x1xf32, #tpu.memory_space<vmem>>, vector<1024x1xf32>
    tpu.vector_store %arg4[%swap3A, %swap3A_16], %rsqrt3A {strides = array<i32>} : memref<1024x1xf32, #tpu.memory_space<vmem>>, vector<1024x1xf32>,
    %swap3A_18 = arith.constant 0 : index
    %swap3A_19 = arith.constant 0 : index
    %swap3A_20 = vector.load %arg5[%swap3A_18, %swap3A_19] : memref<1024x128xf32, #tpu.memory_space<vmem>>, vector<1024x128xf32>
    tpu.vector_store %arg5[%swap3A_18, %swap3A_19], %mul3A_15 {strides = array<i32>} : memref<1024x128xf32, #tpu.memory_space<vmem>>, vector<1024x128xf32>,
    return
  }
  func.func @transform_0(%arg0: i32) -> (i32, i32) {
    %c0_i32 = arith.constant 0 : i32
    %c0_i32_0 = arith.constant 0 : i32
    return %arg0, %c0_i32 : i32, i32
  }
  func.func @transform_1(%arg0: i32) -> (i32, i32) {
    %c0_i32 = arith.constant 0 : i32
    %c0_i32_0 = arith.constant 0 : i32
    return %arg0, %c0_i32 : i32, i32
  }
  func.func @transform_2(%arg0: i32) -> (i32, i32) {
    %c0_i32 = arith.constant 0 : i32
    %c0_i32_0 = arith.constant 0 : i32
    %c0_i32_1 = arith.constant 0 : i32
    return %c0_i32, %c0_i32_0 : i32, i32
  }
  func.func @transform_3(%arg0: i32) -> (i32, i32) {
    %c0_i32 = arith.constant 0 : i32
    %c0_i32_0 = arith.constant 0 : i32
    return %arg0, %c0_i32 : i32, i32
  }
  func.func @transform_4(%arg0: i32) -> (i32, i32) {
    %c0_i32 = arith.constant 0 : i32
    %c0_i32_0 = arith.constant 0 : i32
    return %arg0, %c0_i32 : i32, i32
  }
}

module attributes {stable_mosaic.version = 14 : i64} {
  func.func @body(%arg0: i32, %arg1: memref<1024x128xf32, #tpu.memory_space<vmem>>, %arg2: memref<1024x128xf32, #tpu.memory_space<vmem>>, %arg3: memref<1024x1xf32, #tpu.memory_space<vmem>>, %arg4: memref<1x128xf32, #tpu.memory_space<vmem>>, %arg5: memref<128x128xf32, #tpu.memory_space<vmem>>, %arg6: memref<1024x128xf32, #tpu.memory_space<vmem>>) attributes {dimension_semantics = [#tpu.dimension_semantics<arbitrary>], iteration_bounds = array<i64: 10>, scalar_prefetch = 0 : i64, scratch_operands = 0 : i64, tpu.core_type = #tpu.core_type<tc>, window_params = [{transform_indices = @transform_0, window_bounds = array<i64: 1024, 128>}, {transform_indices = @transform_1, window_bounds = array<i64: 1024, 128>}, {transform_indices = @transform_2, window_bounds = array<i64: 1024, 1>}, {pipeline_mode = #tpu.pipeline_mode<synchronous>, transform_indices = @transform_3, window_bounds = array<i64: 1, 128>}, {pipeline_mode = #tpu.pipeline_mode<synchronous>, transform_indices = @transform_4, window_bounds = array<i64: 128, 128>}, {transform_indices = @transform_5, window_bounds = array<i64: 1024, 128>}]} {
    %get3A = arith.constant 0 : index
    %get3A_0 = arith.constant 0 : index
    %get3A_1 = vector.load %arg3[%get3A, %get3A_0] : memref<1024x1xf32, #tpu.memory_space<vmem>>, vector<1024x1xf32>
    %get3A_2 = arith.constant 0 : index
    %get3A_3 = arith.constant 0 : index
    %get3A_4 = vector.load %arg1[%get3A_2, %get3A_3] : memref<1024x128xf32, #tpu.memory_space<vmem>>, vector<1024x128xf32>
    %get3A_5 = arith.constant 0 : index
    %get3A_6 = arith.constant 0 : index
    %get3A_7 = vector.load %arg2[%get3A_5, %get3A_6] : memref<1024x128xf32, #tpu.memory_space<vmem>>, vector<1024x128xf32>
    %add3A = arith.addf %get3A_4, %get3A_7 : vector<1024x128xf32>
    %mul3A = vector.broadcast %get3A_1 : vector<1024x1xf32> to vector<1024x128xf32>
    %mul3A_8 = arith.mulf %add3A, %mul3A : vector<1024x128xf32>
    %get3A_9 = arith.constant 0 : index
    %get3A_10 = arith.constant 0 : index
    %get3A_11 = vector.load %arg4[%get3A_9, %get3A_10] : memref<1x128xf32, #tpu.memory_space<vmem>>, vector<1x128xf32>
    %add3A_12 = vector.broadcast %get3A_11 : vector<1x128xf32> to vector<1024x128xf32>
    %add3A_13 = arith.addf %mul3A_8, %add3A_12 : vector<1024x128xf32>
    %max3A = arith.constant 0.000000e+00 : f32
    %max3A_14 = vector.broadcast %max3A : f32 to vector<1024x128xf32>
    %max3A_15 = arith.maximumf %add3A_13, %max3A_14 : vector<1024x128xf32>
    %get3A_16 = arith.constant 0 : index
    %get3A_17 = arith.constant 0 : index
    %get3A_18 = vector.load %arg5[%get3A_16, %get3A_17] : memref<128x128xf32, #tpu.memory_space<vmem>>, vector<128x128xf32>
    %dot_general3A = arith.constant dense<0.000000e+00> : vector<1024x128xf32>
    %dot_general3A_19 = tpu.matmul %max3A_15, %get3A_18, %dot_general3A {dimension_numbers = #tpu.dot_dimension_numbers<[1], [0], [0], [1], [0, 0, 1, 1], [], []>, transpose_lhs_hint = false} : vector<1024x128xf32>, vector<128x128xf32>, vector<1024x128xf32> -> vector<1024x128xf32>
    %mul3A_20 = vector.broadcast %get3A_1 : vector<1024x1xf32> to vector<1024x128xf32>
    %mul3A_21 = arith.mulf %dot_general3A_19, %mul3A_20 : vector<1024x128xf32>
    %swap3A = arith.constant 0 : index
    %swap3A_22 = arith.constant 0 : index
    %swap3A_23 = vector.load %arg6[%swap3A, %swap3A_22] : memref<1024x128xf32, #tpu.memory_space<vmem>>, vector<1024x128xf32>
    tpu.vector_store %arg6[%swap3A, %swap3A_22], %mul3A_21 {strides = array<i32>} : memref<1024x128xf32, #tpu.memory_space<vmem>>, vector<1024x128xf32>,
    return
  }
  func.func @transform_0(%arg0: i32) -> (i32, i32) {
    %c0_i32 = arith.constant 0 : i32
    %c0_i32_0 = arith.constant 0 : i32
    return %arg0, %c0_i32 : i32, i32
  }
  func.func @transform_1(%arg0: i32) -> (i32, i32) {
    %c0_i32 = arith.constant 0 : i32
    %c0_i32_0 = arith.constant 0 : i32
    return %arg0, %c0_i32 : i32, i32
  }
  func.func @transform_2(%arg0: i32) -> (i32, i32) {
    %c0_i32 = arith.constant 0 : i32
    %c0_i32_0 = arith.constant 0 : i32
    return %arg0, %c0_i32 : i32, i32
  }
  func.func @transform_3(%arg0: i32) -> (i32, i32) {
    %c0_i32 = arith.constant 0 : i32
    %c0_i32_0 = arith.constant 0 : i32
    %c0_i32_1 = arith.constant 0 : i32
    return %c0_i32, %c0_i32_0 : i32, i32
  }
  func.func @transform_4(%arg0: i32) -> (i32, i32) {
    %c0_i32 = arith.constant 0 : i32
    %c0_i32_0 = arith.constant 0 : i32
    %c0_i32_1 = arith.constant 0 : i32
    return %c0_i32, %c0_i32_0 : i32, i32
  }
  func.func @transform_5(%arg0: i32) -> (i32, i32) {
    %c0_i32 = arith.constant 0 : i32
    %c0_i32_0 = arith.constant 0 : i32
    return %arg0, %c0_i32 : i32, i32
  }
}

module attributes {stable_mosaic.version = 14 : i64} {
  func.func @body(%arg0: i32, %arg1: memref<1024x128xf32, #tpu.memory_space<vmem>>, %arg2: memref<1024x128xf32, #tpu.memory_space<vmem>>, %arg3: memref<1024x1xf32, #tpu.memory_space<vmem>>, %arg4: memref<1x128xf32, #tpu.memory_space<vmem>>, %arg5: memref<128x64xf32, #tpu.memory_space<vmem>>, %arg6: memref<1024x128xf32, #tpu.memory_space<vmem>>) attributes {dimension_semantics = [#tpu.dimension_semantics<arbitrary>], iteration_bounds = array<i64: 10>, scalar_prefetch = 0 : i64, scratch_operands = 0 : i64, tpu.core_type = #tpu.core_type<tc>, window_params = [{transform_indices = @transform_0, window_bounds = array<i64: 1024, 128>}, {transform_indices = @transform_1, window_bounds = array<i64: 1024, 128>}, {transform_indices = @transform_2, window_bounds = array<i64: 1024, 1>}, {pipeline_mode = #tpu.pipeline_mode<synchronous>, transform_indices = @transform_3, window_bounds = array<i64: 1, 128>}, {pipeline_mode = #tpu.pipeline_mode<synchronous>, transform_indices = @transform_4, window_bounds = array<i64: 128, 64>}, {transform_indices = @transform_5, window_bounds = array<i64: 1024, 128>}]} {
    %get3A = arith.constant 0 : index
    %get3A_0 = arith.constant 0 : index
    %get3A_1 = vector.load %arg3[%get3A, %get3A_0] : memref<1024x1xf32, #tpu.memory_space<vmem>>, vector<1024x1xf32>
    %get3A_2 = arith.constant 0 : index
    %get3A_3 = arith.constant 0 : index
    %get3A_4 = vector.load %arg1[%get3A_2, %get3A_3] : memref<1024x128xf32, #tpu.memory_space<vmem>>, vector<1024x128xf32>
    %get3A_5 = arith.constant 0 : index
    %get3A_6 = arith.constant 0 : index
    %get3A_7 = vector.load %arg2[%get3A_5, %get3A_6] : memref<1024x128xf32, #tpu.memory_space<vmem>>, vector<1024x128xf32>
    %add3A = arith.addf %get3A_4, %get3A_7 : vector<1024x128xf32>
    %mul3A = vector.broadcast %get3A_1 : vector<1024x1xf32> to vector<1024x128xf32>
    %mul3A_8 = arith.mulf %add3A, %mul3A : vector<1024x128xf32>
    %get3A_9 = arith.constant 0 : index
    %get3A_10 = arith.constant 0 : index
    %get3A_11 = vector.load %arg4[%get3A_9, %get3A_10] : memref<1x128xf32, #tpu.memory_space<vmem>>, vector<1x128xf32>
    %add3A_12 = vector.broadcast %get3A_11 : vector<1x128xf32> to vector<1024x128xf32>
    %add3A_13 = arith.addf %mul3A_8, %add3A_12 : vector<1024x128xf32>
    %max3A = arith.constant 0.000000e+00 : f32
    %max3A_14 = vector.broadcast %max3A : f32 to vector<1024x128xf32>
    %max3A_15 = arith.maximumf %add3A_13, %max3A_14 : vector<1024x128xf32>
    %get3A_16 = arith.constant 0 : index
    %get3A_17 = arith.constant 0 : index
    %get3A_18 = vector.load %arg5[%get3A_16, %get3A_17] : memref<128x64xf32, #tpu.memory_space<vmem>>, vector<128x64xf32>
    %dot_general3A = arith.constant dense<0.000000e+00> : vector<1024x64xf32>
    %dot_general3A_19 = tpu.matmul %max3A_15, %get3A_18, %dot_general3A {dimension_numbers = #tpu.dot_dimension_numbers<[1], [0], [0], [1], [0, 0, 1, 1], [], []>, transpose_lhs_hint = false} : vector<1024x128xf32>, vector<128x64xf32>, vector<1024x64xf32> -> vector<1024x64xf32>
    %mul3A_20 = vector.broadcast %get3A_1 : vector<1024x1xf32> to vector<1024x64xf32>
    %mul3A_21 = arith.mulf %dot_general3A_19, %mul3A_20 : vector<1024x64xf32>
    %broadcast_in_dim3A = arith.constant 0.000000e+00 : f32
    %broadcast_in_dim3A_22 = vector.broadcast %broadcast_in_dim3A : f32 to vector<1024x64xf32>
    %concatenate3A = tpu.concatenate %mul3A_21, %broadcast_in_dim3A_22 in 1 : vector<1024x64xf32>, vector<1024x64xf32> -> vector<1024x128xf32>
    %swap3A = arith.constant 0 : index
    %swap3A_23 = arith.constant 0 : index
    %swap3A_24 = vector.load %arg6[%swap3A, %swap3A_23] : memref<1024x128xf32, #tpu.memory_space<vmem>>, vector<1024x128xf32>
    tpu.vector_store %arg6[%swap3A, %swap3A_23], %concatenate3A {strides = array<i32>} : memref<1024x128xf32, #tpu.memory_space<vmem>>, vector<1024x128xf32>,
    return
  }
  func.func @transform_0(%arg0: i32) -> (i32, i32) {
    %c0_i32 = arith.constant 0 : i32
    %c0_i32_0 = arith.constant 0 : i32
    return %arg0, %c0_i32 : i32, i32
  }
  func.func @transform_1(%arg0: i32) -> (i32, i32) {
    %c0_i32 = arith.constant 0 : i32
    %c0_i32_0 = arith.constant 0 : i32
    return %arg0, %c0_i32 : i32, i32
  }
  func.func @transform_2(%arg0: i32) -> (i32, i32) {
    %c0_i32 = arith.constant 0 : i32
    %c0_i32_0 = arith.constant 0 : i32
    return %arg0, %c0_i32 : i32, i32
  }
  func.func @transform_3(%arg0: i32) -> (i32, i32) {
    %c0_i32 = arith.constant 0 : i32
    %c0_i32_0 = arith.constant 0 : i32
    %c0_i32_1 = arith.constant 0 : i32
    return %c0_i32, %c0_i32_0 : i32, i32
  }
  func.func @transform_4(%arg0: i32) -> (i32, i32) {
    %c0_i32 = arith.constant 0 : i32
    %c0_i32_0 = arith.constant 0 : i32
    %c0_i32_1 = arith.constant 0 : i32
    return %c0_i32, %c0_i32_0 : i32, i32
  }
  func.func @transform_5(%arg0: i32) -> (i32, i32) {
    %c0_i32 = arith.constant 0 : i32
    %c0_i32_0 = arith.constant 0 : i32
    return %arg0, %c0_i32 : i32, i32
  }
}

module attributes {stable_mosaic.version = 14 : i64} {
  func.func @body(%arg0: i32, %arg1: memref<1024x128xf32, #tpu.memory_space<vmem>>, %arg2: memref<1024x128xf32, #tpu.memory_space<vmem>>, %arg3: memref<1024x1xf32, #tpu.memory_space<vmem>>, %arg4: memref<1x64xf32, #tpu.memory_space<vmem>>, %arg5: memref<1024x64xf32, #tpu.memory_space<vmem>>) attributes {dimension_semantics = [#tpu.dimension_semantics<arbitrary>], iteration_bounds = array<i64: 10>, scalar_prefetch = 0 : i64, scratch_operands = 0 : i64, tpu.core_type = #tpu.core_type<tc>, window_params = [{transform_indices = @transform_0, window_bounds = array<i64: 1024, 128>}, {transform_indices = @transform_1, window_bounds = array<i64: 1024, 128>}, {transform_indices = @transform_2, window_bounds = array<i64: 1024, 1>}, {pipeline_mode = #tpu.pipeline_mode<synchronous>, transform_indices = @transform_3, window_bounds = array<i64: 1, 64>}, {transform_indices = @transform_4, window_bounds = array<i64: 1024, 64>}]} {
    %get3A = arith.constant 0 : index
    %get3A_0 = arith.constant 0 : index
    %get3A_1 = vector.load %arg3[%get3A, %get3A_0] : memref<1024x1xf32, #tpu.memory_space<vmem>>, vector<1024x1xf32>
    %get3A_2 = arith.constant 0 : index
    %get3A_3 = arith.constant 0 : index
    %get3A_4 = vector.load %arg1[%get3A_2, %get3A_3] : memref<1024x128xf32, #tpu.memory_space<vmem>>, vector<1024x64xf32>
    %get3A_5 = arith.constant 0 : index
    %get3A_6 = arith.constant 0 : index
    %get3A_7 = vector.load %arg2[%get3A_5, %get3A_6] : memref<1024x128xf32, #tpu.memory_space<vmem>>, vector<1024x64xf32>
    %add3A = arith.addf %get3A_4, %get3A_7 : vector<1024x64xf32>
    %mul3A = vector.broadcast %get3A_1 : vector<1024x1xf32> to vector<1024x64xf32>
    %mul3A_8 = arith.mulf %add3A, %mul3A : vector<1024x64xf32>
    %get3A_9 = arith.constant 0 : index
    %get3A_10 = arith.constant 0 : index
    %get3A_11 = vector.load %arg4[%get3A_9, %get3A_10] : memref<1x64xf32, #tpu.memory_space<vmem>>, vector<1x64xf32>
    %add3A_12 = vector.broadcast %get3A_11 : vector<1x64xf32> to vector<1024x64xf32>
    %add3A_13 = arith.addf %mul3A_8, %add3A_12 : vector<1024x64xf32>
    %reduce_max3A = arith.constant dense<0xFF800000> : vector<1024xf32>
    %reduce_max3A_14 = vector.multi_reduction <maximumf>, %add3A_13, %reduce_max3A [1] : vector<1024x64xf32> to vector<1024xf32>
    %broadcast_in_dim3A = vector.shape_cast %reduce_max3A_14 : vector<1024xf32> to vector<1024x1xf32>
    %sub3A = vector.broadcast %broadcast_in_dim3A : vector<1024x1xf32> to vector<1024x64xf32>
    %sub3A_15 = arith.subf %add3A_13, %sub3A : vector<1024x64xf32>
    %exp3A = math.exp %sub3A_15 : vector<1024x64xf32>
    %reduce_sum3A = arith.constant dense<0.000000e+00> : vector<1024xf32>
    %reduce_sum3A_16 = vector.multi_reduction <add>, %exp3A, %reduce_sum3A [1] : vector<1024x64xf32> to vector<1024xf32>
    %broadcast_in_dim3A_17 = vector.shape_cast %reduce_sum3A_16 : vector<1024xf32> to vector<1024x1xf32>
    %log3A = math.log %broadcast_in_dim3A_17 : vector<1024x1xf32>
    %sub3A_18 = vector.broadcast %broadcast_in_dim3A : vector<1024x1xf32> to vector<1024x64xf32>
    %sub3A_19 = arith.subf %add3A_13, %sub3A_18 : vector<1024x64xf32>
    %sub3A_20 = vector.broadcast %log3A : vector<1024x1xf32> to vector<1024x64xf32>
    %sub3A_21 = arith.subf %sub3A_19, %sub3A_20 : vector<1024x64xf32>
    %swap3A = arith.constant 0 : index
    %swap3A_22 = arith.constant 0 : index
    %swap3A_23 = vector.load %arg5[%swap3A, %swap3A_22] : memref<1024x64xf32, #tpu.memory_space<vmem>>, vector<1024x64xf32>
    tpu.vector_store %arg5[%swap3A, %swap3A_22], %sub3A_21 {strides = array<i32>} : memref<1024x64xf32, #tpu.memory_space<vmem>>, vector<1024x64xf32>,
    return
  }
  func.func @transform_0(%arg0: i32) -> (i32, i32) {
    %c0_i32 = arith.constant 0 : i32
    %c0_i32_0 = arith.constant 0 : i32
    return %arg0, %c0_i32 : i32, i32
  }
  func.func @transform_1(%arg0: i32) -> (i32, i32) {
    %c0_i32 = arith.constant 0 : i32
    %c0_i32_0 = arith.constant 0 : i32
    return %arg0, %c0_i32 : i32, i32
  }
  func.func @transform_2(%arg0: i32) -> (i32, i32) {
    %c0_i32 = arith.constant 0 : i32
    %c0_i32_0 = arith.constant 0 : i32
    return %arg0, %c0_i32 : i32, i32
  }
  func.func @transform_3(%arg0: i32) -> (i32, i32) {
    %c0_i32 = arith.constant 0 : i32
    %c0_i32_0 = arith.constant 0 : i32
    %c0_i32_1 = arith.constant 0 : i32
    return %c0_i32, %c0_i32_0 : i32, i32
  }
  func.func @transform_4(%arg0: i32) -> (i32, i32) {
    %c0_i32 = arith.constant 0 : i32
    %c0_i32_0 = arith.constant 0 : i32
    return %arg0, %c0_i32 : i32, i32
  }
}

</mosaic_0001>

<sc_bundles>
// kernel: kernel.10.cloned.1.call-start
scs
__scs_entry_jumppad:
0x0: {  	(pc) =	sbr.rel $0x88, $3  }
0x1: {  	(tag) =	ssettag $0x0;
	lr =	simm.s32 $0x1  }
0x2: {  	[smem:$0x3F99] =	sst lr;
	_ =	strace $0xD0000000  }
0x3: {  	_ = 	snop  }
0x4: {  	_ = 	snop  }
0x5: {  	_ = 	snop  }
0x6: {  	_ = 	snop  }
0x7: {  	_ = 	snop  }
__scs_overlays_trampoline_lowered:
0x8: {  	[smem:$0x3FA8] =	sst s0  }
0x9: {  	[smem:$0x3FA9] =	sst s1  }
0xa: {  	[smem:$0x3FAA] =	sst s2  }
0xb: {  	[smem:$0x3FAB] =	sst s3  }
0xc: {  	[smem:$0x3FAC] =	sst s4  }
0xd: {  	[smem:$0x3FAD] =	sst s5  }
0xe: {  	[smem:$0x3FAE] =	sst s6  }
0xf: {  	[smem:$0x3FAF] =	sst s7  }
0x10: {  	[smem:$0x3FB0] =	sst s8  }
0x11: {  	[smem:$0x3FB1] =	sst s9;
	s0 =	simm.s32 @!p0 $0x0  }
0x12: {  	s1 =	sld [smem:$0x3F97];
	s0 =	simm.s32 @p0 $0x1  }
0x13: {  	[smem:$0x3FB2] =	sst s0;
	s0 =	simm.s32 @!p1 $0x0  }
0x14: {  	s2 =	sld [smem:$0x3F96];
	s0 =	simm.s32 @p1 $0x1  }
0x15: {  	[smem:$0x3FB3] =	sst s0;
	s0 =	simm.s32 @!p2 $0x0  }
0x16: {  	s3 =	sld [smem:$0x3FDB];
	s0 =	simm.s32 @p2 $0x1  }
0x17: {  	s4 =	simm.s32 $0x1BF5;
	[smem:$0x3FB5] =	sst s0  }
0x18: {  	s0 =	sld [smem:$0x3F98];
	_ =	swait.ge [sflag:s4], $0x0  }
0x19: {  	s7 =	sld [smem:$0x3F99]  }
0x1a: {  	s8 =	sadd.s32 $0xFFFFE003, lr  }
0x1b: {  	s9 =	sadd.s32 $0xFFFFFEF7, lr;
	s5 =	simm.s32 $0xFFFFFFFF;
	p2 =	slt.u32 s8, $0xFFFFF086  }
0x1c: {  	p1 =	slt.u32 s9, $0xF7A;
	s5 =	simm.s32 @!p2 $0x0  }
0x1d: {  	s5 =	simm.s32 @p1 $0x1;
	p0 =	seq.s32 s7, s2  }
0x1e: {  	s7 =	smul.u32 @!p0 $0xF7A, s2;
	p2 =	seq.s32 @!p0 s5, $0x0  }
0x1f: {  	s9 =	smul.u32 $0xF7A, s1;
	s8 =	simm.s32 @!p0 $0x1BF5;
	p2 =	por !p2, p0  }
0x20: {  	[sflag:s8] =	ssyncset.s32 @!p0 $0xFFFFF086;
	s6 =	sadd.s32 @!p0 s3, s7;
	s7 =	simm.s32 @!p0 $0x108  }
0x21: {  	s3 =	sadd.s32 s3, s9;
	s6 =	sadd.s32 @!p0 $0x88, s6;
	s7 =	simm.s32 @p2 $0x1082  }
0x22: {  	[simem:s7], [sflag:s8] =	dma.local @!p0 [hbm:s6], $0xF7A  }
0x23: {  	s9 =	sor.u32 $0xD0000000, s2;
	s6 =	simm.s32 $0x108;
	_ =	swait.ge @!p0 [sflag:s8], $0x0  }
0x24: {  	s3 =	sadd.s32 $0x88, s3;
	s6 =	simm.s32 @!p1 $0x1082;
	[sflag:s4] =	ssyncset.s32 $0xFFFFF086  }
0x25: {  	[simem:s6], [sflag:s4] =	dma.local [hbm:s3], $0xF7A  }
0x26: {  	[smem:$0x3F99] =	sst s1;
	(tag) =	ssettag s2;
	_ =	strace s9  }
0x27: {  	s1 =	sld [smem:$0x3FA9]  }
0x28: {  	s2 =	sld [smem:$0x3FAA]  }
0x29: {  	s4 =	sld [smem:$0x3FAC]  }
0x2a: {  	p0 =	seq.s32 s5, $0x0;
	s5 =	sld [smem:$0x3FAD]  }
0x2b: {  	s6 =	sld [smem:$0x3FAE]  }
0x2c: {  	s7 =	sld [smem:$0x3FAF]  }
0x2d: {  	s3 =	simm.s32 $0x108;
	s8 =	sld [smem:$0x3FB0]  }
0x2e: {  	s3 =	simm.s32 @!p0 $0x1082;
	s9 =	sld [smem:$0x3FB1]  }
0x2f: {  	lr =	sadd.s32 s0, s3;
	s0 =	sld [smem:$0x3FA8]  }
0x30: {  	s3 =	sld [smem:$0x3FAB]  }
0x31: {  	[smem:$0x3FB4] =	sst s10  }
0x32: {  	s10 =	sld [smem:$0x3FB2];
	_ =	sdelay $0x3  }
0x33: {  	p0 =	seq.s32 s10, $0x1;
	s10 =	sld [smem:$0x3FB4];
	_ =	sdelay $0x3  }
0x34: {  	[smem:$0x3FB4] =	sst s10  }
0x35: {  	s10 =	sld [smem:$0x3FB3];
	_ =	sdelay $0x3  }
0x36: {  	p1 =	seq.s32 s10, $0x1;
	s10 =	sld [smem:$0x3FB4];
	_ =	sdelay $0x3  }
0x37: {  	[smem:$0x3FB4] =	sst s10  }
0x38: {  	s10 =	sld [smem:$0x3FB5]  }
0x39: {  	_ = 	snop;
	(pc) =	sbr.ind lr, $3  }
0x3a: {  	_ = 	snop  }
0x3b: {  	_ = 	snop  }
0x3c: {  	p2 =	seq.s32 s10, $0x1;
	s10 =	sld [smem:$0x3FB4]  }
0x3d: {  	_ =	shalt  }
0x3e: {  	_ =	shalt  }
0x3f: {  	_ =	shalt  }
0x40: {  	_ =	shalt  }
0x41: {  	_ =	shalt  }
0x42: {  	_ =	shalt  }
0x43: {  	_ =	shalt  }
0x44: {  	_ =	shalt  }
0x45: {  	_ =	shalt  }
0x46: {  	_ =	shalt  }
0x47: {  	_ =	shalt  }
0x48: {  	_ =	shalt  }
0x49: {  	_ =	shalt  }
0x4a: {  	_ =	shalt  }
0x4b: {  	_ =	shalt  }
0x4c: {  	_ =	shalt  }
0x4d: {  	_ =	shalt  }
0x4e: {  	_ =	shalt  }
0x4f: {  	_ =	shalt  }
0x50: {  	_ =	shalt  }
0x51: {  	_ =	shalt  }
0x52: {  	_ =	shalt  }
0x53: {  	_ =	shalt  }
0x54: {  	_ =	shalt  }
0x55: {  	_ =	shalt  }
0x56: {  	_ =	shalt  }
0x57: {  	_ =	shalt  }
0x58: {  	_ =	shalt  }
0x59: {  	_ =	shalt  }
0x5a: {  	_ =	shalt  }
0x5b: {  	_ =	shalt  }
0x5c: {  	_ =	shalt  }
0x5d: {  	_ =	shalt  }
0x5e: {  	_ =	shalt  }
0x5f: {  	_ =	shalt  }
0x60: {  	_ =	shalt  }
0x61: {  	_ =	shalt  }
0x62: {  	_ =	shalt  }
0x63: {  	_ =	shalt  }
0x64: {  	_ =	shalt  }
0x65: {  	_ =	shalt  }
0x66: {  	_ =	shalt  }
0x67: {  	_ =	shalt  }
0x68: {  	_ =	shalt  }
0x69: {  	_ =	shalt  }
0x6a: {  	_ =	shalt  }
0x6b: {  	_ =	shalt  }
0x6c: {  	_ =	shalt  }
0x6d: {  	_ =	shalt  }
0x6e: {  	_ =	shalt  }
0x6f: {  	_ =	shalt  }
0x70: {  	_ =	shalt  }
0x71: {  	_ =	shalt  }
0x72: {  	_ =	shalt  }
0x73: {  	_ =	shalt  }
0x74: {  	_ =	shalt  }
0x75: {  	_ =	shalt  }
0x76: {  	_ =	shalt  }
0x77: {  	_ =	shalt  }
0x78: {  	_ =	shalt  }
0x79: {  	_ =	shalt  }
0x7a: {  	_ =	shalt  }
0x7b: {  	_ =	shalt  }
0x7c: {  	_ =	shalt  }
0x7d: {  	_ =	shalt  }
0x7e: {  	_ =	shalt  }
0x7f: {  	_ =	shalt  }
0x80: {  	_ =	shalt  }
0x81: {  	_ =	shalt  }
0x82: {  	_ =	shalt  }
0x83: {  	_ =	shalt  }
0x84: {  	_ =	shalt  }
0x85: {  	_ =	shalt  }
0x86: {  	_ =	shalt  }
0x87: {  	_ =	shalt  }
.Lfunc_end0:
.L_simem_size_0:
called_computation_lowered:
.L_overlay_start_0:
0x88: {  	s2 =	sld [smem:$0x3FD9]  }
0x89: {  	s3 =	sld [smem:$0x3FFE];
	_ =	sdelay $0x1  }
0x8a: {  	s1 =	srdreg.scid  }
0x8b: {  	s0 =	sand.u32 $0x1, s1  }
0x8c: {  	s17 =	sshll.u32 s0, $0xA;
	s2 =	sadd.s32 s3, s2  }
0x8d: {  	s2 =	sadd.s32 s2, s17  }
0x8e: {  	[smem:$0x3FC0] =	sst s2  }
0x8f: {  	_ = 	snop  }
0x90: {  	s2 =	sld [smem:$0x3FD0];
	(tm) =	ssettm $0x1  }
0x91: {  	s18 =	sld [smem:$0x3FFB];
	_ =	sdelay $0x3  }
0x92: {  	_ =	strace s18  }
0x93: {  	s3 =	sld [smem:$0x3FFC];
	_ =	sdelay $0x3  }
0x94: {  	_ =	strace s3  }
0x95: {  	s3 =	sld [smem:$0x3FFD];
	_ =	sdelay $0x3  }
0x96: {  	_ =	strace s3  }
0x97: {  	_ =	strace $0x8FFFFFFF  }
0x98: {  	s19 =	sld [smem:$0x3FDB];
	_ =	sdelay $0x1  }
0x99: {  	s4 =	simm.s32 $_scs_section_size  }
0x9a: {  	s5 =	simm.s32 $_size__tile_overlayer_lowered;
	s6 =	simm.s32 $_tile_overlayer_lowered  }
0x9b: {  	s22 =	simm.s32 $0x1BFF;
	s21 =	sshll.u32 s6, $0x1;
	s3 =	sadd.s32 s4, s19  }
0x9c: {  	s7 =	simm.s32 $0x0;
	s20 =	sshll.u32 s5, $0x1;
	s5 =	sadd.s32 s21, s3  }
0x9d: {  	[timem:s7], [sflag:s22] =	dma.local [hbm:s5], s20  }
0x9e: {  	_ =	swait.ge [sflag:s22], s20  }
0x9f: {  	s4 =	ssub.s32 $0x0, s20;
	[sflag:s22] =	ssyncset.done $0x0  }
0xa0: {  	[sflag:s22] =	ssyncadd.s32 s4;
	_ =	sdelay $0x1  }
0xa1: {  	s23 =	simm.s32 $0x1B8B  }
0xa2: {  	_ =	swait.ge [sflag:s23], $0x1  }
0xa3: {  	[sflag:s23] =	ssyncset.done $0x0  }
0xa4: {  	s25 =	simm.s32 $0x1B8E;
	s24 =	sld [smem:$0x3FFE];
	[sflag:s23] =	ssyncadd.s32 $0xFFFFFFFF  }
0xa5: {  	s26 =	simm.s32 $execute0_lowered;
	[smem:$0x3FD2] =	sst s25  }
0xa6: {  	s5 =	sshll.u32 s26, $0x1;
	_ =	strace $0x80000046;
	[dreg:$0x1] =	wrdreg $0xFFFFFFFF  }
0xa7: {  	s28 =	simm.s32 $_size_execute0_lowered;
	s3 =	sadd.s32 s3, s5;
	[dreg:$0x0] =	wrdreg $0x0  }
0xa8: {  	s5 =	sshll.u32 s28, $0x1;
	[dreg:$0x2] =	wrdreg s3  }
0xa9: {  	[dreg:$0x3] =	wrdreg s5  }
0xaa: {  	[dreg:$0x4] =	wrdreg $0xC0  }
0xab: {  	_ =	task [dreg:s7], $0x5FFFF  }
0xac: {  	[dreg:$0x1] =	wrdreg $0xFFFFFFFF  }
0xad: {  	[dreg:$0x0] =	wrdreg $0x60  }
0xae: {  	[dreg:$0x2] =	wrdreg s2  }
0xaf: {  	[dreg:$0x3] =	wrdreg s24  }
0xb0: {  	[dreg:$0x4] =	wrdreg $0x30000  }
0xb1: {  	[dreg:$0x5] =	wrdreg $0x9  }
0xb2: {  	_ =	task.clear_ibuf [dreg:s7], $0x6FFFF;
	_ =	strace $0x90000046  }
0xb3: {  	s29 =	simm.s32 $0x9;
	_ =	strace $0x80000048  }
0xb4: {  	_ =	swait.ge [sflag:s29], $0x1  }
0xb5: {  	[sflag:s29] =	ssyncadd.s32 $0xFFFFFFFF  }
0xb6: {  	_ =	strace $0x90000048  }
0xb7: {  	_ =	sfence  }
0xb8: {  	s30 =	sld [smem:$0x0];
	_ =	sdelay $0x2  }
0xb9: {  	s31 =	sshll.u32 s1, $0xD;
	s1 =	sshrl.u32 s1, $0x2  }
0xba: {  	s3 =	sand.u32 $0x4000, s31;
	s1 =	sadd.s32 s1, s30  }
0xbb: {  	s0 =	sor.u32 s3, s0;
	s1 =	sshll.u32 s1, $0x11  }
0xbc: {  	s0 =	sor.u32 s1, s0  }
0xbd: {  	s0 =	sadd.s32 $0x8F2B, s0  }
0xbe: {  	[sflag:s0] =	ssyncadd.remote.s32 $0x1  }
0xbf: {  	_ =	sfence.sel $0xFFFF  }
0xc0: {  	[dreg:$0x0] =	wrdreg $0xFFFFFFFF;
	(pc) =	sbr.abs _section_cstart, $3  }
0xc1: {  	[dreg:$0x1] =	wrdreg $0xFFFFFFFF  }
0xc2: {  	_ =	task.clear_ibuf [dreg:s7], $0x2FFFF;
	_ =	strace $0x9FFFFFFF  }
0xc3: {  	(tm) =	ssettm $0x7FFFFFFF  }
tec
execute0_lowered:
.L_overlay_start_1:
0x0: {  	(tag) =	ssettag $0x1  }
0x1: {  	s4 =	rddreg [dreg:$0x0]  }
0x2: {  	s5 =	rddreg [dreg:$0x1]  }
0x3: {  	s2 =	rddreg [dreg:$0x2]  }
0x4: {  	s3 =	srdreg.scid;
	s1 =	stileid.u32  }
0x5: {  	s0 =	rddreg [dreg:$0x3];
	s13 =	simm.s32 $0x2800;
	s14 =	simm.s32 $0x80  }
0x6: {  	s17 =	simm.s32 $0x10;
	s18 =	simm.s32 $0x2;
	s7 =	smul.u32 $0x14000, s1  }
0x7: {  	s19 =	simm.s32 $0x0;
	s6 =	sand.u32 $0x1, s3;
	s9 =	smul.u32 $0x5000, s1  }
0x8: {  	s3 =	simm.s32 $0x0;
	s10 =	smul.u32 $0xA000, s1;
	s15 =	sshll.u32 s1, $0x6  }
0x9: {  	s8 =	sshll.u32 s6, $0x4;
	[smem:$0x7FF] =	sst s3;
	s26 =	smul.u32 $0x2800, s6  }
0xa: {  	s28 =	ssub.s32 $0x2, s6;
	s15 =	sor.u32 $0x1C01, s15;
	s7 =	sor.u32 s8, s7  }
0xb: {  	_ =	strace $0x80000047;
	s30 =	sshrl.u32 s28, $0x1;
	s31 =	sshrl.u32 s10, $0x2  }
0xc: {  	s7 =	sshrl.u32 s7, $0x3;
	s29 =	sadd.s32 s26, s9;
	s12 =	ssub.s32 s28, s30  }
0xd: {  	s11 =	sadd.s32 s7, s5;
	s6 =	sshrl.u32 s29, $0x3;
	s5 =	sadd.s32 s31, s2  }
0xe: {  	s4 =	sadd.s32 s4, s6;
	s6 =	sadd.s32 $0x800, s5;
	s7 =	sadd.s32 $0x1000, s5  }
0xf: {  	s8 =	sadd.s32 $0x1800, s5;
	s9 =	sadd.s32 $0x2000, s5;
	s10 =	sadd.s32 $0x3C00, s11  }
0x10: {  	v0 =	vimm.f32 $0.0e+00;
	v1 =	vimm.f32 $1.000000000e+00;
	s11 =	smax.u32 s12, $0x1;
	s12 =	simm.s32 $0x1;
	s16 =	sshrl.u32 s5, $0x3  }
.LBB2_1:
0x11: {  	[tilespmem:s3], [sflag:$0x1] =	stream.linear.gather [hbm4b:s4+s3], $0x2800, $0x38;
	[tilespmem:$0x5800] =	vst v63  }
0x12: {  	_ =	swait.ge [sflag:s12], $0x2800  }
0x13: {  	[sflag:s12] =	ssyncset.done $0x0  }
0x14: {  	s20 =	simm.s32 $0x40;
	s21 =	simm.s32 $0x0;
	[sflag:s12] =	ssyncadd.s32 $0xFFFFD800  }
.LBB2_2:
0x15: {  	p0 =	sne.s32 s20, $0x1FC0;
	[tilespmem:s21+$0x2800] =	vst v0;
	s21 =	smov.u32 s20;
	s20 =	sadd.s32 $0x40, s20  }
.Ltmp0:
0x16: {  	(pc) =	sbr.rel @p0 .LBB2_2-.Ltmp0, $2  }
0x17: {  	_ =	sdelay $0x2  }
0x18: {  	s21 =	sshra.s32 s21, $0x2  }
0x19: {  	[tilespmem:s21+$0x2800] =	vst v0  }
0x1a: {  	[spmem:s5] =	stream.linear.scatter [tilespmem:s13], [sflag:$0x1], $0x800, $0x38;
	[tilespmem:$0x5800] =	vst v63  }
0x1b: {  	_ =	swait.ge [sflag:s12], $0x800  }
0x1c: {  	[sflag:s12] =	ssyncset.done $0x0  }
0x1d: {  	[sflag:s12] =	ssyncadd.s32 $0xFFFFF800  }
0x1e: {  	[spmem:s6] =	stream.linear.scatter [tilespmem:s13], [sflag:$0x1], $0x800, $0x38;
	[tilespmem:$0x5800] =	vst v63  }
0x1f: {  	_ =	swait.ge [sflag:s12], $0x800  }
0x20: {  	[sflag:s12] =	ssyncset.done $0x0  }
0x21: {  	[sflag:s12] =	ssyncadd.s32 $0xFFFFF800  }
0x22: {  	[spmem:s7] =	stream.linear.scatter [tilespmem:s13], [sflag:$0x1], $0x800, $0x38;
	[tilespmem:$0x5800] =	vst v63  }
0x23: {  	_ =	swait.ge [sflag:s12], $0x800  }
0x24: {  	[sflag:s12] =	ssyncset.done $0x0  }
0x25: {  	[sflag:s12] =	ssyncadd.s32 $0xFFFFF800  }
0x26: {  	[spmem:s8] =	stream.linear.scatter [tilespmem:s13], [sflag:$0x1], $0x800, $0x38;
	[tilespmem:$0x5800] =	vst v63  }
0x27: {  	_ =	swait.ge [sflag:s12], $0x800  }
0x28: {  	[sflag:s12] =	ssyncset.done $0x0  }
0x29: {  	[sflag:s12] =	ssyncadd.s32 $0xFFFFF800  }
0x2a: {  	[spmem:s9] =	stream.linear.scatter [tilespmem:s13], [sflag:$0x1], $0x800, $0x38;
	[tilespmem:$0x5800] =	vst v63  }
0x2b: {  	_ =	swait.ge [sflag:s12], $0x800  }
0x2c: {  	[sflag:s12] =	ssyncset.done $0x0  }
0x2d: {  	s20 =	simm.s32 $0x40;
	s21 =	simm.s32 $0x0;
	[sflag:s12] =	ssyncadd.s32 $0xFFFFF800  }
.LBB2_4:
0x2e: {  	p0 =	sne.s32 s20, $0x1FC0;
	[tilespmem:s21+$0x2800] =	vst v1;
	s21 =	smov.u32 s20;
	s20 =	sadd.s32 $0x40, s20  }
.Ltmp1:
0x2f: {  	(pc) =	sbr.rel @p0 .LBB2_4-.Ltmp1, $2  }
0x30: {  	_ =	sdelay $0x2  }
0x31: {  	s21 =	sshra.s32 s21, $0x2  }
0x32: {  	[tilespmem:s21+$0x2800] =	vst v1  }
0x33: {  	s20 =	simm.s32 $0x0;
	[bflag:$0x0] =	sbarrier.arrive $0xFFFF  }
0x34: {  	[spmem:s2] =	stream.indirect.scatter.add.f32 [tilespmem:s13], [sflag:$0x1], $0x10, s20, s14, $0xb8;
	[tilespmem:$0x5800] =	vst v63  }
0x35: {  	_ =	swait.ge [sflag:s12], $0x800  }
0x36: {  	s20 =	simm.s32 $0x200;
	[sflag:s12] =	ssyncset.done $0x0  }
.LBB2_6:
0x37: {  	s21 =	sshra.s32 s20, $0x2;
	[sflag:s12] =	ssyncadd.s32 $0xFFFFF800;
	p0 =	sne.s32 s20, $0x9E00  }
0x38: {  	[spmem:s2] =	stream.indirect.scatter.add.f32 [tilespmem:s13], [sflag:$0x1], $0x10, s21, s14, $0xb8;
	[tilespmem:$0x5800] =	vst v63  }
.Ltmp2:
0x39: {  	_ = 	snop;
	(pc) =	sbr.rel @p0 .LBB2_6-.Ltmp2, $4  }
0x3a: {  	_ = 	snop  }
0x3b: {  	s20 =	sadd.s32 $0x200, s20  }
0x3c: {  	_ =	swait.ge [sflag:s12], $0x800  }
0x3d: {  	[sflag:s12] =	ssyncset.done $0x0  }
0x3e: {  	s19 =	sadd.s32 $0x1, s19  }
0x3f: {  	[sflag:s12] =	ssyncadd.s32 $0xFFFFF800;
	p0 =	sne.s32 s19, s11  }
.Ltmp3:
0x40: {  	[bflag:$0x0] =	sbarrier.arrive $0xFFFF;
	(pc) =	sbr.rel @p0 .LBB2_1-.Ltmp3, $4  }
0x41: {  	[hbm:s10@s17], [sflag:s15] =	dma.strided [spmem:s16@s18], $0x500, s12, $0x2   }
0x42: {  	_ =	swait.ge [sflag:s12], $0x500  }
0x43: {  	[sflag:s12] =	ssyncset.done $0x0  }
0x44: {  	[sflag:s12] =	ssyncadd.s32 $0xFFFFFB00  }
0x45: {  	_ =	sfence.sel $0x180000  }
0x46: {  	[bflag:$0x0] =	sbarrier.arrive $0xFFFF  }
0x47: {  	p0 =	sne.s32 s1, $0x0;
	_ =	strace $0x90000047  }
0x48: {  	s0 =	sadd.s32 @!p0 $0x100000, s0;
	[bflag:$0x2] =	sbarrier.arrive $0xFFFF  }
0x49: {  	[sflag:s0] =	ssyncadd.tile.s32 @!p0 $0x1;
	_ =	shalt  }
.Lfunc_end2:
_tile_overlayer_lowered:
.L_overlay_start_2:
0x4a: {  	(tag) =	ssettag $0x2  }
0x4b: {  	s0 =	rddreg [dreg:$0x0];
	s2 =	stileid.u32  }
0x4c: {  	s1 =	rddreg [dreg:$0x1];
	p0 =	sne.s32 s2, $0x0  }
0x4d: {  	s3 =	rddreg [dreg:$0x2];
	[bflag:$0x3] =	sbarrier.arrive $0xFFFF;
	s2 =	simm.s32 @!p0 $0x1C01  }
0x4e: {  	[timem:s3], [sflag:s2] =	dma.local @!p0 [hbm:s0], s1  }
0x4f: {  	s0 =	simm.s32 @!p0 $0x1  }
0x50: {  	_ =	swait.ge @!p0 [sflag:s0], s1  }
0x51: {  	s1 =	ssub.s32 @!p0 $0x0, s1;
	[sflag:s0] =	ssyncset.done @!p0 $0x0  }
0x52: {  	[sflag:s0] =	ssyncadd.s32 @!p0 s1  }
0x53: {  	[bflag:$0x3] =	sbarrier.arrive $0xFFFF  }
0x54: {  	_ =	shalt  }

// kernel: kernel.13.cloned.1.call-start
scs
__scs_entry_jumppad:
0x0: {  	(pc) =	sbr.rel $0x88, $3  }
0x1: {  	(tag) =	ssettag $0x0;
	lr =	simm.s32 $0x1  }
0x2: {  	[smem:$0x3F99] =	sst lr;
	_ =	strace $0xD0000000  }
0x3: {  	_ = 	snop  }
0x4: {  	_ = 	snop  }
0x5: {  	_ = 	snop  }
0x6: {  	_ = 	snop  }
0x7: {  	_ = 	snop  }
__scs_overlays_trampoline_lowered:
0x8: {  	[smem:$0x3FA8] =	sst s0  }
0x9: {  	[smem:$0x3FA9] =	sst s1  }
0xa: {  	[smem:$0x3FAA] =	sst s2  }
0xb: {  	[smem:$0x3FAB] =	sst s3  }
0xc: {  	[smem:$0x3FAC] =	sst s4  }
0xd: {  	[smem:$0x3FAD] =	sst s5  }
0xe: {  	[smem:$0x3FAE] =	sst s6  }
0xf: {  	[smem:$0x3FAF] =	sst s7  }
0x10: {  	[smem:$0x3FB0] =	sst s8  }
0x11: {  	[smem:$0x3FB1] =	sst s9;
	s0 =	simm.s32 @!p0 $0x0  }
0x12: {  	s1 =	sld [smem:$0x3F97];
	s0 =	simm.s32 @p0 $0x1  }
0x13: {  	[smem:$0x3FB2] =	sst s0;
	s0 =	simm.s32 @!p1 $0x0  }
0x14: {  	s2 =	sld [smem:$0x3F96];
	s0 =	simm.s32 @p1 $0x1  }
0x15: {  	[smem:$0x3FB3] =	sst s0;
	s0 =	simm.s32 @!p2 $0x0  }
0x16: {  	s3 =	sld [smem:$0x3FDB];
	s0 =	simm.s32 @p2 $0x1  }
0x17: {  	s4 =	simm.s32 $0x1BF5;
	[smem:$0x3FB5] =	sst s0  }
0x18: {  	s0 =	sld [smem:$0x3F98];
	_ =	swait.ge [sflag:s4], $0x0  }
0x19: {  	s7 =	sld [smem:$0x3F99]  }
0x1a: {  	s8 =	sadd.s32 $0xFFFFE003, lr  }
0x1b: {  	s9 =	sadd.s32 $0xFFFFFEF7, lr;
	s5 =	simm.s32 $0xFFFFFFFF;
	p2 =	slt.u32 s8, $0xFFFFF086  }
0x1c: {  	p1 =	slt.u32 s9, $0xF7A;
	s5 =	simm.s32 @!p2 $0x0  }
0x1d: {  	s5 =	simm.s32 @p1 $0x1;
	p0 =	seq.s32 s7, s2  }
0x1e: {  	s7 =	smul.u32 @!p0 $0xF7A, s2;
	p2 =	seq.s32 @!p0 s5, $0x0  }
0x1f: {  	s9 =	smul.u32 $0xF7A, s1;
	s8 =	simm.s32 @!p0 $0x1BF5;
	p2 =	por !p2, p0  }
0x20: {  	[sflag:s8] =	ssyncset.s32 @!p0 $0xFFFFF086;
	s6 =	sadd.s32 @!p0 s3, s7;
	s7 =	simm.s32 @!p0 $0x108  }
0x21: {  	s3 =	sadd.s32 s3, s9;
	s6 =	sadd.s32 @!p0 $0x88, s6;
	s7 =	simm.s32 @p2 $0x1082  }
0x22: {  	[simem:s7], [sflag:s8] =	dma.local @!p0 [hbm:s6], $0xF7A  }
0x23: {  	s9 =	sor.u32 $0xD0000000, s2;
	s6 =	simm.s32 $0x108;
	_ =	swait.ge @!p0 [sflag:s8], $0x0  }
0x24: {  	s3 =	sadd.s32 $0x88, s3;
	s6 =	simm.s32 @!p1 $0x1082;
	[sflag:s4] =	ssyncset.s32 $0xFFFFF086  }
0x25: {  	[simem:s6], [sflag:s4] =	dma.local [hbm:s3], $0xF7A  }
0x26: {  	[smem:$0x3F99] =	sst s1;
	(tag) =	ssettag s2;
	_ =	strace s9  }
0x27: {  	s1 =	sld [smem:$0x3FA9]  }
0x28: {  	s2 =	sld [smem:$0x3FAA]  }
0x29: {  	s4 =	sld [smem:$0x3FAC]  }
0x2a: {  	p0 =	seq.s32 s5, $0x0;
	s5 =	sld [smem:$0x3FAD]  }
0x2b: {  	s6 =	sld [smem:$0x3FAE]  }
0x2c: {  	s7 =	sld [smem:$0x3FAF]  }
0x2d: {  	s3 =	simm.s32 $0x108;
	s8 =	sld [smem:$0x3FB0]  }
0x2e: {  	s3 =	simm.s32 @!p0 $0x1082;
	s9 =	sld [smem:$0x3FB1]  }
0x2f: {  	lr =	sadd.s32 s0, s3;
	s0 =	sld [smem:$0x3FA8]  }
0x30: {  	s3 =	sld [smem:$0x3FAB]  }
0x31: {  	[smem:$0x3FB4] =	sst s10  }
0x32: {  	s10 =	sld [smem:$0x3FB2];
	_ =	sdelay $0x3  }
0x33: {  	p0 =	seq.s32 s10, $0x1;
	s10 =	sld [smem:$0x3FB4];
	_ =	sdelay $0x3  }
0x34: {  	[smem:$0x3FB4] =	sst s10  }
0x35: {  	s10 =	sld [smem:$0x3FB3];
	_ =	sdelay $0x3  }
0x36: {  	p1 =	seq.s32 s10, $0x1;
	s10 =	sld [smem:$0x3FB4];
	_ =	sdelay $0x3  }
0x37: {  	[smem:$0x3FB4] =	sst s10  }
0x38: {  	s10 =	sld [smem:$0x3FB5]  }
0x39: {  	_ = 	snop;
	(pc) =	sbr.ind lr, $3  }
0x3a: {  	_ = 	snop  }
0x3b: {  	_ = 	snop  }
0x3c: {  	p2 =	seq.s32 s10, $0x1;
	s10 =	sld [smem:$0x3FB4]  }
0x3d: {  	_ =	shalt  }
0x3e: {  	_ =	shalt  }
0x3f: {  	_ =	shalt  }
0x40: {  	_ =	shalt  }
0x41: {  	_ =	shalt  }
0x42: {  	_ =	shalt  }
0x43: {  	_ =	shalt  }
0x44: {  	_ =	shalt  }
0x45: {  	_ =	shalt  }
0x46: {  	_ =	shalt  }
0x47: {  	_ =	shalt  }
0x48: {  	_ =	shalt  }
0x49: {  	_ =	shalt  }
0x4a: {  	_ =	shalt  }
0x4b: {  	_ =	shalt  }
0x4c: {  	_ =	shalt  }
0x4d: {  	_ =	shalt  }
0x4e: {  	_ =	shalt  }
0x4f: {  	_ =	shalt  }
0x50: {  	_ =	shalt  }
0x51: {  	_ =	shalt  }
0x52: {  	_ =	shalt  }
0x53: {  	_ =	shalt  }
0x54: {  	_ =	shalt  }
0x55: {  	_ =	shalt  }
0x56: {  	_ =	shalt  }
0x57: {  	_ =	shalt  }
0x58: {  	_ =	shalt  }
0x59: {  	_ =	shalt  }
0x5a: {  	_ =	shalt  }
0x5b: {  	_ =	shalt  }
0x5c: {  	_ =	shalt  }
0x5d: {  	_ =	shalt  }
0x5e: {  	_ =	shalt  }
0x5f: {  	_ =	shalt  }
0x60: {  	_ =	shalt  }
0x61: {  	_ =	shalt  }
0x62: {  	_ =	shalt  }
0x63: {  	_ =	shalt  }
0x64: {  	_ =	shalt  }
0x65: {  	_ =	shalt  }
0x66: {  	_ =	shalt  }
0x67: {  	_ =	shalt  }
0x68: {  	_ =	shalt  }
0x69: {  	_ =	shalt  }
0x6a: {  	_ =	shalt  }
0x6b: {  	_ =	shalt  }
0x6c: {  	_ =	shalt  }
0x6d: {  	_ =	shalt  }
0x6e: {  	_ =	shalt  }
0x6f: {  	_ =	shalt  }
0x70: {  	_ =	shalt  }
0x71: {  	_ =	shalt  }
0x72: {  	_ =	shalt  }
0x73: {  	_ =	shalt  }
0x74: {  	_ =	shalt  }
0x75: {  	_ =	shalt  }
0x76: {  	_ =	shalt  }
0x77: {  	_ =	shalt  }
0x78: {  	_ =	shalt  }
0x79: {  	_ =	shalt  }
0x7a: {  	_ =	shalt  }
0x7b: {  	_ =	shalt  }
0x7c: {  	_ =	shalt  }
0x7d: {  	_ =	shalt  }
0x7e: {  	_ =	shalt  }
0x7f: {  	_ =	shalt  }
0x80: {  	_ =	shalt  }
0x81: {  	_ =	shalt  }
0x82: {  	_ =	shalt  }
0x83: {  	_ =	shalt  }
0x84: {  	_ =	shalt  }
0x85: {  	_ =	shalt  }
0x86: {  	_ =	shalt  }
0x87: {  	_ =	shalt  }
.Lfunc_end0:
.L_simem_size_0:
called_computation.1_lowered:
.L_overlay_start_0:
0x88: {  	s2 =	sld [smem:$0x3FD9]  }
0x89: {  	s3 =	sld [smem:$0x3FFE];
	_ =	sdelay $0x1  }
0x8a: {  	s1 =	srdreg.scid  }
0x8b: {  	s0 =	sand.u32 $0x1, s1  }
0x8c: {  	s17 =	sshll.u32 s0, $0xA;
	s2 =	sadd.s32 s3, s2  }
0x8d: {  	s2 =	sadd.s32 s2, s17  }
0x8e: {  	[smem:$0x3FC0] =	sst s2  }
0x8f: {  	_ = 	snop  }
0x90: {  	s2 =	sld [smem:$0x3FD0];
	(tm) =	ssettm $0x1  }
0x91: {  	s18 =	sld [smem:$0x3FFB];
	_ =	sdelay $0x3  }
0x92: {  	_ =	strace s18  }
0x93: {  	s3 =	sld [smem:$0x3FFC];
	_ =	sdelay $0x3  }
0x94: {  	_ =	strace s3  }
0x95: {  	s3 =	sld [smem:$0x3FFD];
	_ =	sdelay $0x3  }
0x96: {  	_ =	strace s3  }
0x97: {  	_ =	strace $0x8FFFFFFF  }
0x98: {  	s19 =	sld [smem:$0x3FDB];
	_ =	sdelay $0x1  }
0x99: {  	s4 =	simm.s32 $_scs_section_size  }
0x9a: {  	s5 =	simm.s32 $_size__tile_overlayer_lowered;
	s6 =	simm.s32 $_tile_overlayer_lowered  }
0x9b: {  	s22 =	simm.s32 $0x1BFF;
	s21 =	sshll.u32 s6, $0x1;
	s3 =	sadd.s32 s4, s19  }
0x9c: {  	s7 =	simm.s32 $0x0;
	s20 =	sshll.u32 s5, $0x1;
	s5 =	sadd.s32 s21, s3  }
0x9d: {  	[timem:s7], [sflag:s22] =	dma.local [hbm:s5], s20  }
0x9e: {  	_ =	swait.ge [sflag:s22], s20  }
0x9f: {  	s4 =	ssub.s32 $0x0, s20;
	[sflag:s22] =	ssyncset.done $0x0  }
0xa0: {  	[sflag:s22] =	ssyncadd.s32 s4;
	_ =	sdelay $0x1  }
0xa1: {  	s23 =	simm.s32 $0x1B8B  }
0xa2: {  	_ =	swait.ge [sflag:s23], $0x1  }
0xa3: {  	[sflag:s23] =	ssyncset.done $0x0  }
0xa4: {  	s25 =	simm.s32 $0x1B8E;
	s24 =	sld [smem:$0x3FFE];
	[sflag:s23] =	ssyncadd.s32 $0xFFFFFFFF  }
0xa5: {  	s26 =	simm.s32 $execute0_lowered;
	[smem:$0x3FD2] =	sst s25  }
0xa6: {  	s5 =	sshll.u32 s26, $0x1;
	_ =	strace $0x80000049;
	[dreg:$0x1] =	wrdreg $0xFFFFFFFF  }
0xa7: {  	s28 =	simm.s32 $_size_execute0_lowered;
	s3 =	sadd.s32 s3, s5;
	[dreg:$0x0] =	wrdreg $0x0  }
0xa8: {  	s5 =	sshll.u32 s28, $0x1;
	[dreg:$0x2] =	wrdreg s3  }
0xa9: {  	[dreg:$0x3] =	wrdreg s5  }
0xaa: {  	[dreg:$0x4] =	wrdreg $0xC0  }
0xab: {  	_ =	task [dreg:s7], $0x5FFFF  }
0xac: {  	[dreg:$0x1] =	wrdreg $0xFFFFFFFF  }
0xad: {  	[dreg:$0x0] =	wrdreg $0x60  }
0xae: {  	[dreg:$0x2] =	wrdreg s24  }
0xaf: {  	[dreg:$0x3] =	wrdreg s2  }
0xb0: {  	[dreg:$0x4] =	wrdreg $0x90000  }
0xb1: {  	[dreg:$0x5] =	wrdreg $0x130000  }
0xb2: {  	[dreg:$0x6] =	wrdreg $0x9  }
0xb3: {  	_ =	task.clear_ibuf [dreg:s7], $0x7FFFF;
	_ =	strace $0x90000049  }
0xb4: {  	s29 =	simm.s32 $0x9;
	_ =	strace $0x8000004B  }
0xb5: {  	_ =	swait.ge [sflag:s29], $0x1  }
0xb6: {  	[sflag:s29] =	ssyncadd.s32 $0xFFFFFFFF  }
0xb7: {  	_ =	strace $0x9000004B  }
0xb8: {  	_ =	sfence  }
0xb9: {  	s30 =	sld [smem:$0x0];
	_ =	sdelay $0x2  }
0xba: {  	s31 =	sshll.u32 s1, $0xD;
	s1 =	sshrl.u32 s1, $0x2  }
0xbb: {  	s3 =	sand.u32 $0x4000, s31;
	s1 =	sadd.s32 s1, s30  }
0xbc: {  	s0 =	sor.u32 s3, s0;
	s1 =	sshll.u32 s1, $0x11  }
0xbd: {  	s0 =	sor.u32 s1, s0  }
0xbe: {  	s0 =	sadd.s32 $0x8F2B, s0  }
0xbf: {  	[sflag:s0] =	ssyncadd.remote.s32 $0x1  }
0xc0: {  	_ =	sfence.sel $0xFFFF  }
0xc1: {  	[dreg:$0x0] =	wrdreg $0xFFFFFFFF;
	(pc) =	sbr.abs _section_cstart, $3  }
0xc2: {  	[dreg:$0x1] =	wrdreg $0xFFFFFFFF  }
0xc3: {  	_ =	task.clear_ibuf [dreg:s7], $0x2FFFF;
	_ =	strace $0x9FFFFFFF  }
0xc4: {  	(tm) =	ssettm $0x7FFFFFFF  }
0xc5: {  	_ =	shalt  }
tec
execute0_lowered:
.L_overlay_start_1:
0x0: {  	(tag) =	ssettag $0x1  }
0x1: {  	s0 =	rddreg [dreg:$0x0]  }
0x2: {  	s15 =	rddreg [dreg:$0x1]  }
0x3: {  	s2 =	rddreg [dreg:$0x2]  }
0x4: {  	s3 =	rddreg [dreg:$0x3];
	s5 =	srdreg.scid  }
0x5: {  	s1 =	stileid.u32;
	s4 =	simm.s32 $0x0;
	s19 =	simm.s32 $0x1  }
0x6: {  	s20 =	simm.s32 $0x8;
	s21 =	simm.s32 $0x10;
	s22 =	simm.s32 $0x3  }
0x7: {  	s23 =	simm.s32 $0x5000;
	s24 =	simm.s32 $0x2800;
	s28 =	simm.s32 $0x2  }
0x8: {  	s29 =	simm.s32 $0x4F00;
	s30 =	simm.s32 $0x4F80;
	s6 =	smul.u32 $0x14000, s1  }
0x9: {  	s5 =	sand.u32 $0x1, s5;
	[smem:$0x7FF] =	sst s4;
	s25 =	smul.u32 $0xA000, s1  }
0xa: {  	s14 =	sadd.s32 $0x2BC00, s0;
	s8 =	smul.u32 $0x28000, s1;
	s31 =	sshll.u32 s1, $0x6  }
0xb: {  	s10 =	smul.u32 $0x5000, s1;
	s7 =	sshll.u32 s5, $0x6;
	s5 =	ssub.s32 $0x2, s5  }
0xc: {  	_ =	strace $0x8000004A;
	s6 =	sor.u32 s7, s6;
	s26 =	sshrl.u32 s5, $0x1  }
0xd: {  	s18 =	sadd.s32 s25, s2;
	s8 =	sshrl.u32 s8, $0x2;
	s7 =	sadd.s32 s25, s3  }
0xe: {  	s13 =	sshrl.u32 s10, $0x3;
	s25 =	simm.s32 $0x80;
	s6 =	sshrl.u32 s6, $0x3  }
0xf: {  	s17 =	ssub.s32 s5, s26;
	s11 =	sadd.s32 s8, s3;
	s16 =	sadd.s32 $0x500, s13  }
0x10: {  	s12 =	sadd.s32 s14, s13;
	s13 =	sadd.s32 s15, s13;
	s18 =	sshrl.u32 s18, $0x3  }
0x11: {  	s26 =	simm.s32 $0x7000;
	s0 =	sadd.s32 s6, s0;
	s6 =	sor.u32 $0x1C03, s31  }
0x12: {  	s8 =	sadd.s32 $0x2000, s11;
	s9 =	sadd.s32 $0x4000, s11;
	s10 =	sadd.s32 $0x6000, s11  }
0x13: {  	s11 =	sadd.s32 $0x8000, s11;
	s14 =	sadd.s32 s14, s16;
	s15 =	sadd.s32 s15, s16  }
0x14: {  	v0 =	vimm.f32 $0.0e+00;
	s17 =	smax.u32 s17, $0x1;
	s5 =	sadd.s32 $0x3C00, s0;
	s16 =	sadd.s32 $0x35C00, s0  }
.LBB2_1:
0x15: {  	[spmem:s18@s20], [sflag:s6] =	dma.strided [hbm:s5@s21], $0x1400, s19, $0x8   }
0x16: {  	_ =	swait.ge [sflag:s22], $0x1400  }
0x17: {  	[sflag:s22] =	ssyncset.done $0x0  }
0x18: {  	s0 =	simm.s32 $0x100;
	s31 =	simm.s32 $0x0;
	[sflag:s22] =	ssyncadd.s32 $0xFFFFEC00  }
.LBB2_2:
0x19: {  	p0 =	sne.s32 s0, $0x7F00;
	[tilespmem:s31+$0x5030] =	vst v0;
	s1 =	smov.u32 s0;
	s0 =	sadd.s32 $0x100, s0  }
.Ltmp0:
0x1a: {  	[tilespmem:s31+$0x5020] =	vst v0;
	(pc) =	sbr.rel @p0 .LBB2_2-.Ltmp0, $3  }
0x1b: {  	[tilespmem:s31+$0x5000] =	vst v0  }
0x1c: {  	[tilespmem:s31+$0x5010] =	vst v0;
	_ =	sdelay $0x1  }
0x1d: {  	s31 =	sshra.s32 s1, $0x2  }
0x1e: {  	[tilespmem:s31+$0x5030] =	vst v0  }
0x1f: {  	[tilespmem:s31+$0x5020] =	vst v0  }
0x20: {  	[tilespmem:s31+$0x5000] =	vst v0  }
0x21: {  	[tilespmem:s31+$0x5010] =	vst v0  }
0x22: {  	[spmem:s7] =	stream.linear.scatter [tilespmem:s23], [sflag:$0x3], $0x2000, $0x38;
	[tilespmem:$0x1D000] =	vst v63  }
0x23: {  	_ =	swait.ge [sflag:s22], $0x2000  }
0x24: {  	[sflag:s22] =	ssyncset.done $0x0  }
0x25: {  	[sflag:s22] =	ssyncadd.s32 $0xFFFFE000  }
0x26: {  	[spmem:s8] =	stream.linear.scatter [tilespmem:s23], [sflag:$0x3], $0x2000, $0x38;
	[tilespmem:$0x1D000] =	vst v63  }
0x27: {  	_ =	swait.ge [sflag:s22], $0x2000  }
0x28: {  	[sflag:s22] =	ssyncset.done $0x0  }
0x29: {  	[sflag:s22] =	ssyncadd.s32 $0xFFFFE000  }
0x2a: {  	[spmem:s9] =	stream.linear.scatter [tilespmem:s23], [sflag:$0x3], $0x2000, $0x38;
	[tilespmem:$0x1D000] =	vst v63  }
0x2b: {  	_ =	swait.ge [sflag:s22], $0x2000  }
0x2c: {  	[sflag:s22] =	ssyncset.done $0x0  }
0x2d: {  	[sflag:s22] =	ssyncadd.s32 $0xFFFFE000  }
0x2e: {  	[spmem:s10] =	stream.linear.scatter [tilespmem:s23], [sflag:$0x3], $0x2000, $0x38;
	[tilespmem:$0x1D000] =	vst v63  }
0x2f: {  	_ =	swait.ge [sflag:s22], $0x2000  }
0x30: {  	[sflag:s22] =	ssyncset.done $0x0  }
0x31: {  	[sflag:s22] =	ssyncadd.s32 $0xFFFFE000  }
0x32: {  	[spmem:s11] =	stream.linear.scatter [tilespmem:s23], [sflag:$0x3], $0x2000, $0x38;
	[tilespmem:$0x1D000] =	vst v63  }
0x33: {  	_ =	swait.ge [sflag:s22], $0x2000  }
0x34: {  	[sflag:s22] =	ssyncset.done $0x0  }
0x35: {  	[sflag:s22] =	ssyncadd.s32 $0xFFFFE000  }
0x36: {  	s0 =	simm.s32 $0x0;
	[bflag:$0x0] =	sbarrier.arrive $0xFFFF  }
0x37: {  	[tilespmem:s0], [sflag:$0x3] =	stream.linear.gather [hbm4b:s12+s0], $0x2800, $0x38;
	[tilespmem:$0x1D000] =	vst v63  }
0x38: {  	_ =	swait.ge [sflag:s22], $0x2800  }
0x39: {  	[sflag:s22] =	ssyncset.done $0x0  }
0x3a: {  	[sflag:s22] =	ssyncadd.s32 $0xFFFFD800  }
0x3b: {  	[tilespmem:s24], [sflag:$0x3] =	stream.linear.gather [hbm4b:s13+s0], $0x2800, $0x38;
	[tilespmem:$0x1D000] =	vst v63  }
0x3c: {  	_ =	swait.ge [sflag:s22], $0x2800  }
0x3d: {  	[sflag:s22] =	ssyncset.done $0x0  }
0x3e: {  	[sflag:s22] =	ssyncadd.s32 $0xFFFFD800  }
0x3f: {  	[tilespmem:s23], [sflag:$0x1] =	stream.indirect.gather [spmem:s2], $0x40, s0, s25, $0xb8;
	[tilespmem:$0x1D000] =	vst v63  }
0x40: {  	_ = 	snop  }
0x41: {  	[tilespmem:s26], [sflag:$0x2] =	stream.indirect.gather [spmem:s2], $0x40, s25, s25, $0xb8;
	[tilespmem:$0x1D000] =	vst v63  }
0x42: {  	_ =	swait.ge [sflag:s19], $0x2000  }
0x43: {  	[sflag:s19] =	ssyncset.done $0x0  }
0x44: {  	s1 =	simm.s32 $0x2800;
	[sflag:s19] =	ssyncadd.s32 $0xFFFFE000  }
0x45: {  	[spmem:s3] =	stream.indirect.scatter.add.f32 [tilespmem:s23], [sflag:$0x3], $0x40, s1, s25, $0xb8;
	[tilespmem:$0x1D000] =	vst v63  }
0x46: {  	_ =	swait.ge [sflag:s22], $0x2000  }
0x47: {  	[sflag:s22] =	ssyncset.done $0x0  }
0x48: {  	s1 =	simm.s32 $0x100;
	[sflag:s22] =	ssyncadd.s32 $0xFFFFE000  }
0x49: {  	[tilespmem:s23], [sflag:$0x1] =	stream.indirect.gather [spmem:s2], $0x40, s1, s25, $0xb8;
	[tilespmem:$0x1D000] =	vst v63  }
0x4a: {  	_ =	swait.ge [sflag:s28], $0x2000  }
0x4b: {  	[sflag:s28] =	ssyncset.done $0x0  }
0x4c: {  	s1 =	simm.s32 $0x2880;
	[sflag:s28] =	ssyncadd.s32 $0xFFFFE000  }
0x4d: {  	[spmem:s3] =	stream.indirect.scatter.add.f32 [tilespmem:s26], [sflag:$0x3], $0x40, s1, s25, $0xb8;
	[tilespmem:$0x1D000] =	vst v63  }
0x4e: {  	_ =	swait.ge [sflag:s22], $0x2000  }
0x4f: {  	[sflag:s22] =	ssyncset.done $0x0  }
0x50: {  	s31 =	simm.s32 $0x400;
	s0 =	simm.s32 $0x180;
	[sflag:s22] =	ssyncadd.s32 $0xFFFFE000  }
.LBB2_4:
0x51: {  	[tilespmem:s26], [sflag:$0x2] =	stream.indirect.gather [spmem:s2], $0x40, s0, s25, $0xb8;
	[tilespmem:$0x1D000] =	vst v63  }
0x52: {  	s0 =	smov.u32 s31  }
0x53: {  	p0 =	sne.s32 s31, $0x9800;
	s31 =	sadd.s32 $0x400, s31;
	_ =	swait.ge [sflag:s19], $0x2000  }
0x54: {  	s0 =	sshra.s32 s0, $0x2;
	[sflag:s19] =	ssyncset.done $0x0  }
0x55: {  	s1 =	sadd.s32 $0x2800, s0;
	[sflag:s19] =	ssyncadd.s32 $0xFFFFE000  }
0x56: {  	[spmem:s3] =	stream.indirect.scatter.add.f32 [tilespmem:s23], [sflag:$0x3], $0x40, s1, s25, $0xb8;
	[tilespmem:$0x1D000] =	vst v63  }
0x57: {  	_ =	swait.ge [sflag:s22], $0x2000  }
0x58: {  	[sflag:s22] =	ssyncset.done $0x0  }
0x59: {  	s1 =	sadd.s32 $0x100, s0;
	[sflag:s22] =	ssyncadd.s32 $0xFFFFE000  }
0x5a: {  	[tilespmem:s23], [sflag:$0x1] =	stream.indirect.gather [spmem:s2], $0x40, s1, s25, $0xb8;
	[tilespmem:$0x1D000] =	vst v63  }
0x5b: {  	_ =	swait.ge [sflag:s28], $0x2000  }
0x5c: {  	[sflag:s28] =	ssyncset.done $0x0  }
.Ltmp1:
0x5d: {  	s1 =	sadd.s32 $0x2880, s0;
	[sflag:s28] =	ssyncadd.s32 $0xFFFFE000;
	(pc) =	sbr.rel @p0 .LBB2_4-.Ltmp1, $4  }
0x5e: {  	[spmem:s3] =	stream.indirect.scatter.add.f32 [tilespmem:s26], [sflag:$0x3], $0x40, s1, s25, $0xb8;
	[tilespmem:$0x1D000] =	vst v63  }
0x5f: {  	_ =	swait.ge [sflag:s22], $0x2000  }
0x60: {  	[sflag:s22] =	ssyncset.done $0x0  }
0x61: {  	s0 =	sadd.s32 $0x180, s0;
	[sflag:s22] =	ssyncadd.s32 $0xFFFFE000  }
0x62: {  	[tilespmem:s26], [sflag:$0x2] =	stream.indirect.gather [spmem:s2], $0x40, s0, s25, $0xb8;
	[tilespmem:$0x1D000] =	vst v63  }
0x63: {  	_ =	swait.ge [sflag:s19], $0x2000  }
0x64: {  	[sflag:s19] =	ssyncset.done $0x0  }
0x65: {  	[sflag:s19] =	ssyncadd.s32 $0xFFFFE000  }
0x66: {  	[spmem:s3] =	stream.indirect.scatter.add.f32 [tilespmem:s23], [sflag:$0x3], $0x40, s29, s25, $0xb8;
	[tilespmem:$0x1D000] =	vst v63  }
0x67: {  	_ =	swait.ge [sflag:s22], $0x2000  }
0x68: {  	[sflag:s22] =	ssyncset.done $0x0  }
0x69: {  	[sflag:s22] =	ssyncadd.s32 $0xFFFFE000  }
0x6a: {  	_ =	swait.ge [sflag:s28], $0x2000  }
0x6b: {  	[sflag:s28] =	ssyncset.done $0x0  }
0x6c: {  	[sflag:s28] =	ssyncadd.s32 $0xFFFFE000  }
0x6d: {  	[spmem:s3] =	stream.indirect.scatter.add.f32 [tilespmem:s26], [sflag:$0x3], $0x40, s30, s25, $0xb8;
	[tilespmem:$0x1D000] =	vst v63  }
0x6e: {  	_ =	swait.ge [sflag:s22], $0x2000  }
0x6f: {  	[sflag:s22] =	ssyncset.done $0x0  }
0x70: {  	s1 =	simm.s32 $0x0;
	[sflag:s22] =	ssyncadd.s32 $0xFFFFE000  }
0x71: {  	[tilespmem:s1], [sflag:$0x3] =	stream.linear.gather [hbm4b:s14+s1], $0x2800, $0x38;
	[tilespmem:$0x1D000] =	vst v63  }
0x72: {  	_ =	swait.ge [sflag:s22], $0x2800  }
0x73: {  	[sflag:s22] =	ssyncset.done $0x0  }
0x74: {  	[sflag:s22] =	ssyncadd.s32 $0xFFFFD800  }
0x75: {  	[tilespmem:s24], [sflag:$0x3] =	stream.linear.gather [hbm4b:s15+s1], $0x2800, $0x38;
	[tilespmem:$0x1D000] =	vst v63  }
0x76: {  	_ =	swait.ge [sflag:s22], $0x2800  }
0x77: {  	[sflag:s22] =	ssyncset.done $0x0  }
0x78: {  	[sflag:s22] =	ssyncadd.s32 $0xFFFFD800  }
0x79: {  	[tilespmem:s23], [sflag:$0x1] =	stream.indirect.gather [spmem:s2], $0x40, s1, s25, $0xb8;
	[tilespmem:$0x1D000] =	vst v63  }
0x7a: {  	_ = 	snop  }
0x7b: {  	[tilespmem:s26], [sflag:$0x2] =	stream.indirect.gather [spmem:s2], $0x40, s25, s25, $0xb8;
	[tilespmem:$0x1D000] =	vst v63  }
0x7c: {  	_ =	swait.ge [sflag:s19], $0x2000  }
0x7d: {  	[sflag:s19] =	ssyncset.done $0x0  }
0x7e: {  	s1 =	simm.s32 $0x2800;
	[sflag:s19] =	ssyncadd.s32 $0xFFFFE000  }
0x7f: {  	[spmem:s3] =	stream.indirect.scatter.add.f32 [tilespmem:s23], [sflag:$0x3], $0x40, s1, s25, $0xb8;
	[tilespmem:$0x1D000] =	vst v63  }
0x80: {  	_ =	swait.ge [sflag:s22], $0x2000  }
0x81: {  	[sflag:s22] =	ssyncset.done $0x0  }
0x82: {  	s1 =	simm.s32 $0x100;
	[sflag:s22] =	ssyncadd.s32 $0xFFFFE000  }
0x83: {  	[tilespmem:s23], [sflag:$0x1] =	stream.indirect.gather [spmem:s2], $0x40, s1, s25, $0xb8;
	[tilespmem:$0x1D000] =	vst v63  }
0x84: {  	_ =	swait.ge [sflag:s28], $0x2000  }
0x85: {  	[sflag:s28] =	ssyncset.done $0x0  }
0x86: {  	s1 =	simm.s32 $0x2880;
	[sflag:s28] =	ssyncadd.s32 $0xFFFFE000  }
0x87: {  	[spmem:s3] =	stream.indirect.scatter.add.f32 [tilespmem:s26], [sflag:$0x3], $0x40, s1, s25, $0xb8;
	[tilespmem:$0x1D000] =	vst v63  }
0x88: {  	_ =	swait.ge [sflag:s22], $0x2000  }
0x89: {  	[sflag:s22] =	ssyncset.done $0x0  }
0x8a: {  	s31 =	simm.s32 $0x400;
	s0 =	simm.s32 $0x180;
	[sflag:s22] =	ssyncadd.s32 $0xFFFFE000  }
.LBB2_6:
0x8b: {  	[tilespmem:s26], [sflag:$0x2] =	stream.indirect.gather [spmem:s2], $0x40, s0, s25, $0xb8;
	[tilespmem:$0x1D000] =	vst v63  }
0x8c: {  	s0 =	smov.u32 s31  }
0x8d: {  	p0 =	sne.s32 s31, $0x9800;
	s31 =	sadd.s32 $0x400, s31;
	_ =	swait.ge [sflag:s19], $0x2000  }
0x8e: {  	s0 =	sshra.s32 s0, $0x2;
	[sflag:s19] =	ssyncset.done $0x0  }
0x8f: {  	s1 =	sadd.s32 $0x2800, s0;
	[sflag:s19] =	ssyncadd.s32 $0xFFFFE000  }
0x90: {  	[spmem:s3] =	stream.indirect.scatter.add.f32 [tilespmem:s23], [sflag:$0x3], $0x40, s1, s25, $0xb8;
	[tilespmem:$0x1D000] =	vst v63  }
0x91: {  	_ =	swait.ge [sflag:s22], $0x2000  }
0x92: {  	[sflag:s22] =	ssyncset.done $0x0  }
0x93: {  	s1 =	sadd.s32 $0x100, s0;
	[sflag:s22] =	ssyncadd.s32 $0xFFFFE000  }
0x94: {  	[tilespmem:s23], [sflag:$0x1] =	stream.indirect.gather [spmem:s2], $0x40, s1, s25, $0xb8;
	[tilespmem:$0x1D000] =	vst v63  }
0x95: {  	_ =	swait.ge [sflag:s28], $0x2000  }
0x96: {  	[sflag:s28] =	ssyncset.done $0x0  }
.Ltmp2:
0x97: {  	s1 =	sadd.s32 $0x2880, s0;
	[sflag:s28] =	ssyncadd.s32 $0xFFFFE000;
	(pc) =	sbr.rel @p0 .LBB2_6-.Ltmp2, $4  }
0x98: {  	[spmem:s3] =	stream.indirect.scatter.add.f32 [tilespmem:s26], [sflag:$0x3], $0x40, s1, s25, $0xb8;
	[tilespmem:$0x1D000] =	vst v63  }
0x99: {  	_ =	swait.ge [sflag:s22], $0x2000  }
0x9a: {  	[sflag:s22] =	ssyncset.done $0x0  }
0x9b: {  	s0 =	sadd.s32 $0x180, s0;
	[sflag:s22] =	ssyncadd.s32 $0xFFFFE000  }
0x9c: {  	[tilespmem:s26], [sflag:$0x2] =	stream.indirect.gather [spmem:s2], $0x40, s0, s25, $0xb8;
	[tilespmem:$0x1D000] =	vst v63  }
0x9d: {  	_ =	swait.ge [sflag:s19], $0x2000  }
0x9e: {  	[sflag:s19] =	ssyncset.done $0x0  }
0x9f: {  	[sflag:s19] =	ssyncadd.s32 $0xFFFFE000  }
0xa0: {  	[spmem:s3] =	stream.indirect.scatter.add.f32 [tilespmem:s23], [sflag:$0x3], $0x40, s29, s25, $0xb8;
	[tilespmem:$0x1D000] =	vst v63  }
0xa1: {  	_ =	swait.ge [sflag:s22], $0x2000  }
0xa2: {  	[sflag:s22] =	ssyncset.done $0x0  }
0xa3: {  	[sflag:s22] =	ssyncadd.s32 $0xFFFFE000  }
0xa4: {  	_ =	swait.ge [sflag:s28], $0x2000  }
0xa5: {  	[sflag:s28] =	ssyncset.done $0x0  }
0xa6: {  	[sflag:s28] =	ssyncadd.s32 $0xFFFFE000  }
0xa7: {  	[spmem:s3] =	stream.indirect.scatter.add.f32 [tilespmem:s26], [sflag:$0x3], $0x40, s30, s25, $0xb8;
	[tilespmem:$0x1D000] =	vst v63  }
0xa8: {  	_ =	swait.ge [sflag:s22], $0x2000  }
0xa9: {  	s4 =	sadd.s32 $0x1, s4;
	[sflag:s22] =	ssyncset.done $0x0  }
0xaa: {  	p0 =	sne.s32 s4, s17;
	[sflag:s22] =	ssyncadd.s32 $0xFFFFE000  }
.Ltmp3:
0xab: {  	s31 =	sshrl.u32 s7, $0x3;
	[bflag:$0x0] =	sbarrier.arrive $0xFFFF;
	(pc) =	sbr.rel @p0 .LBB2_1-.Ltmp3, $4  }
0xac: {  	[hbm:s16@s21], [sflag:s6] =	dma.strided [spmem:s31@s20], $0x1400, s19, $0x8   }
0xad: {  	_ =	swait.ge [sflag:s22], $0x1400  }
0xae: {  	[sflag:s22] =	ssyncset.done $0x0  }
0xaf: {  	[sflag:s22] =	ssyncadd.s32 $0xFFFFEC00  }
0xb0: {  	_ =	sfence.sel $0x180000  }
0xb1: {  	[bflag:$0x0] =	sbarrier.arrive $0xFFFF  }
0xb2: {  	_ =	strace $0x9000004A  }
0xb3: {  	s0 =	stileid.u32;
	[bflag:$0x2] =	sbarrier.arrive $0xFFFF  }
0xb4: {  	p0 =	sne.s32 s0, $0x0;
	s0 =	rddreg [dreg:$0x4]  }
0xb5: {  	s0 =	sadd.s32 @!p0 $0x100000, s0  }
0xb6: {  	[sflag:s0] =	ssyncadd.tile.s32 @!p0 $0x1;
	_ =	shalt  }
.Lfunc_end2:
_tile_overlayer_lowered:
.L_overlay_start_2:
0xb7: {  	(tag) =	ssettag $0x2  }
0xb8: {  	s0 =	rddreg [dreg:$0x0];
	s2 =	stileid.u32  }
0xb9: {  	s1 =	rddreg [dreg:$0x1];
	p0 =	sne.s32 s2, $0x0  }
0xba: {  	s3 =	rddreg [dreg:$0x2];
	[bflag:$0x3] =	sbarrier.arrive $0xFFFF;
	s2 =	simm.s32 @!p0 $0x1C03  }
0xbb: {  	[timem:s3], [sflag:s2] =	dma.local @!p0 [hbm:s0], s1  }
0xbc: {  	s0 =	simm.s32 @!p0 $0x3  }
0xbd: {  	_ =	swait.ge @!p0 [sflag:s0], s1  }
0xbe: {  	s1 =	ssub.s32 @!p0 $0x0, s1;
	[sflag:s0] =	ssyncset.done @!p0 $0x0  }
0xbf: {  	[sflag:s0] =	ssyncadd.s32 @!p0 s1  }
0xc0: {  	[bflag:$0x3] =	sbarrier.arrive $0xFFFF  }
0xc1: {  	_ =	shalt  }

// kernel: kernel.16.cloned.1.call-start
scs
__scs_entry_jumppad:
0x0: {  	(pc) =	sbr.rel $0x88, $3  }
0x1: {  	(tag) =	ssettag $0x0;
	lr =	simm.s32 $0x1  }
0x2: {  	[smem:$0x3F99] =	sst lr;
	_ =	strace $0xD0000000  }
0x3: {  	_ = 	snop  }
0x4: {  	_ = 	snop  }
0x5: {  	_ = 	snop  }
0x6: {  	_ = 	snop  }
0x7: {  	_ = 	snop  }
__scs_overlays_trampoline_lowered:
0x8: {  	[smem:$0x3FA8] =	sst s0  }
0x9: {  	[smem:$0x3FA9] =	sst s1  }
0xa: {  	[smem:$0x3FAA] =	sst s2  }
0xb: {  	[smem:$0x3FAB] =	sst s3  }
0xc: {  	[smem:$0x3FAC] =	sst s4  }
0xd: {  	[smem:$0x3FAD] =	sst s5  }
0xe: {  	[smem:$0x3FAE] =	sst s6  }
0xf: {  	[smem:$0x3FAF] =	sst s7  }
0x10: {  	[smem:$0x3FB0] =	sst s8  }
0x11: {  	[smem:$0x3FB1] =	sst s9;
	s0 =	simm.s32 @!p0 $0x0  }
0x12: {  	s1 =	sld [smem:$0x3F97];
	s0 =	simm.s32 @p0 $0x1  }
0x13: {  	[smem:$0x3FB2] =	sst s0;
	s0 =	simm.s32 @!p1 $0x0  }
0x14: {  	s2 =	sld [smem:$0x3F96];
	s0 =	simm.s32 @p1 $0x1  }
0x15: {  	[smem:$0x3FB3] =	sst s0;
	s0 =	simm.s32 @!p2 $0x0  }
0x16: {  	s3 =	sld [smem:$0x3FDB];
	s0 =	simm.s32 @p2 $0x1  }
0x17: {  	s4 =	simm.s32 $0x1BF5;
	[smem:$0x3FB5] =	sst s0  }
0x18: {  	s0 =	sld [smem:$0x3F98];
	_ =	swait.ge [sflag:s4], $0x0  }
0x19: {  	s7 =	sld [smem:$0x3F99]  }
0x1a: {  	s8 =	sadd.s32 $0xFFFFE003, lr  }
0x1b: {  	s9 =	sadd.s32 $0xFFFFFEF7, lr;
	s5 =	simm.s32 $0xFFFFFFFF;
	p2 =	slt.u32 s8, $0xFFFFF086  }
0x1c: {  	p1 =	slt.u32 s9, $0xF7A;
	s5 =	simm.s32 @!p2 $0x0  }
0x1d: {  	s5 =	simm.s32 @p1 $0x1;
	p0 =	seq.s32 s7, s2  }
0x1e: {  	s7 =	smul.u32 @!p0 $0xF7A, s2;
	p2 =	seq.s32 @!p0 s5, $0x0  }
0x1f: {  	s9 =	smul.u32 $0xF7A, s1;
	s8 =	simm.s32 @!p0 $0x1BF5;
	p2 =	por !p2, p0  }
0x20: {  	[sflag:s8] =	ssyncset.s32 @!p0 $0xFFFFF086;
	s6 =	sadd.s32 @!p0 s3, s7;
	s7 =	simm.s32 @!p0 $0x108  }
0x21: {  	s3 =	sadd.s32 s3, s9;
	s6 =	sadd.s32 @!p0 $0x88, s6;
	s7 =	simm.s32 @p2 $0x1082  }
0x22: {  	[simem:s7], [sflag:s8] =	dma.local @!p0 [hbm:s6], $0xF7A  }
0x23: {  	s9 =	sor.u32 $0xD0000000, s2;
	s6 =	simm.s32 $0x108;
	_ =	swait.ge @!p0 [sflag:s8], $0x0  }
0x24: {  	s3 =	sadd.s32 $0x88, s3;
	s6 =	simm.s32 @!p1 $0x1082;
	[sflag:s4] =	ssyncset.s32 $0xFFFFF086  }
0x25: {  	[simem:s6], [sflag:s4] =	dma.local [hbm:s3], $0xF7A  }
0x26: {  	[smem:$0x3F99] =	sst s1;
	(tag) =	ssettag s2;
	_ =	strace s9  }
0x27: {  	s1 =	sld [smem:$0x3FA9]  }
0x28: {  	s2 =	sld [smem:$0x3FAA]  }
0x29: {  	s4 =	sld [smem:$0x3FAC]  }
0x2a: {  	p0 =	seq.s32 s5, $0x0;
	s5 =	sld [smem:$0x3FAD]  }
0x2b: {  	s6 =	sld [smem:$0x3FAE]  }
0x2c: {  	s7 =	sld [smem:$0x3FAF]  }
0x2d: {  	s3 =	simm.s32 $0x108;
	s8 =	sld [smem:$0x3FB0]  }
0x2e: {  	s3 =	simm.s32 @!p0 $0x1082;
	s9 =	sld [smem:$0x3FB1]  }
0x2f: {  	lr =	sadd.s32 s0, s3;
	s0 =	sld [smem:$0x3FA8]  }
0x30: {  	s3 =	sld [smem:$0x3FAB]  }
0x31: {  	[smem:$0x3FB4] =	sst s10  }
0x32: {  	s10 =	sld [smem:$0x3FB2];
	_ =	sdelay $0x3  }
0x33: {  	p0 =	seq.s32 s10, $0x1;
	s10 =	sld [smem:$0x3FB4];
	_ =	sdelay $0x3  }
0x34: {  	[smem:$0x3FB4] =	sst s10  }
0x35: {  	s10 =	sld [smem:$0x3FB3];
	_ =	sdelay $0x3  }
0x36: {  	p1 =	seq.s32 s10, $0x1;
	s10 =	sld [smem:$0x3FB4];
	_ =	sdelay $0x3  }
0x37: {  	[smem:$0x3FB4] =	sst s10  }
0x38: {  	s10 =	sld [smem:$0x3FB5]  }
0x39: {  	_ = 	snop;
	(pc) =	sbr.ind lr, $3  }
0x3a: {  	_ = 	snop  }
0x3b: {  	_ = 	snop  }
0x3c: {  	p2 =	seq.s32 s10, $0x1;
	s10 =	sld [smem:$0x3FB4]  }
0x3d: {  	_ =	shalt  }
0x3e: {  	_ =	shalt  }
0x3f: {  	_ =	shalt  }
0x40: {  	_ =	shalt  }
0x41: {  	_ =	shalt  }
0x42: {  	_ =	shalt  }
0x43: {  	_ =	shalt  }
0x44: {  	_ =	shalt  }
0x45: {  	_ =	shalt  }
0x46: {  	_ =	shalt  }
0x47: {  	_ =	shalt  }
0x48: {  	_ =	shalt  }
0x49: {  	_ =	shalt  }
0x4a: {  	_ =	shalt  }
0x4b: {  	_ =	shalt  }
0x4c: {  	_ =	shalt  }
0x4d: {  	_ =	shalt  }
0x4e: {  	_ =	shalt  }
0x4f: {  	_ =	shalt  }
0x50: {  	_ =	shalt  }
0x51: {  	_ =	shalt  }
0x52: {  	_ =	shalt  }
0x53: {  	_ =	shalt  }
0x54: {  	_ =	shalt  }
0x55: {  	_ =	shalt  }
0x56: {  	_ =	shalt  }
0x57: {  	_ =	shalt  }
0x58: {  	_ =	shalt  }
0x59: {  	_ =	shalt  }
0x5a: {  	_ =	shalt  }
0x5b: {  	_ =	shalt  }
0x5c: {  	_ =	shalt  }
0x5d: {  	_ =	shalt  }
0x5e: {  	_ =	shalt  }
0x5f: {  	_ =	shalt  }
0x60: {  	_ =	shalt  }
0x61: {  	_ =	shalt  }
0x62: {  	_ =	shalt  }
0x63: {  	_ =	shalt  }
0x64: {  	_ =	shalt  }
0x65: {  	_ =	shalt  }
0x66: {  	_ =	shalt  }
0x67: {  	_ =	shalt  }
0x68: {  	_ =	shalt  }
0x69: {  	_ =	shalt  }
0x6a: {  	_ =	shalt  }
0x6b: {  	_ =	shalt  }
0x6c: {  	_ =	shalt  }
0x6d: {  	_ =	shalt  }
0x6e: {  	_ =	shalt  }
0x6f: {  	_ =	shalt  }
0x70: {  	_ =	shalt  }
0x71: {  	_ =	shalt  }
0x72: {  	_ =	shalt  }
0x73: {  	_ =	shalt  }
0x74: {  	_ =	shalt  }
0x75: {  	_ =	shalt  }
0x76: {  	_ =	shalt  }
0x77: {  	_ =	shalt  }
0x78: {  	_ =	shalt  }
0x79: {  	_ =	shalt  }
0x7a: {  	_ =	shalt  }
0x7b: {  	_ =	shalt  }
0x7c: {  	_ =	shalt  }
0x7d: {  	_ =	shalt  }
0x7e: {  	_ =	shalt  }
0x7f: {  	_ =	shalt  }
0x80: {  	_ =	shalt  }
0x81: {  	_ =	shalt  }
0x82: {  	_ =	shalt  }
0x83: {  	_ =	shalt  }
0x84: {  	_ =	shalt  }
0x85: {  	_ =	shalt  }
0x86: {  	_ =	shalt  }
0x87: {  	_ =	shalt  }
.Lfunc_end0:
.L_simem_size_0:
called_computation.2_lowered:
.L_overlay_start_0:
0x88: {  	s2 =	sld [smem:$0x3FD9]  }
0x89: {  	s3 =	sld [smem:$0x3FFE];
	_ =	sdelay $0x1  }
0x8a: {  	s1 =	srdreg.scid  }
0x8b: {  	s0 =	sand.u32 $0x1, s1  }
0x8c: {  	s17 =	sshll.u32 s0, $0xA;
	s2 =	sadd.s32 s3, s2  }
0x8d: {  	s2 =	sadd.s32 s2, s17  }
0x8e: {  	[smem:$0x3FC0] =	sst s2  }
0x8f: {  	_ = 	snop  }
0x90: {  	s2 =	sld [smem:$0x3FD0];
	(tm) =	ssettm $0x1  }
0x91: {  	s18 =	sld [smem:$0x3FFB];
	_ =	sdelay $0x3  }
0x92: {  	_ =	strace s18  }
0x93: {  	s3 =	sld [smem:$0x3FFC];
	_ =	sdelay $0x3  }
0x94: {  	_ =	strace s3  }
0x95: {  	s3 =	sld [smem:$0x3FFD];
	_ =	sdelay $0x3  }
0x96: {  	_ =	strace s3  }
0x97: {  	_ =	strace $0x8FFFFFFF  }
0x98: {  	s19 =	sld [smem:$0x3FDB];
	_ =	sdelay $0x1  }
0x99: {  	s4 =	simm.s32 $_scs_section_size  }
0x9a: {  	s5 =	simm.s32 $_size__tile_overlayer_lowered;
	s6 =	simm.s32 $_tile_overlayer_lowered  }
0x9b: {  	s22 =	simm.s32 $0x1BFF;
	s21 =	sshll.u32 s6, $0x1;
	s3 =	sadd.s32 s4, s19  }
0x9c: {  	s7 =	simm.s32 $0x0;
	s20 =	sshll.u32 s5, $0x1;
	s5 =	sadd.s32 s21, s3  }
0x9d: {  	[timem:s7], [sflag:s22] =	dma.local [hbm:s5], s20  }
0x9e: {  	_ =	swait.ge [sflag:s22], s20  }
0x9f: {  	s4 =	ssub.s32 $0x0, s20;
	[sflag:s22] =	ssyncset.done $0x0  }
0xa0: {  	[sflag:s22] =	ssyncadd.s32 s4;
	_ =	sdelay $0x1  }
0xa1: {  	s23 =	simm.s32 $0x1B8B  }
0xa2: {  	_ =	swait.ge [sflag:s23], $0x1  }
0xa3: {  	[sflag:s23] =	ssyncset.done $0x0  }
0xa4: {  	s25 =	simm.s32 $0x1B8E;
	s24 =	sld [smem:$0x3FFE];
	[sflag:s23] =	ssyncadd.s32 $0xFFFFFFFF  }
0xa5: {  	s26 =	simm.s32 $execute0_lowered;
	[smem:$0x3FD2] =	sst s25  }
0xa6: {  	s5 =	sshll.u32 s26, $0x1;
	_ =	strace $0x8000004C;
	[dreg:$0x1] =	wrdreg $0xFFFFFFFF  }
0xa7: {  	s28 =	simm.s32 $_size_execute0_lowered;
	s3 =	sadd.s32 s3, s5;
	[dreg:$0x0] =	wrdreg $0x0  }
0xa8: {  	s5 =	sshll.u32 s28, $0x1;
	[dreg:$0x2] =	wrdreg s3  }
0xa9: {  	[dreg:$0x3] =	wrdreg s5  }
0xaa: {  	[dreg:$0x4] =	wrdreg $0xC0  }
0xab: {  	_ =	task [dreg:s7], $0x5FFFF  }
0xac: {  	[dreg:$0x1] =	wrdreg $0xFFFFFFFF  }
0xad: {  	[dreg:$0x0] =	wrdreg $0x60  }
0xae: {  	[dreg:$0x2] =	wrdreg s24  }
0xaf: {  	[dreg:$0x3] =	wrdreg s2  }
0xb0: {  	[dreg:$0x4] =	wrdreg $0x90000  }
0xb1: {  	[dreg:$0x5] =	wrdreg $0x130000  }
0xb2: {  	[dreg:$0x6] =	wrdreg $0x9  }
0xb3: {  	_ =	task.clear_ibuf [dreg:s7], $0x7FFFF;
	_ =	strace $0x9000004C  }
0xb4: {  	s29 =	simm.s32 $0x9;
	_ =	strace $0x8000004E  }
0xb5: {  	_ =	swait.ge [sflag:s29], $0x1  }
0xb6: {  	[sflag:s29] =	ssyncadd.s32 $0xFFFFFFFF  }
0xb7: {  	_ =	strace $0x9000004E  }
0xb8: {  	_ =	sfence  }
0xb9: {  	s30 =	sld [smem:$0x0];
	_ =	sdelay $0x2  }
0xba: {  	s31 =	sshll.u32 s1, $0xD;
	s1 =	sshrl.u32 s1, $0x2  }
0xbb: {  	s3 =	sand.u32 $0x4000, s31;
	s1 =	sadd.s32 s1, s30  }
0xbc: {  	s0 =	sor.u32 s3, s0;
	s1 =	sshll.u32 s1, $0x11  }
0xbd: {  	s0 =	sor.u32 s1, s0  }
0xbe: {  	s0 =	sadd.s32 $0x8F2B, s0  }
0xbf: {  	[sflag:s0] =	ssyncadd.remote.s32 $0x1  }
0xc0: {  	_ =	sfence.sel $0xFFFF  }
0xc1: {  	[dreg:$0x0] =	wrdreg $0xFFFFFFFF;
	(pc) =	sbr.abs _section_cstart, $3  }
0xc2: {  	[dreg:$0x1] =	wrdreg $0xFFFFFFFF  }
0xc3: {  	_ =	task.clear_ibuf [dreg:s7], $0x2FFFF;
	_ =	strace $0x9FFFFFFF  }
0xc4: {  	(tm) =	ssettm $0x7FFFFFFF  }
0xc5: {  	_ =	shalt  }
tec
execute0_lowered:
.L_overlay_start_1:
0x0: {  	(tag) =	ssettag $0x1  }
0x1: {  	s0 =	rddreg [dreg:$0x0]  }
0x2: {  	s15 =	rddreg [dreg:$0x1]  }
0x3: {  	s2 =	rddreg [dreg:$0x2]  }
0x4: {  	s3 =	rddreg [dreg:$0x3];
	s5 =	srdreg.scid  }
0x5: {  	s1 =	stileid.u32;
	s4 =	simm.s32 $0x0;
	s19 =	simm.s32 $0x1  }
0x6: {  	s20 =	simm.s32 $0x8;
	s21 =	simm.s32 $0x10;
	s22 =	simm.s32 $0x3  }
0x7: {  	s23 =	simm.s32 $0x5000;
	s24 =	simm.s32 $0x2800;
	s28 =	simm.s32 $0x2  }
0x8: {  	s29 =	simm.s32 $0x4F00;
	s30 =	simm.s32 $0x4F80;
	s6 =	smul.u32 $0x14000, s1  }
0x9: {  	s5 =	sand.u32 $0x1, s5;
	[smem:$0x7FF] =	sst s4;
	s25 =	smul.u32 $0xA000, s1  }
0xa: {  	s14 =	sadd.s32 $0x2BC00, s0;
	s8 =	smul.u32 $0x28000, s1;
	s31 =	sshll.u32 s1, $0x6  }
0xb: {  	s10 =	smul.u32 $0x5000, s1;
	s7 =	sshll.u32 s5, $0x6;
	s5 =	ssub.s32 $0x2, s5  }
0xc: {  	_ =	strace $0x8000004D;
	s6 =	sor.u32 s7, s6;
	s26 =	sshrl.u32 s5, $0x1  }
0xd: {  	s18 =	sadd.s32 s25, s2;
	s8 =	sshrl.u32 s8, $0x2;
	s7 =	sadd.s32 s25, s3  }
0xe: {  	s13 =	sshrl.u32 s10, $0x3;
	s25 =	simm.s32 $0x80;
	s6 =	sshrl.u32 s6, $0x3  }
0xf: {  	s17 =	ssub.s32 s5, s26;
	s11 =	sadd.s32 s8, s3;
	s16 =	sadd.s32 $0x500, s13  }
0x10: {  	s12 =	sadd.s32 s14, s13;
	s13 =	sadd.s32 s15, s13;
	s18 =	sshrl.u32 s18, $0x3  }
0x11: {  	s26 =	simm.s32 $0x7000;
	s0 =	sadd.s32 s6, s0;
	s6 =	sor.u32 $0x1C03, s31  }
0x12: {  	s8 =	sadd.s32 $0x2000, s11;
	s9 =	sadd.s32 $0x4000, s11;
	s10 =	sadd.s32 $0x6000, s11  }
0x13: {  	s11 =	sadd.s32 $0x8000, s11;
	s14 =	sadd.s32 s14, s16;
	s15 =	sadd.s32 s15, s16  }
0x14: {  	v0 =	vimm.f32 $0.0e+00;
	s17 =	smax.u32 s17, $0x1;
	s5 =	sadd.s32 $0x3C00, s0;
	s16 =	sadd.s32 $0x35C00, s0  }
.LBB2_1:
0x15: {  	[spmem:s18@s20], [sflag:s6] =	dma.strided [hbm:s5@s21], $0x1400, s19, $0x8   }
0x16: {  	_ =	swait.ge [sflag:s22], $0x1400  }
0x17: {  	[sflag:s22] =	ssyncset.done $0x0  }
0x18: {  	s0 =	simm.s32 $0x100;
	s31 =	simm.s32 $0x0;
	[sflag:s22] =	ssyncadd.s32 $0xFFFFEC00  }
.LBB2_2:
0x19: {  	p0 =	sne.s32 s0, $0x7F00;
	[tilespmem:s31+$0x5030] =	vst v0;
	s1 =	smov.u32 s0;
	s0 =	sadd.s32 $0x100, s0  }
.Ltmp0:
0x1a: {  	[tilespmem:s31+$0x5020] =	vst v0;
	(pc) =	sbr.rel @p0 .LBB2_2-.Ltmp0, $3  }
0x1b: {  	[tilespmem:s31+$0x5000] =	vst v0  }
0x1c: {  	[tilespmem:s31+$0x5010] =	vst v0;
	_ =	sdelay $0x1  }
0x1d: {  	s31 =	sshra.s32 s1, $0x2  }
0x1e: {  	[tilespmem:s31+$0x5030] =	vst v0  }
0x1f: {  	[tilespmem:s31+$0x5020] =	vst v0  }
0x20: {  	[tilespmem:s31+$0x5000] =	vst v0  }
0x21: {  	[tilespmem:s31+$0x5010] =	vst v0  }
0x22: {  	[spmem:s7] =	stream.linear.scatter [tilespmem:s23], [sflag:$0x3], $0x2000, $0x38;
	[tilespmem:$0x1D000] =	vst v63  }
0x23: {  	_ =	swait.ge [sflag:s22], $0x2000  }
0x24: {  	[sflag:s22] =	ssyncset.done $0x0  }
0x25: {  	[sflag:s22] =	ssyncadd.s32 $0xFFFFE000  }
0x26: {  	[spmem:s8] =	stream.linear.scatter [tilespmem:s23], [sflag:$0x3], $0x2000, $0x38;
	[tilespmem:$0x1D000] =	vst v63  }
0x27: {  	_ =	swait.ge [sflag:s22], $0x2000  }
0x28: {  	[sflag:s22] =	ssyncset.done $0x0  }
0x29: {  	[sflag:s22] =	ssyncadd.s32 $0xFFFFE000  }
0x2a: {  	[spmem:s9] =	stream.linear.scatter [tilespmem:s23], [sflag:$0x3], $0x2000, $0x38;
	[tilespmem:$0x1D000] =	vst v63  }
0x2b: {  	_ =	swait.ge [sflag:s22], $0x2000  }
0x2c: {  	[sflag:s22] =	ssyncset.done $0x0  }
0x2d: {  	[sflag:s22] =	ssyncadd.s32 $0xFFFFE000  }
0x2e: {  	[spmem:s10] =	stream.linear.scatter [tilespmem:s23], [sflag:$0x3], $0x2000, $0x38;
	[tilespmem:$0x1D000] =	vst v63  }
0x2f: {  	_ =	swait.ge [sflag:s22], $0x2000  }
0x30: {  	[sflag:s22] =	ssyncset.done $0x0  }
0x31: {  	[sflag:s22] =	ssyncadd.s32 $0xFFFFE000  }
0x32: {  	[spmem:s11] =	stream.linear.scatter [tilespmem:s23], [sflag:$0x3], $0x2000, $0x38;
	[tilespmem:$0x1D000] =	vst v63  }
0x33: {  	_ =	swait.ge [sflag:s22], $0x2000  }
0x34: {  	[sflag:s22] =	ssyncset.done $0x0  }
0x35: {  	[sflag:s22] =	ssyncadd.s32 $0xFFFFE000  }
0x36: {  	s0 =	simm.s32 $0x0;
	[bflag:$0x0] =	sbarrier.arrive $0xFFFF  }
0x37: {  	[tilespmem:s0], [sflag:$0x3] =	stream.linear.gather [hbm4b:s12+s0], $0x2800, $0x38;
	[tilespmem:$0x1D000] =	vst v63  }
0x38: {  	_ =	swait.ge [sflag:s22], $0x2800  }
0x39: {  	[sflag:s22] =	ssyncset.done $0x0  }
0x3a: {  	[sflag:s22] =	ssyncadd.s32 $0xFFFFD800  }
0x3b: {  	[tilespmem:s24], [sflag:$0x3] =	stream.linear.gather [hbm4b:s13+s0], $0x2800, $0x38;
	[tilespmem:$0x1D000] =	vst v63  }
0x3c: {  	_ =	swait.ge [sflag:s22], $0x2800  }
0x3d: {  	[sflag:s22] =	ssyncset.done $0x0  }
0x3e: {  	[sflag:s22] =	ssyncadd.s32 $0xFFFFD800  }
0x3f: {  	[tilespmem:s23], [sflag:$0x1] =	stream.indirect.gather [spmem:s2], $0x40, s0, s25, $0xb8;
	[tilespmem:$0x1D000] =	vst v63  }
0x40: {  	_ = 	snop  }
0x41: {  	[tilespmem:s26], [sflag:$0x2] =	stream.indirect.gather [spmem:s2], $0x40, s25, s25, $0xb8;
	[tilespmem:$0x1D000] =	vst v63  }
0x42: {  	_ =	swait.ge [sflag:s19], $0x2000  }
0x43: {  	[sflag:s19] =	ssyncset.done $0x0  }
0x44: {  	s1 =	simm.s32 $0x2800;
	[sflag:s19] =	ssyncadd.s32 $0xFFFFE000  }
0x45: {  	[spmem:s3] =	stream.indirect.scatter.add.f32 [tilespmem:s23], [sflag:$0x3], $0x40, s1, s25, $0xb8;
	[tilespmem:$0x1D000] =	vst v63  }
0x46: {  	_ =	swait.ge [sflag:s22], $0x2000  }
0x47: {  	[sflag:s22] =	ssyncset.done $0x0  }
0x48: {  	s1 =	simm.s32 $0x100;
	[sflag:s22] =	ssyncadd.s32 $0xFFFFE000  }
0x49: {  	[tilespmem:s23], [sflag:$0x1] =	stream.indirect.gather [spmem:s2], $0x40, s1, s25, $0xb8;
	[tilespmem:$0x1D000] =	vst v63  }
0x4a: {  	_ =	swait.ge [sflag:s28], $0x2000  }
0x4b: {  	[sflag:s28] =	ssyncset.done $0x0  }
0x4c: {  	s1 =	simm.s32 $0x2880;
	[sflag:s28] =	ssyncadd.s32 $0xFFFFE000  }
0x4d: {  	[spmem:s3] =	stream.indirect.scatter.add.f32 [tilespmem:s26], [sflag:$0x3], $0x40, s1, s25, $0xb8;
	[tilespmem:$0x1D000] =	vst v63  }
0x4e: {  	_ =	swait.ge [sflag:s22], $0x2000  }
0x4f: {  	[sflag:s22] =	ssyncset.done $0x0  }
0x50: {  	s31 =	simm.s32 $0x400;
	s0 =	simm.s32 $0x180;
	[sflag:s22] =	ssyncadd.s32 $0xFFFFE000  }
.LBB2_4:
0x51: {  	[tilespmem:s26], [sflag:$0x2] =	stream.indirect.gather [spmem:s2], $0x40, s0, s25, $0xb8;
	[tilespmem:$0x1D000] =	vst v63  }
0x52: {  	s0 =	smov.u32 s31  }
0x53: {  	p0 =	sne.s32 s31, $0x9800;
	s31 =	sadd.s32 $0x400, s31;
	_ =	swait.ge [sflag:s19], $0x2000  }
0x54: {  	s0 =	sshra.s32 s0, $0x2;
	[sflag:s19] =	ssyncset.done $0x0  }
0x55: {  	s1 =	sadd.s32 $0x2800, s0;
	[sflag:s19] =	ssyncadd.s32 $0xFFFFE000  }
0x56: {  	[spmem:s3] =	stream.indirect.scatter.add.f32 [tilespmem:s23], [sflag:$0x3], $0x40, s1, s25, $0xb8;
	[tilespmem:$0x1D000] =	vst v63  }
0x57: {  	_ =	swait.ge [sflag:s22], $0x2000  }
0x58: {  	[sflag:s22] =	ssyncset.done $0x0  }
0x59: {  	s1 =	sadd.s32 $0x100, s0;
	[sflag:s22] =	ssyncadd.s32 $0xFFFFE000  }
0x5a: {  	[tilespmem:s23], [sflag:$0x1] =	stream.indirect.gather [spmem:s2], $0x40, s1, s25, $0xb8;
	[tilespmem:$0x1D000] =	vst v63  }
0x5b: {  	_ =	swait.ge [sflag:s28], $0x2000  }
0x5c: {  	[sflag:s28] =	ssyncset.done $0x0  }
.Ltmp1:
0x5d: {  	s1 =	sadd.s32 $0x2880, s0;
	[sflag:s28] =	ssyncadd.s32 $0xFFFFE000;
	(pc) =	sbr.rel @p0 .LBB2_4-.Ltmp1, $4  }
0x5e: {  	[spmem:s3] =	stream.indirect.scatter.add.f32 [tilespmem:s26], [sflag:$0x3], $0x40, s1, s25, $0xb8;
	[tilespmem:$0x1D000] =	vst v63  }
0x5f: {  	_ =	swait.ge [sflag:s22], $0x2000  }
0x60: {  	[sflag:s22] =	ssyncset.done $0x0  }
0x61: {  	s0 =	sadd.s32 $0x180, s0;
	[sflag:s22] =	ssyncadd.s32 $0xFFFFE000  }
0x62: {  	[tilespmem:s26], [sflag:$0x2] =	stream.indirect.gather [spmem:s2], $0x40, s0, s25, $0xb8;
	[tilespmem:$0x1D000] =	vst v63  }
0x63: {  	_ =	swait.ge [sflag:s19], $0x2000  }
0x64: {  	[sflag:s19] =	ssyncset.done $0x0  }
0x65: {  	[sflag:s19] =	ssyncadd.s32 $0xFFFFE000  }
0x66: {  	[spmem:s3] =	stream.indirect.scatter.add.f32 [tilespmem:s23], [sflag:$0x3], $0x40, s29, s25, $0xb8;
	[tilespmem:$0x1D000] =	vst v63  }
0x67: {  	_ =	swait.ge [sflag:s22], $0x2000  }
0x68: {  	[sflag:s22] =	ssyncset.done $0x0  }
0x69: {  	[sflag:s22] =	ssyncadd.s32 $0xFFFFE000  }
0x6a: {  	_ =	swait.ge [sflag:s28], $0x2000  }
0x6b: {  	[sflag:s28] =	ssyncset.done $0x0  }
0x6c: {  	[sflag:s28] =	ssyncadd.s32 $0xFFFFE000  }
0x6d: {  	[spmem:s3] =	stream.indirect.scatter.add.f32 [tilespmem:s26], [sflag:$0x3], $0x40, s30, s25, $0xb8;
	[tilespmem:$0x1D000] =	vst v63  }
0x6e: {  	_ =	swait.ge [sflag:s22], $0x2000  }
0x6f: {  	[sflag:s22] =	ssyncset.done $0x0  }
0x70: {  	s1 =	simm.s32 $0x0;
	[sflag:s22] =	ssyncadd.s32 $0xFFFFE000  }
0x71: {  	[tilespmem:s1], [sflag:$0x3] =	stream.linear.gather [hbm4b:s14+s1], $0x2800, $0x38;
	[tilespmem:$0x1D000] =	vst v63  }
0x72: {  	_ =	swait.ge [sflag:s22], $0x2800  }
0x73: {  	[sflag:s22] =	ssyncset.done $0x0  }
0x74: {  	[sflag:s22] =	ssyncadd.s32 $0xFFFFD800  }
0x75: {  	[tilespmem:s24], [sflag:$0x3] =	stream.linear.gather [hbm4b:s15+s1], $0x2800, $0x38;
	[tilespmem:$0x1D000] =	vst v63  }
0x76: {  	_ =	swait.ge [sflag:s22], $0x2800  }
0x77: {  	[sflag:s22] =	ssyncset.done $0x0  }
0x78: {  	[sflag:s22] =	ssyncadd.s32 $0xFFFFD800  }
0x79: {  	[tilespmem:s23], [sflag:$0x1] =	stream.indirect.gather [spmem:s2], $0x40, s1, s25, $0xb8;
	[tilespmem:$0x1D000] =	vst v63  }
0x7a: {  	_ = 	snop  }
0x7b: {  	[tilespmem:s26], [sflag:$0x2] =	stream.indirect.gather [spmem:s2], $0x40, s25, s25, $0xb8;
	[tilespmem:$0x1D000] =	vst v63  }
0x7c: {  	_ =	swait.ge [sflag:s19], $0x2000  }
0x7d: {  	[sflag:s19] =	ssyncset.done $0x0  }
0x7e: {  	s1 =	simm.s32 $0x2800;
	[sflag:s19] =	ssyncadd.s32 $0xFFFFE000  }
0x7f: {  	[spmem:s3] =	stream.indirect.scatter.add.f32 [tilespmem:s23], [sflag:$0x3], $0x40, s1, s25, $0xb8;
	[tilespmem:$0x1D000] =	vst v63  }
0x80: {  	_ =	swait.ge [sflag:s22], $0x2000  }
0x81: {  	[sflag:s22] =	ssyncset.done $0x0  }
0x82: {  	s1 =	simm.s32 $0x100;
	[sflag:s22] =	ssyncadd.s32 $0xFFFFE000  }
0x83: {  	[tilespmem:s23], [sflag:$0x1] =	stream.indirect.gather [spmem:s2], $0x40, s1, s25, $0xb8;
	[tilespmem:$0x1D000] =	vst v63  }
0x84: {  	_ =	swait.ge [sflag:s28], $0x2000  }
0x85: {  	[sflag:s28] =	ssyncset.done $0x0  }
0x86: {  	s1 =	simm.s32 $0x2880;
	[sflag:s28] =	ssyncadd.s32 $0xFFFFE000  }
0x87: {  	[spmem:s3] =	stream.indirect.scatter.add.f32 [tilespmem:s26], [sflag:$0x3], $0x40, s1, s25, $0xb8;
	[tilespmem:$0x1D000] =	vst v63  }
0x88: {  	_ =	swait.ge [sflag:s22], $0x2000  }
0x89: {  	[sflag:s22] =	ssyncset.done $0x0  }
0x8a: {  	s31 =	simm.s32 $0x400;
	s0 =	simm.s32 $0x180;
	[sflag:s22] =	ssyncadd.s32 $0xFFFFE000  }
.LBB2_6:
0x8b: {  	[tilespmem:s26], [sflag:$0x2] =	stream.indirect.gather [spmem:s2], $0x40, s0, s25, $0xb8;
	[tilespmem:$0x1D000] =	vst v63  }
0x8c: {  	s0 =	smov.u32 s31  }
0x8d: {  	p0 =	sne.s32 s31, $0x9800;
	s31 =	sadd.s32 $0x400, s31;
	_ =	swait.ge [sflag:s19], $0x2000  }
0x8e: {  	s0 =	sshra.s32 s0, $0x2;
	[sflag:s19] =	ssyncset.done $0x0  }
0x8f: {  	s1 =	sadd.s32 $0x2800, s0;
	[sflag:s19] =	ssyncadd.s32 $0xFFFFE000  }
0x90: {  	[spmem:s3] =	stream.indirect.scatter.add.f32 [tilespmem:s23], [sflag:$0x3], $0x40, s1, s25, $0xb8;
	[tilespmem:$0x1D000] =	vst v63  }
0x91: {  	_ =	swait.ge [sflag:s22], $0x2000  }
0x92: {  	[sflag:s22] =	ssyncset.done $0x0  }
0x93: {  	s1 =	sadd.s32 $0x100, s0;
	[sflag:s22] =	ssyncadd.s32 $0xFFFFE000  }
0x94: {  	[tilespmem:s23], [sflag:$0x1] =	stream.indirect.gather [spmem:s2], $0x40, s1, s25, $0xb8;
	[tilespmem:$0x1D000] =	vst v63  }
0x95: {  	_ =	swait.ge [sflag:s28], $0x2000  }
0x96: {  	[sflag:s28] =	ssyncset.done $0x0  }
.Ltmp2:
0x97: {  	s1 =	sadd.s32 $0x2880, s0;
	[sflag:s28] =	ssyncadd.s32 $0xFFFFE000;
	(pc) =	sbr.rel @p0 .LBB2_6-.Ltmp2, $4  }
0x98: {  	[spmem:s3] =	stream.indirect.scatter.add.f32 [tilespmem:s26], [sflag:$0x3], $0x40, s1, s25, $0xb8;
	[tilespmem:$0x1D000] =	vst v63  }
0x99: {  	_ =	swait.ge [sflag:s22], $0x2000  }
0x9a: {  	[sflag:s22] =	ssyncset.done $0x0  }
0x9b: {  	s0 =	sadd.s32 $0x180, s0;
	[sflag:s22] =	ssyncadd.s32 $0xFFFFE000  }
0x9c: {  	[tilespmem:s26], [sflag:$0x2] =	stream.indirect.gather [spmem:s2], $0x40, s0, s25, $0xb8;
	[tilespmem:$0x1D000] =	vst v63  }
0x9d: {  	_ =	swait.ge [sflag:s19], $0x2000  }
0x9e: {  	[sflag:s19] =	ssyncset.done $0x0  }
0x9f: {  	[sflag:s19] =	ssyncadd.s32 $0xFFFFE000  }
0xa0: {  	[spmem:s3] =	stream.indirect.scatter.add.f32 [tilespmem:s23], [sflag:$0x3], $0x40, s29, s25, $0xb8;
	[tilespmem:$0x1D000] =	vst v63  }
0xa1: {  	_ =	swait.ge [sflag:s22], $0x2000  }
0xa2: {  	[sflag:s22] =	ssyncset.done $0x0  }
0xa3: {  	[sflag:s22] =	ssyncadd.s32 $0xFFFFE000  }
0xa4: {  	_ =	swait.ge [sflag:s28], $0x2000  }
0xa5: {  	[sflag:s28] =	ssyncset.done $0x0  }
0xa6: {  	[sflag:s28] =	ssyncadd.s32 $0xFFFFE000  }
0xa7: {  	[spmem:s3] =	stream.indirect.scatter.add.f32 [tilespmem:s26], [sflag:$0x3], $0x40, s30, s25, $0xb8;
	[tilespmem:$0x1D000] =	vst v63  }
0xa8: {  	_ =	swait.ge [sflag:s22], $0x2000  }
0xa9: {  	s4 =	sadd.s32 $0x1, s4;
	[sflag:s22] =	ssyncset.done $0x0  }
0xaa: {  	p0 =	sne.s32 s4, s17;
	[sflag:s22] =	ssyncadd.s32 $0xFFFFE000  }
.Ltmp3:
0xab: {  	s31 =	sshrl.u32 s7, $0x3;
	[bflag:$0x0] =	sbarrier.arrive $0xFFFF;
	(pc) =	sbr.rel @p0 .LBB2_1-.Ltmp3, $4  }
0xac: {  	[hbm:s16@s21], [sflag:s6] =	dma.strided [spmem:s31@s20], $0x1400, s19, $0x8   }
0xad: {  	_ =	swait.ge [sflag:s22], $0x1400  }
0xae: {  	[sflag:s22] =	ssyncset.done $0x0  }
0xaf: {  	[sflag:s22] =	ssyncadd.s32 $0xFFFFEC00  }
0xb0: {  	_ =	sfence.sel $0x180000  }
0xb1: {  	[bflag:$0x0] =	sbarrier.arrive $0xFFFF  }
0xb2: {  	_ =	strace $0x9000004D  }
0xb3: {  	s0 =	stileid.u32;
	[bflag:$0x2] =	sbarrier.arrive $0xFFFF  }
0xb4: {  	p0 =	sne.s32 s0, $0x0;
	s0 =	rddreg [dreg:$0x4]  }
0xb5: {  	s0 =	sadd.s32 @!p0 $0x100000, s0  }
0xb6: {  	[sflag:s0] =	ssyncadd.tile.s32 @!p0 $0x1;
	_ =	shalt  }
.Lfunc_end2:
_tile_overlayer_lowered:
.L_overlay_start_2:
0xb7: {  	(tag) =	ssettag $0x2  }
0xb8: {  	s0 =	rddreg [dreg:$0x0];
	s2 =	stileid.u32  }
0xb9: {  	s1 =	rddreg [dreg:$0x1];
	p0 =	sne.s32 s2, $0x0  }
0xba: {  	s3 =	rddreg [dreg:$0x2];
	[bflag:$0x3] =	sbarrier.arrive $0xFFFF;
	s2 =	simm.s32 @!p0 $0x1C03  }
0xbb: {  	[timem:s3], [sflag:s2] =	dma.local @!p0 [hbm:s0], s1  }
0xbc: {  	s0 =	simm.s32 @!p0 $0x3  }
0xbd: {  	_ =	swait.ge @!p0 [sflag:s0], s1  }
0xbe: {  	s1 =	ssub.s32 @!p0 $0x0, s1;
	[sflag:s0] =	ssyncset.done @!p0 $0x0  }
0xbf: {  	[sflag:s0] =	ssyncadd.s32 @!p0 s1  }
0xc0: {  	[bflag:$0x3] =	sbarrier.arrive $0xFFFF  }
0xc1: {  	_ =	shalt  }

// kernel: kernel.19.cloned.1.call-start
scs
__scs_entry_jumppad:
0x0: {  	(pc) =	sbr.rel $0x88, $3  }
0x1: {  	(tag) =	ssettag $0x0;
	lr =	simm.s32 $0x1  }
0x2: {  	[smem:$0x3F99] =	sst lr;
	_ =	strace $0xD0000000  }
0x3: {  	_ = 	snop  }
0x4: {  	_ = 	snop  }
0x5: {  	_ = 	snop  }
0x6: {  	_ = 	snop  }
0x7: {  	_ = 	snop  }
__scs_overlays_trampoline_lowered:
0x8: {  	[smem:$0x3FA8] =	sst s0  }
0x9: {  	[smem:$0x3FA9] =	sst s1  }
0xa: {  	[smem:$0x3FAA] =	sst s2  }
0xb: {  	[smem:$0x3FAB] =	sst s3  }
0xc: {  	[smem:$0x3FAC] =	sst s4  }
0xd: {  	[smem:$0x3FAD] =	sst s5  }
0xe: {  	[smem:$0x3FAE] =	sst s6  }
0xf: {  	[smem:$0x3FAF] =	sst s7  }
0x10: {  	[smem:$0x3FB0] =	sst s8  }
0x11: {  	[smem:$0x3FB1] =	sst s9;
	s0 =	simm.s32 @!p0 $0x0  }
0x12: {  	s1 =	sld [smem:$0x3F97];
	s0 =	simm.s32 @p0 $0x1  }
0x13: {  	[smem:$0x3FB2] =	sst s0;
	s0 =	simm.s32 @!p1 $0x0  }
0x14: {  	s2 =	sld [smem:$0x3F96];
	s0 =	simm.s32 @p1 $0x1  }
0x15: {  	[smem:$0x3FB3] =	sst s0;
	s0 =	simm.s32 @!p2 $0x0  }
0x16: {  	s3 =	sld [smem:$0x3FDB];
	s0 =	simm.s32 @p2 $0x1  }
0x17: {  	s4 =	simm.s32 $0x1BF5;
	[smem:$0x3FB5] =	sst s0  }
0x18: {  	s0 =	sld [smem:$0x3F98];
	_ =	swait.ge [sflag:s4], $0x0  }
0x19: {  	s7 =	sld [smem:$0x3F99]  }
0x1a: {  	s8 =	sadd.s32 $0xFFFFE003, lr  }
0x1b: {  	s9 =	sadd.s32 $0xFFFFFEF7, lr;
	s5 =	simm.s32 $0xFFFFFFFF;
	p2 =	slt.u32 s8, $0xFFFFF086  }
0x1c: {  	p1 =	slt.u32 s9, $0xF7A;
	s5 =	simm.s32 @!p2 $0x0  }
0x1d: {  	s5 =	simm.s32 @p1 $0x1;
	p0 =	seq.s32 s7, s2  }
0x1e: {  	s7 =	smul.u32 @!p0 $0xF7A, s2;
	p2 =	seq.s32 @!p0 s5, $0x0  }
0x1f: {  	s9 =	smul.u32 $0xF7A, s1;
	s8 =	simm.s32 @!p0 $0x1BF5;
	p2 =	por !p2, p0  }
0x20: {  	[sflag:s8] =	ssyncset.s32 @!p0 $0xFFFFF086;
	s6 =	sadd.s32 @!p0 s3, s7;
	s7 =	simm.s32 @!p0 $0x108  }
0x21: {  	s3 =	sadd.s32 s3, s9;
	s6 =	sadd.s32 @!p0 $0x88, s6;
	s7 =	simm.s32 @p2 $0x1082  }
0x22: {  	[simem:s7], [sflag:s8] =	dma.local @!p0 [hbm:s6], $0xF7A  }
0x23: {  	s9 =	sor.u32 $0xD0000000, s2;
	s6 =	simm.s32 $0x108;
	_ =	swait.ge @!p0 [sflag:s8], $0x0  }
0x24: {  	s3 =	sadd.s32 $0x88, s3;
	s6 =	simm.s32 @!p1 $0x1082;
	[sflag:s4] =	ssyncset.s32 $0xFFFFF086  }
0x25: {  	[simem:s6], [sflag:s4] =	dma.local [hbm:s3], $0xF7A  }
0x26: {  	[smem:$0x3F99] =	sst s1;
	(tag) =	ssettag s2;
	_ =	strace s9  }
0x27: {  	s1 =	sld [smem:$0x3FA9]  }
0x28: {  	s2 =	sld [smem:$0x3FAA]  }
0x29: {  	s4 =	sld [smem:$0x3FAC]  }
0x2a: {  	p0 =	seq.s32 s5, $0x0;
	s5 =	sld [smem:$0x3FAD]  }
0x2b: {  	s6 =	sld [smem:$0x3FAE]  }
0x2c: {  	s7 =	sld [smem:$0x3FAF]  }
0x2d: {  	s3 =	simm.s32 $0x108;
	s8 =	sld [smem:$0x3FB0]  }
0x2e: {  	s3 =	simm.s32 @!p0 $0x1082;
	s9 =	sld [smem:$0x3FB1]  }
0x2f: {  	lr =	sadd.s32 s0, s3;
	s0 =	sld [smem:$0x3FA8]  }
0x30: {  	s3 =	sld [smem:$0x3FAB]  }
0x31: {  	[smem:$0x3FB4] =	sst s10  }
0x32: {  	s10 =	sld [smem:$0x3FB2];
	_ =	sdelay $0x3  }
0x33: {  	p0 =	seq.s32 s10, $0x1;
	s10 =	sld [smem:$0x3FB4];
	_ =	sdelay $0x3  }
0x34: {  	[smem:$0x3FB4] =	sst s10  }
0x35: {  	s10 =	sld [smem:$0x3FB3];
	_ =	sdelay $0x3  }
0x36: {  	p1 =	seq.s32 s10, $0x1;
	s10 =	sld [smem:$0x3FB4];
	_ =	sdelay $0x3  }
0x37: {  	[smem:$0x3FB4] =	sst s10  }
0x38: {  	s10 =	sld [smem:$0x3FB5]  }
0x39: {  	_ = 	snop;
	(pc) =	sbr.ind lr, $3  }
0x3a: {  	_ = 	snop  }
0x3b: {  	_ = 	snop  }
0x3c: {  	p2 =	seq.s32 s10, $0x1;
	s10 =	sld [smem:$0x3FB4]  }
0x3d: {  	_ =	shalt  }
0x3e: {  	_ =	shalt  }
0x3f: {  	_ =	shalt  }
0x40: {  	_ =	shalt  }
0x41: {  	_ =	shalt  }
0x42: {  	_ =	shalt  }
0x43: {  	_ =	shalt  }
0x44: {  	_ =	shalt  }
0x45: {  	_ =	shalt  }
0x46: {  	_ =	shalt  }
0x47: {  	_ =	shalt  }
0x48: {  	_ =	shalt  }
0x49: {  	_ =	shalt  }
0x4a: {  	_ =	shalt  }
0x4b: {  	_ =	shalt  }
0x4c: {  	_ =	shalt  }
0x4d: {  	_ =	shalt  }
0x4e: {  	_ =	shalt  }
0x4f: {  	_ =	shalt  }
0x50: {  	_ =	shalt  }
0x51: {  	_ =	shalt  }
0x52: {  	_ =	shalt  }
0x53: {  	_ =	shalt  }
0x54: {  	_ =	shalt  }
0x55: {  	_ =	shalt  }
0x56: {  	_ =	shalt  }
0x57: {  	_ =	shalt  }
0x58: {  	_ =	shalt  }
0x59: {  	_ =	shalt  }
0x5a: {  	_ =	shalt  }
0x5b: {  	_ =	shalt  }
0x5c: {  	_ =	shalt  }
0x5d: {  	_ =	shalt  }
0x5e: {  	_ =	shalt  }
0x5f: {  	_ =	shalt  }
0x60: {  	_ =	shalt  }
0x61: {  	_ =	shalt  }
0x62: {  	_ =	shalt  }
0x63: {  	_ =	shalt  }
0x64: {  	_ =	shalt  }
0x65: {  	_ =	shalt  }
0x66: {  	_ =	shalt  }
0x67: {  	_ =	shalt  }
0x68: {  	_ =	shalt  }
0x69: {  	_ =	shalt  }
0x6a: {  	_ =	shalt  }
0x6b: {  	_ =	shalt  }
0x6c: {  	_ =	shalt  }
0x6d: {  	_ =	shalt  }
0x6e: {  	_ =	shalt  }
0x6f: {  	_ =	shalt  }
0x70: {  	_ =	shalt  }
0x71: {  	_ =	shalt  }
0x72: {  	_ =	shalt  }
0x73: {  	_ =	shalt  }
0x74: {  	_ =	shalt  }
0x75: {  	_ =	shalt  }
0x76: {  	_ =	shalt  }
0x77: {  	_ =	shalt  }
0x78: {  	_ =	shalt  }
0x79: {  	_ =	shalt  }
0x7a: {  	_ =	shalt  }
0x7b: {  	_ =	shalt  }
0x7c: {  	_ =	shalt  }
0x7d: {  	_ =	shalt  }
0x7e: {  	_ =	shalt  }
0x7f: {  	_ =	shalt  }
0x80: {  	_ =	shalt  }
0x81: {  	_ =	shalt  }
0x82: {  	_ =	shalt  }
0x83: {  	_ =	shalt  }
0x84: {  	_ =	shalt  }
0x85: {  	_ =	shalt  }
0x86: {  	_ =	shalt  }
0x87: {  	_ =	shalt  }
.Lfunc_end0:
.L_simem_size_0:
called_computation.3_lowered:
.L_overlay_start_0:
0x88: {  	s2 =	sld [smem:$0x3FD9]  }
0x89: {  	s3 =	sld [smem:$0x3FFE];
	_ =	sdelay $0x1  }
0x8a: {  	s1 =	srdreg.scid  }
0x8b: {  	s0 =	sand.u32 $0x1, s1  }
0x8c: {  	s17 =	sshll.u32 s0, $0xA;
	s2 =	sadd.s32 s3, s2  }
0x8d: {  	s2 =	sadd.s32 s2, s17  }
0x8e: {  	[smem:$0x3FC0] =	sst s2  }
0x8f: {  	_ = 	snop  }
0x90: {  	s2 =	sld [smem:$0x3FD0];
	(tm) =	ssettm $0x1  }
0x91: {  	s18 =	sld [smem:$0x3FFB];
	_ =	sdelay $0x3  }
0x92: {  	_ =	strace s18  }
0x93: {  	s3 =	sld [smem:$0x3FFC];
	_ =	sdelay $0x3  }
0x94: {  	_ =	strace s3  }
0x95: {  	s3 =	sld [smem:$0x3FFD];
	_ =	sdelay $0x3  }
0x96: {  	_ =	strace s3  }
0x97: {  	_ =	strace $0x8FFFFFFF  }
0x98: {  	s19 =	sld [smem:$0x3FDB];
	_ =	sdelay $0x1  }
0x99: {  	s4 =	simm.s32 $_scs_section_size  }
0x9a: {  	s5 =	simm.s32 $_size__tile_overlayer_lowered;
	s6 =	simm.s32 $_tile_overlayer_lowered  }
0x9b: {  	s22 =	simm.s32 $0x1BFF;
	s21 =	sshll.u32 s6, $0x1;
	s3 =	sadd.s32 s4, s19  }
0x9c: {  	s7 =	simm.s32 $0x0;
	s20 =	sshll.u32 s5, $0x1;
	s5 =	sadd.s32 s21, s3  }
0x9d: {  	[timem:s7], [sflag:s22] =	dma.local [hbm:s5], s20  }
0x9e: {  	_ =	swait.ge [sflag:s22], s20  }
0x9f: {  	s4 =	ssub.s32 $0x0, s20;
	[sflag:s22] =	ssyncset.done $0x0  }
0xa0: {  	[sflag:s22] =	ssyncadd.s32 s4;
	_ =	sdelay $0x1  }
0xa1: {  	s23 =	simm.s32 $0x1B8B  }
0xa2: {  	_ =	swait.ge [sflag:s23], $0x1  }
0xa3: {  	[sflag:s23] =	ssyncset.done $0x0  }
0xa4: {  	s25 =	simm.s32 $0x1B8E;
	s24 =	sld [smem:$0x3FFE];
	[sflag:s23] =	ssyncadd.s32 $0xFFFFFFFF  }
0xa5: {  	s26 =	simm.s32 $execute0_lowered;
	[smem:$0x3FD2] =	sst s25  }
0xa6: {  	s5 =	sshll.u32 s26, $0x1;
	_ =	strace $0x8000004F;
	[dreg:$0x1] =	wrdreg $0xFFFFFFFF  }
0xa7: {  	s28 =	simm.s32 $_size_execute0_lowered;
	s3 =	sadd.s32 s3, s5;
	[dreg:$0x0] =	wrdreg $0x0  }
0xa8: {  	s5 =	sshll.u32 s28, $0x1;
	[dreg:$0x2] =	wrdreg s3  }
0xa9: {  	[dreg:$0x3] =	wrdreg s5  }
0xaa: {  	[dreg:$0x4] =	wrdreg $0xC0  }
0xab: {  	_ =	task [dreg:s7], $0x5FFFF  }
0xac: {  	[dreg:$0x1] =	wrdreg $0xFFFFFFFF  }
0xad: {  	[dreg:$0x0] =	wrdreg $0x60  }
0xae: {  	[dreg:$0x2] =	wrdreg s24  }
0xaf: {  	[dreg:$0x3] =	wrdreg s2  }
0xb0: {  	[dreg:$0x4] =	wrdreg $0xC0000  }
0xb1: {  	[dreg:$0x5] =	wrdreg $0x110000  }
0xb2: {  	[dreg:$0x6] =	wrdreg $0x9  }
0xb3: {  	_ =	task.clear_ibuf [dreg:s7], $0x7FFFF;
	_ =	strace $0x9000004F  }
0xb4: {  	s29 =	simm.s32 $0x9;
	_ =	strace $0x80000051  }
0xb5: {  	_ =	swait.ge [sflag:s29], $0x1  }
0xb6: {  	[sflag:s29] =	ssyncadd.s32 $0xFFFFFFFF  }
0xb7: {  	_ =	strace $0x90000051  }
0xb8: {  	_ =	sfence  }
0xb9: {  	s30 =	sld [smem:$0x0];
	_ =	sdelay $0x2  }
0xba: {  	s31 =	sshll.u32 s1, $0xD;
	s1 =	sshrl.u32 s1, $0x2  }
0xbb: {  	s3 =	sand.u32 $0x4000, s31;
	s1 =	sadd.s32 s1, s30  }
0xbc: {  	s0 =	sor.u32 s3, s0;
	s1 =	sshll.u32 s1, $0x11  }
0xbd: {  	s0 =	sor.u32 s1, s0  }
0xbe: {  	s0 =	sadd.s32 $0x8F2B, s0  }
0xbf: {  	[sflag:s0] =	ssyncadd.remote.s32 $0x1  }
0xc0: {  	_ =	sfence.sel $0xFFFF  }
0xc1: {  	[dreg:$0x0] =	wrdreg $0xFFFFFFFF;
	(pc) =	sbr.abs _section_cstart, $3  }
0xc2: {  	[dreg:$0x1] =	wrdreg $0xFFFFFFFF  }
0xc3: {  	_ =	task.clear_ibuf [dreg:s7], $0x2FFFF;
	_ =	strace $0x9FFFFFFF  }
0xc4: {  	(tm) =	ssettm $0x7FFFFFFF  }
0xc5: {  	_ =	shalt  }
tec
execute0_lowered:
.L_overlay_start_1:
0x0: {  	(tag) =	ssettag $0x1  }
0x1: {  	s5 =	rddreg [dreg:$0x0]  }
0x2: {  	s13 =	rddreg [dreg:$0x1]  }
0x3: {  	s2 =	rddreg [dreg:$0x2]  }
0x4: {  	s3 =	rddreg [dreg:$0x3]  }
0x5: {  	s0 =	rddreg [dreg:$0x4];
	s4 =	simm.s32 $0x0;
	s1 =	stileid.u32  }
0x6: {  	s6 =	srdreg.scid;
	s18 =	simm.s32 $0x4;
	s19 =	simm.s32 $0x10  }
0x7: {  	s20 =	simm.s32 $0x3;
	s21 =	simm.s32 $0xA000;
	s22 =	simm.s32 $0x5000  }
0x8: {  	s23 =	simm.s32 $0x80;
	s24 =	simm.s32 $0xB000;
	s25 =	simm.s32 $0x2  }
0x9: {  	s26 =	simm.s32 $0x9F00;
	s28 =	simm.s32 $0x9F80;
	s7 =	smul.u32 $0x14000, s1  }
0xa: {  	[smem:$0x7FF] =	sst s4;
	s6 =	sand.u32 $0x1, s6;
	s14 =	smul.u32 $0xA00, s1  }
0xb: {  	s10 =	smul.u32 $0x5000, s1;
	s31 =	sshll.u32 s1, $0x6;
	s8 =	sshll.u32 s6, $0x5  }
0xc: {  	_ =	strace $0x80000050;
	s6 =	ssub.s32 $0x2, s6;
	s8 =	sor.u32 s8, s7  }
0xd: {  	s9 =	sshrl.u32 s6, $0x1;
	s12 =	sadd.s32 s14, s5;
	s17 =	sadd.s32 s10, s2  }
0xe: {  	s7 =	sshrl.u32 s7, $0x2;
	s13 =	sadd.s32 s13, s14;
	s8 =	sshrl.u32 s8, $0x3  }
0xf: {  	s16 =	ssub.s32 s6, s9;
	s6 =	sor.u32 $0x1C03, s31;
	s11 =	sadd.s32 s7, s3  }
0x10: {  	s7 =	sadd.s32 s10, s3;
	s12 =	sadd.s32 $0x2BC00, s12;
	s15 =	sadd.s32 s8, s5  }
0x11: {  	s8 =	sadd.s32 $0x1000, s11;
	s9 =	sadd.s32 $0x2000, s11;
	s10 =	sadd.s32 $0x3000, s11  }
0x12: {  	s11 =	sadd.s32 $0x4000, s11;
	s5 =	sadd.s32 $0x3C00, s15;
	s14 =	sadd.s32 $0x35C00, s15  }
0x13: {  	v0 =	vimm.f32 $0.0e+00;
	s15 =	smax.u32 s16, $0x1;
	s16 =	sshrl.u32 s17, $0x3;
	s17 =	simm.s32 $0x1  }
.LBB2_1:
0x14: {  	[spmem:s16@s18], [sflag:s6] =	dma.strided [hbm:s5@s19], $0xA00, s17, $0x4   }
0x15: {  	_ =	swait.ge [sflag:s20], $0xA00  }
0x16: {  	[sflag:s20] =	ssyncset.done $0x0  }
0x17: {  	s29 =	simm.s32 $0x80;
	s30 =	simm.s32 $0x0;
	[sflag:s20] =	ssyncadd.s32 $0xFFFFF600  }
.LBB2_2:
0x18: {  	p0 =	sne.s32 s29, $0x3F80;
	[tilespmem:s30+$0xA000] =	vst v0;
	s31 =	smov.u32 s29;
	s29 =	sadd.s32 $0x80, s29  }
.Ltmp0:
0x19: {  	[tilespmem:s30+$0xA010] =	vst v0;
	(pc) =	sbr.rel @p0 .LBB2_2-.Ltmp0, $2  }
0x1a: {  	_ =	sdelay $0x2  }
0x1b: {  	s30 =	sshra.s32 s31, $0x2  }
0x1c: {  	[tilespmem:s30+$0xA000] =	vst v0  }
0x1d: {  	[tilespmem:s30+$0xA010] =	vst v0  }
0x1e: {  	[spmem:s7] =	stream.linear.scatter [tilespmem:s21], [sflag:$0x3], $0x1000, $0x38;
	[tilespmem:$0x16000] =	vst v63  }
0x1f: {  	_ =	swait.ge [sflag:s20], $0x1000  }
0x20: {  	[sflag:s20] =	ssyncset.done $0x0  }
0x21: {  	[sflag:s20] =	ssyncadd.s32 $0xFFFFF000  }
0x22: {  	[spmem:s8] =	stream.linear.scatter [tilespmem:s21], [sflag:$0x3], $0x1000, $0x38;
	[tilespmem:$0x16000] =	vst v63  }
0x23: {  	_ =	swait.ge [sflag:s20], $0x1000  }
0x24: {  	[sflag:s20] =	ssyncset.done $0x0  }
0x25: {  	[sflag:s20] =	ssyncadd.s32 $0xFFFFF000  }
0x26: {  	[spmem:s9] =	stream.linear.scatter [tilespmem:s21], [sflag:$0x3], $0x1000, $0x38;
	[tilespmem:$0x16000] =	vst v63  }
0x27: {  	_ =	swait.ge [sflag:s20], $0x1000  }
0x28: {  	[sflag:s20] =	ssyncset.done $0x0  }
0x29: {  	[sflag:s20] =	ssyncadd.s32 $0xFFFFF000  }
0x2a: {  	[spmem:s10] =	stream.linear.scatter [tilespmem:s21], [sflag:$0x3], $0x1000, $0x38;
	[tilespmem:$0x16000] =	vst v63  }
0x2b: {  	_ =	swait.ge [sflag:s20], $0x1000  }
0x2c: {  	[sflag:s20] =	ssyncset.done $0x0  }
0x2d: {  	[sflag:s20] =	ssyncadd.s32 $0xFFFFF000  }
0x2e: {  	[spmem:s11] =	stream.linear.scatter [tilespmem:s21], [sflag:$0x3], $0x1000, $0x38;
	[tilespmem:$0x16000] =	vst v63  }
0x2f: {  	_ =	swait.ge [sflag:s20], $0x1000  }
0x30: {  	[sflag:s20] =	ssyncset.done $0x0  }
0x31: {  	[sflag:s20] =	ssyncadd.s32 $0xFFFFF000  }
0x32: {  	s29 =	simm.s32 $0x0;
	[bflag:$0x0] =	sbarrier.arrive $0xFFFF  }
0x33: {  	[tilespmem:s29], [sflag:$0x3] =	stream.linear.gather [hbm4b:s12+s29], $0x5000, $0x38;
	[tilespmem:$0x16000] =	vst v63  }
0x34: {  	_ =	swait.ge [sflag:s20], $0x5000  }
0x35: {  	[sflag:s20] =	ssyncset.done $0x0  }
0x36: {  	[sflag:s20] =	ssyncadd.s32 $0xFFFFB000  }
0x37: {  	[tilespmem:s22], [sflag:$0x3] =	stream.linear.gather [hbm4b:s13+s29], $0x5000, $0x38;
	[tilespmem:$0x16000] =	vst v63  }
0x38: {  	_ =	swait.ge [sflag:s20], $0x5000  }
0x39: {  	[sflag:s20] =	ssyncset.done $0x0  }
0x3a: {  	[sflag:s20] =	ssyncadd.s32 $0xFFFFB000  }
0x3b: {  	[tilespmem:s21], [sflag:$0x1] =	stream.indirect.gather [spmem:s2], $0x20, s29, s23, $0xb8;
	[tilespmem:$0x16000] =	vst v63  }
0x3c: {  	_ = 	snop  }
0x3d: {  	[tilespmem:s24], [sflag:$0x2] =	stream.indirect.gather [spmem:s2], $0x20, s23, s23, $0xb8;
	[tilespmem:$0x16000] =	vst v63  }
0x3e: {  	_ =	swait.ge [sflag:s17], $0x1000  }
0x3f: {  	[sflag:s17] =	ssyncset.done $0x0  }
0x40: {  	s29 =	simm.s32 $0x5000;
	[sflag:s17] =	ssyncadd.s32 $0xFFFFF000  }
0x41: {  	[spmem:s3] =	stream.indirect.scatter.add.f32 [tilespmem:s21], [sflag:$0x3], $0x20, s29, s23, $0xb8;
	[tilespmem:$0x16000] =	vst v63  }
0x42: {  	_ =	swait.ge [sflag:s20], $0x1000  }
0x43: {  	[sflag:s20] =	ssyncset.done $0x0  }
0x44: {  	s29 =	simm.s32 $0x100;
	[sflag:s20] =	ssyncadd.s32 $0xFFFFF000  }
0x45: {  	[tilespmem:s21], [sflag:$0x1] =	stream.indirect.gather [spmem:s2], $0x20, s29, s23, $0xb8;
	[tilespmem:$0x16000] =	vst v63  }
0x46: {  	_ =	swait.ge [sflag:s25], $0x1000  }
0x47: {  	[sflag:s25] =	ssyncset.done $0x0  }
0x48: {  	s29 =	simm.s32 $0x5080;
	[sflag:s25] =	ssyncadd.s32 $0xFFFFF000  }
0x49: {  	[spmem:s3] =	stream.indirect.scatter.add.f32 [tilespmem:s24], [sflag:$0x3], $0x20, s29, s23, $0xb8;
	[tilespmem:$0x16000] =	vst v63  }
0x4a: {  	_ =	swait.ge [sflag:s20], $0x1000  }
0x4b: {  	[sflag:s20] =	ssyncset.done $0x0  }
0x4c: {  	s30 =	simm.s32 $0x180;
	s29 =	simm.s32 $0x400;
	[sflag:s20] =	ssyncadd.s32 $0xFFFFF000  }
.LBB2_4:
0x4d: {  	[tilespmem:s24], [sflag:$0x2] =	stream.indirect.gather [spmem:s2], $0x20, s30, s23, $0xb8;
	[tilespmem:$0x16000] =	vst v63  }
0x4e: {  	s30 =	smov.u32 s29  }
0x4f: {  	p0 =	sne.s32 s29, $0x13800;
	s29 =	sadd.s32 $0x400, s29;
	_ =	swait.ge [sflag:s17], $0x1000  }
0x50: {  	s30 =	sshra.s32 s30, $0x2;
	[sflag:s17] =	ssyncset.done $0x0  }
0x51: {  	s31 =	sadd.s32 $0x5000, s30;
	[sflag:s17] =	ssyncadd.s32 $0xFFFFF000  }
0x52: {  	[spmem:s3] =	stream.indirect.scatter.add.f32 [tilespmem:s21], [sflag:$0x3], $0x20, s31, s23, $0xb8;
	[tilespmem:$0x16000] =	vst v63  }
0x53: {  	_ =	swait.ge [sflag:s20], $0x1000  }
0x54: {  	[sflag:s20] =	ssyncset.done $0x0  }
0x55: {  	s31 =	sadd.s32 $0x100, s30;
	[sflag:s20] =	ssyncadd.s32 $0xFFFFF000  }
0x56: {  	[tilespmem:s21], [sflag:$0x1] =	stream.indirect.gather [spmem:s2], $0x20, s31, s23, $0xb8;
	[tilespmem:$0x16000] =	vst v63  }
0x57: {  	_ =	swait.ge [sflag:s25], $0x1000  }
0x58: {  	[sflag:s25] =	ssyncset.done $0x0  }
.Ltmp1:
0x59: {  	s31 =	sadd.s32 $0x5080, s30;
	[sflag:s25] =	ssyncadd.s32 $0xFFFFF000;
	(pc) =	sbr.rel @p0 .LBB2_4-.Ltmp1, $4  }
0x5a: {  	[spmem:s3] =	stream.indirect.scatter.add.f32 [tilespmem:s24], [sflag:$0x3], $0x20, s31, s23, $0xb8;
	[tilespmem:$0x16000] =	vst v63  }
0x5b: {  	_ =	swait.ge [sflag:s20], $0x1000  }
0x5c: {  	[sflag:s20] =	ssyncset.done $0x0  }
0x5d: {  	s30 =	sadd.s32 $0x180, s30;
	[sflag:s20] =	ssyncadd.s32 $0xFFFFF000  }
0x5e: {  	[tilespmem:s24], [sflag:$0x2] =	stream.indirect.gather [spmem:s2], $0x20, s30, s23, $0xb8;
	[tilespmem:$0x16000] =	vst v63  }
0x5f: {  	_ =	swait.ge [sflag:s17], $0x1000  }
0x60: {  	[sflag:s17] =	ssyncset.done $0x0  }
0x61: {  	[sflag:s17] =	ssyncadd.s32 $0xFFFFF000  }
0x62: {  	[spmem:s3] =	stream.indirect.scatter.add.f32 [tilespmem:s21], [sflag:$0x3], $0x20, s26, s23, $0xb8;
	[tilespmem:$0x16000] =	vst v63  }
0x63: {  	_ =	swait.ge [sflag:s20], $0x1000  }
0x64: {  	[sflag:s20] =	ssyncset.done $0x0  }
0x65: {  	[sflag:s20] =	ssyncadd.s32 $0xFFFFF000  }
0x66: {  	_ =	swait.ge [sflag:s25], $0x1000  }
0x67: {  	[sflag:s25] =	ssyncset.done $0x0  }
0x68: {  	[sflag:s25] =	ssyncadd.s32 $0xFFFFF000  }
0x69: {  	[spmem:s3] =	stream.indirect.scatter.add.f32 [tilespmem:s24], [sflag:$0x3], $0x20, s28, s23, $0xb8;
	[tilespmem:$0x16000] =	vst v63  }
0x6a: {  	_ =	swait.ge [sflag:s20], $0x1000  }
0x6b: {  	s4 =	sadd.s32 $0x1, s4;
	[sflag:s20] =	ssyncset.done $0x0  }
0x6c: {  	p0 =	sne.s32 s4, s15;
	[sflag:s20] =	ssyncadd.s32 $0xFFFFF000  }
.Ltmp2:
0x6d: {  	s29 =	sshrl.u32 s7, $0x3;
	[bflag:$0x0] =	sbarrier.arrive $0xFFFF;
	(pc) =	sbr.rel @p0 .LBB2_1-.Ltmp2, $4  }
0x6e: {  	[hbm:s14@s19], [sflag:s6] =	dma.strided [spmem:s29@s18], $0xA00, s17, $0x4   }
0x6f: {  	_ =	swait.ge [sflag:s20], $0xA00  }
0x70: {  	[sflag:s20] =	ssyncset.done $0x0  }
0x71: {  	[sflag:s20] =	ssyncadd.s32 $0xFFFFF600  }
0x72: {  	_ =	sfence.sel $0x180000  }
0x73: {  	[bflag:$0x0] =	sbarrier.arrive $0xFFFF  }
0x74: {  	p0 =	sne.s32 s1, $0x0;
	_ =	strace $0x90000050  }
0x75: {  	s0 =	sadd.s32 @!p0 $0x100000, s0;
	[bflag:$0x2] =	sbarrier.arrive $0xFFFF  }
0x76: {  	[sflag:s0] =	ssyncadd.tile.s32 @!p0 $0x1;
	_ =	shalt  }
.Lfunc_end2:
_tile_overlayer_lowered:
.L_overlay_start_2:
0x77: {  	(tag) =	ssettag $0x2  }
0x78: {  	s0 =	rddreg [dreg:$0x0];
	s2 =	stileid.u32  }
0x79: {  	s1 =	rddreg [dreg:$0x1];
	p0 =	sne.s32 s2, $0x0  }
0x7a: {  	s3 =	rddreg [dreg:$0x2];
	[bflag:$0x3] =	sbarrier.arrive $0xFFFF;
	s2 =	simm.s32 @!p0 $0x1C03  }
0x7b: {  	[timem:s3], [sflag:s2] =	dma.local @!p0 [hbm:s0], s1  }
0x7c: {  	s0 =	simm.s32 @!p0 $0x3  }
0x7d: {  	_ =	swait.ge @!p0 [sflag:s0], s1  }
0x7e: {  	s1 =	ssub.s32 @!p0 $0x0, s1;
	[sflag:s0] =	ssyncset.done @!p0 $0x0  }
0x7f: {  	[sflag:s0] =	ssyncadd.s32 @!p0 s1  }
0x80: {  	[bflag:$0x3] =	sbarrier.arrive $0xFFFF  }
0x81: {  	_ =	shalt  }

</sc_bundles>
